<compile_context>
chip_gen: v7x
topology: tpu7x:2x2x1
jax: 0.10.2.dev20260603
libtpu: 0.0.44.dev20260713+nightly
codegen_flags: <defaults>
</compile_context>

<pallas_src>
import jax
import jax.numpy as jnp
from jax import lax
from jax.experimental import pallas as pl
from jax.experimental.pallas import tpu as pltpu, tpu_sc as plsc

N_TOPICS = 100000
N_CLASSES = 128
BATCH = 16384

NC = 2
NS = 16
NW = NC * NS
LANES = 16

ROWS_PER_W = BATCH // NW
CHUNK = 128
N_CHUNKS = ROWS_PER_W // CHUNK


def _sc_body(logits_hbm, topics_hbm, loga_hbm, b_hbm, out_hbm,
             idx_v, lg_v, lo_v, bb_v,
             sem_idx, sem_b, sem_lg, sem_lo, sem_out):
    wid = lax.axis_index("s") * NC + lax.axis_index("c")
    base0 = wid * ROWS_PER_W

    HALF = CHUNK // 2

    def start_gathers(ci, r0, rn, k):
        s, bs = ci % 2, ci % 3
        idx_s = idx_v.at[ci, pl.ds(r0, rn)]
        cb = pltpu.make_async_copy(b_hbm.at[idx_s],
                                   bb_v.at[bs, pl.ds(r0, rn)], sem_b.at[k])
        cg = pltpu.make_async_copy(loga_hbm.at[idx_s],
                                   lg_v.at[s, pl.ds(r0, rn)], sem_lg.at[k])
        cl = pltpu.make_async_copy(
            logits_hbm.at[pl.ds(base0 + ci * CHUNK + r0, rn)],
            lo_v.at[s, pl.ds(r0, rn)], sem_lo.at[k])
        cb.start(); cg.start(); cl.start()
        return cb, cg, cl

    def start_out(ci, r0, rn, k):
        cp = pltpu.make_async_copy(
            bb_v.at[ci % 3, pl.ds(r0, rn)],
            out_hbm.at[pl.ds(base0 + ci * CHUNK + r0, rn)], sem_out.at[k])
        cp.start()
        return cp

    def compute(ci, r0, rn):
        s, bs = ci % 2, ci % 3
        lo_s, bb_s, lg_s = lo_v.at[s], bb_v.at[bs], lg_v.at[s]

        @plsc.parallel_loop(r0 // LANES, (r0 + rn) // LANES)
        def exp_body(g):
            lg_s[pl.ds(g * LANES, LANES)] = jnp.exp(lg_s[pl.ds(g * LANES, LANES)])

        @plsc.parallel_loop(r0, r0 + rn, unroll=2)
        def row_body(r):
            g = (r >> 4) << 4
            j = r & (LANES - 1)
            svec = lg_s[pl.ds(g, LANES)]
            srow = lax.gather(
                svec, jnp.full((LANES, 1), j, jnp.int32),
                lax.GatherDimensionNumbers(
                    offset_dims=(), collapsed_slice_dims=(0,),
                    start_index_map=(0,)),
                slice_sizes=(1,),
                mode=lax.GatherScatterMode.PROMISE_IN_BOUNDS)
            for k in range(N_CLASSES // LANES):
                sl = pl.ds(k * LANES, LANES)
                bb_s[r, sl] = lo_s[r, sl] * srow + bb_s[r, sl]

    cp_idx = pltpu.make_async_copy(topics_hbm.at[wid], idx_v, sem_idx)
    cp_idx.start()
    cp_idx.wait()

    g0a = start_gathers(0, 0, HALF, 0)
    g0b = start_gathers(0, HALF, HALF, 4)
    g1 = start_gathers(1, 0, CHUNK, 1)
    for cp in g0a:
        cp.wait()
    compute(0, 0, HALF)
    out0a = start_out(0, 0, HALF, 0)
    for cp in g0b:
        cp.wait()
    compute(0, HALF, HALF)
    out0b = start_out(0, HALF, HALF, 4)

    g2 = start_gathers(2, 0, CHUNK, 2)
    for cp in g1:
        cp.wait()
    compute(1, 0, CHUNK)
    out1 = start_out(1, 0, CHUNK, 1)

    out0a.wait()
    out0b.wait()
    g3 = start_gathers(3, 0, CHUNK, 3)
    for cp in g2:
        cp.wait()
    compute(2, 0, CHUNK)
    out2 = start_out(2, 0, CHUNK, 2)

    for cp in g3:
        cp.wait()
    compute(3, 0, HALF)
    out3a = start_out(3, 0, HALF, 0)
    compute(3, HALF, HALF)
    out3b = start_out(3, HALF, HALF, 4)

    out1.wait()
    out2.wait()
    out3a.wait()
    out3b.wait()


@jax.jit
def _calibrate(logits, topics, loga, b):
    mesh = plsc.VectorSubcoreMesh(
        core_axis_name="c", subcore_axis_name="s",
        num_cores=NC, num_subcores=NS)
    return pl.kernel(
        _sc_body,
        out_type=jax.ShapeDtypeStruct((BATCH, N_CLASSES), jnp.float32),
        mesh=mesh,
        scratch_types=[
            pltpu.VMEM((N_CHUNKS, CHUNK), jnp.int32),
            pltpu.VMEM((2, CHUNK), jnp.float32),
            pltpu.VMEM((2, CHUNK, N_CLASSES), jnp.float32),
            pltpu.VMEM((3, CHUNK, N_CLASSES), jnp.float32),
            pltpu.SemaphoreType.DMA,
            pltpu.SemaphoreType.DMA((5,)),
            pltpu.SemaphoreType.DMA((5,)),
            pltpu.SemaphoreType.DMA((5,)),
            pltpu.SemaphoreType.DMA((5,)),
        ],
    )(logits, topics, loga, b)


def kernel(logits, topics, loga, b):
    topics3 = topics.astype(jnp.int32).reshape(NW, N_CHUNKS, CHUNK)
    return _calibrate(logits, topics3, loga, b)

# --- scband reference (transcript-rebuilt; emitter-appended) ---
"""Pipeline reference for scband-torch-calibrator-49598282334650 (READ-ONLY COPY).

The authoritative reference and input builder live on the scoring server;
editing this copy changes nothing except your own understanding.
"""

import jax, jax.numpy as jnp
import numpy as np

N_TOPICS = 100000
N_CLASSES = 128
BATCH = 16384

def setup_inputs(seed: int = 0) -> dict:
    key = jax.random.key(seed)
    k1, k2 = jax.random.split(key)
    logits = jax.random.normal(k1, (BATCH, N_CLASSES), dtype=jnp.float32)
    topics = jax.random.randint(k2, (BATCH,), 0, N_TOPICS, dtype=jnp.int64 if jax.config.jax_enable_x64 else jnp.int32)
    # learned params: module initializes them to zeros
    loga = jnp.zeros((N_TOPICS,), dtype=jnp.float32)       # share_a=False -> per-topic log scale
    b = jnp.zeros((N_TOPICS, N_CLASSES), dtype=jnp.float32)  # share_b=False -> per-topic bias table
    return {"logits": logits, "topics": topics, "loga": loga, "b": b}

def reference(logits, topics, loga, b):
    # share_a=False: scales = exp(loga)[topics].unsqueeze(1)
    scales = jnp.take(jnp.exp(loga), topics, axis=0)[:, None]
    # share_b=False: b_per = b[topics]
    b_per = jnp.take(b, topics, axis=0)
    # shift_then_scale=False: logits * scales + b_per
    return logits * scales + b_per

if __name__ == "__main__":
    import jax
    _d = setup_inputs()
    print(jax.jit(kernel)(*tuple(_d.values())))

</pallas_src>

<mosaic_0001>
#map = affine_map<(d0, d1) -> (0, 0)>
#map1 = affine_map<(d0, d1) -> (0, 0, 0)>
#map2 = affine_map<(d0, d1) -> (0)>
module attributes {stable_mosaic.version = 14 : i64} {
  func.func @_sc_body(%arg0: i32, %arg1: i32, %arg2: memref<16384x128xf32, #tpu.memory_space<hbm>>, %arg3: memref<32x4x128xi32, #tpu.memory_space<hbm>>, %arg4: memref<100000xf32, #tpu.memory_space<hbm>>, %arg5: memref<100000x128xf32, #tpu.memory_space<hbm>>, %arg6: memref<16384x128xf32, #tpu.memory_space<hbm>>, %arg7: memref<4x128xi32, #tpu.memory_space<vmem>>, %arg8: memref<2x128xf32, #tpu.memory_space<vmem>>, %arg9: memref<2x128x128xf32, #tpu.memory_space<vmem>>, %arg10: memref<3x128x128xf32, #tpu.memory_space<vmem>>, %arg11: memref<!tpu.dma_semaphore, #tpu.memory_space<semaphore_mem>>, %arg12: memref<5x!tpu.dma_semaphore, #tpu.memory_space<semaphore_mem>>, %arg13: memref<5x!tpu.dma_semaphore, #tpu.memory_space<semaphore_mem>>, %arg14: memref<5x!tpu.dma_semaphore, #tpu.memory_space<semaphore_mem>>, %arg15: memref<5x!tpu.dma_semaphore, #tpu.memory_space<semaphore_mem>>) attributes {dimension_semantics = [#tpu.dimension_semantics<core_parallel>, #tpu.dimension_semantics<subcore_parallel>], iteration_bounds = array<i64: 2, 16>, scalar_prefetch = 0 : i64, scratch_operands = 9 : i64, tpu.core_type = #tpu.core_type<sc_vector_subcore>, window_params = [{transform_indices = #map}, {transform_indices = #map1}, {transform_indices = #map2}, {transform_indices = #map}, {transform_indices = #map}]} {
    %mul3A = arith.constant 2 : i32
    %mul3A_0 = arith.muli %arg1, %mul3A : i32
    %add3A = arith.addi %mul3A_0, %arg0 : i32
    %mul3A_1 = arith.constant 512 : i32
    %mul3A_2 = arith.muli %add3A, %mul3A_1 : i32
    %dma_start3A = arith.constant 0 : i32
    %dma_start3A_3 = arith.constant 0 : i32
    %dma_start3A_4 = tpu.memref_slice %arg3[%add3A, %dma_start3A, %dma_start3A_3] : memref<32x4x128xi32, #tpu.memory_space<hbm>> -> memref<1x4x128xi32, #tpu.memory_space<hbm>>
    %dma_start3A_5 = tpu.memref_squeeze %dma_start3A_4 : memref<1x4x128xi32, #tpu.memory_space<hbm>> -> memref<4x128xi32, #tpu.memory_space<hbm>>
    %dma_start3A_6 = arith.constant 0 : i32
    %dma_start3A_7 = arith.constant 0 : i32
    %dma_start3A_8 = tpu.memref_slice %arg3[%add3A, %dma_start3A_6, %dma_start3A_7] : memref<32x4x128xi32, #tpu.memory_space<hbm>> -> memref<1x4x128xi32, #tpu.memory_space<hbm>>
    %dma_start3A_9 = tpu.memref_squeeze %dma_start3A_8 : memref<1x4x128xi32, #tpu.memory_space<hbm>> -> memref<4x128xi32, #tpu.memory_space<hbm>>
    tpu.enqueue_dma source(%dma_start3A_9 : memref<4x128xi32, #tpu.memory_space<hbm>>) target(%arg7 : memref<4x128xi32, #tpu.memory_space<vmem>>) target_semaphore(%arg11 : memref<!tpu.dma_semaphore, #tpu.memory_space<semaphore_mem>>)
    %dma_wait3A = arith.constant 0 : i32
    %dma_wait3A_10 = arith.constant 0 : i32
    %dma_wait3A_11 = tpu.memref_slice %arg3[%add3A, %dma_wait3A, %dma_wait3A_10] : memref<32x4x128xi32, #tpu.memory_space<hbm>> -> memref<1x4x128xi32, #tpu.memory_space<hbm>>
    %dma_wait3A_12 = tpu.memref_squeeze %dma_wait3A_11 : memref<1x4x128xi32, #tpu.memory_space<hbm>> -> memref<4x128xi32, #tpu.memory_space<hbm>>
    %dma_wait3A_13 = arith.constant 0 : i32
    %dma_wait3A_14 = arith.constant 0 : i32
    %dma_wait3A_15 = tpu.memref_slice %arg3[%add3A, %dma_wait3A_13, %dma_wait3A_14] : memref<32x4x128xi32, #tpu.memory_space<hbm>> -> memref<1x4x128xi32, #tpu.memory_space<hbm>>
    %dma_wait3A_16 = tpu.memref_squeeze %dma_wait3A_15 : memref<1x4x128xi32, #tpu.memory_space<hbm>> -> memref<4x128xi32, #tpu.memory_space<hbm>>
    tpu.wait_dma2 semaphore(%arg11 : memref<!tpu.dma_semaphore, #tpu.memory_space<semaphore_mem>>) src(%dma_wait3A_16 : memref<4x128xi32, #tpu.memory_space<hbm>>) dst(%arg7 : memref<4x128xi32, #tpu.memory_space<vmem>>)
    %add3A_17 = arith.constant 0 : i32
    %add3A_18 = arith.addi %mul3A_2, %add3A_17 : i32
    %add3A_19 = arith.constant 0 : i32
    %add3A_20 = arith.addi %add3A_18, %add3A_19 : i32
    %dma_start3A_21 = arith.constant 0 : i32
    %dma_start3A_22 = arith.constant 0 : i32
    %dma_start3A_23 = arith.constant 0 : i32
    %dma_start3A_24 = arith.constant 0 : i32
    %dma_start3A_25 = arith.constant 0 : i32
    %dma_start3A_26 = tpu.memref_slice %arg10[%dma_start3A_22, %dma_start3A_24, %dma_start3A_25] : memref<3x128x128xf32, #tpu.memory_space<vmem>> -> memref<1x64x128xf32, #tpu.memory_space<vmem>>
    %dma_start3A_27 = tpu.memref_squeeze %dma_start3A_26 : memref<1x64x128xf32, #tpu.memory_space<vmem>> -> memref<64x128xf32, #tpu.memory_space<vmem>>
    %dma_start3A_28 = arith.constant 0 : i32
    %dma_start3A_29 = tpu.memref_slice %arg7[%dma_start3A_21, %dma_start3A_28] : memref<4x128xi32, #tpu.memory_space<vmem>> -> memref<1x64xi32, #tpu.memory_space<vmem>>
    %dma_start3A_30 = tpu.memref_squeeze %dma_start3A_29 : memref<1x64xi32, #tpu.memory_space<vmem>> -> memref<64xi32, #tpu.memory_space<vmem>>
    %dma_start3A_31 = arith.constant 0 : i32
    %dma_start3A_32 = arith.constant 0 : i32
    %dma_start3A_33 = tpu.memref_slice %arg5[%dma_start3A_31, %dma_start3A_32] : memref<100000x128xf32, #tpu.memory_space<hbm>> -> memref<100000x128xf32, #tpu.memory_space<hbm>>
    %dma_start3A_34 = tpu.memref_slice %arg12[%dma_start3A_23] : memref<5x!tpu.dma_semaphore, #tpu.memory_space<semaphore_mem>> -> memref<1x!tpu.dma_semaphore, #tpu.memory_space<semaphore_mem>>
    %dma_start3A_35 = tpu.memref_squeeze %dma_start3A_34 : memref<1x!tpu.dma_semaphore, #tpu.memory_space<semaphore_mem>> -> memref<!tpu.dma_semaphore, #tpu.memory_space<semaphore_mem>>
    tpu.enqueue_indirect_dma source(%dma_start3A_33 : memref<100000x128xf32, #tpu.memory_space<hbm>>) target(%dma_start3A_27 : memref<64x128xf32, #tpu.memory_space<vmem>>) offsets(%dma_start3A_30 : memref<64xi32, #tpu.memory_space<vmem>>) semaphore(%dma_start3A_35 : memref<!tpu.dma_semaphore, #tpu.memory_space<semaphore_mem>>)
    %dma_start3A_36 = arith.constant 0 : i32
    %dma_start3A_37 = arith.constant 0 : i32
    %dma_start3A_38 = arith.constant 0 : i32
    %dma_start3A_39 = arith.constant 0 : i32
    %dma_start3A_40 = tpu.memref_slice %arg8[%dma_start3A_37, %dma_start3A_39] : memref<2x128xf32, #tpu.memory_space<vmem>> -> memref<1x64xf32, #tpu.memory_space<vmem>>
    %dma_start3A_41 = tpu.memref_squeeze %dma_start3A_40 : memref<1x64xf32, #tpu.memory_space<vmem>> -> memref<64xf32, #tpu.memory_space<vmem>>
    %dma_start3A_42 = arith.constant 0 : i32
    %dma_start3A_43 = tpu.memref_slice %arg7[%dma_start3A_36, %dma_start3A_42] : memref<4x128xi32, #tpu.memory_space<vmem>> -> memref<1x64xi32, #tpu.memory_space<vmem>>
    %dma_start3A_44 = tpu.memref_squeeze %dma_start3A_43 : memref<1x64xi32, #tpu.memory_space<vmem>> -> memref<64xi32, #tpu.memory_space<vmem>>
    %dma_start3A_45 = arith.constant 0 : i32
    %dma_start3A_46 = tpu.memref_slice %arg4[%dma_start3A_45] : memref<100000xf32, #tpu.memory_space<hbm>> -> memref<100000xf32, #tpu.memory_space<hbm>>
    %dma_start3A_47 = tpu.memref_slice %arg13[%dma_start3A_38] : memref<5x!tpu.dma_semaphore, #tpu.memory_space<semaphore_mem>> -> memref<1x!tpu.dma_semaphore, #tpu.memory_space<semaphore_mem>>
    %dma_start3A_48 = tpu.memref_squeeze %dma_start3A_47 : memref<1x!tpu.dma_semaphore, #tpu.memory_space<semaphore_mem>> -> memref<!tpu.dma_semaphore, #tpu.memory_space<semaphore_mem>>
    tpu.enqueue_indirect_dma source(%dma_start3A_46 : memref<100000xf32, #tpu.memory_space<hbm>>) target(%dma_start3A_41 : memref<64xf32, #tpu.memory_space<vmem>>) offsets(%dma_start3A_44 : memref<64xi32, #tpu.memory_space<vmem>>) semaphore(%dma_start3A_48 : memref<!tpu.dma_semaphore, #tpu.memory_space<semaphore_mem>>)
    %dma_start3A_49 = arith.constant 0 : i32
    %dma_start3A_50 = arith.constant 0 : i32
    %dma_start3A_51 = arith.constant 0 : i32
    %dma_start3A_52 = arith.constant 0 : i32
    %dma_start3A_53 = tpu.memref_slice %arg9[%dma_start3A_49, %dma_start3A_51, %dma_start3A_52] : memref<2x128x128xf32, #tpu.memory_space<vmem>> -> memref<1x64x128xf32, #tpu.memory_space<vmem>>
    %dma_start3A_54 = tpu.memref_squeeze %dma_start3A_53 : memref<1x64x128xf32, #tpu.memory_space<vmem>> -> memref<64x128xf32, #tpu.memory_space<vmem>>
    %dma_start3A_55 = arith.constant 0 : i32
    %dma_start3A_56 = tpu.memref_slice %arg2[%add3A_20, %dma_start3A_55] : memref<16384x128xf32, #tpu.memory_space<hbm>> -> memref<64x128xf32, #tpu.memory_space<hbm>>
    %dma_start3A_57 = tpu.memref_slice %arg14[%dma_start3A_50] : memref<5x!tpu.dma_semaphore, #tpu.memory_space<semaphore_mem>> -> memref<1x!tpu.dma_semaphore, #tpu.memory_space<semaphore_mem>>
    %dma_start3A_58 = tpu.memref_squeeze %dma_start3A_57 : memref<1x!tpu.dma_semaphore, #tpu.memory_space<semaphore_mem>> -> memref<!tpu.dma_semaphore, #tpu.memory_space<semaphore_mem>>
    %dma_start3A_59 = arith.constant 0 : i32
    %dma_start3A_60 = arith.constant 0 : i32
    %dma_start3A_61 = tpu.memref_slice %arg9[%dma_start3A_49, %dma_start3A_59, %dma_start3A_60] : memref<2x128x128xf32, #tpu.memory_space<vmem>> -> memref<1x64x128xf32, #tpu.memory_space<vmem>>
    %dma_start3A_62 = tpu.memref_squeeze %dma_start3A_61 : memref<1x64x128xf32, #tpu.memory_space<vmem>> -> memref<64x128xf32, #tpu.memory_space<vmem>>
    %dma_start3A_63 = arith.constant 0 : i32
    %dma_start3A_64 = tpu.memref_slice %arg2[%add3A_20, %dma_start3A_63] : memref<16384x128xf32, #tpu.memory_space<hbm>> -> memref<64x128xf32, #tpu.memory_space<hbm>>
    tpu.enqueue_dma source(%dma_start3A_64 : memref<64x128xf32, #tpu.memory_space<hbm>>) target(%dma_start3A_62 : memref<64x128xf32, #tpu.memory_space<vmem>>) target_semaphore(%dma_start3A_58 : memref<!tpu.dma_semaphore, #tpu.memory_space<semaphore_mem>>)
    %add3A_65 = arith.constant 0 : i32
    %add3A_66 = arith.addi %mul3A_2, %add3A_65 : i32
    %add3A_67 = arith.constant 64 : i32
    %add3A_68 = arith.addi %add3A_66, %add3A_67 : i32
    %dma_start3A_69 = arith.constant 0 : i32
    %dma_start3A_70 = arith.constant 0 : i32
    %dma_start3A_71 = arith.constant 4 : i32
    %dma_start3A_72 = arith.constant 64 : i32
    %dma_start3A_73 = arith.constant 0 : i32
    %dma_start3A_74 = tpu.memref_slice %arg10[%dma_start3A_70, %dma_start3A_72, %dma_start3A_73] : memref<3x128x128xf32, #tpu.memory_space<vmem>> -> memref<1x64x128xf32, #tpu.memory_space<vmem>>
    %dma_start3A_75 = tpu.memref_squeeze %dma_start3A_74 : memref<1x64x128xf32, #tpu.memory_space<vmem>> -> memref<64x128xf32, #tpu.memory_space<vmem>>
    %dma_start3A_76 = arith.constant 64 : i32
    %dma_start3A_77 = tpu.memref_slice %arg7[%dma_start3A_69, %dma_start3A_76] : memref<4x128xi32, #tpu.memory_space<vmem>> -> memref<1x64xi32, #tpu.memory_space<vmem>>
    %dma_start3A_78 = tpu.memref_squeeze %dma_start3A_77 : memref<1x64xi32, #tpu.memory_space<vmem>> -> memref<64xi32, #tpu.memory_space<vmem>>
    %dma_start3A_79 = arith.constant 0 : i32
    %dma_start3A_80 = arith.constant 0 : i32
    %dma_start3A_81 = tpu.memref_slice %arg5[%dma_start3A_79, %dma_start3A_80] : memref<100000x128xf32, #tpu.memory_space<hbm>> -> memref<100000x128xf32, #tpu.memory_space<hbm>>
    %dma_start3A_82 = tpu.memref_slice %arg12[%dma_start3A_71] : memref<5x!tpu.dma_semaphore, #tpu.memory_space<semaphore_mem>> -> memref<1x!tpu.dma_semaphore, #tpu.memory_space<semaphore_mem>>
    %dma_start3A_83 = tpu.memref_squeeze %dma_start3A_82 : memref<1x!tpu.dma_semaphore, #tpu.memory_space<semaphore_mem>> -> memref<!tpu.dma_semaphore, #tpu.memory_space<semaphore_mem>>
    tpu.enqueue_indirect_dma source(%dma_start3A_81 : memref<100000x128xf32, #tpu.memory_space<hbm>>) target(%dma_start3A_75 : memref<64x128xf32, #tpu.memory_space<vmem>>) offsets(%dma_start3A_78 : memref<64xi32, #tpu.memory_space<vmem>>) semaphore(%dma_start3A_83 : memref<!tpu.dma_semaphore, #tpu.memory_space<semaphore_mem>>)
    %dma_start3A_84 = arith.constant 0 : i32
    %dma_start3A_85 = arith.constant 0 : i32
    %dma_start3A_86 = arith.constant 4 : i32
    %dma_start3A_87 = arith.constant 64 : i32
    %dma_start3A_88 = tpu.memref_slice %arg8[%dma_start3A_85, %dma_start3A_87] : memref<2x128xf32, #tpu.memory_space<vmem>> -> memref<1x64xf32, #tpu.memory_space<vmem>>
    %dma_start3A_89 = tpu.memref_squeeze %dma_start3A_88 : memref<1x64xf32, #tpu.memory_space<vmem>> -> memref<64xf32, #tpu.memory_space<vmem>>
    %dma_start3A_90 = arith.constant 64 : i32
    %dma_start3A_91 = tpu.memref_slice %arg7[%dma_start3A_84, %dma_start3A_90] : memref<4x128xi32, #tpu.memory_space<vmem>> -> memref<1x64xi32, #tpu.memory_space<vmem>>
    %dma_start3A_92 = tpu.memref_squeeze %dma_start3A_91 : memref<1x64xi32, #tpu.memory_space<vmem>> -> memref<64xi32, #tpu.memory_space<vmem>>
    %dma_start3A_93 = arith.constant 0 : i32
    %dma_start3A_94 = tpu.memref_slice %arg4[%dma_start3A_93] : memref<100000xf32, #tpu.memory_space<hbm>> -> memref<100000xf32, #tpu.memory_space<hbm>>
    %dma_start3A_95 = tpu.memref_slice %arg13[%dma_start3A_86] : memref<5x!tpu.dma_semaphore, #tpu.memory_space<semaphore_mem>> -> memref<1x!tpu.dma_semaphore, #tpu.memory_space<semaphore_mem>>
    %dma_start3A_96 = tpu.memref_squeeze %dma_start3A_95 : memref<1x!tpu.dma_semaphore, #tpu.memory_space<semaphore_mem>> -> memref<!tpu.dma_semaphore, #tpu.memory_space<semaphore_mem>>
    tpu.enqueue_indirect_dma source(%dma_start3A_94 : memref<100000xf32, #tpu.memory_space<hbm>>) target(%dma_start3A_89 : memref<64xf32, #tpu.memory_space<vmem>>) offsets(%dma_start3A_92 : memref<64xi32, #tpu.memory_space<vmem>>) semaphore(%dma_start3A_96 : memref<!tpu.dma_semaphore, #tpu.memory_space<semaphore_mem>>)
    %dma_start3A_97 = arith.constant 0 : i32
    %dma_start3A_98 = arith.constant 4 : i32
    %dma_start3A_99 = arith.constant 64 : i32
    %dma_start3A_100 = arith.constant 0 : i32
    %dma_start3A_101 = tpu.memref_slice %arg9[%dma_start3A_97, %dma_start3A_99, %dma_start3A_100] : memref<2x128x128xf32, #tpu.memory_space<vmem>> -> memref<1x64x128xf32, #tpu.memory_space<vmem>>
    %dma_start3A_102 = tpu.memref_squeeze %dma_start3A_101 : memref<1x64x128xf32, #tpu.memory_space<vmem>> -> memref<64x128xf32, #tpu.memory_space<vmem>>
    %dma_start3A_103 = arith.constant 0 : i32
    %dma_start3A_104 = tpu.memref_slice %arg2[%add3A_68, %dma_start3A_103] : memref<16384x128xf32, #tpu.memory_space<hbm>> -> memref<64x128xf32, #tpu.memory_space<hbm>>
    %dma_start3A_105 = tpu.memref_slice %arg14[%dma_start3A_98] : memref<5x!tpu.dma_semaphore, #tpu.memory_space<semaphore_mem>> -> memref<1x!tpu.dma_semaphore, #tpu.memory_space<semaphore_mem>>
    %dma_start3A_106 = tpu.memref_squeeze %dma_start3A_105 : memref<1x!tpu.dma_semaphore, #tpu.memory_space<semaphore_mem>> -> memref<!tpu.dma_semaphore, #tpu.memory_space<semaphore_mem>>
    %dma_start3A_107 = arith.constant 64 : i32
    %dma_start3A_108 = arith.constant 0 : i32
    %dma_start3A_109 = tpu.memref_slice %arg9[%dma_start3A_97, %dma_start3A_107, %dma_start3A_108] : memref<2x128x128xf32, #tpu.memory_space<vmem>> -> memref<1x64x128xf32, #tpu.memory_space<vmem>>
    %dma_start3A_110 = tpu.memref_squeeze %dma_start3A_109 : memref<1x64x128xf32, #tpu.memory_space<vmem>> -> memref<64x128xf32, #tpu.memory_space<vmem>>
    %dma_start3A_111 = arith.constant 0 : i32
    %dma_start3A_112 = tpu.memref_slice %arg2[%add3A_68, %dma_start3A_111] : memref<16384x128xf32, #tpu.memory_space<hbm>> -> memref<64x128xf32, #tpu.memory_space<hbm>>
    tpu.enqueue_dma source(%dma_start3A_112 : memref<64x128xf32, #tpu.memory_space<hbm>>) target(%dma_start3A_110 : memref<64x128xf32, #tpu.memory_space<vmem>>) target_semaphore(%dma_start3A_106 : memref<!tpu.dma_semaphore, #tpu.memory_space<semaphore_mem>>)
    %add3A_113 = arith.constant 128 : i32
    %add3A_114 = arith.addi %mul3A_2, %add3A_113 : i32
    %add3A_115 = arith.constant 0 : i32
    %add3A_116 = arith.addi %add3A_114, %add3A_115 : i32
    %dma_start3A_117 = arith.constant 1 : i32
    %dma_start3A_118 = arith.constant 1 : i32
    %dma_start3A_119 = arith.constant 1 : i32
    %dma_start3A_120 = arith.constant 0 : i32
    %dma_start3A_121 = arith.constant 0 : i32
    %dma_start3A_122 = tpu.memref_slice %arg10[%dma_start3A_118, %dma_start3A_120, %dma_start3A_121] : memref<3x128x128xf32, #tpu.memory_space<vmem>> -> memref<1x128x128xf32, #tpu.memory_space<vmem>>
    %dma_start3A_123 = tpu.memref_squeeze %dma_start3A_122 : memref<1x128x128xf32, #tpu.memory_space<vmem>> -> memref<128x128xf32, #tpu.memory_space<vmem>>
    %dma_start3A_124 = arith.constant 0 : i32
    %dma_start3A_125 = tpu.memref_slice %arg7[%dma_start3A_117, %dma_start3A_124] : memref<4x128xi32, #tpu.memory_space<vmem>> -> memref<1x128xi32, #tpu.memory_space<vmem>>
    %dma_start3A_126 = tpu.memref_squeeze %dma_start3A_125 : memref<1x128xi32, #tpu.memory_space<vmem>> -> memref<128xi32, #tpu.memory_space<vmem>>
    %dma_start3A_127 = arith.constant 0 : i32
    %dma_start3A_128 = arith.constant 0 : i32
    %dma_start3A_129 = tpu.memref_slice %arg5[%dma_start3A_127, %dma_start3A_128] : memref<100000x128xf32, #tpu.memory_space<hbm>> -> memref<100000x128xf32, #tpu.memory_space<hbm>>
    %dma_start3A_130 = tpu.memref_slice %arg12[%dma_start3A_119] : memref<5x!tpu.dma_semaphore, #tpu.memory_space<semaphore_mem>> -> memref<1x!tpu.dma_semaphore, #tpu.memory_space<semaphore_mem>>
    %dma_start3A_131 = tpu.memref_squeeze %dma_start3A_130 : memref<1x!tpu.dma_semaphore, #tpu.memory_space<semaphore_mem>> -> memref<!tpu.dma_semaphore, #tpu.memory_space<semaphore_mem>>
    tpu.enqueue_indirect_dma source(%dma_start3A_129 : memref<100000x128xf32, #tpu.memory_space<hbm>>) target(%dma_start3A_123 : memref<128x128xf32, #tpu.memory_space<vmem>>) offsets(%dma_start3A_126 : memref<128xi32, #tpu.memory_space<vmem>>) semaphore(%dma_start3A_131 : memref<!tpu.dma_semaphore, #tpu.memory_space<semaphore_mem>>)
    %dma_start3A_132 = arith.constant 1 : i32
    %dma_start3A_133 = arith.constant 1 : i32
    %dma_start3A_134 = arith.constant 1 : i32
    %dma_start3A_135 = arith.constant 0 : i32
    %dma_start3A_136 = tpu.memref_slice %arg8[%dma_start3A_133, %dma_start3A_135] : memref<2x128xf32, #tpu.memory_space<vmem>> -> memref<1x128xf32, #tpu.memory_space<vmem>>
    %dma_start3A_137 = tpu.memref_squeeze %dma_start3A_136 : memref<1x128xf32, #tpu.memory_space<vmem>> -> memref<128xf32, #tpu.memory_space<vmem>>
    %dma_start3A_138 = arith.constant 0 : i32
    %dma_start3A_139 = tpu.memref_slice %arg7[%dma_start3A_132, %dma_start3A_138] : memref<4x128xi32, #tpu.memory_space<vmem>> -> memref<1x128xi32, #tpu.memory_space<vmem>>
    %dma_start3A_140 = tpu.memref_squeeze %dma_start3A_139 : memref<1x128xi32, #tpu.memory_space<vmem>> -> memref<128xi32, #tpu.memory_space<vmem>>
    %dma_start3A_141 = arith.constant 0 : i32
    %dma_start3A_142 = tpu.memref_slice %arg4[%dma_start3A_141] : memref<100000xf32, #tpu.memory_space<hbm>> -> memref<100000xf32, #tpu.memory_space<hbm>>
    %dma_start3A_143 = tpu.memref_slice %arg13[%dma_start3A_134] : memref<5x!tpu.dma_semaphore, #tpu.memory_space<semaphore_mem>> -> memref<1x!tpu.dma_semaphore, #tpu.memory_space<semaphore_mem>>
    %dma_start3A_144 = tpu.memref_squeeze %dma_start3A_143 : memref<1x!tpu.dma_semaphore, #tpu.memory_space<semaphore_mem>> -> memref<!tpu.dma_semaphore, #tpu.memory_space<semaphore_mem>>
    tpu.enqueue_indirect_dma source(%dma_start3A_142 : memref<100000xf32, #tpu.memory_space<hbm>>) target(%dma_start3A_137 : memref<128xf32, #tpu.memory_space<vmem>>) offsets(%dma_start3A_140 : memref<128xi32, #tpu.memory_space<vmem>>) semaphore(%dma_start3A_144 : memref<!tpu.dma_semaphore, #tpu.memory_space<semaphore_mem>>)
    %dma_start3A_145 = arith.constant 1 : i32
    %dma_start3A_146 = arith.constant 1 : i32
    %dma_start3A_147 = arith.constant 0 : i32
    %dma_start3A_148 = arith.constant 0 : i32
    %dma_start3A_149 = tpu.memref_slice %arg9[%dma_start3A_145, %dma_start3A_147, %dma_start3A_148] : memref<2x128x128xf32, #tpu.memory_space<vmem>> -> memref<1x128x128xf32, #tpu.memory_space<vmem>>
    %dma_start3A_150 = tpu.memref_squeeze %dma_start3A_149 : memref<1x128x128xf32, #tpu.memory_space<vmem>> -> memref<128x128xf32, #tpu.memory_space<vmem>>
    %dma_start3A_151 = arith.constant 0 : i32
    %dma_start3A_152 = tpu.memref_slice %arg2[%add3A_116, %dma_start3A_151] : memref<16384x128xf32, #tpu.memory_space<hbm>> -> memref<128x128xf32, #tpu.memory_space<hbm>>
    %dma_start3A_153 = tpu.memref_slice %arg14[%dma_start3A_146] : memref<5x!tpu.dma_semaphore, #tpu.memory_space<semaphore_mem>> -> memref<1x!tpu.dma_semaphore, #tpu.memory_space<semaphore_mem>>
    %dma_start3A_154 = tpu.memref_squeeze %dma_start3A_153 : memref<1x!tpu.dma_semaphore, #tpu.memory_space<semaphore_mem>> -> memref<!tpu.dma_semaphore, #tpu.memory_space<semaphore_mem>>
    %dma_start3A_155 = arith.constant 0 : i32
    %dma_start3A_156 = arith.constant 0 : i32
    %dma_start3A_157 = tpu.memref_slice %arg9[%dma_start3A_145, %dma_start3A_155, %dma_start3A_156] : memref<2x128x128xf32, #tpu.memory_space<vmem>> -> memref<1x128x128xf32, #tpu.memory_space<vmem>>
    %dma_start3A_158 = tpu.memref_squeeze %dma_start3A_157 : memref<1x128x128xf32, #tpu.memory_space<vmem>> -> memref<128x128xf32, #tpu.memory_space<vmem>>
    %dma_start3A_159 = arith.constant 0 : i32
    %dma_start3A_160 = tpu.memref_slice %arg2[%add3A_116, %dma_start3A_159] : memref<16384x128xf32, #tpu.memory_space<hbm>> -> memref<128x128xf32, #tpu.memory_space<hbm>>
    tpu.enqueue_dma source(%dma_start3A_160 : memref<128x128xf32, #tpu.memory_space<hbm>>) target(%dma_start3A_158 : memref<128x128xf32, #tpu.memory_space<vmem>>) target_semaphore(%dma_start3A_154 : memref<!tpu.dma_semaphore, #tpu.memory_space<semaphore_mem>>)
    %dma_wait3A_161 = arith.constant 0 : i32
    %dma_wait3A_162 = arith.constant 0 : i32
    %dma_wait3A_163 = arith.constant 0 : i32
    %dma_wait3A_164 = arith.constant 0 : i32
    %dma_wait3A_165 = arith.constant 0 : i32
    %dma_wait3A_166 = tpu.memref_slice %arg10[%dma_wait3A_162, %dma_wait3A_164, %dma_wait3A_165] : memref<3x128x128xf32, #tpu.memory_space<vmem>> -> memref<1x64x128xf32, #tpu.memory_space<vmem>>
    %dma_wait3A_167 = tpu.memref_squeeze %dma_wait3A_166 : memref<1x64x128xf32, #tpu.memory_space<vmem>> -> memref<64x128xf32, #tpu.memory_space<vmem>>
    %dma_wait3A_168 = arith.constant 0 : i32
    %dma_wait3A_169 = tpu.memref_slice %arg7[%dma_wait3A_161, %dma_wait3A_168] : memref<4x128xi32, #tpu.memory_space<vmem>> -> memref<1x64xi32, #tpu.memory_space<vmem>>
    %dma_wait3A_170 = tpu.memref_squeeze %dma_wait3A_169 : memref<1x64xi32, #tpu.memory_space<vmem>> -> memref<64xi32, #tpu.memory_space<vmem>>
    %dma_wait3A_171 = arith.constant 0 : i32
    %dma_wait3A_172 = arith.constant 0 : i32
    %dma_wait3A_173 = tpu.memref_slice %arg5[%dma_wait3A_171, %dma_wait3A_172] : memref<100000x128xf32, #tpu.memory_space<hbm>> -> memref<100000x128xf32, #tpu.memory_space<hbm>>
    %dma_wait3A_174 = tpu.memref_slice %arg12[%dma_wait3A_163] : memref<5x!tpu.dma_semaphore, #tpu.memory_space<semaphore_mem>> -> memref<1x!tpu.dma_semaphore, #tpu.memory_space<semaphore_mem>>
    %dma_wait3A_175 = tpu.memref_squeeze %dma_wait3A_174 : memref<1x!tpu.dma_semaphore, #tpu.memory_space<semaphore_mem>> -> memref<!tpu.dma_semaphore, #tpu.memory_space<semaphore_mem>>
    tpu.wait_indirect_dma semaphore(%dma_wait3A_175 : memref<!tpu.dma_semaphore, #tpu.memory_space<semaphore_mem>>) src(%dma_wait3A_173 : memref<100000x128xf32, #tpu.memory_space<hbm>>) dst(%dma_wait3A_167 : memref<64x128xf32, #tpu.memory_space<vmem>>)
    %dma_wait3A_176 = arith.constant 0 : i32
    %dma_wait3A_177 = arith.constant 0 : i32
    %dma_wait3A_178 = arith.constant 0 : i32
    %dma_wait3A_179 = arith.constant 0 : i32
    %dma_wait3A_180 = tpu.memref_slice %arg8[%dma_wait3A_177, %dma_wait3A_179] : memref<2x128xf32, #tpu.memory_space<vmem>> -> memref<1x64xf32, #tpu.memory_space<vmem>>
    %dma_wait3A_181 = tpu.memref_squeeze %dma_wait3A_180 : memref<1x64xf32, #tpu.memory_space<vmem>> -> memref<64xf32, #tpu.memory_space<vmem>>
    %dma_wait3A_182 = arith.constant 0 : i32
    %dma_wait3A_183 = tpu.memref_slice %arg7[%dma_wait3A_176, %dma_wait3A_182] : memref<4x128xi32, #tpu.memory_space<vmem>> -> memref<1x64xi32, #tpu.memory_space<vmem>>
    %dma_wait3A_184 = tpu.memref_squeeze %dma_wait3A_183 : memref<1x64xi32, #tpu.memory_space<vmem>> -> memref<64xi32, #tpu.memory_space<vmem>>
    %dma_wait3A_185 = arith.constant 0 : i32
    %dma_wait3A_186 = tpu.memref_slice %arg4[%dma_wait3A_185] : memref<100000xf32, #tpu.memory_space<hbm>> -> memref<100000xf32, #tpu.memory_space<hbm>>
    %dma_wait3A_187 = tpu.memref_slice %arg13[%dma_wait3A_178] : memref<5x!tpu.dma_semaphore, #tpu.memory_space<semaphore_mem>> -> memref<1x!tpu.dma_semaphore, #tpu.memory_space<semaphore_mem>>
    %dma_wait3A_188 = tpu.memref_squeeze %dma_wait3A_187 : memref<1x!tpu.dma_semaphore, #tpu.memory_space<semaphore_mem>> -> memref<!tpu.dma_semaphore, #tpu.memory_space<semaphore_mem>>
    tpu.wait_indirect_dma semaphore(%dma_wait3A_188 : memref<!tpu.dma_semaphore, #tpu.memory_space<semaphore_mem>>) src(%dma_wait3A_186 : memref<100000xf32, #tpu.memory_space<hbm>>) dst(%dma_wait3A_181 : memref<64xf32, #tpu.memory_space<vmem>>)
    %dma_wait3A_189 = arith.constant 0 : i32
    %dma_wait3A_190 = arith.constant 0 : i32
    %dma_wait3A_191 = arith.constant 0 : i32
    %dma_wait3A_192 = arith.constant 0 : i32
    %dma_wait3A_193 = tpu.memref_slice %arg9[%dma_wait3A_189, %dma_wait3A_191, %dma_wait3A_192] : memref<2x128x128xf32, #tpu.memory_space<vmem>> -> memref<1x64x128xf32, #tpu.memory_space<vmem>>
    %dma_wait3A_194 = tpu.memref_squeeze %dma_wait3A_193 : memref<1x64x128xf32, #tpu.memory_space<vmem>> -> memref<64x128xf32, #tpu.memory_space<vmem>>
    %dma_wait3A_195 = arith.constant 0 : i32
    %dma_wait3A_196 = tpu.memref_slice %arg2[%add3A_20, %dma_wait3A_195] : memref<16384x128xf32, #tpu.memory_space<hbm>> -> memref<64x128xf32, #tpu.memory_space<hbm>>
    %dma_wait3A_197 = tpu.memref_slice %arg14[%dma_wait3A_190] : memref<5x!tpu.dma_semaphore, #tpu.memory_space<semaphore_mem>> -> memref<1x!tpu.dma_semaphore, #tpu.memory_space<semaphore_mem>>
    %dma_wait3A_198 = tpu.memref_squeeze %dma_wait3A_197 : memref<1x!tpu.dma_semaphore, #tpu.memory_space<semaphore_mem>> -> memref<!tpu.dma_semaphore, #tpu.memory_space<semaphore_mem>>
    %dma_wait3A_199 = arith.constant 0 : i32
    %dma_wait3A_200 = arith.constant 0 : i32
    %dma_wait3A_201 = tpu.memref_slice %arg9[%dma_wait3A_189, %dma_wait3A_199, %dma_wait3A_200] : memref<2x128x128xf32, #tpu.memory_space<vmem>> -> memref<1x64x128xf32, #tpu.memory_space<vmem>>
    %dma_wait3A_202 = tpu.memref_squeeze %dma_wait3A_201 : memref<1x64x128xf32, #tpu.memory_space<vmem>> -> memref<64x128xf32, #tpu.memory_space<vmem>>
    %dma_wait3A_203 = arith.constant 0 : i32
    %dma_wait3A_204 = tpu.memref_slice %arg2[%add3A_20, %dma_wait3A_203] : memref<16384x128xf32, #tpu.memory_space<hbm>> -> memref<64x128xf32, #tpu.memory_space<hbm>>
    tpu.wait_dma2 semaphore(%dma_wait3A_198 : memref<!tpu.dma_semaphore, #tpu.memory_space<semaphore_mem>>) src(%dma_wait3A_204 : memref<64x128xf32, #tpu.memory_space<hbm>>) dst(%dma_wait3A_202 : memref<64x128xf32, #tpu.memory_space<vmem>>)
    %parallel_loop3A = arith.constant 0 : i32
    %parallel_loop3A_205 = arith.constant 4 : i32
    %parallel_loop3A_206 = arith.constant 1 : i32
    %parallel_loop3A_207 = arith.constant 0 : i32
    scf.for %parallel_loop3A_752 = %parallel_loop3A to %parallel_loop3A_205 step %parallel_loop3A_206  : i32 {
      %parallel_loop3A_753 = arith.constant 16 : i32
      %parallel_loop3A_754 = arith.muli %parallel_loop3A_752, %parallel_loop3A_753 : i32
      %parallel_loop3A_755 = arith.constant 0 : i32
      %parallel_loop3A_756 = tpu.memref_slice %arg8[%parallel_loop3A_207, %parallel_loop3A_755] : memref<2x128xf32, #tpu.memory_space<vmem>> -> memref<1x128xf32, #tpu.memory_space<vmem>>
      %parallel_loop3A_757 = tpu.memref_squeeze %parallel_loop3A_756 : memref<1x128xf32, #tpu.memory_space<vmem>> -> memref<128xf32, #tpu.memory_space<vmem>>
      %parallel_loop3A_758 = arith.index_cast %parallel_loop3A_754 : i32 to index
      %parallel_loop3A_759 = tpu.vector_load %parallel_loop3A_757[%parallel_loop3A_758] {strides = array<i32>} : memref<128xf32, #tpu.memory_space<vmem>>, vector<16xf32>,
      %parallel_loop3A_760 = vector.shape_cast %parallel_loop3A_759 : vector<16xf32> to vector<16xf32>
      %parallel_loop3A_761 = math.exp %parallel_loop3A_760 : vector<16xf32>
      %parallel_loop3A_762 = arith.constant 16 : i32
      %parallel_loop3A_763 = arith.muli %parallel_loop3A_752, %parallel_loop3A_762 : i32
      %parallel_loop3A_764 = arith.constant 0 : i32
      %parallel_loop3A_765 = tpu.memref_slice %arg8[%parallel_loop3A_207, %parallel_loop3A_764] : memref<2x128xf32, #tpu.memory_space<vmem>> -> memref<1x128xf32, #tpu.memory_space<vmem>>
      %parallel_loop3A_766 = tpu.memref_squeeze %parallel_loop3A_765 : memref<1x128xf32, #tpu.memory_space<vmem>> -> memref<128xf32, #tpu.memory_space<vmem>>
      %parallel_loop3A_767 = arith.index_cast %parallel_loop3A_763 : i32 to index
      %parallel_loop3A_768 = tpu.vector_load %parallel_loop3A_766[%parallel_loop3A_767] {strides = array<i32>} : memref<128xf32, #tpu.memory_space<vmem>>, vector<16xf32>,
      %parallel_loop3A_769 = vector.shape_cast %parallel_loop3A_768 : vector<16xf32> to vector<16xf32>
      %parallel_loop3A_770 = vector.shape_cast %parallel_loop3A_761 : vector<16xf32> to vector<16xf32>
      tpu.vector_store %parallel_loop3A_766[%parallel_loop3A_767], %parallel_loop3A_770 {strides = array<i32>} : memref<128xf32, #tpu.memory_space<vmem>>, vector<16xf32>,
    } {sc.loop_unroll_factor = 1 : i64, sc.parallel_access}
    %parallel_loop3A_208 = arith.constant 0 : i32
    %parallel_loop3A_209 = arith.constant 64 : i32
    %parallel_loop3A_210 = arith.constant 1 : i32
    %parallel_loop3A_211 = arith.constant 0 : i32
    %parallel_loop3A_212 = arith.constant 0 : i32
    %parallel_loop3A_213 = arith.constant 0 : i32
    scf.for %parallel_loop3A_752 = %parallel_loop3A_208 to %parallel_loop3A_209 step %parallel_loop3A_210  : i32 {
      %parallel_loop3A_753 = arith.constant 4 : i32
      %parallel_loop3A_754 = arith.shrsi %parallel_loop3A_752, %parallel_loop3A_753 : i32
      %parallel_loop3A_755 = arith.constant 4 : i32
      %parallel_loop3A_756 = arith.shli %parallel_loop3A_754, %parallel_loop3A_755 : i32
      %parallel_loop3A_757 = arith.constant 15 : i32
      %parallel_loop3A_758 = arith.andi %parallel_loop3A_752, %parallel_loop3A_757 : i32
      %parallel_loop3A_759 = arith.constant 0 : i32
      %parallel_loop3A_760 = tpu.memref_slice %arg8[%parallel_loop3A_211, %parallel_loop3A_759] : memref<2x128xf32, #tpu.memory_space<vmem>> -> memref<1x128xf32, #tpu.memory_space<vmem>>
      %parallel_loop3A_761 = tpu.memref_squeeze %parallel_loop3A_760 : memref<1x128xf32, #tpu.memory_space<vmem>> -> memref<128xf32, #tpu.memory_space<vmem>>
      %parallel_loop3A_762 = arith.index_cast %parallel_loop3A_756 : i32 to index
      %parallel_loop3A_763 = tpu.vector_load %parallel_loop3A_761[%parallel_loop3A_762] {strides = array<i32>} : memref<128xf32, #tpu.memory_space<vmem>>, vector<16xf32>,
      %parallel_loop3A_764 = vector.shape_cast %parallel_loop3A_763 : vector<16xf32> to vector<16xf32>
      %parallel_loop3A_765 = vector.broadcast %parallel_loop3A_758 : i32 to vector<16x1xi32>
      %parallel_loop3A_766 = vector.shape_cast %parallel_loop3A_765 : vector<16x1xi32> to vector<16xi32>
      %parallel_loop3A_767 = tpu.dynamic_gather %parallel_loop3A_764[%parallel_loop3A_766] in [0] : vector<16xf32>, vector<16xi32> -> vector<16xf32>
      %parallel_loop3A_768 = arith.constant 0 : i32
      %parallel_loop3A_769 = arith.constant 0 : i32
      %parallel_loop3A_770 = tpu.memref_slice %arg9[%parallel_loop3A_212, %parallel_loop3A_768, %parallel_loop3A_769] : memref<2x128x128xf32, #tpu.memory_space<vmem>> -> memref<1x128x128xf32, #tpu.memory_space<vmem>>
      %parallel_loop3A_771 = tpu.memref_squeeze %parallel_loop3A_770 : memref<1x128x128xf32, #tpu.memory_space<vmem>> -> memref<128x128xf32, #tpu.memory_space<vmem>>
      %parallel_loop3A_772 = arith.index_cast %parallel_loop3A_752 : i32 to index
      %parallel_loop3A_773 = arith.constant 0 : index
      %parallel_loop3A_774 = tpu.vector_load %parallel_loop3A_771[%parallel_loop3A_772, %parallel_loop3A_773] {strides = array<i32>} : memref<128x128xf32, #tpu.memory_space<vmem>>, vector<1x16xf32>,
      %parallel_loop3A_775 = vector.shape_cast %parallel_loop3A_774 : vector<1x16xf32> to vector<16xf32>
      %parallel_loop3A_776 = arith.mulf %parallel_loop3A_775, %parallel_loop3A_767 : vector<16xf32>
      %parallel_loop3A_777 = arith.constant 0 : i32
      %parallel_loop3A_778 = arith.constant 0 : i32
      %parallel_loop3A_779 = tpu.memref_slice %arg10[%parallel_loop3A_213, %parallel_loop3A_777, %parallel_loop3A_778] : memref<3x128x128xf32, #tpu.memory_space<vmem>> -> memref<1x128x128xf32, #tpu.memory_space<vmem>>
      %parallel_loop3A_780 = tpu.memref_squeeze %parallel_loop3A_779 : memref<1x128x128xf32, #tpu.memory_space<vmem>> -> memref<128x128xf32, #tpu.memory_space<vmem>>
      %parallel_loop3A_781 = arith.index_cast %parallel_loop3A_752 : i32 to index
      %parallel_loop3A_782 = arith.constant 0 : index
      %parallel_loop3A_783 = tpu.vector_load %parallel_loop3A_780[%parallel_loop3A_781, %parallel_loop3A_782] {strides = array<i32>} : memref<128x128xf32, #tpu.memory_space<vmem>>, vector<1x16xf32>,
      %parallel_loop3A_784 = vector.shape_cast %parallel_loop3A_783 : vector<1x16xf32> to vector<16xf32>
      %parallel_loop3A_785 = arith.addf %parallel_loop3A_776, %parallel_loop3A_784 : vector<16xf32>
      %parallel_loop3A_786 = arith.constant 0 : i32
      %parallel_loop3A_787 = arith.constant 0 : i32
      %parallel_loop3A_788 = tpu.memref_slice %arg10[%parallel_loop3A_213, %parallel_loop3A_786, %parallel_loop3A_787] : memref<3x128x128xf32, #tpu.memory_space<vmem>> -> memref<1x128x128xf32, #tpu.memory_space<vmem>>
      %parallel_loop3A_789 = tpu.memref_squeeze %parallel_loop3A_788 : memref<1x128x128xf32, #tpu.memory_space<vmem>> -> memref<128x128xf32, #tpu.memory_space<vmem>>
      %parallel_loop3A_790 = arith.index_cast %parallel_loop3A_752 : i32 to index
      %parallel_loop3A_791 = arith.constant 0 : index
      %parallel_loop3A_792 = tpu.vector_load %parallel_loop3A_789[%parallel_loop3A_790, %parallel_loop3A_791] {strides = array<i32>} : memref<128x128xf32, #tpu.memory_space<vmem>>, vector<1x16xf32>,
      %parallel_loop3A_793 = vector.shape_cast %parallel_loop3A_792 : vector<1x16xf32> to vector<16xf32>
      %parallel_loop3A_794 = vector.shape_cast %parallel_loop3A_785 : vector<16xf32> to vector<1x16xf32>
      tpu.vector_store %parallel_loop3A_789[%parallel_loop3A_790, %parallel_loop3A_791], %parallel_loop3A_794 {strides = array<i32>} : memref<128x128xf32, #tpu.memory_space<vmem>>, vector<1x16xf32>,
      %parallel_loop3A_795 = arith.constant 0 : i32
      %parallel_loop3A_796 = arith.constant 0 : i32
      %parallel_loop3A_797 = tpu.memref_slice %arg9[%parallel_loop3A_212, %parallel_loop3A_795, %parallel_loop3A_796] : memref<2x128x128xf32, #tpu.memory_space<vmem>> -> memref<1x128x128xf32, #tpu.memory_space<vmem>>
      %parallel_loop3A_798 = tpu.memref_squeeze %parallel_loop3A_797 : memref<1x128x128xf32, #tpu.memory_space<vmem>> -> memref<128x128xf32, #tpu.memory_space<vmem>>
      %parallel_loop3A_799 = arith.index_cast %parallel_loop3A_752 : i32 to index
      %parallel_loop3A_800 = arith.constant 16 : index
      %parallel_loop3A_801 = tpu.vector_load %parallel_loop3A_798[%parallel_loop3A_799, %parallel_loop3A_800] {strides = array<i32>} : memref<128x128xf32, #tpu.memory_space<vmem>>, vector<1x16xf32>,
      %parallel_loop3A_802 = vector.shape_cast %parallel_loop3A_801 : vector<1x16xf32> to vector<16xf32>
      %parallel_loop3A_803 = arith.mulf %parallel_loop3A_802, %parallel_loop3A_767 : vector<16xf32>
      %parallel_loop3A_804 = arith.constant 0 : i32
      %parallel_loop3A_805 = arith.constant 0 : i32
      %parallel_loop3A_806 = tpu.memref_slice %arg10[%parallel_loop3A_213, %parallel_loop3A_804, %parallel_loop3A_805] : memref<3x128x128xf32, #tpu.memory_space<vmem>> -> memref<1x128x128xf32, #tpu.memory_space<vmem>>
      %parallel_loop3A_807 = tpu.memref_squeeze %parallel_loop3A_806 : memref<1x128x128xf32, #tpu.memory_space<vmem>> -> memref<128x128xf32, #tpu.memory_space<vmem>>
      %parallel_loop3A_808 = arith.index_cast %parallel_loop3A_752 : i32 to index
      %parallel_loop3A_809 = arith.constant 16 : index
      %parallel_loop3A_810 = tpu.vector_load %parallel_loop3A_807[%parallel_loop3A_808, %parallel_loop3A_809] {strides = array<i32>} : memref<128x128xf32, #tpu.memory_space<vmem>>, vector<1x16xf32>,
      %parallel_loop3A_811 = vector.shape_cast %parallel_loop3A_810 : vector<1x16xf32> to vector<16xf32>
      %parallel_loop3A_812 = arith.addf %parallel_loop3A_803, %parallel_loop3A_811 : vector<16xf32>
      %parallel_loop3A_813 = arith.constant 0 : i32
      %parallel_loop3A_814 = arith.constant 0 : i32
      %parallel_loop3A_815 = tpu.memref_slice %arg10[%parallel_loop3A_213, %parallel_loop3A_813, %parallel_loop3A_814] : memref<3x128x128xf32, #tpu.memory_space<vmem>> -> memref<1x128x128xf32, #tpu.memory_space<vmem>>
      %parallel_loop3A_816 = tpu.memref_squeeze %parallel_loop3A_815 : memref<1x128x128xf32, #tpu.memory_space<vmem>> -> memref<128x128xf32, #tpu.memory_space<vmem>>
      %parallel_loop3A_817 = arith.index_cast %parallel_loop3A_752 : i32 to index
      %parallel_loop3A_818 = arith.constant 16 : index
      %parallel_loop3A_819 = tpu.vector_load %parallel_loop3A_816[%parallel_loop3A_817, %parallel_loop3A_818] {strides = array<i32>} : memref<128x128xf32, #tpu.memory_space<vmem>>, vector<1x16xf32>,
      %parallel_loop3A_820 = vector.shape_cast %parallel_loop3A_819 : vector<1x16xf32> to vector<16xf32>
      %parallel_loop3A_821 = vector.shape_cast %parallel_loop3A_812 : vector<16xf32> to vector<1x16xf32>
      tpu.vector_store %parallel_loop3A_816[%parallel_loop3A_817, %parallel_loop3A_818], %parallel_loop3A_821 {strides = array<i32>} : memref<128x128xf32, #tpu.memory_space<vmem>>, vector<1x16xf32>,
      %parallel_loop3A_822 = arith.constant 0 : i32
      %parallel_loop3A_823 = arith.constant 0 : i32
      %parallel_loop3A_824 = tpu.memref_slice %arg9[%parallel_loop3A_212, %parallel_loop3A_822, %parallel_loop3A_823] : memref<2x128x128xf32, #tpu.memory_space<vmem>> -> memref<1x128x128xf32, #tpu.memory_space<vmem>>
      %parallel_loop3A_825 = tpu.memref_squeeze %parallel_loop3A_824 : memref<1x128x128xf32, #tpu.memory_space<vmem>> -> memref<128x128xf32, #tpu.memory_space<vmem>>
      %parallel_loop3A_826 = arith.index_cast %parallel_loop3A_752 : i32 to index
      %parallel_loop3A_827 = arith.constant 32 : index
      %parallel_loop3A_828 = tpu.vector_load %parallel_loop3A_825[%parallel_loop3A_826, %parallel_loop3A_827] {strides = array<i32>} : memref<128x128xf32, #tpu.memory_space<vmem>>, vector<1x16xf32>,
      %parallel_loop3A_829 = vector.shape_cast %parallel_loop3A_828 : vector<1x16xf32> to vector<16xf32>
      %parallel_loop3A_830 = arith.mulf %parallel_loop3A_829, %parallel_loop3A_767 : vector<16xf32>
      %parallel_loop3A_831 = arith.constant 0 : i32
      %parallel_loop3A_832 = arith.constant 0 : i32
      %parallel_loop3A_833 = tpu.memref_slice %arg10[%parallel_loop3A_213, %parallel_loop3A_831, %parallel_loop3A_832] : memref<3x128x128xf32, #tpu.memory_space<vmem>> -> memref<1x128x128xf32, #tpu.memory_space<vmem>>
      %parallel_loop3A_834 = tpu.memref_squeeze %parallel_loop3A_833 : memref<1x128x128xf32, #tpu.memory_space<vmem>> -> memref<128x128xf32, #tpu.memory_space<vmem>>
      %parallel_loop3A_835 = arith.index_cast %parallel_loop3A_752 : i32 to index
      %parallel_loop3A_836 = arith.constant 32 : index
      %parallel_loop3A_837 = tpu.vector_load %parallel_loop3A_834[%parallel_loop3A_835, %parallel_loop3A_836] {strides = array<i32>} : memref<128x128xf32, #tpu.memory_space<vmem>>, vector<1x16xf32>,
      %parallel_loop3A_838 = vector.shape_cast %parallel_loop3A_837 : vector<1x16xf32> to vector<16xf32>
      %parallel_loop3A_839 = arith.addf %parallel_loop3A_830, %parallel_loop3A_838 : vector<16xf32>
      %parallel_loop3A_840 = arith.constant 0 : i32
      %parallel_loop3A_841 = arith.constant 0 : i32
      %parallel_loop3A_842 = tpu.memref_slice %arg10[%parallel_loop3A_213, %parallel_loop3A_840, %parallel_loop3A_841] : memref<3x128x128xf32, #tpu.memory_space<vmem>> -> memref<1x128x128xf32, #tpu.memory_space<vmem>>
      %parallel_loop3A_843 = tpu.memref_squeeze %parallel_loop3A_842 : memref<1x128x128xf32, #tpu.memory_space<vmem>> -> memref<128x128xf32, #tpu.memory_space<vmem>>
      %parallel_loop3A_844 = arith.index_cast %parallel_loop3A_752 : i32 to index
      %parallel_loop3A_845 = arith.constant 32 : index
      %parallel_loop3A_846 = tpu.vector_load %parallel_loop3A_843[%parallel_loop3A_844, %parallel_loop3A_845] {strides = array<i32>} : memref<128x128xf32, #tpu.memory_space<vmem>>, vector<1x16xf32>,
      %parallel_loop3A_847 = vector.shape_cast %parallel_loop3A_846 : vector<1x16xf32> to vector<16xf32>
      %parallel_loop3A_848 = vector.shape_cast %parallel_loop3A_839 : vector<16xf32> to vector<1x16xf32>
      tpu.vector_store %parallel_loop3A_843[%parallel_loop3A_844, %parallel_loop3A_845], %parallel_loop3A_848 {strides = array<i32>} : memref<128x128xf32, #tpu.memory_space<vmem>>, vector<1x16xf32>,
      %parallel_loop3A_849 = arith.constant 0 : i32
      %parallel_loop3A_850 = arith.constant 0 : i32
      %parallel_loop3A_851 = tpu.memref_slice %arg9[%parallel_loop3A_212, %parallel_loop3A_849, %parallel_loop3A_850] : memref<2x128x128xf32, #tpu.memory_space<vmem>> -> memref<1x128x128xf32, #tpu.memory_space<vmem>>
      %parallel_loop3A_852 = tpu.memref_squeeze %parallel_loop3A_851 : memref<1x128x128xf32, #tpu.memory_space<vmem>> -> memref<128x128xf32, #tpu.memory_space<vmem>>
      %parallel_loop3A_853 = arith.index_cast %parallel_loop3A_752 : i32 to index
      %parallel_loop3A_854 = arith.constant 48 : index
      %parallel_loop3A_855 = tpu.vector_load %parallel_loop3A_852[%parallel_loop3A_853, %parallel_loop3A_854] {strides = array<i32>} : memref<128x128xf32, #tpu.memory_space<vmem>>, vector<1x16xf32>,
      %parallel_loop3A_856 = vector.shape_cast %parallel_loop3A_855 : vector<1x16xf32> to vector<16xf32>
      %parallel_loop3A_857 = arith.mulf %parallel_loop3A_856, %parallel_loop3A_767 : vector<16xf32>
      %parallel_loop3A_858 = arith.constant 0 : i32
      %parallel_loop3A_859 = arith.constant 0 : i32
      %parallel_loop3A_860 = tpu.memref_slice %arg10[%parallel_loop3A_213, %parallel_loop3A_858, %parallel_loop3A_859] : memref<3x128x128xf32, #tpu.memory_space<vmem>> -> memref<1x128x128xf32, #tpu.memory_space<vmem>>
      %parallel_loop3A_861 = tpu.memref_squeeze %parallel_loop3A_860 : memref<1x128x128xf32, #tpu.memory_space<vmem>> -> memref<128x128xf32, #tpu.memory_space<vmem>>
      %parallel_loop3A_862 = arith.index_cast %parallel_loop3A_752 : i32 to index
      %parallel_loop3A_863 = arith.constant 48 : index
      %parallel_loop3A_864 = tpu.vector_load %parallel_loop3A_861[%parallel_loop3A_862, %parallel_loop3A_863] {strides = array<i32>} : memref<128x128xf32, #tpu.memory_space<vmem>>, vector<1x16xf32>,
      %parallel_loop3A_865 = vector.shape_cast %parallel_loop3A_864 : vector<1x16xf32> to vector<16xf32>
      %parallel_loop3A_866 = arith.addf %parallel_loop3A_857, %parallel_loop3A_865 : vector<16xf32>
      %parallel_loop3A_867 = arith.constant 0 : i32
      %parallel_loop3A_868 = arith.constant 0 : i32
      %parallel_loop3A_869 = tpu.memref_slice %arg10[%parallel_loop3A_213, %parallel_loop3A_867, %parallel_loop3A_868] : memref<3x128x128xf32, #tpu.memory_space<vmem>> -> memref<1x128x128xf32, #tpu.memory_space<vmem>>
      %parallel_loop3A_870 = tpu.memref_squeeze %parallel_loop3A_869 : memref<1x128x128xf32, #tpu.memory_space<vmem>> -> memref<128x128xf32, #tpu.memory_space<vmem>>
      %parallel_loop3A_871 = arith.index_cast %parallel_loop3A_752 : i32 to index
      %parallel_loop3A_872 = arith.constant 48 : index
      %parallel_loop3A_873 = tpu.vector_load %parallel_loop3A_870[%parallel_loop3A_871, %parallel_loop3A_872] {strides = array<i32>} : memref<128x128xf32, #tpu.memory_space<vmem>>, vector<1x16xf32>,
      %parallel_loop3A_874 = vector.shape_cast %parallel_loop3A_873 : vector<1x16xf32> to vector<16xf32>
      %parallel_loop3A_875 = vector.shape_cast %parallel_loop3A_866 : vector<16xf32> to vector<1x16xf32>
      tpu.vector_store %parallel_loop3A_870[%parallel_loop3A_871, %parallel_loop3A_872], %parallel_loop3A_875 {strides = array<i32>} : memref<128x128xf32, #tpu.memory_space<vmem>>, vector<1x16xf32>,
      %parallel_loop3A_876 = arith.constant 0 : i32
      %parallel_loop3A_877 = arith.constant 0 : i32
      %parallel_loop3A_878 = tpu.memref_slice %arg9[%parallel_loop3A_212, %parallel_loop3A_876, %parallel_loop3A_877] : memref<2x128x128xf32, #tpu.memory_space<vmem>> -> memref<1x128x128xf32, #tpu.memory_space<vmem>>
      %parallel_loop3A_879 = tpu.memref_squeeze %parallel_loop3A_878 : memref<1x128x128xf32, #tpu.memory_space<vmem>> -> memref<128x128xf32, #tpu.memory_space<vmem>>
      %parallel_loop3A_880 = arith.index_cast %parallel_loop3A_752 : i32 to index
      %parallel_loop3A_881 = arith.constant 64 : index
      %parallel_loop3A_882 = tpu.vector_load %parallel_loop3A_879[%parallel_loop3A_880, %parallel_loop3A_881] {strides = array<i32>} : memref<128x128xf32, #tpu.memory_space<vmem>>, vector<1x16xf32>,
      %parallel_loop3A_883 = vector.shape_cast %parallel_loop3A_882 : vector<1x16xf32> to vector<16xf32>
      %parallel_loop3A_884 = arith.mulf %parallel_loop3A_883, %parallel_loop3A_767 : vector<16xf32>
      %parallel_loop3A_885 = arith.constant 0 : i32
      %parallel_loop3A_886 = arith.constant 0 : i32
      %parallel_loop3A_887 = tpu.memref_slice %arg10[%parallel_loop3A_213, %parallel_loop3A_885, %parallel_loop3A_886] : memref<3x128x128xf32, #tpu.memory_space<vmem>> -> memref<1x128x128xf32, #tpu.memory_space<vmem>>
      %parallel_loop3A_888 = tpu.memref_squeeze %parallel_loop3A_887 : memref<1x128x128xf32, #tpu.memory_space<vmem>> -> memref<128x128xf32, #tpu.memory_space<vmem>>
      %parallel_loop3A_889 = arith.index_cast %parallel_loop3A_752 : i32 to index
      %parallel_loop3A_890 = arith.constant 64 : index
      %parallel_loop3A_891 = tpu.vector_load %parallel_loop3A_888[%parallel_loop3A_889, %parallel_loop3A_890] {strides = array<i32>} : memref<128x128xf32, #tpu.memory_space<vmem>>, vector<1x16xf32>,
      %parallel_loop3A_892 = vector.shape_cast %parallel_loop3A_891 : vector<1x16xf32> to vector<16xf32>
      %parallel_loop3A_893 = arith.addf %parallel_loop3A_884, %parallel_loop3A_892 : vector<16xf32>
      %parallel_loop3A_894 = arith.constant 0 : i32
      %parallel_loop3A_895 = arith.constant 0 : i32
      %parallel_loop3A_896 = tpu.memref_slice %arg10[%parallel_loop3A_213, %parallel_loop3A_894, %parallel_loop3A_895] : memref<3x128x128xf32, #tpu.memory_space<vmem>> -> memref<1x128x128xf32, #tpu.memory_space<vmem>>
      %parallel_loop3A_897 = tpu.memref_squeeze %parallel_loop3A_896 : memref<1x128x128xf32, #tpu.memory_space<vmem>> -> memref<128x128xf32, #tpu.memory_space<vmem>>
      %parallel_loop3A_898 = arith.index_cast %parallel_loop3A_752 : i32 to index
      %parallel_loop3A_899 = arith.constant 64 : index
      %parallel_loop3A_900 = tpu.vector_load %parallel_loop3A_897[%parallel_loop3A_898, %parallel_loop3A_899] {strides = array<i32>} : memref<128x128xf32, #tpu.memory_space<vmem>>, vector<1x16xf32>,
      %parallel_loop3A_901 = vector.shape_cast %parallel_loop3A_900 : vector<1x16xf32> to vector<16xf32>
      %parallel_loop3A_902 = vector.shape_cast %parallel_loop3A_893 : vector<16xf32> to vector<1x16xf32>
      tpu.vector_store %parallel_loop3A_897[%parallel_loop3A_898, %parallel_loop3A_899], %parallel_loop3A_902 {strides = array<i32>} : memref<128x128xf32, #tpu.memory_space<vmem>>, vector<1x16xf32>,
      %parallel_loop3A_903 = arith.constant 0 : i32
      %parallel_loop3A_904 = arith.constant 0 : i32
      %parallel_loop3A_905 = tpu.memref_slice %arg9[%parallel_loop3A_212, %parallel_loop3A_903, %parallel_loop3A_904] : memref<2x128x128xf32, #tpu.memory_space<vmem>> -> memref<1x128x128xf32, #tpu.memory_space<vmem>>
      %parallel_loop3A_906 = tpu.memref_squeeze %parallel_loop3A_905 : memref<1x128x128xf32, #tpu.memory_space<vmem>> -> memref<128x128xf32, #tpu.memory_space<vmem>>
      %parallel_loop3A_907 = arith.index_cast %parallel_loop3A_752 : i32 to index
      %parallel_loop3A_908 = arith.constant 80 : index
      %parallel_loop3A_909 = tpu.vector_load %parallel_loop3A_906[%parallel_loop3A_907, %parallel_loop3A_908] {strides = array<i32>} : memref<128x128xf32, #tpu.memory_space<vmem>>, vector<1x16xf32>,
      %parallel_loop3A_910 = vector.shape_cast %parallel_loop3A_909 : vector<1x16xf32> to vector<16xf32>
      %parallel_loop3A_911 = arith.mulf %parallel_loop3A_910, %parallel_loop3A_767 : vector<16xf32>
      %parallel_loop3A_912 = arith.constant 0 : i32
      %parallel_loop3A_913 = arith.constant 0 : i32
      %parallel_loop3A_914 = tpu.memref_slice %arg10[%parallel_loop3A_213, %parallel_loop3A_912, %parallel_loop3A_913] : memref<3x128x128xf32, #tpu.memory_space<vmem>> -> memref<1x128x128xf32, #tpu.memory_space<vmem>>
      %parallel_loop3A_915 = tpu.memref_squeeze %parallel_loop3A_914 : memref<1x128x128xf32, #tpu.memory_space<vmem>> -> memref<128x128xf32, #tpu.memory_space<vmem>>
      %parallel_loop3A_916 = arith.index_cast %parallel_loop3A_752 : i32 to index
      %parallel_loop3A_917 = arith.constant 80 : index
      %parallel_loop3A_918 = tpu.vector_load %parallel_loop3A_915[%parallel_loop3A_916, %parallel_loop3A_917] {strides = array<i32>} : memref<128x128xf32, #tpu.memory_space<vmem>>, vector<1x16xf32>,
      %parallel_loop3A_919 = vector.shape_cast %parallel_loop3A_918 : vector<1x16xf32> to vector<16xf32>
      %parallel_loop3A_920 = arith.addf %parallel_loop3A_911, %parallel_loop3A_919 : vector<16xf32>
      %parallel_loop3A_921 = arith.constant 0 : i32
      %parallel_loop3A_922 = arith.constant 0 : i32
      %parallel_loop3A_923 = tpu.memref_slice %arg10[%parallel_loop3A_213, %parallel_loop3A_921, %parallel_loop3A_922] : memref<3x128x128xf32, #tpu.memory_space<vmem>> -> memref<1x128x128xf32, #tpu.memory_space<vmem>>
      %parallel_loop3A_924 = tpu.memref_squeeze %parallel_loop3A_923 : memref<1x128x128xf32, #tpu.memory_space<vmem>> -> memref<128x128xf32, #tpu.memory_space<vmem>>
      %parallel_loop3A_925 = arith.index_cast %parallel_loop3A_752 : i32 to index
      %parallel_loop3A_926 = arith.constant 80 : index
      %parallel_loop3A_927 = tpu.vector_load %parallel_loop3A_924[%parallel_loop3A_925, %parallel_loop3A_926] {strides = array<i32>} : memref<128x128xf32, #tpu.memory_space<vmem>>, vector<1x16xf32>,
      %parallel_loop3A_928 = vector.shape_cast %parallel_loop3A_927 : vector<1x16xf32> to vector<16xf32>
      %parallel_loop3A_929 = vector.shape_cast %parallel_loop3A_920 : vector<16xf32> to vector<1x16xf32>
      tpu.vector_store %parallel_loop3A_924[%parallel_loop3A_925, %parallel_loop3A_926], %parallel_loop3A_929 {strides = array<i32>} : memref<128x128xf32, #tpu.memory_space<vmem>>, vector<1x16xf32>,
      %parallel_loop3A_930 = arith.constant 0 : i32
      %parallel_loop3A_931 = arith.constant 0 : i32
      %parallel_loop3A_932 = tpu.memref_slice %arg9[%parallel_loop3A_212, %parallel_loop3A_930, %parallel_loop3A_931] : memref<2x128x128xf32, #tpu.memory_space<vmem>> -> memref<1x128x128xf32, #tpu.memory_space<vmem>>
      %parallel_loop3A_933 = tpu.memref_squeeze %parallel_loop3A_932 : memref<1x128x128xf32, #tpu.memory_space<vmem>> -> memref<128x128xf32, #tpu.memory_space<vmem>>
      %parallel_loop3A_934 = arith.index_cast %parallel_loop3A_752 : i32 to index
      %parallel_loop3A_935 = arith.constant 96 : index
      %parallel_loop3A_936 = tpu.vector_load %parallel_loop3A_933[%parallel_loop3A_934, %parallel_loop3A_935] {strides = array<i32>} : memref<128x128xf32, #tpu.memory_space<vmem>>, vector<1x16xf32>,
      %parallel_loop3A_937 = vector.shape_cast %parallel_loop3A_936 : vector<1x16xf32> to vector<16xf32>
      %parallel_loop3A_938 = arith.mulf %parallel_loop3A_937, %parallel_loop3A_767 : vector<16xf32>
      %parallel_loop3A_939 = arith.constant 0 : i32
      %parallel_loop3A_940 = arith.constant 0 : i32
      %parallel_loop3A_941 = tpu.memref_slice %arg10[%parallel_loop3A_213, %parallel_loop3A_939, %parallel_loop3A_940] : memref<3x128x128xf32, #tpu.memory_space<vmem>> -> memref<1x128x128xf32, #tpu.memory_space<vmem>>
      %parallel_loop3A_942 = tpu.memref_squeeze %parallel_loop3A_941 : memref<1x128x128xf32, #tpu.memory_space<vmem>> -> memref<128x128xf32, #tpu.memory_space<vmem>>
      %parallel_loop3A_943 = arith.index_cast %parallel_loop3A_752 : i32 to index
      %parallel_loop3A_944 = arith.constant 96 : index
      %parallel_loop3A_945 = tpu.vector_load %parallel_loop3A_942[%parallel_loop3A_943, %parallel_loop3A_944] {strides = array<i32>} : memref<128x128xf32, #tpu.memory_space<vmem>>, vector<1x16xf32>,
      %parallel_loop3A_946 = vector.shape_cast %parallel_loop3A_945 : vector<1x16xf32> to vector<16xf32>
      %parallel_loop3A_947 = arith.addf %parallel_loop3A_938, %parallel_loop3A_946 : vector<16xf32>
      %parallel_loop3A_948 = arith.constant 0 : i32
      %parallel_loop3A_949 = arith.constant 0 : i32
      %parallel_loop3A_950 = tpu.memref_slice %arg10[%parallel_loop3A_213, %parallel_loop3A_948, %parallel_loop3A_949] : memref<3x128x128xf32, #tpu.memory_space<vmem>> -> memref<1x128x128xf32, #tpu.memory_space<vmem>>
      %parallel_loop3A_951 = tpu.memref_squeeze %parallel_loop3A_950 : memref<1x128x128xf32, #tpu.memory_space<vmem>> -> memref<128x128xf32, #tpu.memory_space<vmem>>
      %parallel_loop3A_952 = arith.index_cast %parallel_loop3A_752 : i32 to index
      %parallel_loop3A_953 = arith.constant 96 : index
      %parallel_loop3A_954 = tpu.vector_load %parallel_loop3A_951[%parallel_loop3A_952, %parallel_loop3A_953] {strides = array<i32>} : memref<128x128xf32, #tpu.memory_space<vmem>>, vector<1x16xf32>,
      %parallel_loop3A_955 = vector.shape_cast %parallel_loop3A_954 : vector<1x16xf32> to vector<16xf32>
      %parallel_loop3A_956 = vector.shape_cast %parallel_loop3A_947 : vector<16xf32> to vector<1x16xf32>
      tpu.vector_store %parallel_loop3A_951[%parallel_loop3A_952, %parallel_loop3A_953], %parallel_loop3A_956 {strides = array<i32>} : memref<128x128xf32, #tpu.memory_space<vmem>>, vector<1x16xf32>,
      %parallel_loop3A_957 = arith.constant 0 : i32
      %parallel_loop3A_958 = arith.constant 0 : i32
      %parallel_loop3A_959 = tpu.memref_slice %arg9[%parallel_loop3A_212, %parallel_loop3A_957, %parallel_loop3A_958] : memref<2x128x128xf32, #tpu.memory_space<vmem>> -> memref<1x128x128xf32, #tpu.memory_space<vmem>>
      %parallel_loop3A_960 = tpu.memref_squeeze %parallel_loop3A_959 : memref<1x128x128xf32, #tpu.memory_space<vmem>> -> memref<128x128xf32, #tpu.memory_space<vmem>>
      %parallel_loop3A_961 = arith.index_cast %parallel_loop3A_752 : i32 to index
      %parallel_loop3A_962 = arith.constant 112 : index
      %parallel_loop3A_963 = tpu.vector_load %parallel_loop3A_960[%parallel_loop3A_961, %parallel_loop3A_962] {strides = array<i32>} : memref<128x128xf32, #tpu.memory_space<vmem>>, vector<1x16xf32>,
      %parallel_loop3A_964 = vector.shape_cast %parallel_loop3A_963 : vector<1x16xf32> to vector<16xf32>
      %parallel_loop3A_965 = arith.mulf %parallel_loop3A_964, %parallel_loop3A_767 : vector<16xf32>
      %parallel_loop3A_966 = arith.constant 0 : i32
      %parallel_loop3A_967 = arith.constant 0 : i32
      %parallel_loop3A_968 = tpu.memref_slice %arg10[%parallel_loop3A_213, %parallel_loop3A_966, %parallel_loop3A_967] : memref<3x128x128xf32, #tpu.memory_space<vmem>> -> memref<1x128x128xf32, #tpu.memory_space<vmem>>
      %parallel_loop3A_969 = tpu.memref_squeeze %parallel_loop3A_968 : memref<1x128x128xf32, #tpu.memory_space<vmem>> -> memref<128x128xf32, #tpu.memory_space<vmem>>
      %parallel_loop3A_970 = arith.index_cast %parallel_loop3A_752 : i32 to index
      %parallel_loop3A_971 = arith.constant 112 : index
      %parallel_loop3A_972 = tpu.vector_load %parallel_loop3A_969[%parallel_loop3A_970, %parallel_loop3A_971] {strides = array<i32>} : memref<128x128xf32, #tpu.memory_space<vmem>>, vector<1x16xf32>,
      %parallel_loop3A_973 = vector.shape_cast %parallel_loop3A_972 : vector<1x16xf32> to vector<16xf32>
      %parallel_loop3A_974 = arith.addf %parallel_loop3A_965, %parallel_loop3A_973 : vector<16xf32>
      %parallel_loop3A_975 = arith.constant 0 : i32
      %parallel_loop3A_976 = arith.constant 0 : i32
      %parallel_loop3A_977 = tpu.memref_slice %arg10[%parallel_loop3A_213, %parallel_loop3A_975, %parallel_loop3A_976] : memref<3x128x128xf32, #tpu.memory_space<vmem>> -> memref<1x128x128xf32, #tpu.memory_space<vmem>>
      %parallel_loop3A_978 = tpu.memref_squeeze %parallel_loop3A_977 : memref<1x128x128xf32, #tpu.memory_space<vmem>> -> memref<128x128xf32, #tpu.memory_space<vmem>>
      %parallel_loop3A_979 = arith.index_cast %parallel_loop3A_752 : i32 to index
      %parallel_loop3A_980 = arith.constant 112 : index
      %parallel_loop3A_981 = tpu.vector_load %parallel_loop3A_978[%parallel_loop3A_979, %parallel_loop3A_980] {strides = array<i32>} : memref<128x128xf32, #tpu.memory_space<vmem>>, vector<1x16xf32>,
      %parallel_loop3A_982 = vector.shape_cast %parallel_loop3A_981 : vector<1x16xf32> to vector<16xf32>
      %parallel_loop3A_983 = vector.shape_cast %parallel_loop3A_974 : vector<16xf32> to vector<1x16xf32>
      tpu.vector_store %parallel_loop3A_978[%parallel_loop3A_979, %parallel_loop3A_980], %parallel_loop3A_983 {strides = array<i32>} : memref<128x128xf32, #tpu.memory_space<vmem>>, vector<1x16xf32>,
    } {sc.loop_unroll_factor = 2 : i64, sc.parallel_access}
    %add3A_214 = arith.constant 0 : i32
    %add3A_215 = arith.addi %mul3A_2, %add3A_214 : i32
    %add3A_216 = arith.constant 0 : i32
    %add3A_217 = arith.addi %add3A_215, %add3A_216 : i32
    %dma_start3A_218 = arith.constant 0 : i32
    %dma_start3A_219 = arith.constant 0 : i32
    %dma_start3A_220 = arith.constant 0 : i32
    %dma_start3A_221 = arith.constant 0 : i32
    %dma_start3A_222 = tpu.memref_slice %arg10[%dma_start3A_218, %dma_start3A_220, %dma_start3A_221] : memref<3x128x128xf32, #tpu.memory_space<vmem>> -> memref<1x64x128xf32, #tpu.memory_space<vmem>>
    %dma_start3A_223 = tpu.memref_squeeze %dma_start3A_222 : memref<1x64x128xf32, #tpu.memory_space<vmem>> -> memref<64x128xf32, #tpu.memory_space<vmem>>
    %dma_start3A_224 = arith.constant 0 : i32
    %dma_start3A_225 = tpu.memref_slice %arg6[%add3A_217, %dma_start3A_224] : memref<16384x128xf32, #tpu.memory_space<hbm>> -> memref<64x128xf32, #tpu.memory_space<hbm>>
    %dma_start3A_226 = tpu.memref_slice %arg15[%dma_start3A_219] : memref<5x!tpu.dma_semaphore, #tpu.memory_space<semaphore_mem>> -> memref<1x!tpu.dma_semaphore, #tpu.memory_space<semaphore_mem>>
    %dma_start3A_227 = tpu.memref_squeeze %dma_start3A_226 : memref<1x!tpu.dma_semaphore, #tpu.memory_space<semaphore_mem>> -> memref<!tpu.dma_semaphore, #tpu.memory_space<semaphore_mem>>
    %dma_start3A_228 = arith.constant 0 : i32
    %dma_start3A_229 = tpu.memref_slice %arg6[%add3A_217, %dma_start3A_228] : memref<16384x128xf32, #tpu.memory_space<hbm>> -> memref<64x128xf32, #tpu.memory_space<hbm>>
    %dma_start3A_230 = arith.constant 0 : i32
    %dma_start3A_231 = arith.constant 0 : i32
    %dma_start3A_232 = tpu.memref_slice %arg10[%dma_start3A_218, %dma_start3A_230, %dma_start3A_231] : memref<3x128x128xf32, #tpu.memory_space<vmem>> -> memref<1x64x128xf32, #tpu.memory_space<vmem>>
    %dma_start3A_233 = tpu.memref_squeeze %dma_start3A_232 : memref<1x64x128xf32, #tpu.memory_space<vmem>> -> memref<64x128xf32, #tpu.memory_space<vmem>>
    tpu.enqueue_dma source(%dma_start3A_233 : memref<64x128xf32, #tpu.memory_space<vmem>>) target(%dma_start3A_229 : memref<64x128xf32, #tpu.memory_space<hbm>>) target_semaphore(%dma_start3A_227 : memref<!tpu.dma_semaphore, #tpu.memory_space<semaphore_mem>>)
    %dma_wait3A_234 = arith.constant 0 : i32
    %dma_wait3A_235 = arith.constant 0 : i32
    %dma_wait3A_236 = arith.constant 4 : i32
    %dma_wait3A_237 = arith.constant 64 : i32
    %dma_wait3A_238 = arith.constant 0 : i32
    %dma_wait3A_239 = tpu.memref_slice %arg10[%dma_wait3A_235, %dma_wait3A_237, %dma_wait3A_238] : memref<3x128x128xf32, #tpu.memory_space<vmem>> -> memref<1x64x128xf32, #tpu.memory_space<vmem>>
    %dma_wait3A_240 = tpu.memref_squeeze %dma_wait3A_239 : memref<1x64x128xf32, #tpu.memory_space<vmem>> -> memref<64x128xf32, #tpu.memory_space<vmem>>
    %dma_wait3A_241 = arith.constant 64 : i32
    %dma_wait3A_242 = tpu.memref_slice %arg7[%dma_wait3A_234, %dma_wait3A_241] : memref<4x128xi32, #tpu.memory_space<vmem>> -> memref<1x64xi32, #tpu.memory_space<vmem>>
    %dma_wait3A_243 = tpu.memref_squeeze %dma_wait3A_242 : memref<1x64xi32, #tpu.memory_space<vmem>> -> memref<64xi32, #tpu.memory_space<vmem>>
    %dma_wait3A_244 = arith.constant 0 : i32
    %dma_wait3A_245 = arith.constant 0 : i32
    %dma_wait3A_246 = tpu.memref_slice %arg5[%dma_wait3A_244, %dma_wait3A_245] : memref<100000x128xf32, #tpu.memory_space<hbm>> -> memref<100000x128xf32, #tpu.memory_space<hbm>>
    %dma_wait3A_247 = tpu.memref_slice %arg12[%dma_wait3A_236] : memref<5x!tpu.dma_semaphore, #tpu.memory_space<semaphore_mem>> -> memref<1x!tpu.dma_semaphore, #tpu.memory_space<semaphore_mem>>
    %dma_wait3A_248 = tpu.memref_squeeze %dma_wait3A_247 : memref<1x!tpu.dma_semaphore, #tpu.memory_space<semaphore_mem>> -> memref<!tpu.dma_semaphore, #tpu.memory_space<semaphore_mem>>
    tpu.wait_indirect_dma semaphore(%dma_wait3A_248 : memref<!tpu.dma_semaphore, #tpu.memory_space<semaphore_mem>>) src(%dma_wait3A_246 : memref<100000x128xf32, #tpu.memory_space<hbm>>) dst(%dma_wait3A_240 : memref<64x128xf32, #tpu.memory_space<vmem>>)
    %dma_wait3A_249 = arith.constant 0 : i32
    %dma_wait3A_250 = arith.constant 0 : i32
    %dma_wait3A_251 = arith.constant 4 : i32
    %dma_wait3A_252 = arith.constant 64 : i32
    %dma_wait3A_253 = tpu.memref_slice %arg8[%dma_wait3A_250, %dma_wait3A_252] : memref<2x128xf32, #tpu.memory_space<vmem>> -> memref<1x64xf32, #tpu.memory_space<vmem>>
    %dma_wait3A_254 = tpu.memref_squeeze %dma_wait3A_253 : memref<1x64xf32, #tpu.memory_space<vmem>> -> memref<64xf32, #tpu.memory_space<vmem>>
    %dma_wait3A_255 = arith.constant 64 : i32
    %dma_wait3A_256 = tpu.memref_slice %arg7[%dma_wait3A_249, %dma_wait3A_255] : memref<4x128xi32, #tpu.memory_space<vmem>> -> memref<1x64xi32, #tpu.memory_space<vmem>>
    %dma_wait3A_257 = tpu.memref_squeeze %dma_wait3A_256 : memref<1x64xi32, #tpu.memory_space<vmem>> -> memref<64xi32, #tpu.memory_space<vmem>>
    %dma_wait3A_258 = arith.constant 0 : i32
    %dma_wait3A_259 = tpu.memref_slice %arg4[%dma_wait3A_258] : memref<100000xf32, #tpu.memory_space<hbm>> -> memref<100000xf32, #tpu.memory_space<hbm>>
    %dma_wait3A_260 = tpu.memref_slice %arg13[%dma_wait3A_251] : memref<5x!tpu.dma_semaphore, #tpu.memory_space<semaphore_mem>> -> memref<1x!tpu.dma_semaphore, #tpu.memory_space<semaphore_mem>>
    %dma_wait3A_261 = tpu.memref_squeeze %dma_wait3A_260 : memref<1x!tpu.dma_semaphore, #tpu.memory_space<semaphore_mem>> -> memref<!tpu.dma_semaphore, #tpu.memory_space<semaphore_mem>>
    tpu.wait_indirect_dma semaphore(%dma_wait3A_261 : memref<!tpu.dma_semaphore, #tpu.memory_space<semaphore_mem>>) src(%dma_wait3A_259 : memref<100000xf32, #tpu.memory_space<hbm>>) dst(%dma_wait3A_254 : memref<64xf32, #tpu.memory_space<vmem>>)
    %dma_wait3A_262 = arith.constant 0 : i32
    %dma_wait3A_263 = arith.constant 4 : i32
    %dma_wait3A_264 = arith.constant 64 : i32
    %dma_wait3A_265 = arith.constant 0 : i32
    %dma_wait3A_266 = tpu.memref_slice %arg9[%dma_wait3A_262, %dma_wait3A_264, %dma_wait3A_265] : memref<2x128x128xf32, #tpu.memory_space<vmem>> -> memref<1x64x128xf32, #tpu.memory_space<vmem>>
    %dma_wait3A_267 = tpu.memref_squeeze %dma_wait3A_266 : memref<1x64x128xf32, #tpu.memory_space<vmem>> -> memref<64x128xf32, #tpu.memory_space<vmem>>
    %dma_wait3A_268 = arith.constant 0 : i32
    %dma_wait3A_269 = tpu.memref_slice %arg2[%add3A_68, %dma_wait3A_268] : memref<16384x128xf32, #tpu.memory_space<hbm>> -> memref<64x128xf32, #tpu.memory_space<hbm>>
    %dma_wait3A_270 = tpu.memref_slice %arg14[%dma_wait3A_263] : memref<5x!tpu.dma_semaphore, #tpu.memory_space<semaphore_mem>> -> memref<1x!tpu.dma_semaphore, #tpu.memory_space<semaphore_mem>>
    %dma_wait3A_271 = tpu.memref_squeeze %dma_wait3A_270 : memref<1x!tpu.dma_semaphore, #tpu.memory_space<semaphore_mem>> -> memref<!tpu.dma_semaphore, #tpu.memory_space<semaphore_mem>>
    %dma_wait3A_272 = arith.constant 64 : i32
    %dma_wait3A_273 = arith.constant 0 : i32
    %dma_wait3A_274 = tpu.memref_slice %arg9[%dma_wait3A_262, %dma_wait3A_272, %dma_wait3A_273] : memref<2x128x128xf32, #tpu.memory_space<vmem>> -> memref<1x64x128xf32, #tpu.memory_space<vmem>>
    %dma_wait3A_275 = tpu.memref_squeeze %dma_wait3A_274 : memref<1x64x128xf32, #tpu.memory_space<vmem>> -> memref<64x128xf32, #tpu.memory_space<vmem>>
    %dma_wait3A_276 = arith.constant 0 : i32
    %dma_wait3A_277 = tpu.memref_slice %arg2[%add3A_68, %dma_wait3A_276] : memref<16384x128xf32, #tpu.memory_space<hbm>> -> memref<64x128xf32, #tpu.memory_space<hbm>>
    tpu.wait_dma2 semaphore(%dma_wait3A_271 : memref<!tpu.dma_semaphore, #tpu.memory_space<semaphore_mem>>) src(%dma_wait3A_277 : memref<64x128xf32, #tpu.memory_space<hbm>>) dst(%dma_wait3A_275 : memref<64x128xf32, #tpu.memory_space<vmem>>)
    %parallel_loop3A_278 = arith.constant 4 : i32
    %parallel_loop3A_279 = arith.constant 8 : i32
    %parallel_loop3A_280 = arith.constant 1 : i32
    %parallel_loop3A_281 = arith.constant 0 : i32
    scf.for %parallel_loop3A_752 = %parallel_loop3A_278 to %parallel_loop3A_279 step %parallel_loop3A_280  : i32 {
      %parallel_loop3A_753 = arith.constant 16 : i32
      %parallel_loop3A_754 = arith.muli %parallel_loop3A_752, %parallel_loop3A_753 : i32
      %parallel_loop3A_755 = arith.constant 0 : i32
      %parallel_loop3A_756 = tpu.memref_slice %arg8[%parallel_loop3A_281, %parallel_loop3A_755] : memref<2x128xf32, #tpu.memory_space<vmem>> -> memref<1x128xf32, #tpu.memory_space<vmem>>
      %parallel_loop3A_757 = tpu.memref_squeeze %parallel_loop3A_756 : memref<1x128xf32, #tpu.memory_space<vmem>> -> memref<128xf32, #tpu.memory_space<vmem>>
      %parallel_loop3A_758 = arith.index_cast %parallel_loop3A_754 : i32 to index
      %parallel_loop3A_759 = tpu.vector_load %parallel_loop3A_757[%parallel_loop3A_758] {strides = array<i32>} : memref<128xf32, #tpu.memory_space<vmem>>, vector<16xf32>,
      %parallel_loop3A_760 = vector.shape_cast %parallel_loop3A_759 : vector<16xf32> to vector<16xf32>
      %parallel_loop3A_761 = math.exp %parallel_loop3A_760 : vector<16xf32>
      %parallel_loop3A_762 = arith.constant 16 : i32
      %parallel_loop3A_763 = arith.muli %parallel_loop3A_752, %parallel_loop3A_762 : i32
      %parallel_loop3A_764 = arith.constant 0 : i32
      %parallel_loop3A_765 = tpu.memref_slice %arg8[%parallel_loop3A_281, %parallel_loop3A_764] : memref<2x128xf32, #tpu.memory_space<vmem>> -> memref<1x128xf32, #tpu.memory_space<vmem>>
      %parallel_loop3A_766 = tpu.memref_squeeze %parallel_loop3A_765 : memref<1x128xf32, #tpu.memory_space<vmem>> -> memref<128xf32, #tpu.memory_space<vmem>>
      %parallel_loop3A_767 = arith.index_cast %parallel_loop3A_763 : i32 to index
      %parallel_loop3A_768 = tpu.vector_load %parallel_loop3A_766[%parallel_loop3A_767] {strides = array<i32>} : memref<128xf32, #tpu.memory_space<vmem>>, vector<16xf32>,
      %parallel_loop3A_769 = vector.shape_cast %parallel_loop3A_768 : vector<16xf32> to vector<16xf32>
      %parallel_loop3A_770 = vector.shape_cast %parallel_loop3A_761 : vector<16xf32> to vector<16xf32>
      tpu.vector_store %parallel_loop3A_766[%parallel_loop3A_767], %parallel_loop3A_770 {strides = array<i32>} : memref<128xf32, #tpu.memory_space<vmem>>, vector<16xf32>,
    } {sc.loop_unroll_factor = 1 : i64, sc.parallel_access}
    %parallel_loop3A_282 = arith.constant 64 : i32
    %parallel_loop3A_283 = arith.constant 128 : i32
    %parallel_loop3A_284 = arith.constant 1 : i32
    %parallel_loop3A_285 = arith.constant 0 : i32
    %parallel_loop3A_286 = arith.constant 0 : i32
    %parallel_loop3A_287 = arith.constant 0 : i32
    scf.for %parallel_loop3A_752 = %parallel_loop3A_282 to %parallel_loop3A_283 step %parallel_loop3A_284  : i32 {
      %parallel_loop3A_753 = arith.constant 4 : i32
      %parallel_loop3A_754 = arith.shrsi %parallel_loop3A_752, %parallel_loop3A_753 : i32
      %parallel_loop3A_755 = arith.constant 4 : i32
      %parallel_loop3A_756 = arith.shli %parallel_loop3A_754, %parallel_loop3A_755 : i32
      %parallel_loop3A_757 = arith.constant 15 : i32
      %parallel_loop3A_758 = arith.andi %parallel_loop3A_752, %parallel_loop3A_757 : i32
      %parallel_loop3A_759 = arith.constant 0 : i32
      %parallel_loop3A_760 = tpu.memref_slice %arg8[%parallel_loop3A_285, %parallel_loop3A_759] : memref<2x128xf32, #tpu.memory_space<vmem>> -> memref<1x128xf32, #tpu.memory_space<vmem>>
      %parallel_loop3A_761 = tpu.memref_squeeze %parallel_loop3A_760 : memref<1x128xf32, #tpu.memory_space<vmem>> -> memref<128xf32, #tpu.memory_space<vmem>>
      %parallel_loop3A_762 = arith.index_cast %parallel_loop3A_756 : i32 to index
      %parallel_loop3A_763 = tpu.vector_load %parallel_loop3A_761[%parallel_loop3A_762] {strides = array<i32>} : memref<128xf32, #tpu.memory_space<vmem>>, vector<16xf32>,
      %parallel_loop3A_764 = vector.shape_cast %parallel_loop3A_763 : vector<16xf32> to vector<16xf32>
      %parallel_loop3A_765 = vector.broadcast %parallel_loop3A_758 : i32 to vector<16x1xi32>
      %parallel_loop3A_766 = vector.shape_cast %parallel_loop3A_765 : vector<16x1xi32> to vector<16xi32>
      %parallel_loop3A_767 = tpu.dynamic_gather %parallel_loop3A_764[%parallel_loop3A_766] in [0] : vector<16xf32>, vector<16xi32> -> vector<16xf32>
      %parallel_loop3A_768 = arith.constant 0 : i32
      %parallel_loop3A_769 = arith.constant 0 : i32
      %parallel_loop3A_770 = tpu.memref_slice %arg9[%parallel_loop3A_286, %parallel_loop3A_768, %parallel_loop3A_769] : memref<2x128x128xf32, #tpu.memory_space<vmem>> -> memref<1x128x128xf32, #tpu.memory_space<vmem>>
      %parallel_loop3A_771 = tpu.memref_squeeze %parallel_loop3A_770 : memref<1x128x128xf32, #tpu.memory_space<vmem>> -> memref<128x128xf32, #tpu.memory_space<vmem>>
      %parallel_loop3A_772 = arith.index_cast %parallel_loop3A_752 : i32 to index
      %parallel_loop3A_773 = arith.constant 0 : index
      %parallel_loop3A_774 = tpu.vector_load %parallel_loop3A_771[%parallel_loop3A_772, %parallel_loop3A_773] {strides = array<i32>} : memref<128x128xf32, #tpu.memory_space<vmem>>, vector<1x16xf32>,
      %parallel_loop3A_775 = vector.shape_cast %parallel_loop3A_774 : vector<1x16xf32> to vector<16xf32>
      %parallel_loop3A_776 = arith.mulf %parallel_loop3A_775, %parallel_loop3A_767 : vector<16xf32>
      %parallel_loop3A_777 = arith.constant 0 : i32
      %parallel_loop3A_778 = arith.constant 0 : i32
      %parallel_loop3A_779 = tpu.memref_slice %arg10[%parallel_loop3A_287, %parallel_loop3A_777, %parallel_loop3A_778] : memref<3x128x128xf32, #tpu.memory_space<vmem>> -> memref<1x128x128xf32, #tpu.memory_space<vmem>>
      %parallel_loop3A_780 = tpu.memref_squeeze %parallel_loop3A_779 : memref<1x128x128xf32, #tpu.memory_space<vmem>> -> memref<128x128xf32, #tpu.memory_space<vmem>>
      %parallel_loop3A_781 = arith.index_cast %parallel_loop3A_752 : i32 to index
      %parallel_loop3A_782 = arith.constant 0 : index
      %parallel_loop3A_783 = tpu.vector_load %parallel_loop3A_780[%parallel_loop3A_781, %parallel_loop3A_782] {strides = array<i32>} : memref<128x128xf32, #tpu.memory_space<vmem>>, vector<1x16xf32>,
      %parallel_loop3A_784 = vector.shape_cast %parallel_loop3A_783 : vector<1x16xf32> to vector<16xf32>
      %parallel_loop3A_785 = arith.addf %parallel_loop3A_776, %parallel_loop3A_784 : vector<16xf32>
      %parallel_loop3A_786 = arith.constant 0 : i32
      %parallel_loop3A_787 = arith.constant 0 : i32
      %parallel_loop3A_788 = tpu.memref_slice %arg10[%parallel_loop3A_287, %parallel_loop3A_786, %parallel_loop3A_787] : memref<3x128x128xf32, #tpu.memory_space<vmem>> -> memref<1x128x128xf32, #tpu.memory_space<vmem>>
      %parallel_loop3A_789 = tpu.memref_squeeze %parallel_loop3A_788 : memref<1x128x128xf32, #tpu.memory_space<vmem>> -> memref<128x128xf32, #tpu.memory_space<vmem>>
      %parallel_loop3A_790 = arith.index_cast %parallel_loop3A_752 : i32 to index
      %parallel_loop3A_791 = arith.constant 0 : index
      %parallel_loop3A_792 = tpu.vector_load %parallel_loop3A_789[%parallel_loop3A_790, %parallel_loop3A_791] {strides = array<i32>} : memref<128x128xf32, #tpu.memory_space<vmem>>, vector<1x16xf32>,
      %parallel_loop3A_793 = vector.shape_cast %parallel_loop3A_792 : vector<1x16xf32> to vector<16xf32>
      %parallel_loop3A_794 = vector.shape_cast %parallel_loop3A_785 : vector<16xf32> to vector<1x16xf32>
      tpu.vector_store %parallel_loop3A_789[%parallel_loop3A_790, %parallel_loop3A_791], %parallel_loop3A_794 {strides = array<i32>} : memref<128x128xf32, #tpu.memory_space<vmem>>, vector<1x16xf32>,
      %parallel_loop3A_795 = arith.constant 0 : i32
      %parallel_loop3A_796 = arith.constant 0 : i32
      %parallel_loop3A_797 = tpu.memref_slice %arg9[%parallel_loop3A_286, %parallel_loop3A_795, %parallel_loop3A_796] : memref<2x128x128xf32, #tpu.memory_space<vmem>> -> memref<1x128x128xf32, #tpu.memory_space<vmem>>
      %parallel_loop3A_798 = tpu.memref_squeeze %parallel_loop3A_797 : memref<1x128x128xf32, #tpu.memory_space<vmem>> -> memref<128x128xf32, #tpu.memory_space<vmem>>
      %parallel_loop3A_799 = arith.index_cast %parallel_loop3A_752 : i32 to index
      %parallel_loop3A_800 = arith.constant 16 : index
      %parallel_loop3A_801 = tpu.vector_load %parallel_loop3A_798[%parallel_loop3A_799, %parallel_loop3A_800] {strides = array<i32>} : memref<128x128xf32, #tpu.memory_space<vmem>>, vector<1x16xf32>,
      %parallel_loop3A_802 = vector.shape_cast %parallel_loop3A_801 : vector<1x16xf32> to vector<16xf32>
      %parallel_loop3A_803 = arith.mulf %parallel_loop3A_802, %parallel_loop3A_767 : vector<16xf32>
      %parallel_loop3A_804 = arith.constant 0 : i32
      %parallel_loop3A_805 = arith.constant 0 : i32
      %parallel_loop3A_806 = tpu.memref_slice %arg10[%parallel_loop3A_287, %parallel_loop3A_804, %parallel_loop3A_805] : memref<3x128x128xf32, #tpu.memory_space<vmem>> -> memref<1x128x128xf32, #tpu.memory_space<vmem>>
      %parallel_loop3A_807 = tpu.memref_squeeze %parallel_loop3A_806 : memref<1x128x128xf32, #tpu.memory_space<vmem>> -> memref<128x128xf32, #tpu.memory_space<vmem>>
      %parallel_loop3A_808 = arith.index_cast %parallel_loop3A_752 : i32 to index
      %parallel_loop3A_809 = arith.constant 16 : index
      %parallel_loop3A_810 = tpu.vector_load %parallel_loop3A_807[%parallel_loop3A_808, %parallel_loop3A_809] {strides = array<i32>} : memref<128x128xf32, #tpu.memory_space<vmem>>, vector<1x16xf32>,
      %parallel_loop3A_811 = vector.shape_cast %parallel_loop3A_810 : vector<1x16xf32> to vector<16xf32>
      %parallel_loop3A_812 = arith.addf %parallel_loop3A_803, %parallel_loop3A_811 : vector<16xf32>
      %parallel_loop3A_813 = arith.constant 0 : i32
      %parallel_loop3A_814 = arith.constant 0 : i32
      %parallel_loop3A_815 = tpu.memref_slice %arg10[%parallel_loop3A_287, %parallel_loop3A_813, %parallel_loop3A_814] : memref<3x128x128xf32, #tpu.memory_space<vmem>> -> memref<1x128x128xf32, #tpu.memory_space<vmem>>
      %parallel_loop3A_816 = tpu.memref_squeeze %parallel_loop3A_815 : memref<1x128x128xf32, #tpu.memory_space<vmem>> -> memref<128x128xf32, #tpu.memory_space<vmem>>
      %parallel_loop3A_817 = arith.index_cast %parallel_loop3A_752 : i32 to index
      %parallel_loop3A_818 = arith.constant 16 : index
      %parallel_loop3A_819 = tpu.vector_load %parallel_loop3A_816[%parallel_loop3A_817, %parallel_loop3A_818] {strides = array<i32>} : memref<128x128xf32, #tpu.memory_space<vmem>>, vector<1x16xf32>,
      %parallel_loop3A_820 = vector.shape_cast %parallel_loop3A_819 : vector<1x16xf32> to vector<16xf32>
      %parallel_loop3A_821 = vector.shape_cast %parallel_loop3A_812 : vector<16xf32> to vector<1x16xf32>
      tpu.vector_store %parallel_loop3A_816[%parallel_loop3A_817, %parallel_loop3A_818], %parallel_loop3A_821 {strides = array<i32>} : memref<128x128xf32, #tpu.memory_space<vmem>>, vector<1x16xf32>,
      %parallel_loop3A_822 = arith.constant 0 : i32
      %parallel_loop3A_823 = arith.constant 0 : i32
      %parallel_loop3A_824 = tpu.memref_slice %arg9[%parallel_loop3A_286, %parallel_loop3A_822, %parallel_loop3A_823] : memref<2x128x128xf32, #tpu.memory_space<vmem>> -> memref<1x128x128xf32, #tpu.memory_space<vmem>>
      %parallel_loop3A_825 = tpu.memref_squeeze %parallel_loop3A_824 : memref<1x128x128xf32, #tpu.memory_space<vmem>> -> memref<128x128xf32, #tpu.memory_space<vmem>>
      %parallel_loop3A_826 = arith.index_cast %parallel_loop3A_752 : i32 to index
      %parallel_loop3A_827 = arith.constant 32 : index
      %parallel_loop3A_828 = tpu.vector_load %parallel_loop3A_825[%parallel_loop3A_826, %parallel_loop3A_827] {strides = array<i32>} : memref<128x128xf32, #tpu.memory_space<vmem>>, vector<1x16xf32>,
      %parallel_loop3A_829 = vector.shape_cast %parallel_loop3A_828 : vector<1x16xf32> to vector<16xf32>
      %parallel_loop3A_830 = arith.mulf %parallel_loop3A_829, %parallel_loop3A_767 : vector<16xf32>
      %parallel_loop3A_831 = arith.constant 0 : i32
      %parallel_loop3A_832 = arith.constant 0 : i32
      %parallel_loop3A_833 = tpu.memref_slice %arg10[%parallel_loop3A_287, %parallel_loop3A_831, %parallel_loop3A_832] : memref<3x128x128xf32, #tpu.memory_space<vmem>> -> memref<1x128x128xf32, #tpu.memory_space<vmem>>
      %parallel_loop3A_834 = tpu.memref_squeeze %parallel_loop3A_833 : memref<1x128x128xf32, #tpu.memory_space<vmem>> -> memref<128x128xf32, #tpu.memory_space<vmem>>
      %parallel_loop3A_835 = arith.index_cast %parallel_loop3A_752 : i32 to index
      %parallel_loop3A_836 = arith.constant 32 : index
      %parallel_loop3A_837 = tpu.vector_load %parallel_loop3A_834[%parallel_loop3A_835, %parallel_loop3A_836] {strides = array<i32>} : memref<128x128xf32, #tpu.memory_space<vmem>>, vector<1x16xf32>,
      %parallel_loop3A_838 = vector.shape_cast %parallel_loop3A_837 : vector<1x16xf32> to vector<16xf32>
      %parallel_loop3A_839 = arith.addf %parallel_loop3A_830, %parallel_loop3A_838 : vector<16xf32>
      %parallel_loop3A_840 = arith.constant 0 : i32
      %parallel_loop3A_841 = arith.constant 0 : i32
      %parallel_loop3A_842 = tpu.memref_slice %arg10[%parallel_loop3A_287, %parallel_loop3A_840, %parallel_loop3A_841] : memref<3x128x128xf32, #tpu.memory_space<vmem>> -> memref<1x128x128xf32, #tpu.memory_space<vmem>>
      %parallel_loop3A_843 = tpu.memref_squeeze %parallel_loop3A_842 : memref<1x128x128xf32, #tpu.memory_space<vmem>> -> memref<128x128xf32, #tpu.memory_space<vmem>>
      %parallel_loop3A_844 = arith.index_cast %parallel_loop3A_752 : i32 to index
      %parallel_loop3A_845 = arith.constant 32 : index
      %parallel_loop3A_846 = tpu.vector_load %parallel_loop3A_843[%parallel_loop3A_844, %parallel_loop3A_845] {strides = array<i32>} : memref<128x128xf32, #tpu.memory_space<vmem>>, vector<1x16xf32>,
      %parallel_loop3A_847 = vector.shape_cast %parallel_loop3A_846 : vector<1x16xf32> to vector<16xf32>
      %parallel_loop3A_848 = vector.shape_cast %parallel_loop3A_839 : vector<16xf32> to vector<1x16xf32>
      tpu.vector_store %parallel_loop3A_843[%parallel_loop3A_844, %parallel_loop3A_845], %parallel_loop3A_848 {strides = array<i32>} : memref<128x128xf32, #tpu.memory_space<vmem>>, vector<1x16xf32>,
      %parallel_loop3A_849 = arith.constant 0 : i32
      %parallel_loop3A_850 = arith.constant 0 : i32
      %parallel_loop3A_851 = tpu.memref_slice %arg9[%parallel_loop3A_286, %parallel_loop3A_849, %parallel_loop3A_850] : memref<2x128x128xf32, #tpu.memory_space<vmem>> -> memref<1x128x128xf32, #tpu.memory_space<vmem>>
      %parallel_loop3A_852 = tpu.memref_squeeze %parallel_loop3A_851 : memref<1x128x128xf32, #tpu.memory_space<vmem>> -> memref<128x128xf32, #tpu.memory_space<vmem>>
      %parallel_loop3A_853 = arith.index_cast %parallel_loop3A_752 : i32 to index
      %parallel_loop3A_854 = arith.constant 48 : index
      %parallel_loop3A_855 = tpu.vector_load %parallel_loop3A_852[%parallel_loop3A_853, %parallel_loop3A_854] {strides = array<i32>} : memref<128x128xf32, #tpu.memory_space<vmem>>, vector<1x16xf32>,
      %parallel_loop3A_856 = vector.shape_cast %parallel_loop3A_855 : vector<1x16xf32> to vector<16xf32>
      %parallel_loop3A_857 = arith.mulf %parallel_loop3A_856, %parallel_loop3A_767 : vector<16xf32>
      %parallel_loop3A_858 = arith.constant 0 : i32
      %parallel_loop3A_859 = arith.constant 0 : i32
      %parallel_loop3A_860 = tpu.memref_slice %arg10[%parallel_loop3A_287, %parallel_loop3A_858, %parallel_loop3A_859] : memref<3x128x128xf32, #tpu.memory_space<vmem>> -> memref<1x128x128xf32, #tpu.memory_space<vmem>>
      %parallel_loop3A_861 = tpu.memref_squeeze %parallel_loop3A_860 : memref<1x128x128xf32, #tpu.memory_space<vmem>> -> memref<128x128xf32, #tpu.memory_space<vmem>>
      %parallel_loop3A_862 = arith.index_cast %parallel_loop3A_752 : i32 to index
      %parallel_loop3A_863 = arith.constant 48 : index
      %parallel_loop3A_864 = tpu.vector_load %parallel_loop3A_861[%parallel_loop3A_862, %parallel_loop3A_863] {strides = array<i32>} : memref<128x128xf32, #tpu.memory_space<vmem>>, vector<1x16xf32>,
      %parallel_loop3A_865 = vector.shape_cast %parallel_loop3A_864 : vector<1x16xf32> to vector<16xf32>
      %parallel_loop3A_866 = arith.addf %parallel_loop3A_857, %parallel_loop3A_865 : vector<16xf32>
      %parallel_loop3A_867 = arith.constant 0 : i32
      %parallel_loop3A_868 = arith.constant 0 : i32
      %parallel_loop3A_869 = tpu.memref_slice %arg10[%parallel_loop3A_287, %parallel_loop3A_867, %parallel_loop3A_868] : memref<3x128x128xf32, #tpu.memory_space<vmem>> -> memref<1x128x128xf32, #tpu.memory_space<vmem>>
      %parallel_loop3A_870 = tpu.memref_squeeze %parallel_loop3A_869 : memref<1x128x128xf32, #tpu.memory_space<vmem>> -> memref<128x128xf32, #tpu.memory_space<vmem>>
      %parallel_loop3A_871 = arith.index_cast %parallel_loop3A_752 : i32 to index
      %parallel_loop3A_872 = arith.constant 48 : index
      %parallel_loop3A_873 = tpu.vector_load %parallel_loop3A_870[%parallel_loop3A_871, %parallel_loop3A_872] {strides = array<i32>} : memref<128x128xf32, #tpu.memory_space<vmem>>, vector<1x16xf32>,
      %parallel_loop3A_874 = vector.shape_cast %parallel_loop3A_873 : vector<1x16xf32> to vector<16xf32>
      %parallel_loop3A_875 = vector.shape_cast %parallel_loop3A_866 : vector<16xf32> to vector<1x16xf32>
      tpu.vector_store %parallel_loop3A_870[%parallel_loop3A_871, %parallel_loop3A_872], %parallel_loop3A_875 {strides = array<i32>} : memref<128x128xf32, #tpu.memory_space<vmem>>, vector<1x16xf32>,
      %parallel_loop3A_876 = arith.constant 0 : i32
      %parallel_loop3A_877 = arith.constant 0 : i32
      %parallel_loop3A_878 = tpu.memref_slice %arg9[%parallel_loop3A_286, %parallel_loop3A_876, %parallel_loop3A_877] : memref<2x128x128xf32, #tpu.memory_space<vmem>> -> memref<1x128x128xf32, #tpu.memory_space<vmem>>
      %parallel_loop3A_879 = tpu.memref_squeeze %parallel_loop3A_878 : memref<1x128x128xf32, #tpu.memory_space<vmem>> -> memref<128x128xf32, #tpu.memory_space<vmem>>
      %parallel_loop3A_880 = arith.index_cast %parallel_loop3A_752 : i32 to index
      %parallel_loop3A_881 = arith.constant 64 : index
      %parallel_loop3A_882 = tpu.vector_load %parallel_loop3A_879[%parallel_loop3A_880, %parallel_loop3A_881] {strides = array<i32>} : memref<128x128xf32, #tpu.memory_space<vmem>>, vector<1x16xf32>,
      %parallel_loop3A_883 = vector.shape_cast %parallel_loop3A_882 : vector<1x16xf32> to vector<16xf32>
      %parallel_loop3A_884 = arith.mulf %parallel_loop3A_883, %parallel_loop3A_767 : vector<16xf32>
      %parallel_loop3A_885 = arith.constant 0 : i32
      %parallel_loop3A_886 = arith.constant 0 : i32
      %parallel_loop3A_887 = tpu.memref_slice %arg10[%parallel_loop3A_287, %parallel_loop3A_885, %parallel_loop3A_886] : memref<3x128x128xf32, #tpu.memory_space<vmem>> -> memref<1x128x128xf32, #tpu.memory_space<vmem>>
      %parallel_loop3A_888 = tpu.memref_squeeze %parallel_loop3A_887 : memref<1x128x128xf32, #tpu.memory_space<vmem>> -> memref<128x128xf32, #tpu.memory_space<vmem>>
      %parallel_loop3A_889 = arith.index_cast %parallel_loop3A_752 : i32 to index
      %parallel_loop3A_890 = arith.constant 64 : index
      %parallel_loop3A_891 = tpu.vector_load %parallel_loop3A_888[%parallel_loop3A_889, %parallel_loop3A_890] {strides = array<i32>} : memref<128x128xf32, #tpu.memory_space<vmem>>, vector<1x16xf32>,
      %parallel_loop3A_892 = vector.shape_cast %parallel_loop3A_891 : vector<1x16xf32> to vector<16xf32>
      %parallel_loop3A_893 = arith.addf %parallel_loop3A_884, %parallel_loop3A_892 : vector<16xf32>
      %parallel_loop3A_894 = arith.constant 0 : i32
      %parallel_loop3A_895 = arith.constant 0 : i32
      %parallel_loop3A_896 = tpu.memref_slice %arg10[%parallel_loop3A_287, %parallel_loop3A_894, %parallel_loop3A_895] : memref<3x128x128xf32, #tpu.memory_space<vmem>> -> memref<1x128x128xf32, #tpu.memory_space<vmem>>
      %parallel_loop3A_897 = tpu.memref_squeeze %parallel_loop3A_896 : memref<1x128x128xf32, #tpu.memory_space<vmem>> -> memref<128x128xf32, #tpu.memory_space<vmem>>
      %parallel_loop3A_898 = arith.index_cast %parallel_loop3A_752 : i32 to index
      %parallel_loop3A_899 = arith.constant 64 : index
      %parallel_loop3A_900 = tpu.vector_load %parallel_loop3A_897[%parallel_loop3A_898, %parallel_loop3A_899] {strides = array<i32>} : memref<128x128xf32, #tpu.memory_space<vmem>>, vector<1x16xf32>,
      %parallel_loop3A_901 = vector.shape_cast %parallel_loop3A_900 : vector<1x16xf32> to vector<16xf32>
      %parallel_loop3A_902 = vector.shape_cast %parallel_loop3A_893 : vector<16xf32> to vector<1x16xf32>
      tpu.vector_store %parallel_loop3A_897[%parallel_loop3A_898, %parallel_loop3A_899], %parallel_loop3A_902 {strides = array<i32>} : memref<128x128xf32, #tpu.memory_space<vmem>>, vector<1x16xf32>,
      %parallel_loop3A_903 = arith.constant 0 : i32
      %parallel_loop3A_904 = arith.constant 0 : i32
      %parallel_loop3A_905 = tpu.memref_slice %arg9[%parallel_loop3A_286, %parallel_loop3A_903, %parallel_loop3A_904] : memref<2x128x128xf32, #tpu.memory_space<vmem>> -> memref<1x128x128xf32, #tpu.memory_space<vmem>>
      %parallel_loop3A_906 = tpu.memref_squeeze %parallel_loop3A_905 : memref<1x128x128xf32, #tpu.memory_space<vmem>> -> memref<128x128xf32, #tpu.memory_space<vmem>>
      %parallel_loop3A_907 = arith.index_cast %parallel_loop3A_752 : i32 to index
      %parallel_loop3A_908 = arith.constant 80 : index
      %parallel_loop3A_909 = tpu.vector_load %parallel_loop3A_906[%parallel_loop3A_907, %parallel_loop3A_908] {strides = array<i32>} : memref<128x128xf32, #tpu.memory_space<vmem>>, vector<1x16xf32>,
      %parallel_loop3A_910 = vector.shape_cast %parallel_loop3A_909 : vector<1x16xf32> to vector<16xf32>
      %parallel_loop3A_911 = arith.mulf %parallel_loop3A_910, %parallel_loop3A_767 : vector<16xf32>
      %parallel_loop3A_912 = arith.constant 0 : i32
      %parallel_loop3A_913 = arith.constant 0 : i32
      %parallel_loop3A_914 = tpu.memref_slice %arg10[%parallel_loop3A_287, %parallel_loop3A_912, %parallel_loop3A_913] : memref<3x128x128xf32, #tpu.memory_space<vmem>> -> memref<1x128x128xf32, #tpu.memory_space<vmem>>
      %parallel_loop3A_915 = tpu.memref_squeeze %parallel_loop3A_914 : memref<1x128x128xf32, #tpu.memory_space<vmem>> -> memref<128x128xf32, #tpu.memory_space<vmem>>
      %parallel_loop3A_916 = arith.index_cast %parallel_loop3A_752 : i32 to index
      %parallel_loop3A_917 = arith.constant 80 : index
      %parallel_loop3A_918 = tpu.vector_load %parallel_loop3A_915[%parallel_loop3A_916, %parallel_loop3A_917] {strides = array<i32>} : memref<128x128xf32, #tpu.memory_space<vmem>>, vector<1x16xf32>,
      %parallel_loop3A_919 = vector.shape_cast %parallel_loop3A_918 : vector<1x16xf32> to vector<16xf32>
      %parallel_loop3A_920 = arith.addf %parallel_loop3A_911, %parallel_loop3A_919 : vector<16xf32>
      %parallel_loop3A_921 = arith.constant 0 : i32
      %parallel_loop3A_922 = arith.constant 0 : i32
      %parallel_loop3A_923 = tpu.memref_slice %arg10[%parallel_loop3A_287, %parallel_loop3A_921, %parallel_loop3A_922] : memref<3x128x128xf32, #tpu.memory_space<vmem>> -> memref<1x128x128xf32, #tpu.memory_space<vmem>>
      %parallel_loop3A_924 = tpu.memref_squeeze %parallel_loop3A_923 : memref<1x128x128xf32, #tpu.memory_space<vmem>> -> memref<128x128xf32, #tpu.memory_space<vmem>>
      %parallel_loop3A_925 = arith.index_cast %parallel_loop3A_752 : i32 to index
      %parallel_loop3A_926 = arith.constant 80 : index
      %parallel_loop3A_927 = tpu.vector_load %parallel_loop3A_924[%parallel_loop3A_925, %parallel_loop3A_926] {strides = array<i32>} : memref<128x128xf32, #tpu.memory_space<vmem>>, vector<1x16xf32>,
      %parallel_loop3A_928 = vector.shape_cast %parallel_loop3A_927 : vector<1x16xf32> to vector<16xf32>
      %parallel_loop3A_929 = vector.shape_cast %parallel_loop3A_920 : vector<16xf32> to vector<1x16xf32>
      tpu.vector_store %parallel_loop3A_924[%parallel_loop3A_925, %parallel_loop3A_926], %parallel_loop3A_929 {strides = array<i32>} : memref<128x128xf32, #tpu.memory_space<vmem>>, vector<1x16xf32>,
      %parallel_loop3A_930 = arith.constant 0 : i32
      %parallel_loop3A_931 = arith.constant 0 : i32
      %parallel_loop3A_932 = tpu.memref_slice %arg9[%parallel_loop3A_286, %parallel_loop3A_930, %parallel_loop3A_931] : memref<2x128x128xf32, #tpu.memory_space<vmem>> -> memref<1x128x128xf32, #tpu.memory_space<vmem>>
      %parallel_loop3A_933 = tpu.memref_squeeze %parallel_loop3A_932 : memref<1x128x128xf32, #tpu.memory_space<vmem>> -> memref<128x128xf32, #tpu.memory_space<vmem>>
      %parallel_loop3A_934 = arith.index_cast %parallel_loop3A_752 : i32 to index
      %parallel_loop3A_935 = arith.constant 96 : index
      %parallel_loop3A_936 = tpu.vector_load %parallel_loop3A_933[%parallel_loop3A_934, %parallel_loop3A_935] {strides = array<i32>} : memref<128x128xf32, #tpu.memory_space<vmem>>, vector<1x16xf32>,
      %parallel_loop3A_937 = vector.shape_cast %parallel_loop3A_936 : vector<1x16xf32> to vector<16xf32>
      %parallel_loop3A_938 = arith.mulf %parallel_loop3A_937, %parallel_loop3A_767 : vector<16xf32>
      %parallel_loop3A_939 = arith.constant 0 : i32
      %parallel_loop3A_940 = arith.constant 0 : i32
      %parallel_loop3A_941 = tpu.memref_slice %arg10[%parallel_loop3A_287, %parallel_loop3A_939, %parallel_loop3A_940] : memref<3x128x128xf32, #tpu.memory_space<vmem>> -> memref<1x128x128xf32, #tpu.memory_space<vmem>>
      %parallel_loop3A_942 = tpu.memref_squeeze %parallel_loop3A_941 : memref<1x128x128xf32, #tpu.memory_space<vmem>> -> memref<128x128xf32, #tpu.memory_space<vmem>>
      %parallel_loop3A_943 = arith.index_cast %parallel_loop3A_752 : i32 to index
      %parallel_loop3A_944 = arith.constant 96 : index
      %parallel_loop3A_945 = tpu.vector_load %parallel_loop3A_942[%parallel_loop3A_943, %parallel_loop3A_944] {strides = array<i32>} : memref<128x128xf32, #tpu.memory_space<vmem>>, vector<1x16xf32>,
      %parallel_loop3A_946 = vector.shape_cast %parallel_loop3A_945 : vector<1x16xf32> to vector<16xf32>
      %parallel_loop3A_947 = arith.addf %parallel_loop3A_938, %parallel_loop3A_946 : vector<16xf32>
      %parallel_loop3A_948 = arith.constant 0 : i32
      %parallel_loop3A_949 = arith.constant 0 : i32
      %parallel_loop3A_950 = tpu.memref_slice %arg10[%parallel_loop3A_287, %parallel_loop3A_948, %parallel_loop3A_949] : memref<3x128x128xf32, #tpu.memory_space<vmem>> -> memref<1x128x128xf32, #tpu.memory_space<vmem>>
      %parallel_loop3A_951 = tpu.memref_squeeze %parallel_loop3A_950 : memref<1x128x128xf32, #tpu.memory_space<vmem>> -> memref<128x128xf32, #tpu.memory_space<vmem>>
      %parallel_loop3A_952 = arith.index_cast %parallel_loop3A_752 : i32 to index
      %parallel_loop3A_953 = arith.constant 96 : index
      %parallel_loop3A_954 = tpu.vector_load %parallel_loop3A_951[%parallel_loop3A_952, %parallel_loop3A_953] {strides = array<i32>} : memref<128x128xf32, #tpu.memory_space<vmem>>, vector<1x16xf32>,
      %parallel_loop3A_955 = vector.shape_cast %parallel_loop3A_954 : vector<1x16xf32> to vector<16xf32>
      %parallel_loop3A_956 = vector.shape_cast %parallel_loop3A_947 : vector<16xf32> to vector<1x16xf32>
      tpu.vector_store %parallel_loop3A_951[%parallel_loop3A_952, %parallel_loop3A_953], %parallel_loop3A_956 {strides = array<i32>} : memref<128x128xf32, #tpu.memory_space<vmem>>, vector<1x16xf32>,
      %parallel_loop3A_957 = arith.constant 0 : i32
      %parallel_loop3A_958 = arith.constant 0 : i32
      %parallel_loop3A_959 = tpu.memref_slice %arg9[%parallel_loop3A_286, %parallel_loop3A_957, %parallel_loop3A_958] : memref<2x128x128xf32, #tpu.memory_space<vmem>> -> memref<1x128x128xf32, #tpu.memory_space<vmem>>
      %parallel_loop3A_960 = tpu.memref_squeeze %parallel_loop3A_959 : memref<1x128x128xf32, #tpu.memory_space<vmem>> -> memref<128x128xf32, #tpu.memory_space<vmem>>
      %parallel_loop3A_961 = arith.index_cast %parallel_loop3A_752 : i32 to index
      %parallel_loop3A_962 = arith.constant 112 : index
      %parallel_loop3A_963 = tpu.vector_load %parallel_loop3A_960[%parallel_loop3A_961, %parallel_loop3A_962] {strides = array<i32>} : memref<128x128xf32, #tpu.memory_space<vmem>>, vector<1x16xf32>,
      %parallel_loop3A_964 = vector.shape_cast %parallel_loop3A_963 : vector<1x16xf32> to vector<16xf32>
      %parallel_loop3A_965 = arith.mulf %parallel_loop3A_964, %parallel_loop3A_767 : vector<16xf32>
      %parallel_loop3A_966 = arith.constant 0 : i32
      %parallel_loop3A_967 = arith.constant 0 : i32
      %parallel_loop3A_968 = tpu.memref_slice %arg10[%parallel_loop3A_287, %parallel_loop3A_966, %parallel_loop3A_967] : memref<3x128x128xf32, #tpu.memory_space<vmem>> -> memref<1x128x128xf32, #tpu.memory_space<vmem>>
      %parallel_loop3A_969 = tpu.memref_squeeze %parallel_loop3A_968 : memref<1x128x128xf32, #tpu.memory_space<vmem>> -> memref<128x128xf32, #tpu.memory_space<vmem>>
      %parallel_loop3A_970 = arith.index_cast %parallel_loop3A_752 : i32 to index
      %parallel_loop3A_971 = arith.constant 112 : index
      %parallel_loop3A_972 = tpu.vector_load %parallel_loop3A_969[%parallel_loop3A_970, %parallel_loop3A_971] {strides = array<i32>} : memref<128x128xf32, #tpu.memory_space<vmem>>, vector<1x16xf32>,
      %parallel_loop3A_973 = vector.shape_cast %parallel_loop3A_972 : vector<1x16xf32> to vector<16xf32>
      %parallel_loop3A_974 = arith.addf %parallel_loop3A_965, %parallel_loop3A_973 : vector<16xf32>
      %parallel_loop3A_975 = arith.constant 0 : i32
      %parallel_loop3A_976 = arith.constant 0 : i32
      %parallel_loop3A_977 = tpu.memref_slice %arg10[%parallel_loop3A_287, %parallel_loop3A_975, %parallel_loop3A_976] : memref<3x128x128xf32, #tpu.memory_space<vmem>> -> memref<1x128x128xf32, #tpu.memory_space<vmem>>
      %parallel_loop3A_978 = tpu.memref_squeeze %parallel_loop3A_977 : memref<1x128x128xf32, #tpu.memory_space<vmem>> -> memref<128x128xf32, #tpu.memory_space<vmem>>
      %parallel_loop3A_979 = arith.index_cast %parallel_loop3A_752 : i32 to index
      %parallel_loop3A_980 = arith.constant 112 : index
      %parallel_loop3A_981 = tpu.vector_load %parallel_loop3A_978[%parallel_loop3A_979, %parallel_loop3A_980] {strides = array<i32>} : memref<128x128xf32, #tpu.memory_space<vmem>>, vector<1x16xf32>,
      %parallel_loop3A_982 = vector.shape_cast %parallel_loop3A_981 : vector<1x16xf32> to vector<16xf32>
      %parallel_loop3A_983 = vector.shape_cast %parallel_loop3A_974 : vector<16xf32> to vector<1x16xf32>
      tpu.vector_store %parallel_loop3A_978[%parallel_loop3A_979, %parallel_loop3A_980], %parallel_loop3A_983 {strides = array<i32>} : memref<128x128xf32, #tpu.memory_space<vmem>>, vector<1x16xf32>,
    } {sc.loop_unroll_factor = 2 : i64, sc.parallel_access}
    %add3A_288 = arith.constant 0 : i32
    %add3A_289 = arith.addi %mul3A_2, %add3A_288 : i32
    %add3A_290 = arith.constant 64 : i32
    %add3A_291 = arith.addi %add3A_289, %add3A_290 : i32
    %dma_start3A_292 = arith.constant 0 : i32
    %dma_start3A_293 = arith.constant 4 : i32
    %dma_start3A_294 = arith.constant 64 : i32
    %dma_start3A_295 = arith.constant 0 : i32
    %dma_start3A_296 = tpu.memref_slice %arg10[%dma_start3A_292, %dma_start3A_294, %dma_start3A_295] : memref<3x128x128xf32, #tpu.memory_space<vmem>> -> memref<1x64x128xf32, #tpu.memory_space<vmem>>
    %dma_start3A_297 = tpu.memref_squeeze %dma_start3A_296 : memref<1x64x128xf32, #tpu.memory_space<vmem>> -> memref<64x128xf32, #tpu.memory_space<vmem>>
    %dma_start3A_298 = arith.constant 0 : i32
    %dma_start3A_299 = tpu.memref_slice %arg6[%add3A_291, %dma_start3A_298] : memref<16384x128xf32, #tpu.memory_space<hbm>> -> memref<64x128xf32, #tpu.memory_space<hbm>>
    %dma_start3A_300 = tpu.memref_slice %arg15[%dma_start3A_293] : memref<5x!tpu.dma_semaphore, #tpu.memory_space<semaphore_mem>> -> memref<1x!tpu.dma_semaphore, #tpu.memory_space<semaphore_mem>>
    %dma_start3A_301 = tpu.memref_squeeze %dma_start3A_300 : memref<1x!tpu.dma_semaphore, #tpu.memory_space<semaphore_mem>> -> memref<!tpu.dma_semaphore, #tpu.memory_space<semaphore_mem>>
    %dma_start3A_302 = arith.constant 0 : i32
    %dma_start3A_303 = tpu.memref_slice %arg6[%add3A_291, %dma_start3A_302] : memref<16384x128xf32, #tpu.memory_space<hbm>> -> memref<64x128xf32, #tpu.memory_space<hbm>>
    %dma_start3A_304 = arith.constant 64 : i32
    %dma_start3A_305 = arith.constant 0 : i32
    %dma_start3A_306 = tpu.memref_slice %arg10[%dma_start3A_292, %dma_start3A_304, %dma_start3A_305] : memref<3x128x128xf32, #tpu.memory_space<vmem>> -> memref<1x64x128xf32, #tpu.memory_space<vmem>>
    %dma_start3A_307 = tpu.memref_squeeze %dma_start3A_306 : memref<1x64x128xf32, #tpu.memory_space<vmem>> -> memref<64x128xf32, #tpu.memory_space<vmem>>
    tpu.enqueue_dma source(%dma_start3A_307 : memref<64x128xf32, #tpu.memory_space<vmem>>) target(%dma_start3A_303 : memref<64x128xf32, #tpu.memory_space<hbm>>) target_semaphore(%dma_start3A_301 : memref<!tpu.dma_semaphore, #tpu.memory_space<semaphore_mem>>)
    %add3A_308 = arith.constant 256 : i32
    %add3A_309 = arith.addi %mul3A_2, %add3A_308 : i32
    %add3A_310 = arith.constant 0 : i32
    %add3A_311 = arith.addi %add3A_309, %add3A_310 : i32
    %dma_start3A_312 = arith.constant 2 : i32
    %dma_start3A_313 = arith.constant 2 : i32
    %dma_start3A_314 = arith.constant 2 : i32
    %dma_start3A_315 = arith.constant 0 : i32
    %dma_start3A_316 = arith.constant 0 : i32
    %dma_start3A_317 = tpu.memref_slice %arg10[%dma_start3A_313, %dma_start3A_315, %dma_start3A_316] : memref<3x128x128xf32, #tpu.memory_space<vmem>> -> memref<1x128x128xf32, #tpu.memory_space<vmem>>
    %dma_start3A_318 = tpu.memref_squeeze %dma_start3A_317 : memref<1x128x128xf32, #tpu.memory_space<vmem>> -> memref<128x128xf32, #tpu.memory_space<vmem>>
    %dma_start3A_319 = arith.constant 0 : i32
    %dma_start3A_320 = tpu.memref_slice %arg7[%dma_start3A_312, %dma_start3A_319] : memref<4x128xi32, #tpu.memory_space<vmem>> -> memref<1x128xi32, #tpu.memory_space<vmem>>
    %dma_start3A_321 = tpu.memref_squeeze %dma_start3A_320 : memref<1x128xi32, #tpu.memory_space<vmem>> -> memref<128xi32, #tpu.memory_space<vmem>>
    %dma_start3A_322 = arith.constant 0 : i32
    %dma_start3A_323 = arith.constant 0 : i32
    %dma_start3A_324 = tpu.memref_slice %arg5[%dma_start3A_322, %dma_start3A_323] : memref<100000x128xf32, #tpu.memory_space<hbm>> -> memref<100000x128xf32, #tpu.memory_space<hbm>>
    %dma_start3A_325 = tpu.memref_slice %arg12[%dma_start3A_314] : memref<5x!tpu.dma_semaphore, #tpu.memory_space<semaphore_mem>> -> memref<1x!tpu.dma_semaphore, #tpu.memory_space<semaphore_mem>>
    %dma_start3A_326 = tpu.memref_squeeze %dma_start3A_325 : memref<1x!tpu.dma_semaphore, #tpu.memory_space<semaphore_mem>> -> memref<!tpu.dma_semaphore, #tpu.memory_space<semaphore_mem>>
    tpu.enqueue_indirect_dma source(%dma_start3A_324 : memref<100000x128xf32, #tpu.memory_space<hbm>>) target(%dma_start3A_318 : memref<128x128xf32, #tpu.memory_space<vmem>>) offsets(%dma_start3A_321 : memref<128xi32, #tpu.memory_space<vmem>>) semaphore(%dma_start3A_326 : memref<!tpu.dma_semaphore, #tpu.memory_space<semaphore_mem>>)
    %dma_start3A_327 = arith.constant 2 : i32
    %dma_start3A_328 = arith.constant 0 : i32
    %dma_start3A_329 = arith.constant 2 : i32
    %dma_start3A_330 = arith.constant 0 : i32
    %dma_start3A_331 = tpu.memref_slice %arg8[%dma_start3A_328, %dma_start3A_330] : memref<2x128xf32, #tpu.memory_space<vmem>> -> memref<1x128xf32, #tpu.memory_space<vmem>>
    %dma_start3A_332 = tpu.memref_squeeze %dma_start3A_331 : memref<1x128xf32, #tpu.memory_space<vmem>> -> memref<128xf32, #tpu.memory_space<vmem>>
    %dma_start3A_333 = arith.constant 0 : i32
    %dma_start3A_334 = tpu.memref_slice %arg7[%dma_start3A_327, %dma_start3A_333] : memref<4x128xi32, #tpu.memory_space<vmem>> -> memref<1x128xi32, #tpu.memory_space<vmem>>
    %dma_start3A_335 = tpu.memref_squeeze %dma_start3A_334 : memref<1x128xi32, #tpu.memory_space<vmem>> -> memref<128xi32, #tpu.memory_space<vmem>>
    %dma_start3A_336 = arith.constant 0 : i32
    %dma_start3A_337 = tpu.memref_slice %arg4[%dma_start3A_336] : memref<100000xf32, #tpu.memory_space<hbm>> -> memref<100000xf32, #tpu.memory_space<hbm>>
    %dma_start3A_338 = tpu.memref_slice %arg13[%dma_start3A_329] : memref<5x!tpu.dma_semaphore, #tpu.memory_space<semaphore_mem>> -> memref<1x!tpu.dma_semaphore, #tpu.memory_space<semaphore_mem>>
    %dma_start3A_339 = tpu.memref_squeeze %dma_start3A_338 : memref<1x!tpu.dma_semaphore, #tpu.memory_space<semaphore_mem>> -> memref<!tpu.dma_semaphore, #tpu.memory_space<semaphore_mem>>
    tpu.enqueue_indirect_dma source(%dma_start3A_337 : memref<100000xf32, #tpu.memory_space<hbm>>) target(%dma_start3A_332 : memref<128xf32, #tpu.memory_space<vmem>>) offsets(%dma_start3A_335 : memref<128xi32, #tpu.memory_space<vmem>>) semaphore(%dma_start3A_339 : memref<!tpu.dma_semaphore, #tpu.memory_space<semaphore_mem>>)
    %dma_start3A_340 = arith.constant 0 : i32
    %dma_start3A_341 = arith.constant 2 : i32
    %dma_start3A_342 = arith.constant 0 : i32
    %dma_start3A_343 = arith.constant 0 : i32
    %dma_start3A_344 = tpu.memref_slice %arg9[%dma_start3A_340, %dma_start3A_342, %dma_start3A_343] : memref<2x128x128xf32, #tpu.memory_space<vmem>> -> memref<1x128x128xf32, #tpu.memory_space<vmem>>
    %dma_start3A_345 = tpu.memref_squeeze %dma_start3A_344 : memref<1x128x128xf32, #tpu.memory_space<vmem>> -> memref<128x128xf32, #tpu.memory_space<vmem>>
    %dma_start3A_346 = arith.constant 0 : i32
    %dma_start3A_347 = tpu.memref_slice %arg2[%add3A_311, %dma_start3A_346] : memref<16384x128xf32, #tpu.memory_space<hbm>> -> memref<128x128xf32, #tpu.memory_space<hbm>>
    %dma_start3A_348 = tpu.memref_slice %arg14[%dma_start3A_341] : memref<5x!tpu.dma_semaphore, #tpu.memory_space<semaphore_mem>> -> memref<1x!tpu.dma_semaphore, #tpu.memory_space<semaphore_mem>>
    %dma_start3A_349 = tpu.memref_squeeze %dma_start3A_348 : memref<1x!tpu.dma_semaphore, #tpu.memory_space<semaphore_mem>> -> memref<!tpu.dma_semaphore, #tpu.memory_space<semaphore_mem>>
    %dma_start3A_350 = arith.constant 0 : i32
    %dma_start3A_351 = arith.constant 0 : i32
    %dma_start3A_352 = tpu.memref_slice %arg9[%dma_start3A_340, %dma_start3A_350, %dma_start3A_351] : memref<2x128x128xf32, #tpu.memory_space<vmem>> -> memref<1x128x128xf32, #tpu.memory_space<vmem>>
    %dma_start3A_353 = tpu.memref_squeeze %dma_start3A_352 : memref<1x128x128xf32, #tpu.memory_space<vmem>> -> memref<128x128xf32, #tpu.memory_space<vmem>>
    %dma_start3A_354 = arith.constant 0 : i32
    %dma_start3A_355 = tpu.memref_slice %arg2[%add3A_311, %dma_start3A_354] : memref<16384x128xf32, #tpu.memory_space<hbm>> -> memref<128x128xf32, #tpu.memory_space<hbm>>
    tpu.enqueue_dma source(%dma_start3A_355 : memref<128x128xf32, #tpu.memory_space<hbm>>) target(%dma_start3A_353 : memref<128x128xf32, #tpu.memory_space<vmem>>) target_semaphore(%dma_start3A_349 : memref<!tpu.dma_semaphore, #tpu.memory_space<semaphore_mem>>)
    %dma_wait3A_356 = arith.constant 1 : i32
    %dma_wait3A_357 = arith.constant 1 : i32
    %dma_wait3A_358 = arith.constant 1 : i32
    %dma_wait3A_359 = arith.constant 0 : i32
    %dma_wait3A_360 = arith.constant 0 : i32
    %dma_wait3A_361 = tpu.memref_slice %arg10[%dma_wait3A_357, %dma_wait3A_359, %dma_wait3A_360] : memref<3x128x128xf32, #tpu.memory_space<vmem>> -> memref<1x128x128xf32, #tpu.memory_space<vmem>>
    %dma_wait3A_362 = tpu.memref_squeeze %dma_wait3A_361 : memref<1x128x128xf32, #tpu.memory_space<vmem>> -> memref<128x128xf32, #tpu.memory_space<vmem>>
    %dma_wait3A_363 = arith.constant 0 : i32
    %dma_wait3A_364 = tpu.memref_slice %arg7[%dma_wait3A_356, %dma_wait3A_363] : memref<4x128xi32, #tpu.memory_space<vmem>> -> memref<1x128xi32, #tpu.memory_space<vmem>>
    %dma_wait3A_365 = tpu.memref_squeeze %dma_wait3A_364 : memref<1x128xi32, #tpu.memory_space<vmem>> -> memref<128xi32, #tpu.memory_space<vmem>>
    %dma_wait3A_366 = arith.constant 0 : i32
    %dma_wait3A_367 = arith.constant 0 : i32
    %dma_wait3A_368 = tpu.memref_slice %arg5[%dma_wait3A_366, %dma_wait3A_367] : memref<100000x128xf32, #tpu.memory_space<hbm>> -> memref<100000x128xf32, #tpu.memory_space<hbm>>
    %dma_wait3A_369 = tpu.memref_slice %arg12[%dma_wait3A_358] : memref<5x!tpu.dma_semaphore, #tpu.memory_space<semaphore_mem>> -> memref<1x!tpu.dma_semaphore, #tpu.memory_space<semaphore_mem>>
    %dma_wait3A_370 = tpu.memref_squeeze %dma_wait3A_369 : memref<1x!tpu.dma_semaphore, #tpu.memory_space<semaphore_mem>> -> memref<!tpu.dma_semaphore, #tpu.memory_space<semaphore_mem>>
    tpu.wait_indirect_dma semaphore(%dma_wait3A_370 : memref<!tpu.dma_semaphore, #tpu.memory_space<semaphore_mem>>) src(%dma_wait3A_368 : memref<100000x128xf32, #tpu.memory_space<hbm>>) dst(%dma_wait3A_362 : memref<128x128xf32, #tpu.memory_space<vmem>>)
    %dma_wait3A_371 = arith.constant 1 : i32
    %dma_wait3A_372 = arith.constant 1 : i32
    %dma_wait3A_373 = arith.constant 1 : i32
    %dma_wait3A_374 = arith.constant 0 : i32
    %dma_wait3A_375 = tpu.memref_slice %arg8[%dma_wait3A_372, %dma_wait3A_374] : memref<2x128xf32, #tpu.memory_space<vmem>> -> memref<1x128xf32, #tpu.memory_space<vmem>>
    %dma_wait3A_376 = tpu.memref_squeeze %dma_wait3A_375 : memref<1x128xf32, #tpu.memory_space<vmem>> -> memref<128xf32, #tpu.memory_space<vmem>>
    %dma_wait3A_377 = arith.constant 0 : i32
    %dma_wait3A_378 = tpu.memref_slice %arg7[%dma_wait3A_371, %dma_wait3A_377] : memref<4x128xi32, #tpu.memory_space<vmem>> -> memref<1x128xi32, #tpu.memory_space<vmem>>
    %dma_wait3A_379 = tpu.memref_squeeze %dma_wait3A_378 : memref<1x128xi32, #tpu.memory_space<vmem>> -> memref<128xi32, #tpu.memory_space<vmem>>
    %dma_wait3A_380 = arith.constant 0 : i32
    %dma_wait3A_381 = tpu.memref_slice %arg4[%dma_wait3A_380] : memref<100000xf32, #tpu.memory_space<hbm>> -> memref<100000xf32, #tpu.memory_space<hbm>>
    %dma_wait3A_382 = tpu.memref_slice %arg13[%dma_wait3A_373] : memref<5x!tpu.dma_semaphore, #tpu.memory_space<semaphore_mem>> -> memref<1x!tpu.dma_semaphore, #tpu.memory_space<semaphore_mem>>
    %dma_wait3A_383 = tpu.memref_squeeze %dma_wait3A_382 : memref<1x!tpu.dma_semaphore, #tpu.memory_space<semaphore_mem>> -> memref<!tpu.dma_semaphore, #tpu.memory_space<semaphore_mem>>
    tpu.wait_indirect_dma semaphore(%dma_wait3A_383 : memref<!tpu.dma_semaphore, #tpu.memory_space<semaphore_mem>>) src(%dma_wait3A_381 : memref<100000xf32, #tpu.memory_space<hbm>>) dst(%dma_wait3A_376 : memref<128xf32, #tpu.memory_space<vmem>>)
    %dma_wait3A_384 = arith.constant 1 : i32
    %dma_wait3A_385 = arith.constant 1 : i32
    %dma_wait3A_386 = arith.constant 0 : i32
    %dma_wait3A_387 = arith.constant 0 : i32
    %dma_wait3A_388 = tpu.memref_slice %arg9[%dma_wait3A_384, %dma_wait3A_386, %dma_wait3A_387] : memref<2x128x128xf32, #tpu.memory_space<vmem>> -> memref<1x128x128xf32, #tpu.memory_space<vmem>>
    %dma_wait3A_389 = tpu.memref_squeeze %dma_wait3A_388 : memref<1x128x128xf32, #tpu.memory_space<vmem>> -> memref<128x128xf32, #tpu.memory_space<vmem>>
    %dma_wait3A_390 = arith.constant 0 : i32
    %dma_wait3A_391 = tpu.memref_slice %arg2[%add3A_116, %dma_wait3A_390] : memref<16384x128xf32, #tpu.memory_space<hbm>> -> memref<128x128xf32, #tpu.memory_space<hbm>>
    %dma_wait3A_392 = tpu.memref_slice %arg14[%dma_wait3A_385] : memref<5x!tpu.dma_semaphore, #tpu.memory_space<semaphore_mem>> -> memref<1x!tpu.dma_semaphore, #tpu.memory_space<semaphore_mem>>
    %dma_wait3A_393 = tpu.memref_squeeze %dma_wait3A_392 : memref<1x!tpu.dma_semaphore, #tpu.memory_space<semaphore_mem>> -> memref<!tpu.dma_semaphore, #tpu.memory_space<semaphore_mem>>
    %dma_wait3A_394 = arith.constant 0 : i32
    %dma_wait3A_395 = arith.constant 0 : i32
    %dma_wait3A_396 = tpu.memref_slice %arg9[%dma_wait3A_384, %dma_wait3A_394, %dma_wait3A_395] : memref<2x128x128xf32, #tpu.memory_space<vmem>> -> memref<1x128x128xf32, #tpu.memory_space<vmem>>
    %dma_wait3A_397 = tpu.memref_squeeze %dma_wait3A_396 : memref<1x128x128xf32, #tpu.memory_space<vmem>> -> memref<128x128xf32, #tpu.memory_space<vmem>>
    %dma_wait3A_398 = arith.constant 0 : i32
    %dma_wait3A_399 = tpu.memref_slice %arg2[%add3A_116, %dma_wait3A_398] : memref<16384x128xf32, #tpu.memory_space<hbm>> -> memref<128x128xf32, #tpu.memory_space<hbm>>
    tpu.wait_dma2 semaphore(%dma_wait3A_393 : memref<!tpu.dma_semaphore, #tpu.memory_space<semaphore_mem>>) src(%dma_wait3A_399 : memref<128x128xf32, #tpu.memory_space<hbm>>) dst(%dma_wait3A_397 : memref<128x128xf32, #tpu.memory_space<vmem>>)
    %parallel_loop3A_400 = arith.constant 0 : i32
    %parallel_loop3A_401 = arith.constant 8 : i32
    %parallel_loop3A_402 = arith.constant 1 : i32
    %parallel_loop3A_403 = arith.constant 1 : i32
    scf.for %parallel_loop3A_752 = %parallel_loop3A_400 to %parallel_loop3A_401 step %parallel_loop3A_402  : i32 {
      %parallel_loop3A_753 = arith.constant 16 : i32
      %parallel_loop3A_754 = arith.muli %parallel_loop3A_752, %parallel_loop3A_753 : i32
      %parallel_loop3A_755 = arith.constant 0 : i32
      %parallel_loop3A_756 = tpu.memref_slice %arg8[%parallel_loop3A_403, %parallel_loop3A_755] : memref<2x128xf32, #tpu.memory_space<vmem>> -> memref<1x128xf32, #tpu.memory_space<vmem>>
      %parallel_loop3A_757 = tpu.memref_squeeze %parallel_loop3A_756 : memref<1x128xf32, #tpu.memory_space<vmem>> -> memref<128xf32, #tpu.memory_space<vmem>>
      %parallel_loop3A_758 = arith.index_cast %parallel_loop3A_754 : i32 to index
      %parallel_loop3A_759 = tpu.vector_load %parallel_loop3A_757[%parallel_loop3A_758] {strides = array<i32>} : memref<128xf32, #tpu.memory_space<vmem>>, vector<16xf32>,
      %parallel_loop3A_760 = vector.shape_cast %parallel_loop3A_759 : vector<16xf32> to vector<16xf32>
      %parallel_loop3A_761 = math.exp %parallel_loop3A_760 : vector<16xf32>
      %parallel_loop3A_762 = arith.constant 16 : i32
      %parallel_loop3A_763 = arith.muli %parallel_loop3A_752, %parallel_loop3A_762 : i32
      %parallel_loop3A_764 = arith.constant 0 : i32
      %parallel_loop3A_765 = tpu.memref_slice %arg8[%parallel_loop3A_403, %parallel_loop3A_764] : memref<2x128xf32, #tpu.memory_space<vmem>> -> memref<1x128xf32, #tpu.memory_space<vmem>>
      %parallel_loop3A_766 = tpu.memref_squeeze %parallel_loop3A_765 : memref<1x128xf32, #tpu.memory_space<vmem>> -> memref<128xf32, #tpu.memory_space<vmem>>
      %parallel_loop3A_767 = arith.index_cast %parallel_loop3A_763 : i32 to index
      %parallel_loop3A_768 = tpu.vector_load %parallel_loop3A_766[%parallel_loop3A_767] {strides = array<i32>} : memref<128xf32, #tpu.memory_space<vmem>>, vector<16xf32>,
      %parallel_loop3A_769 = vector.shape_cast %parallel_loop3A_768 : vector<16xf32> to vector<16xf32>
      %parallel_loop3A_770 = vector.shape_cast %parallel_loop3A_761 : vector<16xf32> to vector<16xf32>
      tpu.vector_store %parallel_loop3A_766[%parallel_loop3A_767], %parallel_loop3A_770 {strides = array<i32>} : memref<128xf32, #tpu.memory_space<vmem>>, vector<16xf32>,
    } {sc.loop_unroll_factor = 1 : i64, sc.parallel_access}
    %parallel_loop3A_404 = arith.constant 0 : i32
    %parallel_loop3A_405 = arith.constant 128 : i32
    %parallel_loop3A_406 = arith.constant 1 : i32
    %parallel_loop3A_407 = arith.constant 1 : i32
    %parallel_loop3A_408 = arith.constant 1 : i32
    %parallel_loop3A_409 = arith.constant 1 : i32
    scf.for %parallel_loop3A_752 = %parallel_loop3A_404 to %parallel_loop3A_405 step %parallel_loop3A_406  : i32 {
      %parallel_loop3A_753 = arith.constant 4 : i32
      %parallel_loop3A_754 = arith.shrsi %parallel_loop3A_752, %parallel_loop3A_753 : i32
      %parallel_loop3A_755 = arith.constant 4 : i32
      %parallel_loop3A_756 = arith.shli %parallel_loop3A_754, %parallel_loop3A_755 : i32
      %parallel_loop3A_757 = arith.constant 15 : i32
      %parallel_loop3A_758 = arith.andi %parallel_loop3A_752, %parallel_loop3A_757 : i32
      %parallel_loop3A_759 = arith.constant 0 : i32
      %parallel_loop3A_760 = tpu.memref_slice %arg8[%parallel_loop3A_407, %parallel_loop3A_759] : memref<2x128xf32, #tpu.memory_space<vmem>> -> memref<1x128xf32, #tpu.memory_space<vmem>>
      %parallel_loop3A_761 = tpu.memref_squeeze %parallel_loop3A_760 : memref<1x128xf32, #tpu.memory_space<vmem>> -> memref<128xf32, #tpu.memory_space<vmem>>
      %parallel_loop3A_762 = arith.index_cast %parallel_loop3A_756 : i32 to index
      %parallel_loop3A_763 = tpu.vector_load %parallel_loop3A_761[%parallel_loop3A_762] {strides = array<i32>} : memref<128xf32, #tpu.memory_space<vmem>>, vector<16xf32>,
      %parallel_loop3A_764 = vector.shape_cast %parallel_loop3A_763 : vector<16xf32> to vector<16xf32>
      %parallel_loop3A_765 = vector.broadcast %parallel_loop3A_758 : i32 to vector<16x1xi32>
      %parallel_loop3A_766 = vector.shape_cast %parallel_loop3A_765 : vector<16x1xi32> to vector<16xi32>
      %parallel_loop3A_767 = tpu.dynamic_gather %parallel_loop3A_764[%parallel_loop3A_766] in [0] : vector<16xf32>, vector<16xi32> -> vector<16xf32>
      %parallel_loop3A_768 = arith.constant 0 : i32
      %parallel_loop3A_769 = arith.constant 0 : i32
      %parallel_loop3A_770 = tpu.memref_slice %arg9[%parallel_loop3A_408, %parallel_loop3A_768, %parallel_loop3A_769] : memref<2x128x128xf32, #tpu.memory_space<vmem>> -> memref<1x128x128xf32, #tpu.memory_space<vmem>>
      %parallel_loop3A_771 = tpu.memref_squeeze %parallel_loop3A_770 : memref<1x128x128xf32, #tpu.memory_space<vmem>> -> memref<128x128xf32, #tpu.memory_space<vmem>>
      %parallel_loop3A_772 = arith.index_cast %parallel_loop3A_752 : i32 to index
      %parallel_loop3A_773 = arith.constant 0 : index
      %parallel_loop3A_774 = tpu.vector_load %parallel_loop3A_771[%parallel_loop3A_772, %parallel_loop3A_773] {strides = array<i32>} : memref<128x128xf32, #tpu.memory_space<vmem>>, vector<1x16xf32>,
      %parallel_loop3A_775 = vector.shape_cast %parallel_loop3A_774 : vector<1x16xf32> to vector<16xf32>
      %parallel_loop3A_776 = arith.mulf %parallel_loop3A_775, %parallel_loop3A_767 : vector<16xf32>
      %parallel_loop3A_777 = arith.constant 0 : i32
      %parallel_loop3A_778 = arith.constant 0 : i32
      %parallel_loop3A_779 = tpu.memref_slice %arg10[%parallel_loop3A_409, %parallel_loop3A_777, %parallel_loop3A_778] : memref<3x128x128xf32, #tpu.memory_space<vmem>> -> memref<1x128x128xf32, #tpu.memory_space<vmem>>
      %parallel_loop3A_780 = tpu.memref_squeeze %parallel_loop3A_779 : memref<1x128x128xf32, #tpu.memory_space<vmem>> -> memref<128x128xf32, #tpu.memory_space<vmem>>
      %parallel_loop3A_781 = arith.index_cast %parallel_loop3A_752 : i32 to index
      %parallel_loop3A_782 = arith.constant 0 : index
      %parallel_loop3A_783 = tpu.vector_load %parallel_loop3A_780[%parallel_loop3A_781, %parallel_loop3A_782] {strides = array<i32>} : memref<128x128xf32, #tpu.memory_space<vmem>>, vector<1x16xf32>,
      %parallel_loop3A_784 = vector.shape_cast %parallel_loop3A_783 : vector<1x16xf32> to vector<16xf32>
      %parallel_loop3A_785 = arith.addf %parallel_loop3A_776, %parallel_loop3A_784 : vector<16xf32>
      %parallel_loop3A_786 = arith.constant 0 : i32
      %parallel_loop3A_787 = arith.constant 0 : i32
      %parallel_loop3A_788 = tpu.memref_slice %arg10[%parallel_loop3A_409, %parallel_loop3A_786, %parallel_loop3A_787] : memref<3x128x128xf32, #tpu.memory_space<vmem>> -> memref<1x128x128xf32, #tpu.memory_space<vmem>>
      %parallel_loop3A_789 = tpu.memref_squeeze %parallel_loop3A_788 : memref<1x128x128xf32, #tpu.memory_space<vmem>> -> memref<128x128xf32, #tpu.memory_space<vmem>>
      %parallel_loop3A_790 = arith.index_cast %parallel_loop3A_752 : i32 to index
      %parallel_loop3A_791 = arith.constant 0 : index
      %parallel_loop3A_792 = tpu.vector_load %parallel_loop3A_789[%parallel_loop3A_790, %parallel_loop3A_791] {strides = array<i32>} : memref<128x128xf32, #tpu.memory_space<vmem>>, vector<1x16xf32>,
      %parallel_loop3A_793 = vector.shape_cast %parallel_loop3A_792 : vector<1x16xf32> to vector<16xf32>
      %parallel_loop3A_794 = vector.shape_cast %parallel_loop3A_785 : vector<16xf32> to vector<1x16xf32>
      tpu.vector_store %parallel_loop3A_789[%parallel_loop3A_790, %parallel_loop3A_791], %parallel_loop3A_794 {strides = array<i32>} : memref<128x128xf32, #tpu.memory_space<vmem>>, vector<1x16xf32>,
      %parallel_loop3A_795 = arith.constant 0 : i32
      %parallel_loop3A_796 = arith.constant 0 : i32
      %parallel_loop3A_797 = tpu.memref_slice %arg9[%parallel_loop3A_408, %parallel_loop3A_795, %parallel_loop3A_796] : memref<2x128x128xf32, #tpu.memory_space<vmem>> -> memref<1x128x128xf32, #tpu.memory_space<vmem>>
      %parallel_loop3A_798 = tpu.memref_squeeze %parallel_loop3A_797 : memref<1x128x128xf32, #tpu.memory_space<vmem>> -> memref<128x128xf32, #tpu.memory_space<vmem>>
      %parallel_loop3A_799 = arith.index_cast %parallel_loop3A_752 : i32 to index
      %parallel_loop3A_800 = arith.constant 16 : index
      %parallel_loop3A_801 = tpu.vector_load %parallel_loop3A_798[%parallel_loop3A_799, %parallel_loop3A_800] {strides = array<i32>} : memref<128x128xf32, #tpu.memory_space<vmem>>, vector<1x16xf32>,
      %parallel_loop3A_802 = vector.shape_cast %parallel_loop3A_801 : vector<1x16xf32> to vector<16xf32>
      %parallel_loop3A_803 = arith.mulf %parallel_loop3A_802, %parallel_loop3A_767 : vector<16xf32>
      %parallel_loop3A_804 = arith.constant 0 : i32
      %parallel_loop3A_805 = arith.constant 0 : i32
      %parallel_loop3A_806 = tpu.memref_slice %arg10[%parallel_loop3A_409, %parallel_loop3A_804, %parallel_loop3A_805] : memref<3x128x128xf32, #tpu.memory_space<vmem>> -> memref<1x128x128xf32, #tpu.memory_space<vmem>>
      %parallel_loop3A_807 = tpu.memref_squeeze %parallel_loop3A_806 : memref<1x128x128xf32, #tpu.memory_space<vmem>> -> memref<128x128xf32, #tpu.memory_space<vmem>>
      %parallel_loop3A_808 = arith.index_cast %parallel_loop3A_752 : i32 to index
      %parallel_loop3A_809 = arith.constant 16 : index
      %parallel_loop3A_810 = tpu.vector_load %parallel_loop3A_807[%parallel_loop3A_808, %parallel_loop3A_809] {strides = array<i32>} : memref<128x128xf32, #tpu.memory_space<vmem>>, vector<1x16xf32>,
      %parallel_loop3A_811 = vector.shape_cast %parallel_loop3A_810 : vector<1x16xf32> to vector<16xf32>
      %parallel_loop3A_812 = arith.addf %parallel_loop3A_803, %parallel_loop3A_811 : vector<16xf32>
      %parallel_loop3A_813 = arith.constant 0 : i32
      %parallel_loop3A_814 = arith.constant 0 : i32
      %parallel_loop3A_815 = tpu.memref_slice %arg10[%parallel_loop3A_409, %parallel_loop3A_813, %parallel_loop3A_814] : memref<3x128x128xf32, #tpu.memory_space<vmem>> -> memref<1x128x128xf32, #tpu.memory_space<vmem>>
      %parallel_loop3A_816 = tpu.memref_squeeze %parallel_loop3A_815 : memref<1x128x128xf32, #tpu.memory_space<vmem>> -> memref<128x128xf32, #tpu.memory_space<vmem>>
      %parallel_loop3A_817 = arith.index_cast %parallel_loop3A_752 : i32 to index
      %parallel_loop3A_818 = arith.constant 16 : index
      %parallel_loop3A_819 = tpu.vector_load %parallel_loop3A_816[%parallel_loop3A_817, %parallel_loop3A_818] {strides = array<i32>} : memref<128x128xf32, #tpu.memory_space<vmem>>, vector<1x16xf32>,
      %parallel_loop3A_820 = vector.shape_cast %parallel_loop3A_819 : vector<1x16xf32> to vector<16xf32>
      %parallel_loop3A_821 = vector.shape_cast %parallel_loop3A_812 : vector<16xf32> to vector<1x16xf32>
      tpu.vector_store %parallel_loop3A_816[%parallel_loop3A_817, %parallel_loop3A_818], %parallel_loop3A_821 {strides = array<i32>} : memref<128x128xf32, #tpu.memory_space<vmem>>, vector<1x16xf32>,
      %parallel_loop3A_822 = arith.constant 0 : i32
      %parallel_loop3A_823 = arith.constant 0 : i32
      %parallel_loop3A_824 = tpu.memref_slice %arg9[%parallel_loop3A_408, %parallel_loop3A_822, %parallel_loop3A_823] : memref<2x128x128xf32, #tpu.memory_space<vmem>> -> memref<1x128x128xf32, #tpu.memory_space<vmem>>
      %parallel_loop3A_825 = tpu.memref_squeeze %parallel_loop3A_824 : memref<1x128x128xf32, #tpu.memory_space<vmem>> -> memref<128x128xf32, #tpu.memory_space<vmem>>
      %parallel_loop3A_826 = arith.index_cast %parallel_loop3A_752 : i32 to index
      %parallel_loop3A_827 = arith.constant 32 : index
      %parallel_loop3A_828 = tpu.vector_load %parallel_loop3A_825[%parallel_loop3A_826, %parallel_loop3A_827] {strides = array<i32>} : memref<128x128xf32, #tpu.memory_space<vmem>>, vector<1x16xf32>,
      %parallel_loop3A_829 = vector.shape_cast %parallel_loop3A_828 : vector<1x16xf32> to vector<16xf32>
      %parallel_loop3A_830 = arith.mulf %parallel_loop3A_829, %parallel_loop3A_767 : vector<16xf32>
      %parallel_loop3A_831 = arith.constant 0 : i32
      %parallel_loop3A_832 = arith.constant 0 : i32
      %parallel_loop3A_833 = tpu.memref_slice %arg10[%parallel_loop3A_409, %parallel_loop3A_831, %parallel_loop3A_832] : memref<3x128x128xf32, #tpu.memory_space<vmem>> -> memref<1x128x128xf32, #tpu.memory_space<vmem>>
      %parallel_loop3A_834 = tpu.memref_squeeze %parallel_loop3A_833 : memref<1x128x128xf32, #tpu.memory_space<vmem>> -> memref<128x128xf32, #tpu.memory_space<vmem>>
      %parallel_loop3A_835 = arith.index_cast %parallel_loop3A_752 : i32 to index
      %parallel_loop3A_836 = arith.constant 32 : index
      %parallel_loop3A_837 = tpu.vector_load %parallel_loop3A_834[%parallel_loop3A_835, %parallel_loop3A_836] {strides = array<i32>} : memref<128x128xf32, #tpu.memory_space<vmem>>, vector<1x16xf32>,
      %parallel_loop3A_838 = vector.shape_cast %parallel_loop3A_837 : vector<1x16xf32> to vector<16xf32>
      %parallel_loop3A_839 = arith.addf %parallel_loop3A_830, %parallel_loop3A_838 : vector<16xf32>
      %parallel_loop3A_840 = arith.constant 0 : i32
      %parallel_loop3A_841 = arith.constant 0 : i32
      %parallel_loop3A_842 = tpu.memref_slice %arg10[%parallel_loop3A_409, %parallel_loop3A_840, %parallel_loop3A_841] : memref<3x128x128xf32, #tpu.memory_space<vmem>> -> memref<1x128x128xf32, #tpu.memory_space<vmem>>
      %parallel_loop3A_843 = tpu.memref_squeeze %parallel_loop3A_842 : memref<1x128x128xf32, #tpu.memory_space<vmem>> -> memref<128x128xf32, #tpu.memory_space<vmem>>
      %parallel_loop3A_844 = arith.index_cast %parallel_loop3A_752 : i32 to index
      %parallel_loop3A_845 = arith.constant 32 : index
      %parallel_loop3A_846 = tpu.vector_load %parallel_loop3A_843[%parallel_loop3A_844, %parallel_loop3A_845] {strides = array<i32>} : memref<128x128xf32, #tpu.memory_space<vmem>>, vector<1x16xf32>,
      %parallel_loop3A_847 = vector.shape_cast %parallel_loop3A_846 : vector<1x16xf32> to vector<16xf32>
      %parallel_loop3A_848 = vector.shape_cast %parallel_loop3A_839 : vector<16xf32> to vector<1x16xf32>
      tpu.vector_store %parallel_loop3A_843[%parallel_loop3A_844, %parallel_loop3A_845], %parallel_loop3A_848 {strides = array<i32>} : memref<128x128xf32, #tpu.memory_space<vmem>>, vector<1x16xf32>,
      %parallel_loop3A_849 = arith.constant 0 : i32
      %parallel_loop3A_850 = arith.constant 0 : i32
      %parallel_loop3A_851 = tpu.memref_slice %arg9[%parallel_loop3A_408, %parallel_loop3A_849, %parallel_loop3A_850] : memref<2x128x128xf32, #tpu.memory_space<vmem>> -> memref<1x128x128xf32, #tpu.memory_space<vmem>>
      %parallel_loop3A_852 = tpu.memref_squeeze %parallel_loop3A_851 : memref<1x128x128xf32, #tpu.memory_space<vmem>> -> memref<128x128xf32, #tpu.memory_space<vmem>>
      %parallel_loop3A_853 = arith.index_cast %parallel_loop3A_752 : i32 to index
      %parallel_loop3A_854 = arith.constant 48 : index
      %parallel_loop3A_855 = tpu.vector_load %parallel_loop3A_852[%parallel_loop3A_853, %parallel_loop3A_854] {strides = array<i32>} : memref<128x128xf32, #tpu.memory_space<vmem>>, vector<1x16xf32>,
      %parallel_loop3A_856 = vector.shape_cast %parallel_loop3A_855 : vector<1x16xf32> to vector<16xf32>
      %parallel_loop3A_857 = arith.mulf %parallel_loop3A_856, %parallel_loop3A_767 : vector<16xf32>
      %parallel_loop3A_858 = arith.constant 0 : i32
      %parallel_loop3A_859 = arith.constant 0 : i32
      %parallel_loop3A_860 = tpu.memref_slice %arg10[%parallel_loop3A_409, %parallel_loop3A_858, %parallel_loop3A_859] : memref<3x128x128xf32, #tpu.memory_space<vmem>> -> memref<1x128x128xf32, #tpu.memory_space<vmem>>
      %parallel_loop3A_861 = tpu.memref_squeeze %parallel_loop3A_860 : memref<1x128x128xf32, #tpu.memory_space<vmem>> -> memref<128x128xf32, #tpu.memory_space<vmem>>
      %parallel_loop3A_862 = arith.index_cast %parallel_loop3A_752 : i32 to index
      %parallel_loop3A_863 = arith.constant 48 : index
      %parallel_loop3A_864 = tpu.vector_load %parallel_loop3A_861[%parallel_loop3A_862, %parallel_loop3A_863] {strides = array<i32>} : memref<128x128xf32, #tpu.memory_space<vmem>>, vector<1x16xf32>,
      %parallel_loop3A_865 = vector.shape_cast %parallel_loop3A_864 : vector<1x16xf32> to vector<16xf32>
      %parallel_loop3A_866 = arith.addf %parallel_loop3A_857, %parallel_loop3A_865 : vector<16xf32>
      %parallel_loop3A_867 = arith.constant 0 : i32
      %parallel_loop3A_868 = arith.constant 0 : i32
      %parallel_loop3A_869 = tpu.memref_slice %arg10[%parallel_loop3A_409, %parallel_loop3A_867, %parallel_loop3A_868] : memref<3x128x128xf32, #tpu.memory_space<vmem>> -> memref<1x128x128xf32, #tpu.memory_space<vmem>>
      %parallel_loop3A_870 = tpu.memref_squeeze %parallel_loop3A_869 : memref<1x128x128xf32, #tpu.memory_space<vmem>> -> memref<128x128xf32, #tpu.memory_space<vmem>>
      %parallel_loop3A_871 = arith.index_cast %parallel_loop3A_752 : i32 to index
      %parallel_loop3A_872 = arith.constant 48 : index
      %parallel_loop3A_873 = tpu.vector_load %parallel_loop3A_870[%parallel_loop3A_871, %parallel_loop3A_872] {strides = array<i32>} : memref<128x128xf32, #tpu.memory_space<vmem>>, vector<1x16xf32>,
      %parallel_loop3A_874 = vector.shape_cast %parallel_loop3A_873 : vector<1x16xf32> to vector<16xf32>
      %parallel_loop3A_875 = vector.shape_cast %parallel_loop3A_866 : vector<16xf32> to vector<1x16xf32>
      tpu.vector_store %parallel_loop3A_870[%parallel_loop3A_871, %parallel_loop3A_872], %parallel_loop3A_875 {strides = array<i32>} : memref<128x128xf32, #tpu.memory_space<vmem>>, vector<1x16xf32>,
      %parallel_loop3A_876 = arith.constant 0 : i32
      %parallel_loop3A_877 = arith.constant 0 : i32
      %parallel_loop3A_878 = tpu.memref_slice %arg9[%parallel_loop3A_408, %parallel_loop3A_876, %parallel_loop3A_877] : memref<2x128x128xf32, #tpu.memory_space<vmem>> -> memref<1x128x128xf32, #tpu.memory_space<vmem>>
      %parallel_loop3A_879 = tpu.memref_squeeze %parallel_loop3A_878 : memref<1x128x128xf32, #tpu.memory_space<vmem>> -> memref<128x128xf32, #tpu.memory_space<vmem>>
      %parallel_loop3A_880 = arith.index_cast %parallel_loop3A_752 : i32 to index
      %parallel_loop3A_881 = arith.constant 64 : index
      %parallel_loop3A_882 = tpu.vector_load %parallel_loop3A_879[%parallel_loop3A_880, %parallel_loop3A_881] {strides = array<i32>} : memref<128x128xf32, #tpu.memory_space<vmem>>, vector<1x16xf32>,
      %parallel_loop3A_883 = vector.shape_cast %parallel_loop3A_882 : vector<1x16xf32> to vector<16xf32>
      %parallel_loop3A_884 = arith.mulf %parallel_loop3A_883, %parallel_loop3A_767 : vector<16xf32>
      %parallel_loop3A_885 = arith.constant 0 : i32
      %parallel_loop3A_886 = arith.constant 0 : i32
      %parallel_loop3A_887 = tpu.memref_slice %arg10[%parallel_loop3A_409, %parallel_loop3A_885, %parallel_loop3A_886] : memref<3x128x128xf32, #tpu.memory_space<vmem>> -> memref<1x128x128xf32, #tpu.memory_space<vmem>>
      %parallel_loop3A_888 = tpu.memref_squeeze %parallel_loop3A_887 : memref<1x128x128xf32, #tpu.memory_space<vmem>> -> memref<128x128xf32, #tpu.memory_space<vmem>>
      %parallel_loop3A_889 = arith.index_cast %parallel_loop3A_752 : i32 to index
      %parallel_loop3A_890 = arith.constant 64 : index
      %parallel_loop3A_891 = tpu.vector_load %parallel_loop3A_888[%parallel_loop3A_889, %parallel_loop3A_890] {strides = array<i32>} : memref<128x128xf32, #tpu.memory_space<vmem>>, vector<1x16xf32>,
      %parallel_loop3A_892 = vector.shape_cast %parallel_loop3A_891 : vector<1x16xf32> to vector<16xf32>
      %parallel_loop3A_893 = arith.addf %parallel_loop3A_884, %parallel_loop3A_892 : vector<16xf32>
      %parallel_loop3A_894 = arith.constant 0 : i32
      %parallel_loop3A_895 = arith.constant 0 : i32
      %parallel_loop3A_896 = tpu.memref_slice %arg10[%parallel_loop3A_409, %parallel_loop3A_894, %parallel_loop3A_895] : memref<3x128x128xf32, #tpu.memory_space<vmem>> -> memref<1x128x128xf32, #tpu.memory_space<vmem>>
      %parallel_loop3A_897 = tpu.memref_squeeze %parallel_loop3A_896 : memref<1x128x128xf32, #tpu.memory_space<vmem>> -> memref<128x128xf32, #tpu.memory_space<vmem>>
      %parallel_loop3A_898 = arith.index_cast %parallel_loop3A_752 : i32 to index
      %parallel_loop3A_899 = arith.constant 64 : index
      %parallel_loop3A_900 = tpu.vector_load %parallel_loop3A_897[%parallel_loop3A_898, %parallel_loop3A_899] {strides = array<i32>} : memref<128x128xf32, #tpu.memory_space<vmem>>, vector<1x16xf32>,
      %parallel_loop3A_901 = vector.shape_cast %parallel_loop3A_900 : vector<1x16xf32> to vector<16xf32>
      %parallel_loop3A_902 = vector.shape_cast %parallel_loop3A_893 : vector<16xf32> to vector<1x16xf32>
      tpu.vector_store %parallel_loop3A_897[%parallel_loop3A_898, %parallel_loop3A_899], %parallel_loop3A_902 {strides = array<i32>} : memref<128x128xf32, #tpu.memory_space<vmem>>, vector<1x16xf32>,
      %parallel_loop3A_903 = arith.constant 0 : i32
      %parallel_loop3A_904 = arith.constant 0 : i32
      %parallel_loop3A_905 = tpu.memref_slice %arg9[%parallel_loop3A_408, %parallel_loop3A_903, %parallel_loop3A_904] : memref<2x128x128xf32, #tpu.memory_space<vmem>> -> memref<1x128x128xf32, #tpu.memory_space<vmem>>
      %parallel_loop3A_906 = tpu.memref_squeeze %parallel_loop3A_905 : memref<1x128x128xf32, #tpu.memory_space<vmem>> -> memref<128x128xf32, #tpu.memory_space<vmem>>
      %parallel_loop3A_907 = arith.index_cast %parallel_loop3A_752 : i32 to index
      %parallel_loop3A_908 = arith.constant 80 : index
      %parallel_loop3A_909 = tpu.vector_load %parallel_loop3A_906[%parallel_loop3A_907, %parallel_loop3A_908] {strides = array<i32>} : memref<128x128xf32, #tpu.memory_space<vmem>>, vector<1x16xf32>,
      %parallel_loop3A_910 = vector.shape_cast %parallel_loop3A_909 : vector<1x16xf32> to vector<16xf32>
      %parallel_loop3A_911 = arith.mulf %parallel_loop3A_910, %parallel_loop3A_767 : vector<16xf32>
      %parallel_loop3A_912 = arith.constant 0 : i32
      %parallel_loop3A_913 = arith.constant 0 : i32
      %parallel_loop3A_914 = tpu.memref_slice %arg10[%parallel_loop3A_409, %parallel_loop3A_912, %parallel_loop3A_913] : memref<3x128x128xf32, #tpu.memory_space<vmem>> -> memref<1x128x128xf32, #tpu.memory_space<vmem>>
      %parallel_loop3A_915 = tpu.memref_squeeze %parallel_loop3A_914 : memref<1x128x128xf32, #tpu.memory_space<vmem>> -> memref<128x128xf32, #tpu.memory_space<vmem>>
      %parallel_loop3A_916 = arith.index_cast %parallel_loop3A_752 : i32 to index
      %parallel_loop3A_917 = arith.constant 80 : index
      %parallel_loop3A_918 = tpu.vector_load %parallel_loop3A_915[%parallel_loop3A_916, %parallel_loop3A_917] {strides = array<i32>} : memref<128x128xf32, #tpu.memory_space<vmem>>, vector<1x16xf32>,
      %parallel_loop3A_919 = vector.shape_cast %parallel_loop3A_918 : vector<1x16xf32> to vector<16xf32>
      %parallel_loop3A_920 = arith.addf %parallel_loop3A_911, %parallel_loop3A_919 : vector<16xf32>
      %parallel_loop3A_921 = arith.constant 0 : i32
      %parallel_loop3A_922 = arith.constant 0 : i32
      %parallel_loop3A_923 = tpu.memref_slice %arg10[%parallel_loop3A_409, %parallel_loop3A_921, %parallel_loop3A_922] : memref<3x128x128xf32, #tpu.memory_space<vmem>> -> memref<1x128x128xf32, #tpu.memory_space<vmem>>
      %parallel_loop3A_924 = tpu.memref_squeeze %parallel_loop3A_923 : memref<1x128x128xf32, #tpu.memory_space<vmem>> -> memref<128x128xf32, #tpu.memory_space<vmem>>
      %parallel_loop3A_925 = arith.index_cast %parallel_loop3A_752 : i32 to index
      %parallel_loop3A_926 = arith.constant 80 : index
      %parallel_loop3A_927 = tpu.vector_load %parallel_loop3A_924[%parallel_loop3A_925, %parallel_loop3A_926] {strides = array<i32>} : memref<128x128xf32, #tpu.memory_space<vmem>>, vector<1x16xf32>,
      %parallel_loop3A_928 = vector.shape_cast %parallel_loop3A_927 : vector<1x16xf32> to vector<16xf32>
      %parallel_loop3A_929 = vector.shape_cast %parallel_loop3A_920 : vector<16xf32> to vector<1x16xf32>
      tpu.vector_store %parallel_loop3A_924[%parallel_loop3A_925, %parallel_loop3A_926], %parallel_loop3A_929 {strides = array<i32>} : memref<128x128xf32, #tpu.memory_space<vmem>>, vector<1x16xf32>,
      %parallel_loop3A_930 = arith.constant 0 : i32
      %parallel_loop3A_931 = arith.constant 0 : i32
      %parallel_loop3A_932 = tpu.memref_slice %arg9[%parallel_loop3A_408, %parallel_loop3A_930, %parallel_loop3A_931] : memref<2x128x128xf32, #tpu.memory_space<vmem>> -> memref<1x128x128xf32, #tpu.memory_space<vmem>>
      %parallel_loop3A_933 = tpu.memref_squeeze %parallel_loop3A_932 : memref<1x128x128xf32, #tpu.memory_space<vmem>> -> memref<128x128xf32, #tpu.memory_space<vmem>>
      %parallel_loop3A_934 = arith.index_cast %parallel_loop3A_752 : i32 to index
      %parallel_loop3A_935 = arith.constant 96 : index
      %parallel_loop3A_936 = tpu.vector_load %parallel_loop3A_933[%parallel_loop3A_934, %parallel_loop3A_935] {strides = array<i32>} : memref<128x128xf32, #tpu.memory_space<vmem>>, vector<1x16xf32>,
      %parallel_loop3A_937 = vector.shape_cast %parallel_loop3A_936 : vector<1x16xf32> to vector<16xf32>
      %parallel_loop3A_938 = arith.mulf %parallel_loop3A_937, %parallel_loop3A_767 : vector<16xf32>
      %parallel_loop3A_939 = arith.constant 0 : i32
      %parallel_loop3A_940 = arith.constant 0 : i32
      %parallel_loop3A_941 = tpu.memref_slice %arg10[%parallel_loop3A_409, %parallel_loop3A_939, %parallel_loop3A_940] : memref<3x128x128xf32, #tpu.memory_space<vmem>> -> memref<1x128x128xf32, #tpu.memory_space<vmem>>
      %parallel_loop3A_942 = tpu.memref_squeeze %parallel_loop3A_941 : memref<1x128x128xf32, #tpu.memory_space<vmem>> -> memref<128x128xf32, #tpu.memory_space<vmem>>
      %parallel_loop3A_943 = arith.index_cast %parallel_loop3A_752 : i32 to index
      %parallel_loop3A_944 = arith.constant 96 : index
      %parallel_loop3A_945 = tpu.vector_load %parallel_loop3A_942[%parallel_loop3A_943, %parallel_loop3A_944] {strides = array<i32>} : memref<128x128xf32, #tpu.memory_space<vmem>>, vector<1x16xf32>,
      %parallel_loop3A_946 = vector.shape_cast %parallel_loop3A_945 : vector<1x16xf32> to vector<16xf32>
      %parallel_loop3A_947 = arith.addf %parallel_loop3A_938, %parallel_loop3A_946 : vector<16xf32>
      %parallel_loop3A_948 = arith.constant 0 : i32
      %parallel_loop3A_949 = arith.constant 0 : i32
      %parallel_loop3A_950 = tpu.memref_slice %arg10[%parallel_loop3A_409, %parallel_loop3A_948, %parallel_loop3A_949] : memref<3x128x128xf32, #tpu.memory_space<vmem>> -> memref<1x128x128xf32, #tpu.memory_space<vmem>>
      %parallel_loop3A_951 = tpu.memref_squeeze %parallel_loop3A_950 : memref<1x128x128xf32, #tpu.memory_space<vmem>> -> memref<128x128xf32, #tpu.memory_space<vmem>>
      %parallel_loop3A_952 = arith.index_cast %parallel_loop3A_752 : i32 to index
      %parallel_loop3A_953 = arith.constant 96 : index
      %parallel_loop3A_954 = tpu.vector_load %parallel_loop3A_951[%parallel_loop3A_952, %parallel_loop3A_953] {strides = array<i32>} : memref<128x128xf32, #tpu.memory_space<vmem>>, vector<1x16xf32>,
      %parallel_loop3A_955 = vector.shape_cast %parallel_loop3A_954 : vector<1x16xf32> to vector<16xf32>
      %parallel_loop3A_956 = vector.shape_cast %parallel_loop3A_947 : vector<16xf32> to vector<1x16xf32>
      tpu.vector_store %parallel_loop3A_951[%parallel_loop3A_952, %parallel_loop3A_953], %parallel_loop3A_956 {strides = array<i32>} : memref<128x128xf32, #tpu.memory_space<vmem>>, vector<1x16xf32>,
      %parallel_loop3A_957 = arith.constant 0 : i32
      %parallel_loop3A_958 = arith.constant 0 : i32
      %parallel_loop3A_959 = tpu.memref_slice %arg9[%parallel_loop3A_408, %parallel_loop3A_957, %parallel_loop3A_958] : memref<2x128x128xf32, #tpu.memory_space<vmem>> -> memref<1x128x128xf32, #tpu.memory_space<vmem>>
      %parallel_loop3A_960 = tpu.memref_squeeze %parallel_loop3A_959 : memref<1x128x128xf32, #tpu.memory_space<vmem>> -> memref<128x128xf32, #tpu.memory_space<vmem>>
      %parallel_loop3A_961 = arith.index_cast %parallel_loop3A_752 : i32 to index
      %parallel_loop3A_962 = arith.constant 112 : index
      %parallel_loop3A_963 = tpu.vector_load %parallel_loop3A_960[%parallel_loop3A_961, %parallel_loop3A_962] {strides = array<i32>} : memref<128x128xf32, #tpu.memory_space<vmem>>, vector<1x16xf32>,
      %parallel_loop3A_964 = vector.shape_cast %parallel_loop3A_963 : vector<1x16xf32> to vector<16xf32>
      %parallel_loop3A_965 = arith.mulf %parallel_loop3A_964, %parallel_loop3A_767 : vector<16xf32>
      %parallel_loop3A_966 = arith.constant 0 : i32
      %parallel_loop3A_967 = arith.constant 0 : i32
      %parallel_loop3A_968 = tpu.memref_slice %arg10[%parallel_loop3A_409, %parallel_loop3A_966, %parallel_loop3A_967] : memref<3x128x128xf32, #tpu.memory_space<vmem>> -> memref<1x128x128xf32, #tpu.memory_space<vmem>>
      %parallel_loop3A_969 = tpu.memref_squeeze %parallel_loop3A_968 : memref<1x128x128xf32, #tpu.memory_space<vmem>> -> memref<128x128xf32, #tpu.memory_space<vmem>>
      %parallel_loop3A_970 = arith.index_cast %parallel_loop3A_752 : i32 to index
      %parallel_loop3A_971 = arith.constant 112 : index
      %parallel_loop3A_972 = tpu.vector_load %parallel_loop3A_969[%parallel_loop3A_970, %parallel_loop3A_971] {strides = array<i32>} : memref<128x128xf32, #tpu.memory_space<vmem>>, vector<1x16xf32>,
      %parallel_loop3A_973 = vector.shape_cast %parallel_loop3A_972 : vector<1x16xf32> to vector<16xf32>
      %parallel_loop3A_974 = arith.addf %parallel_loop3A_965, %parallel_loop3A_973 : vector<16xf32>
      %parallel_loop3A_975 = arith.constant 0 : i32
      %parallel_loop3A_976 = arith.constant 0 : i32
      %parallel_loop3A_977 = tpu.memref_slice %arg10[%parallel_loop3A_409, %parallel_loop3A_975, %parallel_loop3A_976] : memref<3x128x128xf32, #tpu.memory_space<vmem>> -> memref<1x128x128xf32, #tpu.memory_space<vmem>>
      %parallel_loop3A_978 = tpu.memref_squeeze %parallel_loop3A_977 : memref<1x128x128xf32, #tpu.memory_space<vmem>> -> memref<128x128xf32, #tpu.memory_space<vmem>>
      %parallel_loop3A_979 = arith.index_cast %parallel_loop3A_752 : i32 to index
      %parallel_loop3A_980 = arith.constant 112 : index
      %parallel_loop3A_981 = tpu.vector_load %parallel_loop3A_978[%parallel_loop3A_979, %parallel_loop3A_980] {strides = array<i32>} : memref<128x128xf32, #tpu.memory_space<vmem>>, vector<1x16xf32>,
      %parallel_loop3A_982 = vector.shape_cast %parallel_loop3A_981 : vector<1x16xf32> to vector<16xf32>
      %parallel_loop3A_983 = vector.shape_cast %parallel_loop3A_974 : vector<16xf32> to vector<1x16xf32>
      tpu.vector_store %parallel_loop3A_978[%parallel_loop3A_979, %parallel_loop3A_980], %parallel_loop3A_983 {strides = array<i32>} : memref<128x128xf32, #tpu.memory_space<vmem>>, vector<1x16xf32>,
    } {sc.loop_unroll_factor = 2 : i64, sc.parallel_access}
    %add3A_410 = arith.constant 128 : i32
    %add3A_411 = arith.addi %mul3A_2, %add3A_410 : i32
    %add3A_412 = arith.constant 0 : i32
    %add3A_413 = arith.addi %add3A_411, %add3A_412 : i32
    %dma_start3A_414 = arith.constant 1 : i32
    %dma_start3A_415 = arith.constant 1 : i32
    %dma_start3A_416 = arith.constant 0 : i32
    %dma_start3A_417 = arith.constant 0 : i32
    %dma_start3A_418 = tpu.memref_slice %arg10[%dma_start3A_414, %dma_start3A_416, %dma_start3A_417] : memref<3x128x128xf32, #tpu.memory_space<vmem>> -> memref<1x128x128xf32, #tpu.memory_space<vmem>>
    %dma_start3A_419 = tpu.memref_squeeze %dma_start3A_418 : memref<1x128x128xf32, #tpu.memory_space<vmem>> -> memref<128x128xf32, #tpu.memory_space<vmem>>
    %dma_start3A_420 = arith.constant 0 : i32
    %dma_start3A_421 = tpu.memref_slice %arg6[%add3A_413, %dma_start3A_420] : memref<16384x128xf32, #tpu.memory_space<hbm>> -> memref<128x128xf32, #tpu.memory_space<hbm>>
    %dma_start3A_422 = tpu.memref_slice %arg15[%dma_start3A_415] : memref<5x!tpu.dma_semaphore, #tpu.memory_space<semaphore_mem>> -> memref<1x!tpu.dma_semaphore, #tpu.memory_space<semaphore_mem>>
    %dma_start3A_423 = tpu.memref_squeeze %dma_start3A_422 : memref<1x!tpu.dma_semaphore, #tpu.memory_space<semaphore_mem>> -> memref<!tpu.dma_semaphore, #tpu.memory_space<semaphore_mem>>
    %dma_start3A_424 = arith.constant 0 : i32
    %dma_start3A_425 = tpu.memref_slice %arg6[%add3A_413, %dma_start3A_424] : memref<16384x128xf32, #tpu.memory_space<hbm>> -> memref<128x128xf32, #tpu.memory_space<hbm>>
    %dma_start3A_426 = arith.constant 0 : i32
    %dma_start3A_427 = arith.constant 0 : i32
    %dma_start3A_428 = tpu.memref_slice %arg10[%dma_start3A_414, %dma_start3A_426, %dma_start3A_427] : memref<3x128x128xf32, #tpu.memory_space<vmem>> -> memref<1x128x128xf32, #tpu.memory_space<vmem>>
    %dma_start3A_429 = tpu.memref_squeeze %dma_start3A_428 : memref<1x128x128xf32, #tpu.memory_space<vmem>> -> memref<128x128xf32, #tpu.memory_space<vmem>>
    tpu.enqueue_dma source(%dma_start3A_429 : memref<128x128xf32, #tpu.memory_space<vmem>>) target(%dma_start3A_425 : memref<128x128xf32, #tpu.memory_space<hbm>>) target_semaphore(%dma_start3A_423 : memref<!tpu.dma_semaphore, #tpu.memory_space<semaphore_mem>>)
    %dma_wait3A_430 = arith.constant 0 : i32
    %dma_wait3A_431 = arith.constant 0 : i32
    %dma_wait3A_432 = arith.constant 0 : i32
    %dma_wait3A_433 = arith.constant 0 : i32
    %dma_wait3A_434 = tpu.memref_slice %arg10[%dma_wait3A_430, %dma_wait3A_432, %dma_wait3A_433] : memref<3x128x128xf32, #tpu.memory_space<vmem>> -> memref<1x64x128xf32, #tpu.memory_space<vmem>>
    %dma_wait3A_435 = tpu.memref_squeeze %dma_wait3A_434 : memref<1x64x128xf32, #tpu.memory_space<vmem>> -> memref<64x128xf32, #tpu.memory_space<vmem>>
    %dma_wait3A_436 = arith.constant 0 : i32
    %dma_wait3A_437 = tpu.memref_slice %arg6[%add3A_217, %dma_wait3A_436] : memref<16384x128xf32, #tpu.memory_space<hbm>> -> memref<64x128xf32, #tpu.memory_space<hbm>>
    %dma_wait3A_438 = tpu.memref_slice %arg15[%dma_wait3A_431] : memref<5x!tpu.dma_semaphore, #tpu.memory_space<semaphore_mem>> -> memref<1x!tpu.dma_semaphore, #tpu.memory_space<semaphore_mem>>
    %dma_wait3A_439 = tpu.memref_squeeze %dma_wait3A_438 : memref<1x!tpu.dma_semaphore, #tpu.memory_space<semaphore_mem>> -> memref<!tpu.dma_semaphore, #tpu.memory_space<semaphore_mem>>
    %dma_wait3A_440 = arith.constant 0 : i32
    %dma_wait3A_441 = tpu.memref_slice %arg6[%add3A_217, %dma_wait3A_440] : memref<16384x128xf32, #tpu.memory_space<hbm>> -> memref<64x128xf32, #tpu.memory_space<hbm>>
    %dma_wait3A_442 = arith.constant 0 : i32
    %dma_wait3A_443 = arith.constant 0 : i32
    %dma_wait3A_444 = tpu.memref_slice %arg10[%dma_wait3A_430, %dma_wait3A_442, %dma_wait3A_443] : memref<3x128x128xf32, #tpu.memory_space<vmem>> -> memref<1x64x128xf32, #tpu.memory_space<vmem>>
    %dma_wait3A_445 = tpu.memref_squeeze %dma_wait3A_444 : memref<1x64x128xf32, #tpu.memory_space<vmem>> -> memref<64x128xf32, #tpu.memory_space<vmem>>
    tpu.wait_dma2 semaphore(%dma_wait3A_439 : memref<!tpu.dma_semaphore, #tpu.memory_space<semaphore_mem>>) src(%dma_wait3A_445 : memref<64x128xf32, #tpu.memory_space<vmem>>) dst(%dma_wait3A_441 : memref<64x128xf32, #tpu.memory_space<hbm>>)
    %dma_wait3A_446 = arith.constant 0 : i32
    %dma_wait3A_447 = arith.constant 4 : i32
    %dma_wait3A_448 = arith.constant 64 : i32
    %dma_wait3A_449 = arith.constant 0 : i32
    %dma_wait3A_450 = tpu.memref_slice %arg10[%dma_wait3A_446, %dma_wait3A_448, %dma_wait3A_449] : memref<3x128x128xf32, #tpu.memory_space<vmem>> -> memref<1x64x128xf32, #tpu.memory_space<vmem>>
    %dma_wait3A_451 = tpu.memref_squeeze %dma_wait3A_450 : memref<1x64x128xf32, #tpu.memory_space<vmem>> -> memref<64x128xf32, #tpu.memory_space<vmem>>
    %dma_wait3A_452 = arith.constant 0 : i32
    %dma_wait3A_453 = tpu.memref_slice %arg6[%add3A_291, %dma_wait3A_452] : memref<16384x128xf32, #tpu.memory_space<hbm>> -> memref<64x128xf32, #tpu.memory_space<hbm>>
    %dma_wait3A_454 = tpu.memref_slice %arg15[%dma_wait3A_447] : memref<5x!tpu.dma_semaphore, #tpu.memory_space<semaphore_mem>> -> memref<1x!tpu.dma_semaphore, #tpu.memory_space<semaphore_mem>>
    %dma_wait3A_455 = tpu.memref_squeeze %dma_wait3A_454 : memref<1x!tpu.dma_semaphore, #tpu.memory_space<semaphore_mem>> -> memref<!tpu.dma_semaphore, #tpu.memory_space<semaphore_mem>>
    %dma_wait3A_456 = arith.constant 0 : i32
    %dma_wait3A_457 = tpu.memref_slice %arg6[%add3A_291, %dma_wait3A_456] : memref<16384x128xf32, #tpu.memory_space<hbm>> -> memref<64x128xf32, #tpu.memory_space<hbm>>
    %dma_wait3A_458 = arith.constant 64 : i32
    %dma_wait3A_459 = arith.constant 0 : i32
    %dma_wait3A_460 = tpu.memref_slice %arg10[%dma_wait3A_446, %dma_wait3A_458, %dma_wait3A_459] : memref<3x128x128xf32, #tpu.memory_space<vmem>> -> memref<1x64x128xf32, #tpu.memory_space<vmem>>
    %dma_wait3A_461 = tpu.memref_squeeze %dma_wait3A_460 : memref<1x64x128xf32, #tpu.memory_space<vmem>> -> memref<64x128xf32, #tpu.memory_space<vmem>>
    tpu.wait_dma2 semaphore(%dma_wait3A_455 : memref<!tpu.dma_semaphore, #tpu.memory_space<semaphore_mem>>) src(%dma_wait3A_461 : memref<64x128xf32, #tpu.memory_space<vmem>>) dst(%dma_wait3A_457 : memref<64x128xf32, #tpu.memory_space<hbm>>)
    %add3A_462 = arith.constant 384 : i32
    %add3A_463 = arith.addi %mul3A_2, %add3A_462 : i32
    %add3A_464 = arith.constant 0 : i32
    %add3A_465 = arith.addi %add3A_463, %add3A_464 : i32
    %dma_start3A_466 = arith.constant 3 : i32
    %dma_start3A_467 = arith.constant 0 : i32
    %dma_start3A_468 = arith.constant 3 : i32
    %dma_start3A_469 = arith.constant 0 : i32
    %dma_start3A_470 = arith.constant 0 : i32
    %dma_start3A_471 = tpu.memref_slice %arg10[%dma_start3A_467, %dma_start3A_469, %dma_start3A_470] : memref<3x128x128xf32, #tpu.memory_space<vmem>> -> memref<1x128x128xf32, #tpu.memory_space<vmem>>
    %dma_start3A_472 = tpu.memref_squeeze %dma_start3A_471 : memref<1x128x128xf32, #tpu.memory_space<vmem>> -> memref<128x128xf32, #tpu.memory_space<vmem>>
    %dma_start3A_473 = arith.constant 0 : i32
    %dma_start3A_474 = tpu.memref_slice %arg7[%dma_start3A_466, %dma_start3A_473] : memref<4x128xi32, #tpu.memory_space<vmem>> -> memref<1x128xi32, #tpu.memory_space<vmem>>
    %dma_start3A_475 = tpu.memref_squeeze %dma_start3A_474 : memref<1x128xi32, #tpu.memory_space<vmem>> -> memref<128xi32, #tpu.memory_space<vmem>>
    %dma_start3A_476 = arith.constant 0 : i32
    %dma_start3A_477 = arith.constant 0 : i32
    %dma_start3A_478 = tpu.memref_slice %arg5[%dma_start3A_476, %dma_start3A_477] : memref<100000x128xf32, #tpu.memory_space<hbm>> -> memref<100000x128xf32, #tpu.memory_space<hbm>>
    %dma_start3A_479 = tpu.memref_slice %arg12[%dma_start3A_468] : memref<5x!tpu.dma_semaphore, #tpu.memory_space<semaphore_mem>> -> memref<1x!tpu.dma_semaphore, #tpu.memory_space<semaphore_mem>>
    %dma_start3A_480 = tpu.memref_squeeze %dma_start3A_479 : memref<1x!tpu.dma_semaphore, #tpu.memory_space<semaphore_mem>> -> memref<!tpu.dma_semaphore, #tpu.memory_space<semaphore_mem>>
    tpu.enqueue_indirect_dma source(%dma_start3A_478 : memref<100000x128xf32, #tpu.memory_space<hbm>>) target(%dma_start3A_472 : memref<128x128xf32, #tpu.memory_space<vmem>>) offsets(%dma_start3A_475 : memref<128xi32, #tpu.memory_space<vmem>>) semaphore(%dma_start3A_480 : memref<!tpu.dma_semaphore, #tpu.memory_space<semaphore_mem>>)
    %dma_start3A_481 = arith.constant 3 : i32
    %dma_start3A_482 = arith.constant 1 : i32
    %dma_start3A_483 = arith.constant 3 : i32
    %dma_start3A_484 = arith.constant 0 : i32
    %dma_start3A_485 = tpu.memref_slice %arg8[%dma_start3A_482, %dma_start3A_484] : memref<2x128xf32, #tpu.memory_space<vmem>> -> memref<1x128xf32, #tpu.memory_space<vmem>>
    %dma_start3A_486 = tpu.memref_squeeze %dma_start3A_485 : memref<1x128xf32, #tpu.memory_space<vmem>> -> memref<128xf32, #tpu.memory_space<vmem>>
    %dma_start3A_487 = arith.constant 0 : i32
    %dma_start3A_488 = tpu.memref_slice %arg7[%dma_start3A_481, %dma_start3A_487] : memref<4x128xi32, #tpu.memory_space<vmem>> -> memref<1x128xi32, #tpu.memory_space<vmem>>
    %dma_start3A_489 = tpu.memref_squeeze %dma_start3A_488 : memref<1x128xi32, #tpu.memory_space<vmem>> -> memref<128xi32, #tpu.memory_space<vmem>>
    %dma_start3A_490 = arith.constant 0 : i32
    %dma_start3A_491 = tpu.memref_slice %arg4[%dma_start3A_490] : memref<100000xf32, #tpu.memory_space<hbm>> -> memref<100000xf32, #tpu.memory_space<hbm>>
    %dma_start3A_492 = tpu.memref_slice %arg13[%dma_start3A_483] : memref<5x!tpu.dma_semaphore, #tpu.memory_space<semaphore_mem>> -> memref<1x!tpu.dma_semaphore, #tpu.memory_space<semaphore_mem>>
    %dma_start3A_493 = tpu.memref_squeeze %dma_start3A_492 : memref<1x!tpu.dma_semaphore, #tpu.memory_space<semaphore_mem>> -> memref<!tpu.dma_semaphore, #tpu.memory_space<semaphore_mem>>
    tpu.enqueue_indirect_dma source(%dma_start3A_491 : memref<100000xf32, #tpu.memory_space<hbm>>) target(%dma_start3A_486 : memref<128xf32, #tpu.memory_space<vmem>>) offsets(%dma_start3A_489 : memref<128xi32, #tpu.memory_space<vmem>>) semaphore(%dma_start3A_493 : memref<!tpu.dma_semaphore, #tpu.memory_space<semaphore_mem>>)
    %dma_start3A_494 = arith.constant 1 : i32
    %dma_start3A_495 = arith.constant 3 : i32
    %dma_start3A_496 = arith.constant 0 : i32
    %dma_start3A_497 = arith.constant 0 : i32
    %dma_start3A_498 = tpu.memref_slice %arg9[%dma_start3A_494, %dma_start3A_496, %dma_start3A_497] : memref<2x128x128xf32, #tpu.memory_space<vmem>> -> memref<1x128x128xf32, #tpu.memory_space<vmem>>
    %dma_start3A_499 = tpu.memref_squeeze %dma_start3A_498 : memref<1x128x128xf32, #tpu.memory_space<vmem>> -> memref<128x128xf32, #tpu.memory_space<vmem>>
    %dma_start3A_500 = arith.constant 0 : i32
    %dma_start3A_501 = tpu.memref_slice %arg2[%add3A_465, %dma_start3A_500] : memref<16384x128xf32, #tpu.memory_space<hbm>> -> memref<128x128xf32, #tpu.memory_space<hbm>>
    %dma_start3A_502 = tpu.memref_slice %arg14[%dma_start3A_495] : memref<5x!tpu.dma_semaphore, #tpu.memory_space<semaphore_mem>> -> memref<1x!tpu.dma_semaphore, #tpu.memory_space<semaphore_mem>>
    %dma_start3A_503 = tpu.memref_squeeze %dma_start3A_502 : memref<1x!tpu.dma_semaphore, #tpu.memory_space<semaphore_mem>> -> memref<!tpu.dma_semaphore, #tpu.memory_space<semaphore_mem>>
    %dma_start3A_504 = arith.constant 0 : i32
    %dma_start3A_505 = arith.constant 0 : i32
    %dma_start3A_506 = tpu.memref_slice %arg9[%dma_start3A_494, %dma_start3A_504, %dma_start3A_505] : memref<2x128x128xf32, #tpu.memory_space<vmem>> -> memref<1x128x128xf32, #tpu.memory_space<vmem>>
    %dma_start3A_507 = tpu.memref_squeeze %dma_start3A_506 : memref<1x128x128xf32, #tpu.memory_space<vmem>> -> memref<128x128xf32, #tpu.memory_space<vmem>>
    %dma_start3A_508 = arith.constant 0 : i32
    %dma_start3A_509 = tpu.memref_slice %arg2[%add3A_465, %dma_start3A_508] : memref<16384x128xf32, #tpu.memory_space<hbm>> -> memref<128x128xf32, #tpu.memory_space<hbm>>
    tpu.enqueue_dma source(%dma_start3A_509 : memref<128x128xf32, #tpu.memory_space<hbm>>) target(%dma_start3A_507 : memref<128x128xf32, #tpu.memory_space<vmem>>) target_semaphore(%dma_start3A_503 : memref<!tpu.dma_semaphore, #tpu.memory_space<semaphore_mem>>)
    %dma_wait3A_510 = arith.constant 2 : i32
    %dma_wait3A_511 = arith.constant 2 : i32
    %dma_wait3A_512 = arith.constant 2 : i32
    %dma_wait3A_513 = arith.constant 0 : i32
    %dma_wait3A_514 = arith.constant 0 : i32
    %dma_wait3A_515 = tpu.memref_slice %arg10[%dma_wait3A_511, %dma_wait3A_513, %dma_wait3A_514] : memref<3x128x128xf32, #tpu.memory_space<vmem>> -> memref<1x128x128xf32, #tpu.memory_space<vmem>>
    %dma_wait3A_516 = tpu.memref_squeeze %dma_wait3A_515 : memref<1x128x128xf32, #tpu.memory_space<vmem>> -> memref<128x128xf32, #tpu.memory_space<vmem>>
    %dma_wait3A_517 = arith.constant 0 : i32
    %dma_wait3A_518 = tpu.memref_slice %arg7[%dma_wait3A_510, %dma_wait3A_517] : memref<4x128xi32, #tpu.memory_space<vmem>> -> memref<1x128xi32, #tpu.memory_space<vmem>>
    %dma_wait3A_519 = tpu.memref_squeeze %dma_wait3A_518 : memref<1x128xi32, #tpu.memory_space<vmem>> -> memref<128xi32, #tpu.memory_space<vmem>>
    %dma_wait3A_520 = arith.constant 0 : i32
    %dma_wait3A_521 = arith.constant 0 : i32
    %dma_wait3A_522 = tpu.memref_slice %arg5[%dma_wait3A_520, %dma_wait3A_521] : memref<100000x128xf32, #tpu.memory_space<hbm>> -> memref<100000x128xf32, #tpu.memory_space<hbm>>
    %dma_wait3A_523 = tpu.memref_slice %arg12[%dma_wait3A_512] : memref<5x!tpu.dma_semaphore, #tpu.memory_space<semaphore_mem>> -> memref<1x!tpu.dma_semaphore, #tpu.memory_space<semaphore_mem>>
    %dma_wait3A_524 = tpu.memref_squeeze %dma_wait3A_523 : memref<1x!tpu.dma_semaphore, #tpu.memory_space<semaphore_mem>> -> memref<!tpu.dma_semaphore, #tpu.memory_space<semaphore_mem>>
    tpu.wait_indirect_dma semaphore(%dma_wait3A_524 : memref<!tpu.dma_semaphore, #tpu.memory_space<semaphore_mem>>) src(%dma_wait3A_522 : memref<100000x128xf32, #tpu.memory_space<hbm>>) dst(%dma_wait3A_516 : memref<128x128xf32, #tpu.memory_space<vmem>>)
    %dma_wait3A_525 = arith.constant 2 : i32
    %dma_wait3A_526 = arith.constant 0 : i32
    %dma_wait3A_527 = arith.constant 2 : i32
    %dma_wait3A_528 = arith.constant 0 : i32
    %dma_wait3A_529 = tpu.memref_slice %arg8[%dma_wait3A_526, %dma_wait3A_528] : memref<2x128xf32, #tpu.memory_space<vmem>> -> memref<1x128xf32, #tpu.memory_space<vmem>>
    %dma_wait3A_530 = tpu.memref_squeeze %dma_wait3A_529 : memref<1x128xf32, #tpu.memory_space<vmem>> -> memref<128xf32, #tpu.memory_space<vmem>>
    %dma_wait3A_531 = arith.constant 0 : i32
    %dma_wait3A_532 = tpu.memref_slice %arg7[%dma_wait3A_525, %dma_wait3A_531] : memref<4x128xi32, #tpu.memory_space<vmem>> -> memref<1x128xi32, #tpu.memory_space<vmem>>
    %dma_wait3A_533 = tpu.memref_squeeze %dma_wait3A_532 : memref<1x128xi32, #tpu.memory_space<vmem>> -> memref<128xi32, #tpu.memory_space<vmem>>
    %dma_wait3A_534 = arith.constant 0 : i32
    %dma_wait3A_535 = tpu.memref_slice %arg4[%dma_wait3A_534] : memref<100000xf32, #tpu.memory_space<hbm>> -> memref<100000xf32, #tpu.memory_space<hbm>>
    %dma_wait3A_536 = tpu.memref_slice %arg13[%dma_wait3A_527] : memref<5x!tpu.dma_semaphore, #tpu.memory_space<semaphore_mem>> -> memref<1x!tpu.dma_semaphore, #tpu.memory_space<semaphore_mem>>
    %dma_wait3A_537 = tpu.memref_squeeze %dma_wait3A_536 : memref<1x!tpu.dma_semaphore, #tpu.memory_space<semaphore_mem>> -> memref<!tpu.dma_semaphore, #tpu.memory_space<semaphore_mem>>
    tpu.wait_indirect_dma semaphore(%dma_wait3A_537 : memref<!tpu.dma_semaphore, #tpu.memory_space<semaphore_mem>>) src(%dma_wait3A_535 : memref<100000xf32, #tpu.memory_space<hbm>>) dst(%dma_wait3A_530 : memref<128xf32, #tpu.memory_space<vmem>>)
    %dma_wait3A_538 = arith.constant 0 : i32
    %dma_wait3A_539 = arith.constant 2 : i32
    %dma_wait3A_540 = arith.constant 0 : i32
    %dma_wait3A_541 = arith.constant 0 : i32
    %dma_wait3A_542 = tpu.memref_slice %arg9[%dma_wait3A_538, %dma_wait3A_540, %dma_wait3A_541] : memref<2x128x128xf32, #tpu.memory_space<vmem>> -> memref<1x128x128xf32, #tpu.memory_space<vmem>>
    %dma_wait3A_543 = tpu.memref_squeeze %dma_wait3A_542 : memref<1x128x128xf32, #tpu.memory_space<vmem>> -> memref<128x128xf32, #tpu.memory_space<vmem>>
    %dma_wait3A_544 = arith.constant 0 : i32
    %dma_wait3A_545 = tpu.memref_slice %arg2[%add3A_311, %dma_wait3A_544] : memref<16384x128xf32, #tpu.memory_space<hbm>> -> memref<128x128xf32, #tpu.memory_space<hbm>>
    %dma_wait3A_546 = tpu.memref_slice %arg14[%dma_wait3A_539] : memref<5x!tpu.dma_semaphore, #tpu.memory_space<semaphore_mem>> -> memref<1x!tpu.dma_semaphore, #tpu.memory_space<semaphore_mem>>
    %dma_wait3A_547 = tpu.memref_squeeze %dma_wait3A_546 : memref<1x!tpu.dma_semaphore, #tpu.memory_space<semaphore_mem>> -> memref<!tpu.dma_semaphore, #tpu.memory_space<semaphore_mem>>
    %dma_wait3A_548 = arith.constant 0 : i32
    %dma_wait3A_549 = arith.constant 0 : i32
    %dma_wait3A_550 = tpu.memref_slice %arg9[%dma_wait3A_538, %dma_wait3A_548, %dma_wait3A_549] : memref<2x128x128xf32, #tpu.memory_space<vmem>> -> memref<1x128x128xf32, #tpu.memory_space<vmem>>
    %dma_wait3A_551 = tpu.memref_squeeze %dma_wait3A_550 : memref<1x128x128xf32, #tpu.memory_space<vmem>> -> memref<128x128xf32, #tpu.memory_space<vmem>>
    %dma_wait3A_552 = arith.constant 0 : i32
    %dma_wait3A_553 = tpu.memref_slice %arg2[%add3A_311, %dma_wait3A_552] : memref<16384x128xf32, #tpu.memory_space<hbm>> -> memref<128x128xf32, #tpu.memory_space<hbm>>
    tpu.wait_dma2 semaphore(%dma_wait3A_547 : memref<!tpu.dma_semaphore, #tpu.memory_space<semaphore_mem>>) src(%dma_wait3A_553 : memref<128x128xf32, #tpu.memory_space<hbm>>) dst(%dma_wait3A_551 : memref<128x128xf32, #tpu.memory_space<vmem>>)
    %parallel_loop3A_554 = arith.constant 0 : i32
    %parallel_loop3A_555 = arith.constant 8 : i32
    %parallel_loop3A_556 = arith.constant 1 : i32
    %parallel_loop3A_557 = arith.constant 0 : i32
    scf.for %parallel_loop3A_752 = %parallel_loop3A_554 to %parallel_loop3A_555 step %parallel_loop3A_556  : i32 {
      %parallel_loop3A_753 = arith.constant 16 : i32
      %parallel_loop3A_754 = arith.muli %parallel_loop3A_752, %parallel_loop3A_753 : i32
      %parallel_loop3A_755 = arith.constant 0 : i32
      %parallel_loop3A_756 = tpu.memref_slice %arg8[%parallel_loop3A_557, %parallel_loop3A_755] : memref<2x128xf32, #tpu.memory_space<vmem>> -> memref<1x128xf32, #tpu.memory_space<vmem>>
      %parallel_loop3A_757 = tpu.memref_squeeze %parallel_loop3A_756 : memref<1x128xf32, #tpu.memory_space<vmem>> -> memref<128xf32, #tpu.memory_space<vmem>>
      %parallel_loop3A_758 = arith.index_cast %parallel_loop3A_754 : i32 to index
      %parallel_loop3A_759 = tpu.vector_load %parallel_loop3A_757[%parallel_loop3A_758] {strides = array<i32>} : memref<128xf32, #tpu.memory_space<vmem>>, vector<16xf32>,
      %parallel_loop3A_760 = vector.shape_cast %parallel_loop3A_759 : vector<16xf32> to vector<16xf32>
      %parallel_loop3A_761 = math.exp %parallel_loop3A_760 : vector<16xf32>
      %parallel_loop3A_762 = arith.constant 16 : i32
      %parallel_loop3A_763 = arith.muli %parallel_loop3A_752, %parallel_loop3A_762 : i32
      %parallel_loop3A_764 = arith.constant 0 : i32
      %parallel_loop3A_765 = tpu.memref_slice %arg8[%parallel_loop3A_557, %parallel_loop3A_764] : memref<2x128xf32, #tpu.memory_space<vmem>> -> memref<1x128xf32, #tpu.memory_space<vmem>>
      %parallel_loop3A_766 = tpu.memref_squeeze %parallel_loop3A_765 : memref<1x128xf32, #tpu.memory_space<vmem>> -> memref<128xf32, #tpu.memory_space<vmem>>
      %parallel_loop3A_767 = arith.index_cast %parallel_loop3A_763 : i32 to index
      %parallel_loop3A_768 = tpu.vector_load %parallel_loop3A_766[%parallel_loop3A_767] {strides = array<i32>} : memref<128xf32, #tpu.memory_space<vmem>>, vector<16xf32>,
      %parallel_loop3A_769 = vector.shape_cast %parallel_loop3A_768 : vector<16xf32> to vector<16xf32>
      %parallel_loop3A_770 = vector.shape_cast %parallel_loop3A_761 : vector<16xf32> to vector<16xf32>
      tpu.vector_store %parallel_loop3A_766[%parallel_loop3A_767], %parallel_loop3A_770 {strides = array<i32>} : memref<128xf32, #tpu.memory_space<vmem>>, vector<16xf32>,
    } {sc.loop_unroll_factor = 1 : i64, sc.parallel_access}
    %parallel_loop3A_558 = arith.constant 0 : i32
    %parallel_loop3A_559 = arith.constant 128 : i32
    %parallel_loop3A_560 = arith.constant 1 : i32
    %parallel_loop3A_561 = arith.constant 0 : i32
    %parallel_loop3A_562 = arith.constant 0 : i32
    %parallel_loop3A_563 = arith.constant 2 : i32
    scf.for %parallel_loop3A_752 = %parallel_loop3A_558 to %parallel_loop3A_559 step %parallel_loop3A_560  : i32 {
      %parallel_loop3A_753 = arith.constant 4 : i32
      %parallel_loop3A_754 = arith.shrsi %parallel_loop3A_752, %parallel_loop3A_753 : i32
      %parallel_loop3A_755 = arith.constant 4 : i32
      %parallel_loop3A_756 = arith.shli %parallel_loop3A_754, %parallel_loop3A_755 : i32
      %parallel_loop3A_757 = arith.constant 15 : i32
      %parallel_loop3A_758 = arith.andi %parallel_loop3A_752, %parallel_loop3A_757 : i32
      %parallel_loop3A_759 = arith.constant 0 : i32
      %parallel_loop3A_760 = tpu.memref_slice %arg8[%parallel_loop3A_561, %parallel_loop3A_759] : memref<2x128xf32, #tpu.memory_space<vmem>> -> memref<1x128xf32, #tpu.memory_space<vmem>>
      %parallel_loop3A_761 = tpu.memref_squeeze %parallel_loop3A_760 : memref<1x128xf32, #tpu.memory_space<vmem>> -> memref<128xf32, #tpu.memory_space<vmem>>
      %parallel_loop3A_762 = arith.index_cast %parallel_loop3A_756 : i32 to index
      %parallel_loop3A_763 = tpu.vector_load %parallel_loop3A_761[%parallel_loop3A_762] {strides = array<i32>} : memref<128xf32, #tpu.memory_space<vmem>>, vector<16xf32>,
      %parallel_loop3A_764 = vector.shape_cast %parallel_loop3A_763 : vector<16xf32> to vector<16xf32>
      %parallel_loop3A_765 = vector.broadcast %parallel_loop3A_758 : i32 to vector<16x1xi32>
      %parallel_loop3A_766 = vector.shape_cast %parallel_loop3A_765 : vector<16x1xi32> to vector<16xi32>
      %parallel_loop3A_767 = tpu.dynamic_gather %parallel_loop3A_764[%parallel_loop3A_766] in [0] : vector<16xf32>, vector<16xi32> -> vector<16xf32>
      %parallel_loop3A_768 = arith.constant 0 : i32
      %parallel_loop3A_769 = arith.constant 0 : i32
      %parallel_loop3A_770 = tpu.memref_slice %arg9[%parallel_loop3A_562, %parallel_loop3A_768, %parallel_loop3A_769] : memref<2x128x128xf32, #tpu.memory_space<vmem>> -> memref<1x128x128xf32, #tpu.memory_space<vmem>>
      %parallel_loop3A_771 = tpu.memref_squeeze %parallel_loop3A_770 : memref<1x128x128xf32, #tpu.memory_space<vmem>> -> memref<128x128xf32, #tpu.memory_space<vmem>>
      %parallel_loop3A_772 = arith.index_cast %parallel_loop3A_752 : i32 to index
      %parallel_loop3A_773 = arith.constant 0 : index
      %parallel_loop3A_774 = tpu.vector_load %parallel_loop3A_771[%parallel_loop3A_772, %parallel_loop3A_773] {strides = array<i32>} : memref<128x128xf32, #tpu.memory_space<vmem>>, vector<1x16xf32>,
      %parallel_loop3A_775 = vector.shape_cast %parallel_loop3A_774 : vector<1x16xf32> to vector<16xf32>
      %parallel_loop3A_776 = arith.mulf %parallel_loop3A_775, %parallel_loop3A_767 : vector<16xf32>
      %parallel_loop3A_777 = arith.constant 0 : i32
      %parallel_loop3A_778 = arith.constant 0 : i32
      %parallel_loop3A_779 = tpu.memref_slice %arg10[%parallel_loop3A_563, %parallel_loop3A_777, %parallel_loop3A_778] : memref<3x128x128xf32, #tpu.memory_space<vmem>> -> memref<1x128x128xf32, #tpu.memory_space<vmem>>
      %parallel_loop3A_780 = tpu.memref_squeeze %parallel_loop3A_779 : memref<1x128x128xf32, #tpu.memory_space<vmem>> -> memref<128x128xf32, #tpu.memory_space<vmem>>
      %parallel_loop3A_781 = arith.index_cast %parallel_loop3A_752 : i32 to index
      %parallel_loop3A_782 = arith.constant 0 : index
      %parallel_loop3A_783 = tpu.vector_load %parallel_loop3A_780[%parallel_loop3A_781, %parallel_loop3A_782] {strides = array<i32>} : memref<128x128xf32, #tpu.memory_space<vmem>>, vector<1x16xf32>,
      %parallel_loop3A_784 = vector.shape_cast %parallel_loop3A_783 : vector<1x16xf32> to vector<16xf32>
      %parallel_loop3A_785 = arith.addf %parallel_loop3A_776, %parallel_loop3A_784 : vector<16xf32>
      %parallel_loop3A_786 = arith.constant 0 : i32
      %parallel_loop3A_787 = arith.constant 0 : i32
      %parallel_loop3A_788 = tpu.memref_slice %arg10[%parallel_loop3A_563, %parallel_loop3A_786, %parallel_loop3A_787] : memref<3x128x128xf32, #tpu.memory_space<vmem>> -> memref<1x128x128xf32, #tpu.memory_space<vmem>>
      %parallel_loop3A_789 = tpu.memref_squeeze %parallel_loop3A_788 : memref<1x128x128xf32, #tpu.memory_space<vmem>> -> memref<128x128xf32, #tpu.memory_space<vmem>>
      %parallel_loop3A_790 = arith.index_cast %parallel_loop3A_752 : i32 to index
      %parallel_loop3A_791 = arith.constant 0 : index
      %parallel_loop3A_792 = tpu.vector_load %parallel_loop3A_789[%parallel_loop3A_790, %parallel_loop3A_791] {strides = array<i32>} : memref<128x128xf32, #tpu.memory_space<vmem>>, vector<1x16xf32>,
      %parallel_loop3A_793 = vector.shape_cast %parallel_loop3A_792 : vector<1x16xf32> to vector<16xf32>
      %parallel_loop3A_794 = vector.shape_cast %parallel_loop3A_785 : vector<16xf32> to vector<1x16xf32>
      tpu.vector_store %parallel_loop3A_789[%parallel_loop3A_790, %parallel_loop3A_791], %parallel_loop3A_794 {strides = array<i32>} : memref<128x128xf32, #tpu.memory_space<vmem>>, vector<1x16xf32>,
      %parallel_loop3A_795 = arith.constant 0 : i32
      %parallel_loop3A_796 = arith.constant 0 : i32
      %parallel_loop3A_797 = tpu.memref_slice %arg9[%parallel_loop3A_562, %parallel_loop3A_795, %parallel_loop3A_796] : memref<2x128x128xf32, #tpu.memory_space<vmem>> -> memref<1x128x128xf32, #tpu.memory_space<vmem>>
      %parallel_loop3A_798 = tpu.memref_squeeze %parallel_loop3A_797 : memref<1x128x128xf32, #tpu.memory_space<vmem>> -> memref<128x128xf32, #tpu.memory_space<vmem>>
      %parallel_loop3A_799 = arith.index_cast %parallel_loop3A_752 : i32 to index
      %parallel_loop3A_800 = arith.constant 16 : index
      %parallel_loop3A_801 = tpu.vector_load %parallel_loop3A_798[%parallel_loop3A_799, %parallel_loop3A_800] {strides = array<i32>} : memref<128x128xf32, #tpu.memory_space<vmem>>, vector<1x16xf32>,
      %parallel_loop3A_802 = vector.shape_cast %parallel_loop3A_801 : vector<1x16xf32> to vector<16xf32>
      %parallel_loop3A_803 = arith.mulf %parallel_loop3A_802, %parallel_loop3A_767 : vector<16xf32>
      %parallel_loop3A_804 = arith.constant 0 : i32
      %parallel_loop3A_805 = arith.constant 0 : i32
      %parallel_loop3A_806 = tpu.memref_slice %arg10[%parallel_loop3A_563, %parallel_loop3A_804, %parallel_loop3A_805] : memref<3x128x128xf32, #tpu.memory_space<vmem>> -> memref<1x128x128xf32, #tpu.memory_space<vmem>>
      %parallel_loop3A_807 = tpu.memref_squeeze %parallel_loop3A_806 : memref<1x128x128xf32, #tpu.memory_space<vmem>> -> memref<128x128xf32, #tpu.memory_space<vmem>>
      %parallel_loop3A_808 = arith.index_cast %parallel_loop3A_752 : i32 to index
      %parallel_loop3A_809 = arith.constant 16 : index
      %parallel_loop3A_810 = tpu.vector_load %parallel_loop3A_807[%parallel_loop3A_808, %parallel_loop3A_809] {strides = array<i32>} : memref<128x128xf32, #tpu.memory_space<vmem>>, vector<1x16xf32>,
      %parallel_loop3A_811 = vector.shape_cast %parallel_loop3A_810 : vector<1x16xf32> to vector<16xf32>
      %parallel_loop3A_812 = arith.addf %parallel_loop3A_803, %parallel_loop3A_811 : vector<16xf32>
      %parallel_loop3A_813 = arith.constant 0 : i32
      %parallel_loop3A_814 = arith.constant 0 : i32
      %parallel_loop3A_815 = tpu.memref_slice %arg10[%parallel_loop3A_563, %parallel_loop3A_813, %parallel_loop3A_814] : memref<3x128x128xf32, #tpu.memory_space<vmem>> -> memref<1x128x128xf32, #tpu.memory_space<vmem>>
      %parallel_loop3A_816 = tpu.memref_squeeze %parallel_loop3A_815 : memref<1x128x128xf32, #tpu.memory_space<vmem>> -> memref<128x128xf32, #tpu.memory_space<vmem>>
      %parallel_loop3A_817 = arith.index_cast %parallel_loop3A_752 : i32 to index
      %parallel_loop3A_818 = arith.constant 16 : index
      %parallel_loop3A_819 = tpu.vector_load %parallel_loop3A_816[%parallel_loop3A_817, %parallel_loop3A_818] {strides = array<i32>} : memref<128x128xf32, #tpu.memory_space<vmem>>, vector<1x16xf32>,
      %parallel_loop3A_820 = vector.shape_cast %parallel_loop3A_819 : vector<1x16xf32> to vector<16xf32>
      %parallel_loop3A_821 = vector.shape_cast %parallel_loop3A_812 : vector<16xf32> to vector<1x16xf32>
      tpu.vector_store %parallel_loop3A_816[%parallel_loop3A_817, %parallel_loop3A_818], %parallel_loop3A_821 {strides = array<i32>} : memref<128x128xf32, #tpu.memory_space<vmem>>, vector<1x16xf32>,
      %parallel_loop3A_822 = arith.constant 0 : i32
      %parallel_loop3A_823 = arith.constant 0 : i32
      %parallel_loop3A_824 = tpu.memref_slice %arg9[%parallel_loop3A_562, %parallel_loop3A_822, %parallel_loop3A_823] : memref<2x128x128xf32, #tpu.memory_space<vmem>> -> memref<1x128x128xf32, #tpu.memory_space<vmem>>
      %parallel_loop3A_825 = tpu.memref_squeeze %parallel_loop3A_824 : memref<1x128x128xf32, #tpu.memory_space<vmem>> -> memref<128x128xf32, #tpu.memory_space<vmem>>
      %parallel_loop3A_826 = arith.index_cast %parallel_loop3A_752 : i32 to index
      %parallel_loop3A_827 = arith.constant 32 : index
      %parallel_loop3A_828 = tpu.vector_load %parallel_loop3A_825[%parallel_loop3A_826, %parallel_loop3A_827] {strides = array<i32>} : memref<128x128xf32, #tpu.memory_space<vmem>>, vector<1x16xf32>,
      %parallel_loop3A_829 = vector.shape_cast %parallel_loop3A_828 : vector<1x16xf32> to vector<16xf32>
      %parallel_loop3A_830 = arith.mulf %parallel_loop3A_829, %parallel_loop3A_767 : vector<16xf32>
      %parallel_loop3A_831 = arith.constant 0 : i32
      %parallel_loop3A_832 = arith.constant 0 : i32
      %parallel_loop3A_833 = tpu.memref_slice %arg10[%parallel_loop3A_563, %parallel_loop3A_831, %parallel_loop3A_832] : memref<3x128x128xf32, #tpu.memory_space<vmem>> -> memref<1x128x128xf32, #tpu.memory_space<vmem>>
      %parallel_loop3A_834 = tpu.memref_squeeze %parallel_loop3A_833 : memref<1x128x128xf32, #tpu.memory_space<vmem>> -> memref<128x128xf32, #tpu.memory_space<vmem>>
      %parallel_loop3A_835 = arith.index_cast %parallel_loop3A_752 : i32 to index
      %parallel_loop3A_836 = arith.constant 32 : index
      %parallel_loop3A_837 = tpu.vector_load %parallel_loop3A_834[%parallel_loop3A_835, %parallel_loop3A_836] {strides = array<i32>} : memref<128x128xf32, #tpu.memory_space<vmem>>, vector<1x16xf32>,
      %parallel_loop3A_838 = vector.shape_cast %parallel_loop3A_837 : vector<1x16xf32> to vector<16xf32>
      %parallel_loop3A_839 = arith.addf %parallel_loop3A_830, %parallel_loop3A_838 : vector<16xf32>
      %parallel_loop3A_840 = arith.constant 0 : i32
      %parallel_loop3A_841 = arith.constant 0 : i32
      %parallel_loop3A_842 = tpu.memref_slice %arg10[%parallel_loop3A_563, %parallel_loop3A_840, %parallel_loop3A_841] : memref<3x128x128xf32, #tpu.memory_space<vmem>> -> memref<1x128x128xf32, #tpu.memory_space<vmem>>
      %parallel_loop3A_843 = tpu.memref_squeeze %parallel_loop3A_842 : memref<1x128x128xf32, #tpu.memory_space<vmem>> -> memref<128x128xf32, #tpu.memory_space<vmem>>
      %parallel_loop3A_844 = arith.index_cast %parallel_loop3A_752 : i32 to index
      %parallel_loop3A_845 = arith.constant 32 : index
      %parallel_loop3A_846 = tpu.vector_load %parallel_loop3A_843[%parallel_loop3A_844, %parallel_loop3A_845] {strides = array<i32>} : memref<128x128xf32, #tpu.memory_space<vmem>>, vector<1x16xf32>,
      %parallel_loop3A_847 = vector.shape_cast %parallel_loop3A_846 : vector<1x16xf32> to vector<16xf32>
      %parallel_loop3A_848 = vector.shape_cast %parallel_loop3A_839 : vector<16xf32> to vector<1x16xf32>
      tpu.vector_store %parallel_loop3A_843[%parallel_loop3A_844, %parallel_loop3A_845], %parallel_loop3A_848 {strides = array<i32>} : memref<128x128xf32, #tpu.memory_space<vmem>>, vector<1x16xf32>,
      %parallel_loop3A_849 = arith.constant 0 : i32
      %parallel_loop3A_850 = arith.constant 0 : i32
      %parallel_loop3A_851 = tpu.memref_slice %arg9[%parallel_loop3A_562, %parallel_loop3A_849, %parallel_loop3A_850] : memref<2x128x128xf32, #tpu.memory_space<vmem>> -> memref<1x128x128xf32, #tpu.memory_space<vmem>>
      %parallel_loop3A_852 = tpu.memref_squeeze %parallel_loop3A_851 : memref<1x128x128xf32, #tpu.memory_space<vmem>> -> memref<128x128xf32, #tpu.memory_space<vmem>>
      %parallel_loop3A_853 = arith.index_cast %parallel_loop3A_752 : i32 to index
      %parallel_loop3A_854 = arith.constant 48 : index
      %parallel_loop3A_855 = tpu.vector_load %parallel_loop3A_852[%parallel_loop3A_853, %parallel_loop3A_854] {strides = array<i32>} : memref<128x128xf32, #tpu.memory_space<vmem>>, vector<1x16xf32>,
      %parallel_loop3A_856 = vector.shape_cast %parallel_loop3A_855 : vector<1x16xf32> to vector<16xf32>
      %parallel_loop3A_857 = arith.mulf %parallel_loop3A_856, %parallel_loop3A_767 : vector<16xf32>
      %parallel_loop3A_858 = arith.constant 0 : i32
      %parallel_loop3A_859 = arith.constant 0 : i32
      %parallel_loop3A_860 = tpu.memref_slice %arg10[%parallel_loop3A_563, %parallel_loop3A_858, %parallel_loop3A_859] : memref<3x128x128xf32, #tpu.memory_space<vmem>> -> memref<1x128x128xf32, #tpu.memory_space<vmem>>
      %parallel_loop3A_861 = tpu.memref_squeeze %parallel_loop3A_860 : memref<1x128x128xf32, #tpu.memory_space<vmem>> -> memref<128x128xf32, #tpu.memory_space<vmem>>
      %parallel_loop3A_862 = arith.index_cast %parallel_loop3A_752 : i32 to index
      %parallel_loop3A_863 = arith.constant 48 : index
      %parallel_loop3A_864 = tpu.vector_load %parallel_loop3A_861[%parallel_loop3A_862, %parallel_loop3A_863] {strides = array<i32>} : memref<128x128xf32, #tpu.memory_space<vmem>>, vector<1x16xf32>,
      %parallel_loop3A_865 = vector.shape_cast %parallel_loop3A_864 : vector<1x16xf32> to vector<16xf32>
      %parallel_loop3A_866 = arith.addf %parallel_loop3A_857, %parallel_loop3A_865 : vector<16xf32>
      %parallel_loop3A_867 = arith.constant 0 : i32
      %parallel_loop3A_868 = arith.constant 0 : i32
      %parallel_loop3A_869 = tpu.memref_slice %arg10[%parallel_loop3A_563, %parallel_loop3A_867, %parallel_loop3A_868] : memref<3x128x128xf32, #tpu.memory_space<vmem>> -> memref<1x128x128xf32, #tpu.memory_space<vmem>>
      %parallel_loop3A_870 = tpu.memref_squeeze %parallel_loop3A_869 : memref<1x128x128xf32, #tpu.memory_space<vmem>> -> memref<128x128xf32, #tpu.memory_space<vmem>>
      %parallel_loop3A_871 = arith.index_cast %parallel_loop3A_752 : i32 to index
      %parallel_loop3A_872 = arith.constant 48 : index
      %parallel_loop3A_873 = tpu.vector_load %parallel_loop3A_870[%parallel_loop3A_871, %parallel_loop3A_872] {strides = array<i32>} : memref<128x128xf32, #tpu.memory_space<vmem>>, vector<1x16xf32>,
      %parallel_loop3A_874 = vector.shape_cast %parallel_loop3A_873 : vector<1x16xf32> to vector<16xf32>
      %parallel_loop3A_875 = vector.shape_cast %parallel_loop3A_866 : vector<16xf32> to vector<1x16xf32>
      tpu.vector_store %parallel_loop3A_870[%parallel_loop3A_871, %parallel_loop3A_872], %parallel_loop3A_875 {strides = array<i32>} : memref<128x128xf32, #tpu.memory_space<vmem>>, vector<1x16xf32>,
      %parallel_loop3A_876 = arith.constant 0 : i32
      %parallel_loop3A_877 = arith.constant 0 : i32
      %parallel_loop3A_878 = tpu.memref_slice %arg9[%parallel_loop3A_562, %parallel_loop3A_876, %parallel_loop3A_877] : memref<2x128x128xf32, #tpu.memory_space<vmem>> -> memref<1x128x128xf32, #tpu.memory_space<vmem>>
      %parallel_loop3A_879 = tpu.memref_squeeze %parallel_loop3A_878 : memref<1x128x128xf32, #tpu.memory_space<vmem>> -> memref<128x128xf32, #tpu.memory_space<vmem>>
      %parallel_loop3A_880 = arith.index_cast %parallel_loop3A_752 : i32 to index
      %parallel_loop3A_881 = arith.constant 64 : index
      %parallel_loop3A_882 = tpu.vector_load %parallel_loop3A_879[%parallel_loop3A_880, %parallel_loop3A_881] {strides = array<i32>} : memref<128x128xf32, #tpu.memory_space<vmem>>, vector<1x16xf32>,
      %parallel_loop3A_883 = vector.shape_cast %parallel_loop3A_882 : vector<1x16xf32> to vector<16xf32>
      %parallel_loop3A_884 = arith.mulf %parallel_loop3A_883, %parallel_loop3A_767 : vector<16xf32>
      %parallel_loop3A_885 = arith.constant 0 : i32
      %parallel_loop3A_886 = arith.constant 0 : i32
      %parallel_loop3A_887 = tpu.memref_slice %arg10[%parallel_loop3A_563, %parallel_loop3A_885, %parallel_loop3A_886] : memref<3x128x128xf32, #tpu.memory_space<vmem>> -> memref<1x128x128xf32, #tpu.memory_space<vmem>>
      %parallel_loop3A_888 = tpu.memref_squeeze %parallel_loop3A_887 : memref<1x128x128xf32, #tpu.memory_space<vmem>> -> memref<128x128xf32, #tpu.memory_space<vmem>>
      %parallel_loop3A_889 = arith.index_cast %parallel_loop3A_752 : i32 to index
      %parallel_loop3A_890 = arith.constant 64 : index
      %parallel_loop3A_891 = tpu.vector_load %parallel_loop3A_888[%parallel_loop3A_889, %parallel_loop3A_890] {strides = array<i32>} : memref<128x128xf32, #tpu.memory_space<vmem>>, vector<1x16xf32>,
      %parallel_loop3A_892 = vector.shape_cast %parallel_loop3A_891 : vector<1x16xf32> to vector<16xf32>
      %parallel_loop3A_893 = arith.addf %parallel_loop3A_884, %parallel_loop3A_892 : vector<16xf32>
      %parallel_loop3A_894 = arith.constant 0 : i32
      %parallel_loop3A_895 = arith.constant 0 : i32
      %parallel_loop3A_896 = tpu.memref_slice %arg10[%parallel_loop3A_563, %parallel_loop3A_894, %parallel_loop3A_895] : memref<3x128x128xf32, #tpu.memory_space<vmem>> -> memref<1x128x128xf32, #tpu.memory_space<vmem>>
      %parallel_loop3A_897 = tpu.memref_squeeze %parallel_loop3A_896 : memref<1x128x128xf32, #tpu.memory_space<vmem>> -> memref<128x128xf32, #tpu.memory_space<vmem>>
      %parallel_loop3A_898 = arith.index_cast %parallel_loop3A_752 : i32 to index
      %parallel_loop3A_899 = arith.constant 64 : index
      %parallel_loop3A_900 = tpu.vector_load %parallel_loop3A_897[%parallel_loop3A_898, %parallel_loop3A_899] {strides = array<i32>} : memref<128x128xf32, #tpu.memory_space<vmem>>, vector<1x16xf32>,
      %parallel_loop3A_901 = vector.shape_cast %parallel_loop3A_900 : vector<1x16xf32> to vector<16xf32>
      %parallel_loop3A_902 = vector.shape_cast %parallel_loop3A_893 : vector<16xf32> to vector<1x16xf32>
      tpu.vector_store %parallel_loop3A_897[%parallel_loop3A_898, %parallel_loop3A_899], %parallel_loop3A_902 {strides = array<i32>} : memref<128x128xf32, #tpu.memory_space<vmem>>, vector<1x16xf32>,
      %parallel_loop3A_903 = arith.constant 0 : i32
      %parallel_loop3A_904 = arith.constant 0 : i32
      %parallel_loop3A_905 = tpu.memref_slice %arg9[%parallel_loop3A_562, %parallel_loop3A_903, %parallel_loop3A_904] : memref<2x128x128xf32, #tpu.memory_space<vmem>> -> memref<1x128x128xf32, #tpu.memory_space<vmem>>
      %parallel_loop3A_906 = tpu.memref_squeeze %parallel_loop3A_905 : memref<1x128x128xf32, #tpu.memory_space<vmem>> -> memref<128x128xf32, #tpu.memory_space<vmem>>
      %parallel_loop3A_907 = arith.index_cast %parallel_loop3A_752 : i32 to index
      %parallel_loop3A_908 = arith.constant 80 : index
      %parallel_loop3A_909 = tpu.vector_load %parallel_loop3A_906[%parallel_loop3A_907, %parallel_loop3A_908] {strides = array<i32>} : memref<128x128xf32, #tpu.memory_space<vmem>>, vector<1x16xf32>,
      %parallel_loop3A_910 = vector.shape_cast %parallel_loop3A_909 : vector<1x16xf32> to vector<16xf32>
      %parallel_loop3A_911 = arith.mulf %parallel_loop3A_910, %parallel_loop3A_767 : vector<16xf32>
      %parallel_loop3A_912 = arith.constant 0 : i32
      %parallel_loop3A_913 = arith.constant 0 : i32
      %parallel_loop3A_914 = tpu.memref_slice %arg10[%parallel_loop3A_563, %parallel_loop3A_912, %parallel_loop3A_913] : memref<3x128x128xf32, #tpu.memory_space<vmem>> -> memref<1x128x128xf32, #tpu.memory_space<vmem>>
      %parallel_loop3A_915 = tpu.memref_squeeze %parallel_loop3A_914 : memref<1x128x128xf32, #tpu.memory_space<vmem>> -> memref<128x128xf32, #tpu.memory_space<vmem>>
      %parallel_loop3A_916 = arith.index_cast %parallel_loop3A_752 : i32 to index
      %parallel_loop3A_917 = arith.constant 80 : index
      %parallel_loop3A_918 = tpu.vector_load %parallel_loop3A_915[%parallel_loop3A_916, %parallel_loop3A_917] {strides = array<i32>} : memref<128x128xf32, #tpu.memory_space<vmem>>, vector<1x16xf32>,
      %parallel_loop3A_919 = vector.shape_cast %parallel_loop3A_918 : vector<1x16xf32> to vector<16xf32>
      %parallel_loop3A_920 = arith.addf %parallel_loop3A_911, %parallel_loop3A_919 : vector<16xf32>
      %parallel_loop3A_921 = arith.constant 0 : i32
      %parallel_loop3A_922 = arith.constant 0 : i32
      %parallel_loop3A_923 = tpu.memref_slice %arg10[%parallel_loop3A_563, %parallel_loop3A_921, %parallel_loop3A_922] : memref<3x128x128xf32, #tpu.memory_space<vmem>> -> memref<1x128x128xf32, #tpu.memory_space<vmem>>
      %parallel_loop3A_924 = tpu.memref_squeeze %parallel_loop3A_923 : memref<1x128x128xf32, #tpu.memory_space<vmem>> -> memref<128x128xf32, #tpu.memory_space<vmem>>
      %parallel_loop3A_925 = arith.index_cast %parallel_loop3A_752 : i32 to index
      %parallel_loop3A_926 = arith.constant 80 : index
      %parallel_loop3A_927 = tpu.vector_load %parallel_loop3A_924[%parallel_loop3A_925, %parallel_loop3A_926] {strides = array<i32>} : memref<128x128xf32, #tpu.memory_space<vmem>>, vector<1x16xf32>,
      %parallel_loop3A_928 = vector.shape_cast %parallel_loop3A_927 : vector<1x16xf32> to vector<16xf32>
      %parallel_loop3A_929 = vector.shape_cast %parallel_loop3A_920 : vector<16xf32> to vector<1x16xf32>
      tpu.vector_store %parallel_loop3A_924[%parallel_loop3A_925, %parallel_loop3A_926], %parallel_loop3A_929 {strides = array<i32>} : memref<128x128xf32, #tpu.memory_space<vmem>>, vector<1x16xf32>,
      %parallel_loop3A_930 = arith.constant 0 : i32
      %parallel_loop3A_931 = arith.constant 0 : i32
      %parallel_loop3A_932 = tpu.memref_slice %arg9[%parallel_loop3A_562, %parallel_loop3A_930, %parallel_loop3A_931] : memref<2x128x128xf32, #tpu.memory_space<vmem>> -> memref<1x128x128xf32, #tpu.memory_space<vmem>>
      %parallel_loop3A_933 = tpu.memref_squeeze %parallel_loop3A_932 : memref<1x128x128xf32, #tpu.memory_space<vmem>> -> memref<128x128xf32, #tpu.memory_space<vmem>>
      %parallel_loop3A_934 = arith.index_cast %parallel_loop3A_752 : i32 to index
      %parallel_loop3A_935 = arith.constant 96 : index
      %parallel_loop3A_936 = tpu.vector_load %parallel_loop3A_933[%parallel_loop3A_934, %parallel_loop3A_935] {strides = array<i32>} : memref<128x128xf32, #tpu.memory_space<vmem>>, vector<1x16xf32>,
      %parallel_loop3A_937 = vector.shape_cast %parallel_loop3A_936 : vector<1x16xf32> to vector<16xf32>
      %parallel_loop3A_938 = arith.mulf %parallel_loop3A_937, %parallel_loop3A_767 : vector<16xf32>
      %parallel_loop3A_939 = arith.constant 0 : i32
      %parallel_loop3A_940 = arith.constant 0 : i32
      %parallel_loop3A_941 = tpu.memref_slice %arg10[%parallel_loop3A_563, %parallel_loop3A_939, %parallel_loop3A_940] : memref<3x128x128xf32, #tpu.memory_space<vmem>> -> memref<1x128x128xf32, #tpu.memory_space<vmem>>
      %parallel_loop3A_942 = tpu.memref_squeeze %parallel_loop3A_941 : memref<1x128x128xf32, #tpu.memory_space<vmem>> -> memref<128x128xf32, #tpu.memory_space<vmem>>
      %parallel_loop3A_943 = arith.index_cast %parallel_loop3A_752 : i32 to index
      %parallel_loop3A_944 = arith.constant 96 : index
      %parallel_loop3A_945 = tpu.vector_load %parallel_loop3A_942[%parallel_loop3A_943, %parallel_loop3A_944] {strides = array<i32>} : memref<128x128xf32, #tpu.memory_space<vmem>>, vector<1x16xf32>,
      %parallel_loop3A_946 = vector.shape_cast %parallel_loop3A_945 : vector<1x16xf32> to vector<16xf32>
      %parallel_loop3A_947 = arith.addf %parallel_loop3A_938, %parallel_loop3A_946 : vector<16xf32>
      %parallel_loop3A_948 = arith.constant 0 : i32
      %parallel_loop3A_949 = arith.constant 0 : i32
      %parallel_loop3A_950 = tpu.memref_slice %arg10[%parallel_loop3A_563, %parallel_loop3A_948, %parallel_loop3A_949] : memref<3x128x128xf32, #tpu.memory_space<vmem>> -> memref<1x128x128xf32, #tpu.memory_space<vmem>>
      %parallel_loop3A_951 = tpu.memref_squeeze %parallel_loop3A_950 : memref<1x128x128xf32, #tpu.memory_space<vmem>> -> memref<128x128xf32, #tpu.memory_space<vmem>>
      %parallel_loop3A_952 = arith.index_cast %parallel_loop3A_752 : i32 to index
      %parallel_loop3A_953 = arith.constant 96 : index
      %parallel_loop3A_954 = tpu.vector_load %parallel_loop3A_951[%parallel_loop3A_952, %parallel_loop3A_953] {strides = array<i32>} : memref<128x128xf32, #tpu.memory_space<vmem>>, vector<1x16xf32>,
      %parallel_loop3A_955 = vector.shape_cast %parallel_loop3A_954 : vector<1x16xf32> to vector<16xf32>
      %parallel_loop3A_956 = vector.shape_cast %parallel_loop3A_947 : vector<16xf32> to vector<1x16xf32>
      tpu.vector_store %parallel_loop3A_951[%parallel_loop3A_952, %parallel_loop3A_953], %parallel_loop3A_956 {strides = array<i32>} : memref<128x128xf32, #tpu.memory_space<vmem>>, vector<1x16xf32>,
      %parallel_loop3A_957 = arith.constant 0 : i32
      %parallel_loop3A_958 = arith.constant 0 : i32
      %parallel_loop3A_959 = tpu.memref_slice %arg9[%parallel_loop3A_562, %parallel_loop3A_957, %parallel_loop3A_958] : memref<2x128x128xf32, #tpu.memory_space<vmem>> -> memref<1x128x128xf32, #tpu.memory_space<vmem>>
      %parallel_loop3A_960 = tpu.memref_squeeze %parallel_loop3A_959 : memref<1x128x128xf32, #tpu.memory_space<vmem>> -> memref<128x128xf32, #tpu.memory_space<vmem>>
      %parallel_loop3A_961 = arith.index_cast %parallel_loop3A_752 : i32 to index
      %parallel_loop3A_962 = arith.constant 112 : index
      %parallel_loop3A_963 = tpu.vector_load %parallel_loop3A_960[%parallel_loop3A_961, %parallel_loop3A_962] {strides = array<i32>} : memref<128x128xf32, #tpu.memory_space<vmem>>, vector<1x16xf32>,
      %parallel_loop3A_964 = vector.shape_cast %parallel_loop3A_963 : vector<1x16xf32> to vector<16xf32>
      %parallel_loop3A_965 = arith.mulf %parallel_loop3A_964, %parallel_loop3A_767 : vector<16xf32>
      %parallel_loop3A_966 = arith.constant 0 : i32
      %parallel_loop3A_967 = arith.constant 0 : i32
      %parallel_loop3A_968 = tpu.memref_slice %arg10[%parallel_loop3A_563, %parallel_loop3A_966, %parallel_loop3A_967] : memref<3x128x128xf32, #tpu.memory_space<vmem>> -> memref<1x128x128xf32, #tpu.memory_space<vmem>>
      %parallel_loop3A_969 = tpu.memref_squeeze %parallel_loop3A_968 : memref<1x128x128xf32, #tpu.memory_space<vmem>> -> memref<128x128xf32, #tpu.memory_space<vmem>>
      %parallel_loop3A_970 = arith.index_cast %parallel_loop3A_752 : i32 to index
      %parallel_loop3A_971 = arith.constant 112 : index
      %parallel_loop3A_972 = tpu.vector_load %parallel_loop3A_969[%parallel_loop3A_970, %parallel_loop3A_971] {strides = array<i32>} : memref<128x128xf32, #tpu.memory_space<vmem>>, vector<1x16xf32>,
      %parallel_loop3A_973 = vector.shape_cast %parallel_loop3A_972 : vector<1x16xf32> to vector<16xf32>
      %parallel_loop3A_974 = arith.addf %parallel_loop3A_965, %parallel_loop3A_973 : vector<16xf32>
      %parallel_loop3A_975 = arith.constant 0 : i32
      %parallel_loop3A_976 = arith.constant 0 : i32
      %parallel_loop3A_977 = tpu.memref_slice %arg10[%parallel_loop3A_563, %parallel_loop3A_975, %parallel_loop3A_976] : memref<3x128x128xf32, #tpu.memory_space<vmem>> -> memref<1x128x128xf32, #tpu.memory_space<vmem>>
      %parallel_loop3A_978 = tpu.memref_squeeze %parallel_loop3A_977 : memref<1x128x128xf32, #tpu.memory_space<vmem>> -> memref<128x128xf32, #tpu.memory_space<vmem>>
      %parallel_loop3A_979 = arith.index_cast %parallel_loop3A_752 : i32 to index
      %parallel_loop3A_980 = arith.constant 112 : index
      %parallel_loop3A_981 = tpu.vector_load %parallel_loop3A_978[%parallel_loop3A_979, %parallel_loop3A_980] {strides = array<i32>} : memref<128x128xf32, #tpu.memory_space<vmem>>, vector<1x16xf32>,
      %parallel_loop3A_982 = vector.shape_cast %parallel_loop3A_981 : vector<1x16xf32> to vector<16xf32>
      %parallel_loop3A_983 = vector.shape_cast %parallel_loop3A_974 : vector<16xf32> to vector<1x16xf32>
      tpu.vector_store %parallel_loop3A_978[%parallel_loop3A_979, %parallel_loop3A_980], %parallel_loop3A_983 {strides = array<i32>} : memref<128x128xf32, #tpu.memory_space<vmem>>, vector<1x16xf32>,
    } {sc.loop_unroll_factor = 2 : i64, sc.parallel_access}
    %add3A_564 = arith.constant 256 : i32
    %add3A_565 = arith.addi %mul3A_2, %add3A_564 : i32
    %add3A_566 = arith.constant 0 : i32
    %add3A_567 = arith.addi %add3A_565, %add3A_566 : i32
    %dma_start3A_568 = arith.constant 2 : i32
    %dma_start3A_569 = arith.constant 2 : i32
    %dma_start3A_570 = arith.constant 0 : i32
    %dma_start3A_571 = arith.constant 0 : i32
    %dma_start3A_572 = tpu.memref_slice %arg10[%dma_start3A_568, %dma_start3A_570, %dma_start3A_571] : memref<3x128x128xf32, #tpu.memory_space<vmem>> -> memref<1x128x128xf32, #tpu.memory_space<vmem>>
    %dma_start3A_573 = tpu.memref_squeeze %dma_start3A_572 : memref<1x128x128xf32, #tpu.memory_space<vmem>> -> memref<128x128xf32, #tpu.memory_space<vmem>>
    %dma_start3A_574 = arith.constant 0 : i32
    %dma_start3A_575 = tpu.memref_slice %arg6[%add3A_567, %dma_start3A_574] : memref<16384x128xf32, #tpu.memory_space<hbm>> -> memref<128x128xf32, #tpu.memory_space<hbm>>
    %dma_start3A_576 = tpu.memref_slice %arg15[%dma_start3A_569] : memref<5x!tpu.dma_semaphore, #tpu.memory_space<semaphore_mem>> -> memref<1x!tpu.dma_semaphore, #tpu.memory_space<semaphore_mem>>
    %dma_start3A_577 = tpu.memref_squeeze %dma_start3A_576 : memref<1x!tpu.dma_semaphore, #tpu.memory_space<semaphore_mem>> -> memref<!tpu.dma_semaphore, #tpu.memory_space<semaphore_mem>>
    %dma_start3A_578 = arith.constant 0 : i32
    %dma_start3A_579 = tpu.memref_slice %arg6[%add3A_567, %dma_start3A_578] : memref<16384x128xf32, #tpu.memory_space<hbm>> -> memref<128x128xf32, #tpu.memory_space<hbm>>
    %dma_start3A_580 = arith.constant 0 : i32
    %dma_start3A_581 = arith.constant 0 : i32
    %dma_start3A_582 = tpu.memref_slice %arg10[%dma_start3A_568, %dma_start3A_580, %dma_start3A_581] : memref<3x128x128xf32, #tpu.memory_space<vmem>> -> memref<1x128x128xf32, #tpu.memory_space<vmem>>
    %dma_start3A_583 = tpu.memref_squeeze %dma_start3A_582 : memref<1x128x128xf32, #tpu.memory_space<vmem>> -> memref<128x128xf32, #tpu.memory_space<vmem>>
    tpu.enqueue_dma source(%dma_start3A_583 : memref<128x128xf32, #tpu.memory_space<vmem>>) target(%dma_start3A_579 : memref<128x128xf32, #tpu.memory_space<hbm>>) target_semaphore(%dma_start3A_577 : memref<!tpu.dma_semaphore, #tpu.memory_space<semaphore_mem>>)
    %dma_wait3A_584 = arith.constant 3 : i32
    %dma_wait3A_585 = arith.constant 0 : i32
    %dma_wait3A_586 = arith.constant 3 : i32
    %dma_wait3A_587 = arith.constant 0 : i32
    %dma_wait3A_588 = arith.constant 0 : i32
    %dma_wait3A_589 = tpu.memref_slice %arg10[%dma_wait3A_585, %dma_wait3A_587, %dma_wait3A_588] : memref<3x128x128xf32, #tpu.memory_space<vmem>> -> memref<1x128x128xf32, #tpu.memory_space<vmem>>
    %dma_wait3A_590 = tpu.memref_squeeze %dma_wait3A_589 : memref<1x128x128xf32, #tpu.memory_space<vmem>> -> memref<128x128xf32, #tpu.memory_space<vmem>>
    %dma_wait3A_591 = arith.constant 0 : i32
    %dma_wait3A_592 = tpu.memref_slice %arg7[%dma_wait3A_584, %dma_wait3A_591] : memref<4x128xi32, #tpu.memory_space<vmem>> -> memref<1x128xi32, #tpu.memory_space<vmem>>
    %dma_wait3A_593 = tpu.memref_squeeze %dma_wait3A_592 : memref<1x128xi32, #tpu.memory_space<vmem>> -> memref<128xi32, #tpu.memory_space<vmem>>
    %dma_wait3A_594 = arith.constant 0 : i32
    %dma_wait3A_595 = arith.constant 0 : i32
    %dma_wait3A_596 = tpu.memref_slice %arg5[%dma_wait3A_594, %dma_wait3A_595] : memref<100000x128xf32, #tpu.memory_space<hbm>> -> memref<100000x128xf32, #tpu.memory_space<hbm>>
    %dma_wait3A_597 = tpu.memref_slice %arg12[%dma_wait3A_586] : memref<5x!tpu.dma_semaphore, #tpu.memory_space<semaphore_mem>> -> memref<1x!tpu.dma_semaphore, #tpu.memory_space<semaphore_mem>>
    %dma_wait3A_598 = tpu.memref_squeeze %dma_wait3A_597 : memref<1x!tpu.dma_semaphore, #tpu.memory_space<semaphore_mem>> -> memref<!tpu.dma_semaphore, #tpu.memory_space<semaphore_mem>>
    tpu.wait_indirect_dma semaphore(%dma_wait3A_598 : memref<!tpu.dma_semaphore, #tpu.memory_space<semaphore_mem>>) src(%dma_wait3A_596 : memref<100000x128xf32, #tpu.memory_space<hbm>>) dst(%dma_wait3A_590 : memref<128x128xf32, #tpu.memory_space<vmem>>)
    %dma_wait3A_599 = arith.constant 3 : i32
    %dma_wait3A_600 = arith.constant 1 : i32
    %dma_wait3A_601 = arith.constant 3 : i32
    %dma_wait3A_602 = arith.constant 0 : i32
    %dma_wait3A_603 = tpu.memref_slice %arg8[%dma_wait3A_600, %dma_wait3A_602] : memref<2x128xf32, #tpu.memory_space<vmem>> -> memref<1x128xf32, #tpu.memory_space<vmem>>
    %dma_wait3A_604 = tpu.memref_squeeze %dma_wait3A_603 : memref<1x128xf32, #tpu.memory_space<vmem>> -> memref<128xf32, #tpu.memory_space<vmem>>
    %dma_wait3A_605 = arith.constant 0 : i32
    %dma_wait3A_606 = tpu.memref_slice %arg7[%dma_wait3A_599, %dma_wait3A_605] : memref<4x128xi32, #tpu.memory_space<vmem>> -> memref<1x128xi32, #tpu.memory_space<vmem>>
    %dma_wait3A_607 = tpu.memref_squeeze %dma_wait3A_606 : memref<1x128xi32, #tpu.memory_space<vmem>> -> memref<128xi32, #tpu.memory_space<vmem>>
    %dma_wait3A_608 = arith.constant 0 : i32
    %dma_wait3A_609 = tpu.memref_slice %arg4[%dma_wait3A_608] : memref<100000xf32, #tpu.memory_space<hbm>> -> memref<100000xf32, #tpu.memory_space<hbm>>
    %dma_wait3A_610 = tpu.memref_slice %arg13[%dma_wait3A_601] : memref<5x!tpu.dma_semaphore, #tpu.memory_space<semaphore_mem>> -> memref<1x!tpu.dma_semaphore, #tpu.memory_space<semaphore_mem>>
    %dma_wait3A_611 = tpu.memref_squeeze %dma_wait3A_610 : memref<1x!tpu.dma_semaphore, #tpu.memory_space<semaphore_mem>> -> memref<!tpu.dma_semaphore, #tpu.memory_space<semaphore_mem>>
    tpu.wait_indirect_dma semaphore(%dma_wait3A_611 : memref<!tpu.dma_semaphore, #tpu.memory_space<semaphore_mem>>) src(%dma_wait3A_609 : memref<100000xf32, #tpu.memory_space<hbm>>) dst(%dma_wait3A_604 : memref<128xf32, #tpu.memory_space<vmem>>)
    %dma_wait3A_612 = arith.constant 1 : i32
    %dma_wait3A_613 = arith.constant 3 : i32
    %dma_wait3A_614 = arith.constant 0 : i32
    %dma_wait3A_615 = arith.constant 0 : i32
    %dma_wait3A_616 = tpu.memref_slice %arg9[%dma_wait3A_612, %dma_wait3A_614, %dma_wait3A_615] : memref<2x128x128xf32, #tpu.memory_space<vmem>> -> memref<1x128x128xf32, #tpu.memory_space<vmem>>
    %dma_wait3A_617 = tpu.memref_squeeze %dma_wait3A_616 : memref<1x128x128xf32, #tpu.memory_space<vmem>> -> memref<128x128xf32, #tpu.memory_space<vmem>>
    %dma_wait3A_618 = arith.constant 0 : i32
    %dma_wait3A_619 = tpu.memref_slice %arg2[%add3A_465, %dma_wait3A_618] : memref<16384x128xf32, #tpu.memory_space<hbm>> -> memref<128x128xf32, #tpu.memory_space<hbm>>
    %dma_wait3A_620 = tpu.memref_slice %arg14[%dma_wait3A_613] : memref<5x!tpu.dma_semaphore, #tpu.memory_space<semaphore_mem>> -> memref<1x!tpu.dma_semaphore, #tpu.memory_space<semaphore_mem>>
    %dma_wait3A_621 = tpu.memref_squeeze %dma_wait3A_620 : memref<1x!tpu.dma_semaphore, #tpu.memory_space<semaphore_mem>> -> memref<!tpu.dma_semaphore, #tpu.memory_space<semaphore_mem>>
    %dma_wait3A_622 = arith.constant 0 : i32
    %dma_wait3A_623 = arith.constant 0 : i32
    %dma_wait3A_624 = tpu.memref_slice %arg9[%dma_wait3A_612, %dma_wait3A_622, %dma_wait3A_623] : memref<2x128x128xf32, #tpu.memory_space<vmem>> -> memref<1x128x128xf32, #tpu.memory_space<vmem>>
    %dma_wait3A_625 = tpu.memref_squeeze %dma_wait3A_624 : memref<1x128x128xf32, #tpu.memory_space<vmem>> -> memref<128x128xf32, #tpu.memory_space<vmem>>
    %dma_wait3A_626 = arith.constant 0 : i32
    %dma_wait3A_627 = tpu.memref_slice %arg2[%add3A_465, %dma_wait3A_626] : memref<16384x128xf32, #tpu.memory_space<hbm>> -> memref<128x128xf32, #tpu.memory_space<hbm>>
    tpu.wait_dma2 semaphore(%dma_wait3A_621 : memref<!tpu.dma_semaphore, #tpu.memory_space<semaphore_mem>>) src(%dma_wait3A_627 : memref<128x128xf32, #tpu.memory_space<hbm>>) dst(%dma_wait3A_625 : memref<128x128xf32, #tpu.memory_space<vmem>>)
    %parallel_loop3A_628 = arith.constant 0 : i32
    %parallel_loop3A_629 = arith.constant 4 : i32
    %parallel_loop3A_630 = arith.constant 1 : i32
    %parallel_loop3A_631 = arith.constant 1 : i32
    scf.for %parallel_loop3A_752 = %parallel_loop3A_628 to %parallel_loop3A_629 step %parallel_loop3A_630  : i32 {
      %parallel_loop3A_753 = arith.constant 16 : i32
      %parallel_loop3A_754 = arith.muli %parallel_loop3A_752, %parallel_loop3A_753 : i32
      %parallel_loop3A_755 = arith.constant 0 : i32
      %parallel_loop3A_756 = tpu.memref_slice %arg8[%parallel_loop3A_631, %parallel_loop3A_755] : memref<2x128xf32, #tpu.memory_space<vmem>> -> memref<1x128xf32, #tpu.memory_space<vmem>>
      %parallel_loop3A_757 = tpu.memref_squeeze %parallel_loop3A_756 : memref<1x128xf32, #tpu.memory_space<vmem>> -> memref<128xf32, #tpu.memory_space<vmem>>
      %parallel_loop3A_758 = arith.index_cast %parallel_loop3A_754 : i32 to index
      %parallel_loop3A_759 = tpu.vector_load %parallel_loop3A_757[%parallel_loop3A_758] {strides = array<i32>} : memref<128xf32, #tpu.memory_space<vmem>>, vector<16xf32>,
      %parallel_loop3A_760 = vector.shape_cast %parallel_loop3A_759 : vector<16xf32> to vector<16xf32>
      %parallel_loop3A_761 = math.exp %parallel_loop3A_760 : vector<16xf32>
      %parallel_loop3A_762 = arith.constant 16 : i32
      %parallel_loop3A_763 = arith.muli %parallel_loop3A_752, %parallel_loop3A_762 : i32
      %parallel_loop3A_764 = arith.constant 0 : i32
      %parallel_loop3A_765 = tpu.memref_slice %arg8[%parallel_loop3A_631, %parallel_loop3A_764] : memref<2x128xf32, #tpu.memory_space<vmem>> -> memref<1x128xf32, #tpu.memory_space<vmem>>
      %parallel_loop3A_766 = tpu.memref_squeeze %parallel_loop3A_765 : memref<1x128xf32, #tpu.memory_space<vmem>> -> memref<128xf32, #tpu.memory_space<vmem>>
      %parallel_loop3A_767 = arith.index_cast %parallel_loop3A_763 : i32 to index
      %parallel_loop3A_768 = tpu.vector_load %parallel_loop3A_766[%parallel_loop3A_767] {strides = array<i32>} : memref<128xf32, #tpu.memory_space<vmem>>, vector<16xf32>,
      %parallel_loop3A_769 = vector.shape_cast %parallel_loop3A_768 : vector<16xf32> to vector<16xf32>
      %parallel_loop3A_770 = vector.shape_cast %parallel_loop3A_761 : vector<16xf32> to vector<16xf32>
      tpu.vector_store %parallel_loop3A_766[%parallel_loop3A_767], %parallel_loop3A_770 {strides = array<i32>} : memref<128xf32, #tpu.memory_space<vmem>>, vector<16xf32>,
    } {sc.loop_unroll_factor = 1 : i64, sc.parallel_access}
    %parallel_loop3A_632 = arith.constant 0 : i32
    %parallel_loop3A_633 = arith.constant 64 : i32
    %parallel_loop3A_634 = arith.constant 1 : i32
    %parallel_loop3A_635 = arith.constant 1 : i32
    %parallel_loop3A_636 = arith.constant 1 : i32
    %parallel_loop3A_637 = arith.constant 0 : i32
    scf.for %parallel_loop3A_752 = %parallel_loop3A_632 to %parallel_loop3A_633 step %parallel_loop3A_634  : i32 {
      %parallel_loop3A_753 = arith.constant 4 : i32
      %parallel_loop3A_754 = arith.shrsi %parallel_loop3A_752, %parallel_loop3A_753 : i32
      %parallel_loop3A_755 = arith.constant 4 : i32
      %parallel_loop3A_756 = arith.shli %parallel_loop3A_754, %parallel_loop3A_755 : i32
      %parallel_loop3A_757 = arith.constant 15 : i32
      %parallel_loop3A_758 = arith.andi %parallel_loop3A_752, %parallel_loop3A_757 : i32
      %parallel_loop3A_759 = arith.constant 0 : i32
      %parallel_loop3A_760 = tpu.memref_slice %arg8[%parallel_loop3A_635, %parallel_loop3A_759] : memref<2x128xf32, #tpu.memory_space<vmem>> -> memref<1x128xf32, #tpu.memory_space<vmem>>
      %parallel_loop3A_761 = tpu.memref_squeeze %parallel_loop3A_760 : memref<1x128xf32, #tpu.memory_space<vmem>> -> memref<128xf32, #tpu.memory_space<vmem>>
      %parallel_loop3A_762 = arith.index_cast %parallel_loop3A_756 : i32 to index
      %parallel_loop3A_763 = tpu.vector_load %parallel_loop3A_761[%parallel_loop3A_762] {strides = array<i32>} : memref<128xf32, #tpu.memory_space<vmem>>, vector<16xf32>,
      %parallel_loop3A_764 = vector.shape_cast %parallel_loop3A_763 : vector<16xf32> to vector<16xf32>
      %parallel_loop3A_765 = vector.broadcast %parallel_loop3A_758 : i32 to vector<16x1xi32>
      %parallel_loop3A_766 = vector.shape_cast %parallel_loop3A_765 : vector<16x1xi32> to vector<16xi32>
      %parallel_loop3A_767 = tpu.dynamic_gather %parallel_loop3A_764[%parallel_loop3A_766] in [0] : vector<16xf32>, vector<16xi32> -> vector<16xf32>
      %parallel_loop3A_768 = arith.constant 0 : i32
      %parallel_loop3A_769 = arith.constant 0 : i32
      %parallel_loop3A_770 = tpu.memref_slice %arg9[%parallel_loop3A_636, %parallel_loop3A_768, %parallel_loop3A_769] : memref<2x128x128xf32, #tpu.memory_space<vmem>> -> memref<1x128x128xf32, #tpu.memory_space<vmem>>
      %parallel_loop3A_771 = tpu.memref_squeeze %parallel_loop3A_770 : memref<1x128x128xf32, #tpu.memory_space<vmem>> -> memref<128x128xf32, #tpu.memory_space<vmem>>
      %parallel_loop3A_772 = arith.index_cast %parallel_loop3A_752 : i32 to index
      %parallel_loop3A_773 = arith.constant 0 : index
      %parallel_loop3A_774 = tpu.vector_load %parallel_loop3A_771[%parallel_loop3A_772, %parallel_loop3A_773] {strides = array<i32>} : memref<128x128xf32, #tpu.memory_space<vmem>>, vector<1x16xf32>,
      %parallel_loop3A_775 = vector.shape_cast %parallel_loop3A_774 : vector<1x16xf32> to vector<16xf32>
      %parallel_loop3A_776 = arith.mulf %parallel_loop3A_775, %parallel_loop3A_767 : vector<16xf32>
      %parallel_loop3A_777 = arith.constant 0 : i32
      %parallel_loop3A_778 = arith.constant 0 : i32
      %parallel_loop3A_779 = tpu.memref_slice %arg10[%parallel_loop3A_637, %parallel_loop3A_777, %parallel_loop3A_778] : memref<3x128x128xf32, #tpu.memory_space<vmem>> -> memref<1x128x128xf32, #tpu.memory_space<vmem>>
      %parallel_loop3A_780 = tpu.memref_squeeze %parallel_loop3A_779 : memref<1x128x128xf32, #tpu.memory_space<vmem>> -> memref<128x128xf32, #tpu.memory_space<vmem>>
      %parallel_loop3A_781 = arith.index_cast %parallel_loop3A_752 : i32 to index
      %parallel_loop3A_782 = arith.constant 0 : index
      %parallel_loop3A_783 = tpu.vector_load %parallel_loop3A_780[%parallel_loop3A_781, %parallel_loop3A_782] {strides = array<i32>} : memref<128x128xf32, #tpu.memory_space<vmem>>, vector<1x16xf32>,
      %parallel_loop3A_784 = vector.shape_cast %parallel_loop3A_783 : vector<1x16xf32> to vector<16xf32>
      %parallel_loop3A_785 = arith.addf %parallel_loop3A_776, %parallel_loop3A_784 : vector<16xf32>
      %parallel_loop3A_786 = arith.constant 0 : i32
      %parallel_loop3A_787 = arith.constant 0 : i32
      %parallel_loop3A_788 = tpu.memref_slice %arg10[%parallel_loop3A_637, %parallel_loop3A_786, %parallel_loop3A_787] : memref<3x128x128xf32, #tpu.memory_space<vmem>> -> memref<1x128x128xf32, #tpu.memory_space<vmem>>
      %parallel_loop3A_789 = tpu.memref_squeeze %parallel_loop3A_788 : memref<1x128x128xf32, #tpu.memory_space<vmem>> -> memref<128x128xf32, #tpu.memory_space<vmem>>
      %parallel_loop3A_790 = arith.index_cast %parallel_loop3A_752 : i32 to index
      %parallel_loop3A_791 = arith.constant 0 : index
      %parallel_loop3A_792 = tpu.vector_load %parallel_loop3A_789[%parallel_loop3A_790, %parallel_loop3A_791] {strides = array<i32>} : memref<128x128xf32, #tpu.memory_space<vmem>>, vector<1x16xf32>,
      %parallel_loop3A_793 = vector.shape_cast %parallel_loop3A_792 : vector<1x16xf32> to vector<16xf32>
      %parallel_loop3A_794 = vector.shape_cast %parallel_loop3A_785 : vector<16xf32> to vector<1x16xf32>
      tpu.vector_store %parallel_loop3A_789[%parallel_loop3A_790, %parallel_loop3A_791], %parallel_loop3A_794 {strides = array<i32>} : memref<128x128xf32, #tpu.memory_space<vmem>>, vector<1x16xf32>,
      %parallel_loop3A_795 = arith.constant 0 : i32
      %parallel_loop3A_796 = arith.constant 0 : i32
      %parallel_loop3A_797 = tpu.memref_slice %arg9[%parallel_loop3A_636, %parallel_loop3A_795, %parallel_loop3A_796] : memref<2x128x128xf32, #tpu.memory_space<vmem>> -> memref<1x128x128xf32, #tpu.memory_space<vmem>>
      %parallel_loop3A_798 = tpu.memref_squeeze %parallel_loop3A_797 : memref<1x128x128xf32, #tpu.memory_space<vmem>> -> memref<128x128xf32, #tpu.memory_space<vmem>>
      %parallel_loop3A_799 = arith.index_cast %parallel_loop3A_752 : i32 to index
      %parallel_loop3A_800 = arith.constant 16 : index
      %parallel_loop3A_801 = tpu.vector_load %parallel_loop3A_798[%parallel_loop3A_799, %parallel_loop3A_800] {strides = array<i32>} : memref<128x128xf32, #tpu.memory_space<vmem>>, vector<1x16xf32>,
      %parallel_loop3A_802 = vector.shape_cast %parallel_loop3A_801 : vector<1x16xf32> to vector<16xf32>
      %parallel_loop3A_803 = arith.mulf %parallel_loop3A_802, %parallel_loop3A_767 : vector<16xf32>
      %parallel_loop3A_804 = arith.constant 0 : i32
      %parallel_loop3A_805 = arith.constant 0 : i32
      %parallel_loop3A_806 = tpu.memref_slice %arg10[%parallel_loop3A_637, %parallel_loop3A_804, %parallel_loop3A_805] : memref<3x128x128xf32, #tpu.memory_space<vmem>> -> memref<1x128x128xf32, #tpu.memory_space<vmem>>
      %parallel_loop3A_807 = tpu.memref_squeeze %parallel_loop3A_806 : memref<1x128x128xf32, #tpu.memory_space<vmem>> -> memref<128x128xf32, #tpu.memory_space<vmem>>
      %parallel_loop3A_808 = arith.index_cast %parallel_loop3A_752 : i32 to index
      %parallel_loop3A_809 = arith.constant 16 : index
      %parallel_loop3A_810 = tpu.vector_load %parallel_loop3A_807[%parallel_loop3A_808, %parallel_loop3A_809] {strides = array<i32>} : memref<128x128xf32, #tpu.memory_space<vmem>>, vector<1x16xf32>,
      %parallel_loop3A_811 = vector.shape_cast %parallel_loop3A_810 : vector<1x16xf32> to vector<16xf32>
      %parallel_loop3A_812 = arith.addf %parallel_loop3A_803, %parallel_loop3A_811 : vector<16xf32>
      %parallel_loop3A_813 = arith.constant 0 : i32
      %parallel_loop3A_814 = arith.constant 0 : i32
      %parallel_loop3A_815 = tpu.memref_slice %arg10[%parallel_loop3A_637, %parallel_loop3A_813, %parallel_loop3A_814] : memref<3x128x128xf32, #tpu.memory_space<vmem>> -> memref<1x128x128xf32, #tpu.memory_space<vmem>>
      %parallel_loop3A_816 = tpu.memref_squeeze %parallel_loop3A_815 : memref<1x128x128xf32, #tpu.memory_space<vmem>> -> memref<128x128xf32, #tpu.memory_space<vmem>>
      %parallel_loop3A_817 = arith.index_cast %parallel_loop3A_752 : i32 to index
      %parallel_loop3A_818 = arith.constant 16 : index
      %parallel_loop3A_819 = tpu.vector_load %parallel_loop3A_816[%parallel_loop3A_817, %parallel_loop3A_818] {strides = array<i32>} : memref<128x128xf32, #tpu.memory_space<vmem>>, vector<1x16xf32>,
      %parallel_loop3A_820 = vector.shape_cast %parallel_loop3A_819 : vector<1x16xf32> to vector<16xf32>
      %parallel_loop3A_821 = vector.shape_cast %parallel_loop3A_812 : vector<16xf32> to vector<1x16xf32>
      tpu.vector_store %parallel_loop3A_816[%parallel_loop3A_817, %parallel_loop3A_818], %parallel_loop3A_821 {strides = array<i32>} : memref<128x128xf32, #tpu.memory_space<vmem>>, vector<1x16xf32>,
      %parallel_loop3A_822 = arith.constant 0 : i32
      %parallel_loop3A_823 = arith.constant 0 : i32
      %parallel_loop3A_824 = tpu.memref_slice %arg9[%parallel_loop3A_636, %parallel_loop3A_822, %parallel_loop3A_823] : memref<2x128x128xf32, #tpu.memory_space<vmem>> -> memref<1x128x128xf32, #tpu.memory_space<vmem>>
      %parallel_loop3A_825 = tpu.memref_squeeze %parallel_loop3A_824 : memref<1x128x128xf32, #tpu.memory_space<vmem>> -> memref<128x128xf32, #tpu.memory_space<vmem>>
      %parallel_loop3A_826 = arith.index_cast %parallel_loop3A_752 : i32 to index
      %parallel_loop3A_827 = arith.constant 32 : index
      %parallel_loop3A_828 = tpu.vector_load %parallel_loop3A_825[%parallel_loop3A_826, %parallel_loop3A_827] {strides = array<i32>} : memref<128x128xf32, #tpu.memory_space<vmem>>, vector<1x16xf32>,
      %parallel_loop3A_829 = vector.shape_cast %parallel_loop3A_828 : vector<1x16xf32> to vector<16xf32>
      %parallel_loop3A_830 = arith.mulf %parallel_loop3A_829, %parallel_loop3A_767 : vector<16xf32>
      %parallel_loop3A_831 = arith.constant 0 : i32
      %parallel_loop3A_832 = arith.constant 0 : i32
      %parallel_loop3A_833 = tpu.memref_slice %arg10[%parallel_loop3A_637, %parallel_loop3A_831, %parallel_loop3A_832] : memref<3x128x128xf32, #tpu.memory_space<vmem>> -> memref<1x128x128xf32, #tpu.memory_space<vmem>>
      %parallel_loop3A_834 = tpu.memref_squeeze %parallel_loop3A_833 : memref<1x128x128xf32, #tpu.memory_space<vmem>> -> memref<128x128xf32, #tpu.memory_space<vmem>>
      %parallel_loop3A_835 = arith.index_cast %parallel_loop3A_752 : i32 to index
      %parallel_loop3A_836 = arith.constant 32 : index
      %parallel_loop3A_837 = tpu.vector_load %parallel_loop3A_834[%parallel_loop3A_835, %parallel_loop3A_836] {strides = array<i32>} : memref<128x128xf32, #tpu.memory_space<vmem>>, vector<1x16xf32>,
      %parallel_loop3A_838 = vector.shape_cast %parallel_loop3A_837 : vector<1x16xf32> to vector<16xf32>
      %parallel_loop3A_839 = arith.addf %parallel_loop3A_830, %parallel_loop3A_838 : vector<16xf32>
      %parallel_loop3A_840 = arith.constant 0 : i32
      %parallel_loop3A_841 = arith.constant 0 : i32
      %parallel_loop3A_842 = tpu.memref_slice %arg10[%parallel_loop3A_637, %parallel_loop3A_840, %parallel_loop3A_841] : memref<3x128x128xf32, #tpu.memory_space<vmem>> -> memref<1x128x128xf32, #tpu.memory_space<vmem>>
      %parallel_loop3A_843 = tpu.memref_squeeze %parallel_loop3A_842 : memref<1x128x128xf32, #tpu.memory_space<vmem>> -> memref<128x128xf32, #tpu.memory_space<vmem>>
      %parallel_loop3A_844 = arith.index_cast %parallel_loop3A_752 : i32 to index
      %parallel_loop3A_845 = arith.constant 32 : index
      %parallel_loop3A_846 = tpu.vector_load %parallel_loop3A_843[%parallel_loop3A_844, %parallel_loop3A_845] {strides = array<i32>} : memref<128x128xf32, #tpu.memory_space<vmem>>, vector<1x16xf32>,
      %parallel_loop3A_847 = vector.shape_cast %parallel_loop3A_846 : vector<1x16xf32> to vector<16xf32>
      %parallel_loop3A_848 = vector.shape_cast %parallel_loop3A_839 : vector<16xf32> to vector<1x16xf32>
      tpu.vector_store %parallel_loop3A_843[%parallel_loop3A_844, %parallel_loop3A_845], %parallel_loop3A_848 {strides = array<i32>} : memref<128x128xf32, #tpu.memory_space<vmem>>, vector<1x16xf32>,
      %parallel_loop3A_849 = arith.constant 0 : i32
      %parallel_loop3A_850 = arith.constant 0 : i32
      %parallel_loop3A_851 = tpu.memref_slice %arg9[%parallel_loop3A_636, %parallel_loop3A_849, %parallel_loop3A_850] : memref<2x128x128xf32, #tpu.memory_space<vmem>> -> memref<1x128x128xf32, #tpu.memory_space<vmem>>
      %parallel_loop3A_852 = tpu.memref_squeeze %parallel_loop3A_851 : memref<1x128x128xf32, #tpu.memory_space<vmem>> -> memref<128x128xf32, #tpu.memory_space<vmem>>
      %parallel_loop3A_853 = arith.index_cast %parallel_loop3A_752 : i32 to index
      %parallel_loop3A_854 = arith.constant 48 : index
      %parallel_loop3A_855 = tpu.vector_load %parallel_loop3A_852[%parallel_loop3A_853, %parallel_loop3A_854] {strides = array<i32>} : memref<128x128xf32, #tpu.memory_space<vmem>>, vector<1x16xf32>,
      %parallel_loop3A_856 = vector.shape_cast %parallel_loop3A_855 : vector<1x16xf32> to vector<16xf32>
      %parallel_loop3A_857 = arith.mulf %parallel_loop3A_856, %parallel_loop3A_767 : vector<16xf32>
      %parallel_loop3A_858 = arith.constant 0 : i32
      %parallel_loop3A_859 = arith.constant 0 : i32
      %parallel_loop3A_860 = tpu.memref_slice %arg10[%parallel_loop3A_637, %parallel_loop3A_858, %parallel_loop3A_859] : memref<3x128x128xf32, #tpu.memory_space<vmem>> -> memref<1x128x128xf32, #tpu.memory_space<vmem>>
      %parallel_loop3A_861 = tpu.memref_squeeze %parallel_loop3A_860 : memref<1x128x128xf32, #tpu.memory_space<vmem>> -> memref<128x128xf32, #tpu.memory_space<vmem>>
      %parallel_loop3A_862 = arith.index_cast %parallel_loop3A_752 : i32 to index
      %parallel_loop3A_863 = arith.constant 48 : index
      %parallel_loop3A_864 = tpu.vector_load %parallel_loop3A_861[%parallel_loop3A_862, %parallel_loop3A_863] {strides = array<i32>} : memref<128x128xf32, #tpu.memory_space<vmem>>, vector<1x16xf32>,
      %parallel_loop3A_865 = vector.shape_cast %parallel_loop3A_864 : vector<1x16xf32> to vector<16xf32>
      %parallel_loop3A_866 = arith.addf %parallel_loop3A_857, %parallel_loop3A_865 : vector<16xf32>
      %parallel_loop3A_867 = arith.constant 0 : i32
      %parallel_loop3A_868 = arith.constant 0 : i32
      %parallel_loop3A_869 = tpu.memref_slice %arg10[%parallel_loop3A_637, %parallel_loop3A_867, %parallel_loop3A_868] : memref<3x128x128xf32, #tpu.memory_space<vmem>> -> memref<1x128x128xf32, #tpu.memory_space<vmem>>
      %parallel_loop3A_870 = tpu.memref_squeeze %parallel_loop3A_869 : memref<1x128x128xf32, #tpu.memory_space<vmem>> -> memref<128x128xf32, #tpu.memory_space<vmem>>
      %parallel_loop3A_871 = arith.index_cast %parallel_loop3A_752 : i32 to index
      %parallel_loop3A_872 = arith.constant 48 : index
      %parallel_loop3A_873 = tpu.vector_load %parallel_loop3A_870[%parallel_loop3A_871, %parallel_loop3A_872] {strides = array<i32>} : memref<128x128xf32, #tpu.memory_space<vmem>>, vector<1x16xf32>,
      %parallel_loop3A_874 = vector.shape_cast %parallel_loop3A_873 : vector<1x16xf32> to vector<16xf32>
      %parallel_loop3A_875 = vector.shape_cast %parallel_loop3A_866 : vector<16xf32> to vector<1x16xf32>
      tpu.vector_store %parallel_loop3A_870[%parallel_loop3A_871, %parallel_loop3A_872], %parallel_loop3A_875 {strides = array<i32>} : memref<128x128xf32, #tpu.memory_space<vmem>>, vector<1x16xf32>,
      %parallel_loop3A_876 = arith.constant 0 : i32
      %parallel_loop3A_877 = arith.constant 0 : i32
      %parallel_loop3A_878 = tpu.memref_slice %arg9[%parallel_loop3A_636, %parallel_loop3A_876, %parallel_loop3A_877] : memref<2x128x128xf32, #tpu.memory_space<vmem>> -> memref<1x128x128xf32, #tpu.memory_space<vmem>>
      %parallel_loop3A_879 = tpu.memref_squeeze %parallel_loop3A_878 : memref<1x128x128xf32, #tpu.memory_space<vmem>> -> memref<128x128xf32, #tpu.memory_space<vmem>>
      %parallel_loop3A_880 = arith.index_cast %parallel_loop3A_752 : i32 to index
      %parallel_loop3A_881 = arith.constant 64 : index
      %parallel_loop3A_882 = tpu.vector_load %parallel_loop3A_879[%parallel_loop3A_880, %parallel_loop3A_881] {strides = array<i32>} : memref<128x128xf32, #tpu.memory_space<vmem>>, vector<1x16xf32>,
      %parallel_loop3A_883 = vector.shape_cast %parallel_loop3A_882 : vector<1x16xf32> to vector<16xf32>
      %parallel_loop3A_884 = arith.mulf %parallel_loop3A_883, %parallel_loop3A_767 : vector<16xf32>
      %parallel_loop3A_885 = arith.constant 0 : i32
      %parallel_loop3A_886 = arith.constant 0 : i32
      %parallel_loop3A_887 = tpu.memref_slice %arg10[%parallel_loop3A_637, %parallel_loop3A_885, %parallel_loop3A_886] : memref<3x128x128xf32, #tpu.memory_space<vmem>> -> memref<1x128x128xf32, #tpu.memory_space<vmem>>
      %parallel_loop3A_888 = tpu.memref_squeeze %parallel_loop3A_887 : memref<1x128x128xf32, #tpu.memory_space<vmem>> -> memref<128x128xf32, #tpu.memory_space<vmem>>
      %parallel_loop3A_889 = arith.index_cast %parallel_loop3A_752 : i32 to index
      %parallel_loop3A_890 = arith.constant 64 : index
      %parallel_loop3A_891 = tpu.vector_load %parallel_loop3A_888[%parallel_loop3A_889, %parallel_loop3A_890] {strides = array<i32>} : memref<128x128xf32, #tpu.memory_space<vmem>>, vector<1x16xf32>,
      %parallel_loop3A_892 = vector.shape_cast %parallel_loop3A_891 : vector<1x16xf32> to vector<16xf32>
      %parallel_loop3A_893 = arith.addf %parallel_loop3A_884, %parallel_loop3A_892 : vector<16xf32>
      %parallel_loop3A_894 = arith.constant 0 : i32
      %parallel_loop3A_895 = arith.constant 0 : i32
      %parallel_loop3A_896 = tpu.memref_slice %arg10[%parallel_loop3A_637, %parallel_loop3A_894, %parallel_loop3A_895] : memref<3x128x128xf32, #tpu.memory_space<vmem>> -> memref<1x128x128xf32, #tpu.memory_space<vmem>>
      %parallel_loop3A_897 = tpu.memref_squeeze %parallel_loop3A_896 : memref<1x128x128xf32, #tpu.memory_space<vmem>> -> memref<128x128xf32, #tpu.memory_space<vmem>>
      %parallel_loop3A_898 = arith.index_cast %parallel_loop3A_752 : i32 to index
      %parallel_loop3A_899 = arith.constant 64 : index
      %parallel_loop3A_900 = tpu.vector_load %parallel_loop3A_897[%parallel_loop3A_898, %parallel_loop3A_899] {strides = array<i32>} : memref<128x128xf32, #tpu.memory_space<vmem>>, vector<1x16xf32>,
      %parallel_loop3A_901 = vector.shape_cast %parallel_loop3A_900 : vector<1x16xf32> to vector<16xf32>
      %parallel_loop3A_902 = vector.shape_cast %parallel_loop3A_893 : vector<16xf32> to vector<1x16xf32>
      tpu.vector_store %parallel_loop3A_897[%parallel_loop3A_898, %parallel_loop3A_899], %parallel_loop3A_902 {strides = array<i32>} : memref<128x128xf32, #tpu.memory_space<vmem>>, vector<1x16xf32>,
      %parallel_loop3A_903 = arith.constant 0 : i32
      %parallel_loop3A_904 = arith.constant 0 : i32
      %parallel_loop3A_905 = tpu.memref_slice %arg9[%parallel_loop3A_636, %parallel_loop3A_903, %parallel_loop3A_904] : memref<2x128x128xf32, #tpu.memory_space<vmem>> -> memref<1x128x128xf32, #tpu.memory_space<vmem>>
      %parallel_loop3A_906 = tpu.memref_squeeze %parallel_loop3A_905 : memref<1x128x128xf32, #tpu.memory_space<vmem>> -> memref<128x128xf32, #tpu.memory_space<vmem>>
      %parallel_loop3A_907 = arith.index_cast %parallel_loop3A_752 : i32 to index
      %parallel_loop3A_908 = arith.constant 80 : index
      %parallel_loop3A_909 = tpu.vector_load %parallel_loop3A_906[%parallel_loop3A_907, %parallel_loop3A_908] {strides = array<i32>} : memref<128x128xf32, #tpu.memory_space<vmem>>, vector<1x16xf32>,
      %parallel_loop3A_910 = vector.shape_cast %parallel_loop3A_909 : vector<1x16xf32> to vector<16xf32>
      %parallel_loop3A_911 = arith.mulf %parallel_loop3A_910, %parallel_loop3A_767 : vector<16xf32>
      %parallel_loop3A_912 = arith.constant 0 : i32
      %parallel_loop3A_913 = arith.constant 0 : i32
      %parallel_loop3A_914 = tpu.memref_slice %arg10[%parallel_loop3A_637, %parallel_loop3A_912, %parallel_loop3A_913] : memref<3x128x128xf32, #tpu.memory_space<vmem>> -> memref<1x128x128xf32, #tpu.memory_space<vmem>>
      %parallel_loop3A_915 = tpu.memref_squeeze %parallel_loop3A_914 : memref<1x128x128xf32, #tpu.memory_space<vmem>> -> memref<128x128xf32, #tpu.memory_space<vmem>>
      %parallel_loop3A_916 = arith.index_cast %parallel_loop3A_752 : i32 to index
      %parallel_loop3A_917 = arith.constant 80 : index
      %parallel_loop3A_918 = tpu.vector_load %parallel_loop3A_915[%parallel_loop3A_916, %parallel_loop3A_917] {strides = array<i32>} : memref<128x128xf32, #tpu.memory_space<vmem>>, vector<1x16xf32>,
      %parallel_loop3A_919 = vector.shape_cast %parallel_loop3A_918 : vector<1x16xf32> to vector<16xf32>
      %parallel_loop3A_920 = arith.addf %parallel_loop3A_911, %parallel_loop3A_919 : vector<16xf32>
      %parallel_loop3A_921 = arith.constant 0 : i32
      %parallel_loop3A_922 = arith.constant 0 : i32
      %parallel_loop3A_923 = tpu.memref_slice %arg10[%parallel_loop3A_637, %parallel_loop3A_921, %parallel_loop3A_922] : memref<3x128x128xf32, #tpu.memory_space<vmem>> -> memref<1x128x128xf32, #tpu.memory_space<vmem>>
      %parallel_loop3A_924 = tpu.memref_squeeze %parallel_loop3A_923 : memref<1x128x128xf32, #tpu.memory_space<vmem>> -> memref<128x128xf32, #tpu.memory_space<vmem>>
      %parallel_loop3A_925 = arith.index_cast %parallel_loop3A_752 : i32 to index
      %parallel_loop3A_926 = arith.constant 80 : index
      %parallel_loop3A_927 = tpu.vector_load %parallel_loop3A_924[%parallel_loop3A_925, %parallel_loop3A_926] {strides = array<i32>} : memref<128x128xf32, #tpu.memory_space<vmem>>, vector<1x16xf32>,
      %parallel_loop3A_928 = vector.shape_cast %parallel_loop3A_927 : vector<1x16xf32> to vector<16xf32>
      %parallel_loop3A_929 = vector.shape_cast %parallel_loop3A_920 : vector<16xf32> to vector<1x16xf32>
      tpu.vector_store %parallel_loop3A_924[%parallel_loop3A_925, %parallel_loop3A_926], %parallel_loop3A_929 {strides = array<i32>} : memref<128x128xf32, #tpu.memory_space<vmem>>, vector<1x16xf32>,
      %parallel_loop3A_930 = arith.constant 0 : i32
      %parallel_loop3A_931 = arith.constant 0 : i32
      %parallel_loop3A_932 = tpu.memref_slice %arg9[%parallel_loop3A_636, %parallel_loop3A_930, %parallel_loop3A_931] : memref<2x128x128xf32, #tpu.memory_space<vmem>> -> memref<1x128x128xf32, #tpu.memory_space<vmem>>
      %parallel_loop3A_933 = tpu.memref_squeeze %parallel_loop3A_932 : memref<1x128x128xf32, #tpu.memory_space<vmem>> -> memref<128x128xf32, #tpu.memory_space<vmem>>
      %parallel_loop3A_934 = arith.index_cast %parallel_loop3A_752 : i32 to index
      %parallel_loop3A_935 = arith.constant 96 : index
      %parallel_loop3A_936 = tpu.vector_load %parallel_loop3A_933[%parallel_loop3A_934, %parallel_loop3A_935] {strides = array<i32>} : memref<128x128xf32, #tpu.memory_space<vmem>>, vector<1x16xf32>,
      %parallel_loop3A_937 = vector.shape_cast %parallel_loop3A_936 : vector<1x16xf32> to vector<16xf32>
      %parallel_loop3A_938 = arith.mulf %parallel_loop3A_937, %parallel_loop3A_767 : vector<16xf32>
      %parallel_loop3A_939 = arith.constant 0 : i32
      %parallel_loop3A_940 = arith.constant 0 : i32
      %parallel_loop3A_941 = tpu.memref_slice %arg10[%parallel_loop3A_637, %parallel_loop3A_939, %parallel_loop3A_940] : memref<3x128x128xf32, #tpu.memory_space<vmem>> -> memref<1x128x128xf32, #tpu.memory_space<vmem>>
      %parallel_loop3A_942 = tpu.memref_squeeze %parallel_loop3A_941 : memref<1x128x128xf32, #tpu.memory_space<vmem>> -> memref<128x128xf32, #tpu.memory_space<vmem>>
      %parallel_loop3A_943 = arith.index_cast %parallel_loop3A_752 : i32 to index
      %parallel_loop3A_944 = arith.constant 96 : index
      %parallel_loop3A_945 = tpu.vector_load %parallel_loop3A_942[%parallel_loop3A_943, %parallel_loop3A_944] {strides = array<i32>} : memref<128x128xf32, #tpu.memory_space<vmem>>, vector<1x16xf32>,
      %parallel_loop3A_946 = vector.shape_cast %parallel_loop3A_945 : vector<1x16xf32> to vector<16xf32>
      %parallel_loop3A_947 = arith.addf %parallel_loop3A_938, %parallel_loop3A_946 : vector<16xf32>
      %parallel_loop3A_948 = arith.constant 0 : i32
      %parallel_loop3A_949 = arith.constant 0 : i32
      %parallel_loop3A_950 = tpu.memref_slice %arg10[%parallel_loop3A_637, %parallel_loop3A_948, %parallel_loop3A_949] : memref<3x128x128xf32, #tpu.memory_space<vmem>> -> memref<1x128x128xf32, #tpu.memory_space<vmem>>
      %parallel_loop3A_951 = tpu.memref_squeeze %parallel_loop3A_950 : memref<1x128x128xf32, #tpu.memory_space<vmem>> -> memref<128x128xf32, #tpu.memory_space<vmem>>
      %parallel_loop3A_952 = arith.index_cast %parallel_loop3A_752 : i32 to index
      %parallel_loop3A_953 = arith.constant 96 : index
      %parallel_loop3A_954 = tpu.vector_load %parallel_loop3A_951[%parallel_loop3A_952, %parallel_loop3A_953] {strides = array<i32>} : memref<128x128xf32, #tpu.memory_space<vmem>>, vector<1x16xf32>,
      %parallel_loop3A_955 = vector.shape_cast %parallel_loop3A_954 : vector<1x16xf32> to vector<16xf32>
      %parallel_loop3A_956 = vector.shape_cast %parallel_loop3A_947 : vector<16xf32> to vector<1x16xf32>
      tpu.vector_store %parallel_loop3A_951[%parallel_loop3A_952, %parallel_loop3A_953], %parallel_loop3A_956 {strides = array<i32>} : memref<128x128xf32, #tpu.memory_space<vmem>>, vector<1x16xf32>,
      %parallel_loop3A_957 = arith.constant 0 : i32
      %parallel_loop3A_958 = arith.constant 0 : i32
      %parallel_loop3A_959 = tpu.memref_slice %arg9[%parallel_loop3A_636, %parallel_loop3A_957, %parallel_loop3A_958] : memref<2x128x128xf32, #tpu.memory_space<vmem>> -> memref<1x128x128xf32, #tpu.memory_space<vmem>>
      %parallel_loop3A_960 = tpu.memref_squeeze %parallel_loop3A_959 : memref<1x128x128xf32, #tpu.memory_space<vmem>> -> memref<128x128xf32, #tpu.memory_space<vmem>>
      %parallel_loop3A_961 = arith.index_cast %parallel_loop3A_752 : i32 to index
      %parallel_loop3A_962 = arith.constant 112 : index
      %parallel_loop3A_963 = tpu.vector_load %parallel_loop3A_960[%parallel_loop3A_961, %parallel_loop3A_962] {strides = array<i32>} : memref<128x128xf32, #tpu.memory_space<vmem>>, vector<1x16xf32>,
      %parallel_loop3A_964 = vector.shape_cast %parallel_loop3A_963 : vector<1x16xf32> to vector<16xf32>
      %parallel_loop3A_965 = arith.mulf %parallel_loop3A_964, %parallel_loop3A_767 : vector<16xf32>
      %parallel_loop3A_966 = arith.constant 0 : i32
      %parallel_loop3A_967 = arith.constant 0 : i32
      %parallel_loop3A_968 = tpu.memref_slice %arg10[%parallel_loop3A_637, %parallel_loop3A_966, %parallel_loop3A_967] : memref<3x128x128xf32, #tpu.memory_space<vmem>> -> memref<1x128x128xf32, #tpu.memory_space<vmem>>
      %parallel_loop3A_969 = tpu.memref_squeeze %parallel_loop3A_968 : memref<1x128x128xf32, #tpu.memory_space<vmem>> -> memref<128x128xf32, #tpu.memory_space<vmem>>
      %parallel_loop3A_970 = arith.index_cast %parallel_loop3A_752 : i32 to index
      %parallel_loop3A_971 = arith.constant 112 : index
      %parallel_loop3A_972 = tpu.vector_load %parallel_loop3A_969[%parallel_loop3A_970, %parallel_loop3A_971] {strides = array<i32>} : memref<128x128xf32, #tpu.memory_space<vmem>>, vector<1x16xf32>,
      %parallel_loop3A_973 = vector.shape_cast %parallel_loop3A_972 : vector<1x16xf32> to vector<16xf32>
      %parallel_loop3A_974 = arith.addf %parallel_loop3A_965, %parallel_loop3A_973 : vector<16xf32>
      %parallel_loop3A_975 = arith.constant 0 : i32
      %parallel_loop3A_976 = arith.constant 0 : i32
      %parallel_loop3A_977 = tpu.memref_slice %arg10[%parallel_loop3A_637, %parallel_loop3A_975, %parallel_loop3A_976] : memref<3x128x128xf32, #tpu.memory_space<vmem>> -> memref<1x128x128xf32, #tpu.memory_space<vmem>>
      %parallel_loop3A_978 = tpu.memref_squeeze %parallel_loop3A_977 : memref<1x128x128xf32, #tpu.memory_space<vmem>> -> memref<128x128xf32, #tpu.memory_space<vmem>>
      %parallel_loop3A_979 = arith.index_cast %parallel_loop3A_752 : i32 to index
      %parallel_loop3A_980 = arith.constant 112 : index
      %parallel_loop3A_981 = tpu.vector_load %parallel_loop3A_978[%parallel_loop3A_979, %parallel_loop3A_980] {strides = array<i32>} : memref<128x128xf32, #tpu.memory_space<vmem>>, vector<1x16xf32>,
      %parallel_loop3A_982 = vector.shape_cast %parallel_loop3A_981 : vector<1x16xf32> to vector<16xf32>
      %parallel_loop3A_983 = vector.shape_cast %parallel_loop3A_974 : vector<16xf32> to vector<1x16xf32>
      tpu.vector_store %parallel_loop3A_978[%parallel_loop3A_979, %parallel_loop3A_980], %parallel_loop3A_983 {strides = array<i32>} : memref<128x128xf32, #tpu.memory_space<vmem>>, vector<1x16xf32>,
    } {sc.loop_unroll_factor = 2 : i64, sc.parallel_access}
    %add3A_638 = arith.constant 384 : i32
    %add3A_639 = arith.addi %mul3A_2, %add3A_638 : i32
    %add3A_640 = arith.constant 0 : i32
    %add3A_641 = arith.addi %add3A_639, %add3A_640 : i32
    %dma_start3A_642 = arith.constant 0 : i32
    %dma_start3A_643 = arith.constant 0 : i32
    %dma_start3A_644 = arith.constant 0 : i32
    %dma_start3A_645 = arith.constant 0 : i32
    %dma_start3A_646 = tpu.memref_slice %arg10[%dma_start3A_642, %dma_start3A_644, %dma_start3A_645] : memref<3x128x128xf32, #tpu.memory_space<vmem>> -> memref<1x64x128xf32, #tpu.memory_space<vmem>>
    %dma_start3A_647 = tpu.memref_squeeze %dma_start3A_646 : memref<1x64x128xf32, #tpu.memory_space<vmem>> -> memref<64x128xf32, #tpu.memory_space<vmem>>
    %dma_start3A_648 = arith.constant 0 : i32
    %dma_start3A_649 = tpu.memref_slice %arg6[%add3A_641, %dma_start3A_648] : memref<16384x128xf32, #tpu.memory_space<hbm>> -> memref<64x128xf32, #tpu.memory_space<hbm>>
    %dma_start3A_650 = tpu.memref_slice %arg15[%dma_start3A_643] : memref<5x!tpu.dma_semaphore, #tpu.memory_space<semaphore_mem>> -> memref<1x!tpu.dma_semaphore, #tpu.memory_space<semaphore_mem>>
    %dma_start3A_651 = tpu.memref_squeeze %dma_start3A_650 : memref<1x!tpu.dma_semaphore, #tpu.memory_space<semaphore_mem>> -> memref<!tpu.dma_semaphore, #tpu.memory_space<semaphore_mem>>
    %dma_start3A_652 = arith.constant 0 : i32
    %dma_start3A_653 = tpu.memref_slice %arg6[%add3A_641, %dma_start3A_652] : memref<16384x128xf32, #tpu.memory_space<hbm>> -> memref<64x128xf32, #tpu.memory_space<hbm>>
    %dma_start3A_654 = arith.constant 0 : i32
    %dma_start3A_655 = arith.constant 0 : i32
    %dma_start3A_656 = tpu.memref_slice %arg10[%dma_start3A_642, %dma_start3A_654, %dma_start3A_655] : memref<3x128x128xf32, #tpu.memory_space<vmem>> -> memref<1x64x128xf32, #tpu.memory_space<vmem>>
    %dma_start3A_657 = tpu.memref_squeeze %dma_start3A_656 : memref<1x64x128xf32, #tpu.memory_space<vmem>> -> memref<64x128xf32, #tpu.memory_space<vmem>>
    tpu.enqueue_dma source(%dma_start3A_657 : memref<64x128xf32, #tpu.memory_space<vmem>>) target(%dma_start3A_653 : memref<64x128xf32, #tpu.memory_space<hbm>>) target_semaphore(%dma_start3A_651 : memref<!tpu.dma_semaphore, #tpu.memory_space<semaphore_mem>>)
    %parallel_loop3A_658 = arith.constant 4 : i32
    %parallel_loop3A_659 = arith.constant 8 : i32
    %parallel_loop3A_660 = arith.constant 1 : i32
    %parallel_loop3A_661 = arith.constant 1 : i32
    scf.for %parallel_loop3A_752 = %parallel_loop3A_658 to %parallel_loop3A_659 step %parallel_loop3A_660  : i32 {
      %parallel_loop3A_753 = arith.constant 16 : i32
      %parallel_loop3A_754 = arith.muli %parallel_loop3A_752, %parallel_loop3A_753 : i32
      %parallel_loop3A_755 = arith.constant 0 : i32
      %parallel_loop3A_756 = tpu.memref_slice %arg8[%parallel_loop3A_661, %parallel_loop3A_755] : memref<2x128xf32, #tpu.memory_space<vmem>> -> memref<1x128xf32, #tpu.memory_space<vmem>>
      %parallel_loop3A_757 = tpu.memref_squeeze %parallel_loop3A_756 : memref<1x128xf32, #tpu.memory_space<vmem>> -> memref<128xf32, #tpu.memory_space<vmem>>
      %parallel_loop3A_758 = arith.index_cast %parallel_loop3A_754 : i32 to index
      %parallel_loop3A_759 = tpu.vector_load %parallel_loop3A_757[%parallel_loop3A_758] {strides = array<i32>} : memref<128xf32, #tpu.memory_space<vmem>>, vector<16xf32>,
      %parallel_loop3A_760 = vector.shape_cast %parallel_loop3A_759 : vector<16xf32> to vector<16xf32>
      %parallel_loop3A_761 = math.exp %parallel_loop3A_760 : vector<16xf32>
      %parallel_loop3A_762 = arith.constant 16 : i32
      %parallel_loop3A_763 = arith.muli %parallel_loop3A_752, %parallel_loop3A_762 : i32
      %parallel_loop3A_764 = arith.constant 0 : i32
      %parallel_loop3A_765 = tpu.memref_slice %arg8[%parallel_loop3A_661, %parallel_loop3A_764] : memref<2x128xf32, #tpu.memory_space<vmem>> -> memref<1x128xf32, #tpu.memory_space<vmem>>
      %parallel_loop3A_766 = tpu.memref_squeeze %parallel_loop3A_765 : memref<1x128xf32, #tpu.memory_space<vmem>> -> memref<128xf32, #tpu.memory_space<vmem>>
      %parallel_loop3A_767 = arith.index_cast %parallel_loop3A_763 : i32 to index
      %parallel_loop3A_768 = tpu.vector_load %parallel_loop3A_766[%parallel_loop3A_767] {strides = array<i32>} : memref<128xf32, #tpu.memory_space<vmem>>, vector<16xf32>,
      %parallel_loop3A_769 = vector.shape_cast %parallel_loop3A_768 : vector<16xf32> to vector<16xf32>
      %parallel_loop3A_770 = vector.shape_cast %parallel_loop3A_761 : vector<16xf32> to vector<16xf32>
      tpu.vector_store %parallel_loop3A_766[%parallel_loop3A_767], %parallel_loop3A_770 {strides = array<i32>} : memref<128xf32, #tpu.memory_space<vmem>>, vector<16xf32>,
    } {sc.loop_unroll_factor = 1 : i64, sc.parallel_access}
    %parallel_loop3A_662 = arith.constant 64 : i32
    %parallel_loop3A_663 = arith.constant 128 : i32
    %parallel_loop3A_664 = arith.constant 1 : i32
    %parallel_loop3A_665 = arith.constant 1 : i32
    %parallel_loop3A_666 = arith.constant 1 : i32
    %parallel_loop3A_667 = arith.constant 0 : i32
    scf.for %parallel_loop3A_752 = %parallel_loop3A_662 to %parallel_loop3A_663 step %parallel_loop3A_664  : i32 {
      %parallel_loop3A_753 = arith.constant 4 : i32
      %parallel_loop3A_754 = arith.shrsi %parallel_loop3A_752, %parallel_loop3A_753 : i32
      %parallel_loop3A_755 = arith.constant 4 : i32
      %parallel_loop3A_756 = arith.shli %parallel_loop3A_754, %parallel_loop3A_755 : i32
      %parallel_loop3A_757 = arith.constant 15 : i32
      %parallel_loop3A_758 = arith.andi %parallel_loop3A_752, %parallel_loop3A_757 : i32
      %parallel_loop3A_759 = arith.constant 0 : i32
      %parallel_loop3A_760 = tpu.memref_slice %arg8[%parallel_loop3A_665, %parallel_loop3A_759] : memref<2x128xf32, #tpu.memory_space<vmem>> -> memref<1x128xf32, #tpu.memory_space<vmem>>
      %parallel_loop3A_761 = tpu.memref_squeeze %parallel_loop3A_760 : memref<1x128xf32, #tpu.memory_space<vmem>> -> memref<128xf32, #tpu.memory_space<vmem>>
      %parallel_loop3A_762 = arith.index_cast %parallel_loop3A_756 : i32 to index
      %parallel_loop3A_763 = tpu.vector_load %parallel_loop3A_761[%parallel_loop3A_762] {strides = array<i32>} : memref<128xf32, #tpu.memory_space<vmem>>, vector<16xf32>,
      %parallel_loop3A_764 = vector.shape_cast %parallel_loop3A_763 : vector<16xf32> to vector<16xf32>
      %parallel_loop3A_765 = vector.broadcast %parallel_loop3A_758 : i32 to vector<16x1xi32>
      %parallel_loop3A_766 = vector.shape_cast %parallel_loop3A_765 : vector<16x1xi32> to vector<16xi32>
      %parallel_loop3A_767 = tpu.dynamic_gather %parallel_loop3A_764[%parallel_loop3A_766] in [0] : vector<16xf32>, vector<16xi32> -> vector<16xf32>
      %parallel_loop3A_768 = arith.constant 0 : i32
      %parallel_loop3A_769 = arith.constant 0 : i32
      %parallel_loop3A_770 = tpu.memref_slice %arg9[%parallel_loop3A_666, %parallel_loop3A_768, %parallel_loop3A_769] : memref<2x128x128xf32, #tpu.memory_space<vmem>> -> memref<1x128x128xf32, #tpu.memory_space<vmem>>
      %parallel_loop3A_771 = tpu.memref_squeeze %parallel_loop3A_770 : memref<1x128x128xf32, #tpu.memory_space<vmem>> -> memref<128x128xf32, #tpu.memory_space<vmem>>
      %parallel_loop3A_772 = arith.index_cast %parallel_loop3A_752 : i32 to index
      %parallel_loop3A_773 = arith.constant 0 : index
      %parallel_loop3A_774 = tpu.vector_load %parallel_loop3A_771[%parallel_loop3A_772, %parallel_loop3A_773] {strides = array<i32>} : memref<128x128xf32, #tpu.memory_space<vmem>>, vector<1x16xf32>,
      %parallel_loop3A_775 = vector.shape_cast %parallel_loop3A_774 : vector<1x16xf32> to vector<16xf32>
      %parallel_loop3A_776 = arith.mulf %parallel_loop3A_775, %parallel_loop3A_767 : vector<16xf32>
      %parallel_loop3A_777 = arith.constant 0 : i32
      %parallel_loop3A_778 = arith.constant 0 : i32
      %parallel_loop3A_779 = tpu.memref_slice %arg10[%parallel_loop3A_667, %parallel_loop3A_777, %parallel_loop3A_778] : memref<3x128x128xf32, #tpu.memory_space<vmem>> -> memref<1x128x128xf32, #tpu.memory_space<vmem>>
      %parallel_loop3A_780 = tpu.memref_squeeze %parallel_loop3A_779 : memref<1x128x128xf32, #tpu.memory_space<vmem>> -> memref<128x128xf32, #tpu.memory_space<vmem>>
      %parallel_loop3A_781 = arith.index_cast %parallel_loop3A_752 : i32 to index
      %parallel_loop3A_782 = arith.constant 0 : index
      %parallel_loop3A_783 = tpu.vector_load %parallel_loop3A_780[%parallel_loop3A_781, %parallel_loop3A_782] {strides = array<i32>} : memref<128x128xf32, #tpu.memory_space<vmem>>, vector<1x16xf32>,
      %parallel_loop3A_784 = vector.shape_cast %parallel_loop3A_783 : vector<1x16xf32> to vector<16xf32>
      %parallel_loop3A_785 = arith.addf %parallel_loop3A_776, %parallel_loop3A_784 : vector<16xf32>
      %parallel_loop3A_786 = arith.constant 0 : i32
      %parallel_loop3A_787 = arith.constant 0 : i32
      %parallel_loop3A_788 = tpu.memref_slice %arg10[%parallel_loop3A_667, %parallel_loop3A_786, %parallel_loop3A_787] : memref<3x128x128xf32, #tpu.memory_space<vmem>> -> memref<1x128x128xf32, #tpu.memory_space<vmem>>
      %parallel_loop3A_789 = tpu.memref_squeeze %parallel_loop3A_788 : memref<1x128x128xf32, #tpu.memory_space<vmem>> -> memref<128x128xf32, #tpu.memory_space<vmem>>
      %parallel_loop3A_790 = arith.index_cast %parallel_loop3A_752 : i32 to index
      %parallel_loop3A_791 = arith.constant 0 : index
      %parallel_loop3A_792 = tpu.vector_load %parallel_loop3A_789[%parallel_loop3A_790, %parallel_loop3A_791] {strides = array<i32>} : memref<128x128xf32, #tpu.memory_space<vmem>>, vector<1x16xf32>,
      %parallel_loop3A_793 = vector.shape_cast %parallel_loop3A_792 : vector<1x16xf32> to vector<16xf32>
      %parallel_loop3A_794 = vector.shape_cast %parallel_loop3A_785 : vector<16xf32> to vector<1x16xf32>
      tpu.vector_store %parallel_loop3A_789[%parallel_loop3A_790, %parallel_loop3A_791], %parallel_loop3A_794 {strides = array<i32>} : memref<128x128xf32, #tpu.memory_space<vmem>>, vector<1x16xf32>,
      %parallel_loop3A_795 = arith.constant 0 : i32
      %parallel_loop3A_796 = arith.constant 0 : i32
      %parallel_loop3A_797 = tpu.memref_slice %arg9[%parallel_loop3A_666, %parallel_loop3A_795, %parallel_loop3A_796] : memref<2x128x128xf32, #tpu.memory_space<vmem>> -> memref<1x128x128xf32, #tpu.memory_space<vmem>>
      %parallel_loop3A_798 = tpu.memref_squeeze %parallel_loop3A_797 : memref<1x128x128xf32, #tpu.memory_space<vmem>> -> memref<128x128xf32, #tpu.memory_space<vmem>>
      %parallel_loop3A_799 = arith.index_cast %parallel_loop3A_752 : i32 to index
      %parallel_loop3A_800 = arith.constant 16 : index
      %parallel_loop3A_801 = tpu.vector_load %parallel_loop3A_798[%parallel_loop3A_799, %parallel_loop3A_800] {strides = array<i32>} : memref<128x128xf32, #tpu.memory_space<vmem>>, vector<1x16xf32>,
      %parallel_loop3A_802 = vector.shape_cast %parallel_loop3A_801 : vector<1x16xf32> to vector<16xf32>
      %parallel_loop3A_803 = arith.mulf %parallel_loop3A_802, %parallel_loop3A_767 : vector<16xf32>
      %parallel_loop3A_804 = arith.constant 0 : i32
      %parallel_loop3A_805 = arith.constant 0 : i32
      %parallel_loop3A_806 = tpu.memref_slice %arg10[%parallel_loop3A_667, %parallel_loop3A_804, %parallel_loop3A_805] : memref<3x128x128xf32, #tpu.memory_space<vmem>> -> memref<1x128x128xf32, #tpu.memory_space<vmem>>
      %parallel_loop3A_807 = tpu.memref_squeeze %parallel_loop3A_806 : memref<1x128x128xf32, #tpu.memory_space<vmem>> -> memref<128x128xf32, #tpu.memory_space<vmem>>
      %parallel_loop3A_808 = arith.index_cast %parallel_loop3A_752 : i32 to index
      %parallel_loop3A_809 = arith.constant 16 : index
      %parallel_loop3A_810 = tpu.vector_load %parallel_loop3A_807[%parallel_loop3A_808, %parallel_loop3A_809] {strides = array<i32>} : memref<128x128xf32, #tpu.memory_space<vmem>>, vector<1x16xf32>,
      %parallel_loop3A_811 = vector.shape_cast %parallel_loop3A_810 : vector<1x16xf32> to vector<16xf32>
      %parallel_loop3A_812 = arith.addf %parallel_loop3A_803, %parallel_loop3A_811 : vector<16xf32>
      %parallel_loop3A_813 = arith.constant 0 : i32
      %parallel_loop3A_814 = arith.constant 0 : i32
      %parallel_loop3A_815 = tpu.memref_slice %arg10[%parallel_loop3A_667, %parallel_loop3A_813, %parallel_loop3A_814] : memref<3x128x128xf32, #tpu.memory_space<vmem>> -> memref<1x128x128xf32, #tpu.memory_space<vmem>>
      %parallel_loop3A_816 = tpu.memref_squeeze %parallel_loop3A_815 : memref<1x128x128xf32, #tpu.memory_space<vmem>> -> memref<128x128xf32, #tpu.memory_space<vmem>>
      %parallel_loop3A_817 = arith.index_cast %parallel_loop3A_752 : i32 to index
      %parallel_loop3A_818 = arith.constant 16 : index
      %parallel_loop3A_819 = tpu.vector_load %parallel_loop3A_816[%parallel_loop3A_817, %parallel_loop3A_818] {strides = array<i32>} : memref<128x128xf32, #tpu.memory_space<vmem>>, vector<1x16xf32>,
      %parallel_loop3A_820 = vector.shape_cast %parallel_loop3A_819 : vector<1x16xf32> to vector<16xf32>
      %parallel_loop3A_821 = vector.shape_cast %parallel_loop3A_812 : vector<16xf32> to vector<1x16xf32>
      tpu.vector_store %parallel_loop3A_816[%parallel_loop3A_817, %parallel_loop3A_818], %parallel_loop3A_821 {strides = array<i32>} : memref<128x128xf32, #tpu.memory_space<vmem>>, vector<1x16xf32>,
      %parallel_loop3A_822 = arith.constant 0 : i32
      %parallel_loop3A_823 = arith.constant 0 : i32
      %parallel_loop3A_824 = tpu.memref_slice %arg9[%parallel_loop3A_666, %parallel_loop3A_822, %parallel_loop3A_823] : memref<2x128x128xf32, #tpu.memory_space<vmem>> -> memref<1x128x128xf32, #tpu.memory_space<vmem>>
      %parallel_loop3A_825 = tpu.memref_squeeze %parallel_loop3A_824 : memref<1x128x128xf32, #tpu.memory_space<vmem>> -> memref<128x128xf32, #tpu.memory_space<vmem>>
      %parallel_loop3A_826 = arith.index_cast %parallel_loop3A_752 : i32 to index
      %parallel_loop3A_827 = arith.constant 32 : index
      %parallel_loop3A_828 = tpu.vector_load %parallel_loop3A_825[%parallel_loop3A_826, %parallel_loop3A_827] {strides = array<i32>} : memref<128x128xf32, #tpu.memory_space<vmem>>, vector<1x16xf32>,
      %parallel_loop3A_829 = vector.shape_cast %parallel_loop3A_828 : vector<1x16xf32> to vector<16xf32>
      %parallel_loop3A_830 = arith.mulf %parallel_loop3A_829, %parallel_loop3A_767 : vector<16xf32>
      %parallel_loop3A_831 = arith.constant 0 : i32
      %parallel_loop3A_832 = arith.constant 0 : i32
      %parallel_loop3A_833 = tpu.memref_slice %arg10[%parallel_loop3A_667, %parallel_loop3A_831, %parallel_loop3A_832] : memref<3x128x128xf32, #tpu.memory_space<vmem>> -> memref<1x128x128xf32, #tpu.memory_space<vmem>>
      %parallel_loop3A_834 = tpu.memref_squeeze %parallel_loop3A_833 : memref<1x128x128xf32, #tpu.memory_space<vmem>> -> memref<128x128xf32, #tpu.memory_space<vmem>>
      %parallel_loop3A_835 = arith.index_cast %parallel_loop3A_752 : i32 to index
      %parallel_loop3A_836 = arith.constant 32 : index
      %parallel_loop3A_837 = tpu.vector_load %parallel_loop3A_834[%parallel_loop3A_835, %parallel_loop3A_836] {strides = array<i32>} : memref<128x128xf32, #tpu.memory_space<vmem>>, vector<1x16xf32>,
      %parallel_loop3A_838 = vector.shape_cast %parallel_loop3A_837 : vector<1x16xf32> to vector<16xf32>
      %parallel_loop3A_839 = arith.addf %parallel_loop3A_830, %parallel_loop3A_838 : vector<16xf32>
      %parallel_loop3A_840 = arith.constant 0 : i32
      %parallel_loop3A_841 = arith.constant 0 : i32
      %parallel_loop3A_842 = tpu.memref_slice %arg10[%parallel_loop3A_667, %parallel_loop3A_840, %parallel_loop3A_841] : memref<3x128x128xf32, #tpu.memory_space<vmem>> -> memref<1x128x128xf32, #tpu.memory_space<vmem>>
      %parallel_loop3A_843 = tpu.memref_squeeze %parallel_loop3A_842 : memref<1x128x128xf32, #tpu.memory_space<vmem>> -> memref<128x128xf32, #tpu.memory_space<vmem>>
      %parallel_loop3A_844 = arith.index_cast %parallel_loop3A_752 : i32 to index
      %parallel_loop3A_845 = arith.constant 32 : index
      %parallel_loop3A_846 = tpu.vector_load %parallel_loop3A_843[%parallel_loop3A_844, %parallel_loop3A_845] {strides = array<i32>} : memref<128x128xf32, #tpu.memory_space<vmem>>, vector<1x16xf32>,
      %parallel_loop3A_847 = vector.shape_cast %parallel_loop3A_846 : vector<1x16xf32> to vector<16xf32>
      %parallel_loop3A_848 = vector.shape_cast %parallel_loop3A_839 : vector<16xf32> to vector<1x16xf32>
      tpu.vector_store %parallel_loop3A_843[%parallel_loop3A_844, %parallel_loop3A_845], %parallel_loop3A_848 {strides = array<i32>} : memref<128x128xf32, #tpu.memory_space<vmem>>, vector<1x16xf32>,
      %parallel_loop3A_849 = arith.constant 0 : i32
      %parallel_loop3A_850 = arith.constant 0 : i32
      %parallel_loop3A_851 = tpu.memref_slice %arg9[%parallel_loop3A_666, %parallel_loop3A_849, %parallel_loop3A_850] : memref<2x128x128xf32, #tpu.memory_space<vmem>> -> memref<1x128x128xf32, #tpu.memory_space<vmem>>
      %parallel_loop3A_852 = tpu.memref_squeeze %parallel_loop3A_851 : memref<1x128x128xf32, #tpu.memory_space<vmem>> -> memref<128x128xf32, #tpu.memory_space<vmem>>
      %parallel_loop3A_853 = arith.index_cast %parallel_loop3A_752 : i32 to index
      %parallel_loop3A_854 = arith.constant 48 : index
      %parallel_loop3A_855 = tpu.vector_load %parallel_loop3A_852[%parallel_loop3A_853, %parallel_loop3A_854] {strides = array<i32>} : memref<128x128xf32, #tpu.memory_space<vmem>>, vector<1x16xf32>,
      %parallel_loop3A_856 = vector.shape_cast %parallel_loop3A_855 : vector<1x16xf32> to vector<16xf32>
      %parallel_loop3A_857 = arith.mulf %parallel_loop3A_856, %parallel_loop3A_767 : vector<16xf32>
      %parallel_loop3A_858 = arith.constant 0 : i32
      %parallel_loop3A_859 = arith.constant 0 : i32
      %parallel_loop3A_860 = tpu.memref_slice %arg10[%parallel_loop3A_667, %parallel_loop3A_858, %parallel_loop3A_859] : memref<3x128x128xf32, #tpu.memory_space<vmem>> -> memref<1x128x128xf32, #tpu.memory_space<vmem>>
      %parallel_loop3A_861 = tpu.memref_squeeze %parallel_loop3A_860 : memref<1x128x128xf32, #tpu.memory_space<vmem>> -> memref<128x128xf32, #tpu.memory_space<vmem>>
      %parallel_loop3A_862 = arith.index_cast %parallel_loop3A_752 : i32 to index
      %parallel_loop3A_863 = arith.constant 48 : index
      %parallel_loop3A_864 = tpu.vector_load %parallel_loop3A_861[%parallel_loop3A_862, %parallel_loop3A_863] {strides = array<i32>} : memref<128x128xf32, #tpu.memory_space<vmem>>, vector<1x16xf32>,
      %parallel_loop3A_865 = vector.shape_cast %parallel_loop3A_864 : vector<1x16xf32> to vector<16xf32>
      %parallel_loop3A_866 = arith.addf %parallel_loop3A_857, %parallel_loop3A_865 : vector<16xf32>
      %parallel_loop3A_867 = arith.constant 0 : i32
      %parallel_loop3A_868 = arith.constant 0 : i32
      %parallel_loop3A_869 = tpu.memref_slice %arg10[%parallel_loop3A_667, %parallel_loop3A_867, %parallel_loop3A_868] : memref<3x128x128xf32, #tpu.memory_space<vmem>> -> memref<1x128x128xf32, #tpu.memory_space<vmem>>
      %parallel_loop3A_870 = tpu.memref_squeeze %parallel_loop3A_869 : memref<1x128x128xf32, #tpu.memory_space<vmem>> -> memref<128x128xf32, #tpu.memory_space<vmem>>
      %parallel_loop3A_871 = arith.index_cast %parallel_loop3A_752 : i32 to index
      %parallel_loop3A_872 = arith.constant 48 : index
      %parallel_loop3A_873 = tpu.vector_load %parallel_loop3A_870[%parallel_loop3A_871, %parallel_loop3A_872] {strides = array<i32>} : memref<128x128xf32, #tpu.memory_space<vmem>>, vector<1x16xf32>,
      %parallel_loop3A_874 = vector.shape_cast %parallel_loop3A_873 : vector<1x16xf32> to vector<16xf32>
      %parallel_loop3A_875 = vector.shape_cast %parallel_loop3A_866 : vector<16xf32> to vector<1x16xf32>
      tpu.vector_store %parallel_loop3A_870[%parallel_loop3A_871, %parallel_loop3A_872], %parallel_loop3A_875 {strides = array<i32>} : memref<128x128xf32, #tpu.memory_space<vmem>>, vector<1x16xf32>,
      %parallel_loop3A_876 = arith.constant 0 : i32
      %parallel_loop3A_877 = arith.constant 0 : i32
      %parallel_loop3A_878 = tpu.memref_slice %arg9[%parallel_loop3A_666, %parallel_loop3A_876, %parallel_loop3A_877] : memref<2x128x128xf32, #tpu.memory_space<vmem>> -> memref<1x128x128xf32, #tpu.memory_space<vmem>>
      %parallel_loop3A_879 = tpu.memref_squeeze %parallel_loop3A_878 : memref<1x128x128xf32, #tpu.memory_space<vmem>> -> memref<128x128xf32, #tpu.memory_space<vmem>>
      %parallel_loop3A_880 = arith.index_cast %parallel_loop3A_752 : i32 to index
      %parallel_loop3A_881 = arith.constant 64 : index
      %parallel_loop3A_882 = tpu.vector_load %parallel_loop3A_879[%parallel_loop3A_880, %parallel_loop3A_881] {strides = array<i32>} : memref<128x128xf32, #tpu.memory_space<vmem>>, vector<1x16xf32>,
      %parallel_loop3A_883 = vector.shape_cast %parallel_loop3A_882 : vector<1x16xf32> to vector<16xf32>
      %parallel_loop3A_884 = arith.mulf %parallel_loop3A_883, %parallel_loop3A_767 : vector<16xf32>
      %parallel_loop3A_885 = arith.constant 0 : i32
      %parallel_loop3A_886 = arith.constant 0 : i32
      %parallel_loop3A_887 = tpu.memref_slice %arg10[%parallel_loop3A_667, %parallel_loop3A_885, %parallel_loop3A_886] : memref<3x128x128xf32, #tpu.memory_space<vmem>> -> memref<1x128x128xf32, #tpu.memory_space<vmem>>
      %parallel_loop3A_888 = tpu.memref_squeeze %parallel_loop3A_887 : memref<1x128x128xf32, #tpu.memory_space<vmem>> -> memref<128x128xf32, #tpu.memory_space<vmem>>
      %parallel_loop3A_889 = arith.index_cast %parallel_loop3A_752 : i32 to index
      %parallel_loop3A_890 = arith.constant 64 : index
      %parallel_loop3A_891 = tpu.vector_load %parallel_loop3A_888[%parallel_loop3A_889, %parallel_loop3A_890] {strides = array<i32>} : memref<128x128xf32, #tpu.memory_space<vmem>>, vector<1x16xf32>,
      %parallel_loop3A_892 = vector.shape_cast %parallel_loop3A_891 : vector<1x16xf32> to vector<16xf32>
      %parallel_loop3A_893 = arith.addf %parallel_loop3A_884, %parallel_loop3A_892 : vector<16xf32>
      %parallel_loop3A_894 = arith.constant 0 : i32
      %parallel_loop3A_895 = arith.constant 0 : i32
      %parallel_loop3A_896 = tpu.memref_slice %arg10[%parallel_loop3A_667, %parallel_loop3A_894, %parallel_loop3A_895] : memref<3x128x128xf32, #tpu.memory_space<vmem>> -> memref<1x128x128xf32, #tpu.memory_space<vmem>>
      %parallel_loop3A_897 = tpu.memref_squeeze %parallel_loop3A_896 : memref<1x128x128xf32, #tpu.memory_space<vmem>> -> memref<128x128xf32, #tpu.memory_space<vmem>>
      %parallel_loop3A_898 = arith.index_cast %parallel_loop3A_752 : i32 to index
      %parallel_loop3A_899 = arith.constant 64 : index
      %parallel_loop3A_900 = tpu.vector_load %parallel_loop3A_897[%parallel_loop3A_898, %parallel_loop3A_899] {strides = array<i32>} : memref<128x128xf32, #tpu.memory_space<vmem>>, vector<1x16xf32>,
      %parallel_loop3A_901 = vector.shape_cast %parallel_loop3A_900 : vector<1x16xf32> to vector<16xf32>
      %parallel_loop3A_902 = vector.shape_cast %parallel_loop3A_893 : vector<16xf32> to vector<1x16xf32>
      tpu.vector_store %parallel_loop3A_897[%parallel_loop3A_898, %parallel_loop3A_899], %parallel_loop3A_902 {strides = array<i32>} : memref<128x128xf32, #tpu.memory_space<vmem>>, vector<1x16xf32>,
      %parallel_loop3A_903 = arith.constant 0 : i32
      %parallel_loop3A_904 = arith.constant 0 : i32
      %parallel_loop3A_905 = tpu.memref_slice %arg9[%parallel_loop3A_666, %parallel_loop3A_903, %parallel_loop3A_904] : memref<2x128x128xf32, #tpu.memory_space<vmem>> -> memref<1x128x128xf32, #tpu.memory_space<vmem>>
      %parallel_loop3A_906 = tpu.memref_squeeze %parallel_loop3A_905 : memref<1x128x128xf32, #tpu.memory_space<vmem>> -> memref<128x128xf32, #tpu.memory_space<vmem>>
      %parallel_loop3A_907 = arith.index_cast %parallel_loop3A_752 : i32 to index
      %parallel_loop3A_908 = arith.constant 80 : index
      %parallel_loop3A_909 = tpu.vector_load %parallel_loop3A_906[%parallel_loop3A_907, %parallel_loop3A_908] {strides = array<i32>} : memref<128x128xf32, #tpu.memory_space<vmem>>, vector<1x16xf32>,
      %parallel_loop3A_910 = vector.shape_cast %parallel_loop3A_909 : vector<1x16xf32> to vector<16xf32>
      %parallel_loop3A_911 = arith.mulf %parallel_loop3A_910, %parallel_loop3A_767 : vector<16xf32>
      %parallel_loop3A_912 = arith.constant 0 : i32
      %parallel_loop3A_913 = arith.constant 0 : i32
      %parallel_loop3A_914 = tpu.memref_slice %arg10[%parallel_loop3A_667, %parallel_loop3A_912, %parallel_loop3A_913] : memref<3x128x128xf32, #tpu.memory_space<vmem>> -> memref<1x128x128xf32, #tpu.memory_space<vmem>>
      %parallel_loop3A_915 = tpu.memref_squeeze %parallel_loop3A_914 : memref<1x128x128xf32, #tpu.memory_space<vmem>> -> memref<128x128xf32, #tpu.memory_space<vmem>>
      %parallel_loop3A_916 = arith.index_cast %parallel_loop3A_752 : i32 to index
      %parallel_loop3A_917 = arith.constant 80 : index
      %parallel_loop3A_918 = tpu.vector_load %parallel_loop3A_915[%parallel_loop3A_916, %parallel_loop3A_917] {strides = array<i32>} : memref<128x128xf32, #tpu.memory_space<vmem>>, vector<1x16xf32>,
      %parallel_loop3A_919 = vector.shape_cast %parallel_loop3A_918 : vector<1x16xf32> to vector<16xf32>
      %parallel_loop3A_920 = arith.addf %parallel_loop3A_911, %parallel_loop3A_919 : vector<16xf32>
      %parallel_loop3A_921 = arith.constant 0 : i32
      %parallel_loop3A_922 = arith.constant 0 : i32
      %parallel_loop3A_923 = tpu.memref_slice %arg10[%parallel_loop3A_667, %parallel_loop3A_921, %parallel_loop3A_922] : memref<3x128x128xf32, #tpu.memory_space<vmem>> -> memref<1x128x128xf32, #tpu.memory_space<vmem>>
      %parallel_loop3A_924 = tpu.memref_squeeze %parallel_loop3A_923 : memref<1x128x128xf32, #tpu.memory_space<vmem>> -> memref<128x128xf32, #tpu.memory_space<vmem>>
      %parallel_loop3A_925 = arith.index_cast %parallel_loop3A_752 : i32 to index
      %parallel_loop3A_926 = arith.constant 80 : index
      %parallel_loop3A_927 = tpu.vector_load %parallel_loop3A_924[%parallel_loop3A_925, %parallel_loop3A_926] {strides = array<i32>} : memref<128x128xf32, #tpu.memory_space<vmem>>, vector<1x16xf32>,
      %parallel_loop3A_928 = vector.shape_cast %parallel_loop3A_927 : vector<1x16xf32> to vector<16xf32>
      %parallel_loop3A_929 = vector.shape_cast %parallel_loop3A_920 : vector<16xf32> to vector<1x16xf32>
      tpu.vector_store %parallel_loop3A_924[%parallel_loop3A_925, %parallel_loop3A_926], %parallel_loop3A_929 {strides = array<i32>} : memref<128x128xf32, #tpu.memory_space<vmem>>, vector<1x16xf32>,
      %parallel_loop3A_930 = arith.constant 0 : i32
      %parallel_loop3A_931 = arith.constant 0 : i32
      %parallel_loop3A_932 = tpu.memref_slice %arg9[%parallel_loop3A_666, %parallel_loop3A_930, %parallel_loop3A_931] : memref<2x128x128xf32, #tpu.memory_space<vmem>> -> memref<1x128x128xf32, #tpu.memory_space<vmem>>
      %parallel_loop3A_933 = tpu.memref_squeeze %parallel_loop3A_932 : memref<1x128x128xf32, #tpu.memory_space<vmem>> -> memref<128x128xf32, #tpu.memory_space<vmem>>
      %parallel_loop3A_934 = arith.index_cast %parallel_loop3A_752 : i32 to index
      %parallel_loop3A_935 = arith.constant 96 : index
      %parallel_loop3A_936 = tpu.vector_load %parallel_loop3A_933[%parallel_loop3A_934, %parallel_loop3A_935] {strides = array<i32>} : memref<128x128xf32, #tpu.memory_space<vmem>>, vector<1x16xf32>,
      %parallel_loop3A_937 = vector.shape_cast %parallel_loop3A_936 : vector<1x16xf32> to vector<16xf32>
      %parallel_loop3A_938 = arith.mulf %parallel_loop3A_937, %parallel_loop3A_767 : vector<16xf32>
      %parallel_loop3A_939 = arith.constant 0 : i32
      %parallel_loop3A_940 = arith.constant 0 : i32
      %parallel_loop3A_941 = tpu.memref_slice %arg10[%parallel_loop3A_667, %parallel_loop3A_939, %parallel_loop3A_940] : memref<3x128x128xf32, #tpu.memory_space<vmem>> -> memref<1x128x128xf32, #tpu.memory_space<vmem>>
      %parallel_loop3A_942 = tpu.memref_squeeze %parallel_loop3A_941 : memref<1x128x128xf32, #tpu.memory_space<vmem>> -> memref<128x128xf32, #tpu.memory_space<vmem>>
      %parallel_loop3A_943 = arith.index_cast %parallel_loop3A_752 : i32 to index
      %parallel_loop3A_944 = arith.constant 96 : index
      %parallel_loop3A_945 = tpu.vector_load %parallel_loop3A_942[%parallel_loop3A_943, %parallel_loop3A_944] {strides = array<i32>} : memref<128x128xf32, #tpu.memory_space<vmem>>, vector<1x16xf32>,
      %parallel_loop3A_946 = vector.shape_cast %parallel_loop3A_945 : vector<1x16xf32> to vector<16xf32>
      %parallel_loop3A_947 = arith.addf %parallel_loop3A_938, %parallel_loop3A_946 : vector<16xf32>
      %parallel_loop3A_948 = arith.constant 0 : i32
      %parallel_loop3A_949 = arith.constant 0 : i32
      %parallel_loop3A_950 = tpu.memref_slice %arg10[%parallel_loop3A_667, %parallel_loop3A_948, %parallel_loop3A_949] : memref<3x128x128xf32, #tpu.memory_space<vmem>> -> memref<1x128x128xf32, #tpu.memory_space<vmem>>
      %parallel_loop3A_951 = tpu.memref_squeeze %parallel_loop3A_950 : memref<1x128x128xf32, #tpu.memory_space<vmem>> -> memref<128x128xf32, #tpu.memory_space<vmem>>
      %parallel_loop3A_952 = arith.index_cast %parallel_loop3A_752 : i32 to index
      %parallel_loop3A_953 = arith.constant 96 : index
      %parallel_loop3A_954 = tpu.vector_load %parallel_loop3A_951[%parallel_loop3A_952, %parallel_loop3A_953] {strides = array<i32>} : memref<128x128xf32, #tpu.memory_space<vmem>>, vector<1x16xf32>,
      %parallel_loop3A_955 = vector.shape_cast %parallel_loop3A_954 : vector<1x16xf32> to vector<16xf32>
      %parallel_loop3A_956 = vector.shape_cast %parallel_loop3A_947 : vector<16xf32> to vector<1x16xf32>
      tpu.vector_store %parallel_loop3A_951[%parallel_loop3A_952, %parallel_loop3A_953], %parallel_loop3A_956 {strides = array<i32>} : memref<128x128xf32, #tpu.memory_space<vmem>>, vector<1x16xf32>,
      %parallel_loop3A_957 = arith.constant 0 : i32
      %parallel_loop3A_958 = arith.constant 0 : i32
      %parallel_loop3A_959 = tpu.memref_slice %arg9[%parallel_loop3A_666, %parallel_loop3A_957, %parallel_loop3A_958] : memref<2x128x128xf32, #tpu.memory_space<vmem>> -> memref<1x128x128xf32, #tpu.memory_space<vmem>>
      %parallel_loop3A_960 = tpu.memref_squeeze %parallel_loop3A_959 : memref<1x128x128xf32, #tpu.memory_space<vmem>> -> memref<128x128xf32, #tpu.memory_space<vmem>>
      %parallel_loop3A_961 = arith.index_cast %parallel_loop3A_752 : i32 to index
      %parallel_loop3A_962 = arith.constant 112 : index
      %parallel_loop3A_963 = tpu.vector_load %parallel_loop3A_960[%parallel_loop3A_961, %parallel_loop3A_962] {strides = array<i32>} : memref<128x128xf32, #tpu.memory_space<vmem>>, vector<1x16xf32>,
      %parallel_loop3A_964 = vector.shape_cast %parallel_loop3A_963 : vector<1x16xf32> to vector<16xf32>
      %parallel_loop3A_965 = arith.mulf %parallel_loop3A_964, %parallel_loop3A_767 : vector<16xf32>
      %parallel_loop3A_966 = arith.constant 0 : i32
      %parallel_loop3A_967 = arith.constant 0 : i32
      %parallel_loop3A_968 = tpu.memref_slice %arg10[%parallel_loop3A_667, %parallel_loop3A_966, %parallel_loop3A_967] : memref<3x128x128xf32, #tpu.memory_space<vmem>> -> memref<1x128x128xf32, #tpu.memory_space<vmem>>
      %parallel_loop3A_969 = tpu.memref_squeeze %parallel_loop3A_968 : memref<1x128x128xf32, #tpu.memory_space<vmem>> -> memref<128x128xf32, #tpu.memory_space<vmem>>
      %parallel_loop3A_970 = arith.index_cast %parallel_loop3A_752 : i32 to index
      %parallel_loop3A_971 = arith.constant 112 : index
      %parallel_loop3A_972 = tpu.vector_load %parallel_loop3A_969[%parallel_loop3A_970, %parallel_loop3A_971] {strides = array<i32>} : memref<128x128xf32, #tpu.memory_space<vmem>>, vector<1x16xf32>,
      %parallel_loop3A_973 = vector.shape_cast %parallel_loop3A_972 : vector<1x16xf32> to vector<16xf32>
      %parallel_loop3A_974 = arith.addf %parallel_loop3A_965, %parallel_loop3A_973 : vector<16xf32>
      %parallel_loop3A_975 = arith.constant 0 : i32
      %parallel_loop3A_976 = arith.constant 0 : i32
      %parallel_loop3A_977 = tpu.memref_slice %arg10[%parallel_loop3A_667, %parallel_loop3A_975, %parallel_loop3A_976] : memref<3x128x128xf32, #tpu.memory_space<vmem>> -> memref<1x128x128xf32, #tpu.memory_space<vmem>>
      %parallel_loop3A_978 = tpu.memref_squeeze %parallel_loop3A_977 : memref<1x128x128xf32, #tpu.memory_space<vmem>> -> memref<128x128xf32, #tpu.memory_space<vmem>>
      %parallel_loop3A_979 = arith.index_cast %parallel_loop3A_752 : i32 to index
      %parallel_loop3A_980 = arith.constant 112 : index
      %parallel_loop3A_981 = tpu.vector_load %parallel_loop3A_978[%parallel_loop3A_979, %parallel_loop3A_980] {strides = array<i32>} : memref<128x128xf32, #tpu.memory_space<vmem>>, vector<1x16xf32>,
      %parallel_loop3A_982 = vector.shape_cast %parallel_loop3A_981 : vector<1x16xf32> to vector<16xf32>
      %parallel_loop3A_983 = vector.shape_cast %parallel_loop3A_974 : vector<16xf32> to vector<1x16xf32>
      tpu.vector_store %parallel_loop3A_978[%parallel_loop3A_979, %parallel_loop3A_980], %parallel_loop3A_983 {strides = array<i32>} : memref<128x128xf32, #tpu.memory_space<vmem>>, vector<1x16xf32>,
    } {sc.loop_unroll_factor = 2 : i64, sc.parallel_access}
    %add3A_668 = arith.constant 384 : i32
    %add3A_669 = arith.addi %mul3A_2, %add3A_668 : i32
    %add3A_670 = arith.constant 64 : i32
    %add3A_671 = arith.addi %add3A_669, %add3A_670 : i32
    %dma_start3A_672 = arith.constant 0 : i32
    %dma_start3A_673 = arith.constant 4 : i32
    %dma_start3A_674 = arith.constant 64 : i32
    %dma_start3A_675 = arith.constant 0 : i32
    %dma_start3A_676 = tpu.memref_slice %arg10[%dma_start3A_672, %dma_start3A_674, %dma_start3A_675] : memref<3x128x128xf32, #tpu.memory_space<vmem>> -> memref<1x64x128xf32, #tpu.memory_space<vmem>>
    %dma_start3A_677 = tpu.memref_squeeze %dma_start3A_676 : memref<1x64x128xf32, #tpu.memory_space<vmem>> -> memref<64x128xf32, #tpu.memory_space<vmem>>
    %dma_start3A_678 = arith.constant 0 : i32
    %dma_start3A_679 = tpu.memref_slice %arg6[%add3A_671, %dma_start3A_678] : memref<16384x128xf32, #tpu.memory_space<hbm>> -> memref<64x128xf32, #tpu.memory_space<hbm>>
    %dma_start3A_680 = tpu.memref_slice %arg15[%dma_start3A_673] : memref<5x!tpu.dma_semaphore, #tpu.memory_space<semaphore_mem>> -> memref<1x!tpu.dma_semaphore, #tpu.memory_space<semaphore_mem>>
    %dma_start3A_681 = tpu.memref_squeeze %dma_start3A_680 : memref<1x!tpu.dma_semaphore, #tpu.memory_space<semaphore_mem>> -> memref<!tpu.dma_semaphore, #tpu.memory_space<semaphore_mem>>
    %dma_start3A_682 = arith.constant 0 : i32
    %dma_start3A_683 = tpu.memref_slice %arg6[%add3A_671, %dma_start3A_682] : memref<16384x128xf32, #tpu.memory_space<hbm>> -> memref<64x128xf32, #tpu.memory_space<hbm>>
    %dma_start3A_684 = arith.constant 64 : i32
    %dma_start3A_685 = arith.constant 0 : i32
    %dma_start3A_686 = tpu.memref_slice %arg10[%dma_start3A_672, %dma_start3A_684, %dma_start3A_685] : memref<3x128x128xf32, #tpu.memory_space<vmem>> -> memref<1x64x128xf32, #tpu.memory_space<vmem>>
    %dma_start3A_687 = tpu.memref_squeeze %dma_start3A_686 : memref<1x64x128xf32, #tpu.memory_space<vmem>> -> memref<64x128xf32, #tpu.memory_space<vmem>>
    tpu.enqueue_dma source(%dma_start3A_687 : memref<64x128xf32, #tpu.memory_space<vmem>>) target(%dma_start3A_683 : memref<64x128xf32, #tpu.memory_space<hbm>>) target_semaphore(%dma_start3A_681 : memref<!tpu.dma_semaphore, #tpu.memory_space<semaphore_mem>>)
    %dma_wait3A_688 = arith.constant 1 : i32
    %dma_wait3A_689 = arith.constant 1 : i32
    %dma_wait3A_690 = arith.constant 0 : i32
    %dma_wait3A_691 = arith.constant 0 : i32
    %dma_wait3A_692 = tpu.memref_slice %arg10[%dma_wait3A_688, %dma_wait3A_690, %dma_wait3A_691] : memref<3x128x128xf32, #tpu.memory_space<vmem>> -> memref<1x128x128xf32, #tpu.memory_space<vmem>>
    %dma_wait3A_693 = tpu.memref_squeeze %dma_wait3A_692 : memref<1x128x128xf32, #tpu.memory_space<vmem>> -> memref<128x128xf32, #tpu.memory_space<vmem>>
    %dma_wait3A_694 = arith.constant 0 : i32
    %dma_wait3A_695 = tpu.memref_slice %arg6[%add3A_413, %dma_wait3A_694] : memref<16384x128xf32, #tpu.memory_space<hbm>> -> memref<128x128xf32, #tpu.memory_space<hbm>>
    %dma_wait3A_696 = tpu.memref_slice %arg15[%dma_wait3A_689] : memref<5x!tpu.dma_semaphore, #tpu.memory_space<semaphore_mem>> -> memref<1x!tpu.dma_semaphore, #tpu.memory_space<semaphore_mem>>
    %dma_wait3A_697 = tpu.memref_squeeze %dma_wait3A_696 : memref<1x!tpu.dma_semaphore, #tpu.memory_space<semaphore_mem>> -> memref<!tpu.dma_semaphore, #tpu.memory_space<semaphore_mem>>
    %dma_wait3A_698 = arith.constant 0 : i32
    %dma_wait3A_699 = tpu.memref_slice %arg6[%add3A_413, %dma_wait3A_698] : memref<16384x128xf32, #tpu.memory_space<hbm>> -> memref<128x128xf32, #tpu.memory_space<hbm>>
    %dma_wait3A_700 = arith.constant 0 : i32
    %dma_wait3A_701 = arith.constant 0 : i32
    %dma_wait3A_702 = tpu.memref_slice %arg10[%dma_wait3A_688, %dma_wait3A_700, %dma_wait3A_701] : memref<3x128x128xf32, #tpu.memory_space<vmem>> -> memref<1x128x128xf32, #tpu.memory_space<vmem>>
    %dma_wait3A_703 = tpu.memref_squeeze %dma_wait3A_702 : memref<1x128x128xf32, #tpu.memory_space<vmem>> -> memref<128x128xf32, #tpu.memory_space<vmem>>
    tpu.wait_dma2 semaphore(%dma_wait3A_697 : memref<!tpu.dma_semaphore, #tpu.memory_space<semaphore_mem>>) src(%dma_wait3A_703 : memref<128x128xf32, #tpu.memory_space<vmem>>) dst(%dma_wait3A_699 : memref<128x128xf32, #tpu.memory_space<hbm>>)
    %dma_wait3A_704 = arith.constant 2 : i32
    %dma_wait3A_705 = arith.constant 2 : i32
    %dma_wait3A_706 = arith.constant 0 : i32
    %dma_wait3A_707 = arith.constant 0 : i32
    %dma_wait3A_708 = tpu.memref_slice %arg10[%dma_wait3A_704, %dma_wait3A_706, %dma_wait3A_707] : memref<3x128x128xf32, #tpu.memory_space<vmem>> -> memref<1x128x128xf32, #tpu.memory_space<vmem>>
    %dma_wait3A_709 = tpu.memref_squeeze %dma_wait3A_708 : memref<1x128x128xf32, #tpu.memory_space<vmem>> -> memref<128x128xf32, #tpu.memory_space<vmem>>
    %dma_wait3A_710 = arith.constant 0 : i32
    %dma_wait3A_711 = tpu.memref_slice %arg6[%add3A_567, %dma_wait3A_710] : memref<16384x128xf32, #tpu.memory_space<hbm>> -> memref<128x128xf32, #tpu.memory_space<hbm>>
    %dma_wait3A_712 = tpu.memref_slice %arg15[%dma_wait3A_705] : memref<5x!tpu.dma_semaphore, #tpu.memory_space<semaphore_mem>> -> memref<1x!tpu.dma_semaphore, #tpu.memory_space<semaphore_mem>>
    %dma_wait3A_713 = tpu.memref_squeeze %dma_wait3A_712 : memref<1x!tpu.dma_semaphore, #tpu.memory_space<semaphore_mem>> -> memref<!tpu.dma_semaphore, #tpu.memory_space<semaphore_mem>>
    %dma_wait3A_714 = arith.constant 0 : i32
    %dma_wait3A_715 = tpu.memref_slice %arg6[%add3A_567, %dma_wait3A_714] : memref<16384x128xf32, #tpu.memory_space<hbm>> -> memref<128x128xf32, #tpu.memory_space<hbm>>
    %dma_wait3A_716 = arith.constant 0 : i32
    %dma_wait3A_717 = arith.constant 0 : i32
    %dma_wait3A_718 = tpu.memref_slice %arg10[%dma_wait3A_704, %dma_wait3A_716, %dma_wait3A_717] : memref<3x128x128xf32, #tpu.memory_space<vmem>> -> memref<1x128x128xf32, #tpu.memory_space<vmem>>
    %dma_wait3A_719 = tpu.memref_squeeze %dma_wait3A_718 : memref<1x128x128xf32, #tpu.memory_space<vmem>> -> memref<128x128xf32, #tpu.memory_space<vmem>>
    tpu.wait_dma2 semaphore(%dma_wait3A_713 : memref<!tpu.dma_semaphore, #tpu.memory_space<semaphore_mem>>) src(%dma_wait3A_719 : memref<128x128xf32, #tpu.memory_space<vmem>>) dst(%dma_wait3A_715 : memref<128x128xf32, #tpu.memory_space<hbm>>)
    %dma_wait3A_720 = arith.constant 0 : i32
    %dma_wait3A_721 = arith.constant 0 : i32
    %dma_wait3A_722 = arith.constant 0 : i32
    %dma_wait3A_723 = arith.constant 0 : i32
    %dma_wait3A_724 = tpu.memref_slice %arg10[%dma_wait3A_720, %dma_wait3A_722, %dma_wait3A_723] : memref<3x128x128xf32, #tpu.memory_space<vmem>> -> memref<1x64x128xf32, #tpu.memory_space<vmem>>
    %dma_wait3A_725 = tpu.memref_squeeze %dma_wait3A_724 : memref<1x64x128xf32, #tpu.memory_space<vmem>> -> memref<64x128xf32, #tpu.memory_space<vmem>>
    %dma_wait3A_726 = arith.constant 0 : i32
    %dma_wait3A_727 = tpu.memref_slice %arg6[%add3A_641, %dma_wait3A_726] : memref<16384x128xf32, #tpu.memory_space<hbm>> -> memref<64x128xf32, #tpu.memory_space<hbm>>
    %dma_wait3A_728 = tpu.memref_slice %arg15[%dma_wait3A_721] : memref<5x!tpu.dma_semaphore, #tpu.memory_space<semaphore_mem>> -> memref<1x!tpu.dma_semaphore, #tpu.memory_space<semaphore_mem>>
    %dma_wait3A_729 = tpu.memref_squeeze %dma_wait3A_728 : memref<1x!tpu.dma_semaphore, #tpu.memory_space<semaphore_mem>> -> memref<!tpu.dma_semaphore, #tpu.memory_space<semaphore_mem>>
    %dma_wait3A_730 = arith.constant 0 : i32
    %dma_wait3A_731 = tpu.memref_slice %arg6[%add3A_641, %dma_wait3A_730] : memref<16384x128xf32, #tpu.memory_space<hbm>> -> memref<64x128xf32, #tpu.memory_space<hbm>>
    %dma_wait3A_732 = arith.constant 0 : i32
    %dma_wait3A_733 = arith.constant 0 : i32
    %dma_wait3A_734 = tpu.memref_slice %arg10[%dma_wait3A_720, %dma_wait3A_732, %dma_wait3A_733] : memref<3x128x128xf32, #tpu.memory_space<vmem>> -> memref<1x64x128xf32, #tpu.memory_space<vmem>>
    %dma_wait3A_735 = tpu.memref_squeeze %dma_wait3A_734 : memref<1x64x128xf32, #tpu.memory_space<vmem>> -> memref<64x128xf32, #tpu.memory_space<vmem>>
    tpu.wait_dma2 semaphore(%dma_wait3A_729 : memref<!tpu.dma_semaphore, #tpu.memory_space<semaphore_mem>>) src(%dma_wait3A_735 : memref<64x128xf32, #tpu.memory_space<vmem>>) dst(%dma_wait3A_731 : memref<64x128xf32, #tpu.memory_space<hbm>>)
    %dma_wait3A_736 = arith.constant 0 : i32
    %dma_wait3A_737 = arith.constant 4 : i32
    %dma_wait3A_738 = arith.constant 64 : i32
    %dma_wait3A_739 = arith.constant 0 : i32
    %dma_wait3A_740 = tpu.memref_slice %arg10[%dma_wait3A_736, %dma_wait3A_738, %dma_wait3A_739] : memref<3x128x128xf32, #tpu.memory_space<vmem>> -> memref<1x64x128xf32, #tpu.memory_space<vmem>>
    %dma_wait3A_741 = tpu.memref_squeeze %dma_wait3A_740 : memref<1x64x128xf32, #tpu.memory_space<vmem>> -> memref<64x128xf32, #tpu.memory_space<vmem>>
    %dma_wait3A_742 = arith.constant 0 : i32
    %dma_wait3A_743 = tpu.memref_slice %arg6[%add3A_671, %dma_wait3A_742] : memref<16384x128xf32, #tpu.memory_space<hbm>> -> memref<64x128xf32, #tpu.memory_space<hbm>>
    %dma_wait3A_744 = tpu.memref_slice %arg15[%dma_wait3A_737] : memref<5x!tpu.dma_semaphore, #tpu.memory_space<semaphore_mem>> -> memref<1x!tpu.dma_semaphore, #tpu.memory_space<semaphore_mem>>
    %dma_wait3A_745 = tpu.memref_squeeze %dma_wait3A_744 : memref<1x!tpu.dma_semaphore, #tpu.memory_space<semaphore_mem>> -> memref<!tpu.dma_semaphore, #tpu.memory_space<semaphore_mem>>
    %dma_wait3A_746 = arith.constant 0 : i32
    %dma_wait3A_747 = tpu.memref_slice %arg6[%add3A_671, %dma_wait3A_746] : memref<16384x128xf32, #tpu.memory_space<hbm>> -> memref<64x128xf32, #tpu.memory_space<hbm>>
    %dma_wait3A_748 = arith.constant 64 : i32
    %dma_wait3A_749 = arith.constant 0 : i32
    %dma_wait3A_750 = tpu.memref_slice %arg10[%dma_wait3A_736, %dma_wait3A_748, %dma_wait3A_749] : memref<3x128x128xf32, #tpu.memory_space<vmem>> -> memref<1x64x128xf32, #tpu.memory_space<vmem>>
    %dma_wait3A_751 = tpu.memref_squeeze %dma_wait3A_750 : memref<1x64x128xf32, #tpu.memory_space<vmem>> -> memref<64x128xf32, #tpu.memory_space<vmem>>
    tpu.wait_dma2 semaphore(%dma_wait3A_745 : memref<!tpu.dma_semaphore, #tpu.memory_space<semaphore_mem>>) src(%dma_wait3A_751 : memref<64x128xf32, #tpu.memory_space<vmem>>) dst(%dma_wait3A_747 : memref<64x128xf32, #tpu.memory_space<hbm>>)
    return
  }
}

</mosaic_0001>

<sc_bundles>
// kernel: _calibrate.3.cloned.1.call-start
scs
__scs_entry_jumppad:
0x0: {  	(pc) =	sbr.rel $0x88, $3  }
0x1: {  	(tag) =	ssettag $0x0;
	lr =	simm.s32 $0x1  }
0x2: {  	[smem:$0x3F9D] =	sst lr;
	_ =	strace $0xD0000000  }
0x3: {  	_ = 	snop  }
0x4: {  	_ = 	snop  }
0x5: {  	_ = 	snop  }
0x6: {  	_ = 	snop  }
0x7: {  	_ = 	snop  }
__scs_overlays_trampoline_lowered:
0x8: {  	[smem:$0x3FAC] =	sst s0  }
0x9: {  	[smem:$0x3FAD] =	sst s1  }
0xa: {  	[smem:$0x3FAE] =	sst s2  }
0xb: {  	[smem:$0x3FAF] =	sst s3  }
0xc: {  	[smem:$0x3FB0] =	sst s4  }
0xd: {  	[smem:$0x3FB1] =	sst s5  }
0xe: {  	[smem:$0x3FB2] =	sst s6  }
0xf: {  	[smem:$0x3FB3] =	sst s7  }
0x10: {  	[smem:$0x3FB4] =	sst s8  }
0x11: {  	[smem:$0x3FB5] =	sst s9;
	s0 =	simm.s32 @!p0 $0x0  }
0x12: {  	s1 =	sld [smem:$0x3F9B];
	s0 =	simm.s32 @p0 $0x1  }
0x13: {  	[smem:$0x3FB6] =	sst s0;
	s0 =	simm.s32 @!p1 $0x0  }
0x14: {  	s2 =	sld [smem:$0x3F9A];
	s0 =	simm.s32 @p1 $0x1  }
0x15: {  	[smem:$0x3FB7] =	sst s0;
	s0 =	simm.s32 @!p2 $0x0  }
0x16: {  	s3 =	sld [smem:$0x3FDB];
	s0 =	simm.s32 @p2 $0x1  }
0x17: {  	s4 =	simm.s32 $0x1BF5;
	[smem:$0x3FB9] =	sst s0  }
0x18: {  	s0 =	sld [smem:$0x3F9C];
	_ =	swait.ge [sflag:s4], $0x0  }
0x19: {  	s7 =	sld [smem:$0x3F9D]  }
0x1a: {  	s8 =	sadd.s32 $0xFFFFE003, lr  }
0x1b: {  	s9 =	sadd.s32 $0xFFFFFEF7, lr;
	s5 =	simm.s32 $0xFFFFFFFF;
	p2 =	slt.u32 s8, $0xFFFFF086  }
0x1c: {  	p1 =	slt.u32 s9, $0xF7A;
	s5 =	simm.s32 @!p2 $0x0  }
0x1d: {  	s5 =	simm.s32 @p1 $0x1;
	p0 =	seq.s32 s7, s2  }
0x1e: {  	s7 =	smul.u32 @!p0 $0xF7A, s2;
	p2 =	seq.s32 @!p0 s5, $0x0  }
0x1f: {  	s9 =	smul.u32 $0xF7A, s1;
	s8 =	simm.s32 @!p0 $0x1BF5;
	p2 =	por !p2, p0  }
0x20: {  	[sflag:s8] =	ssyncset.s32 @!p0 $0xFFFFF086;
	s6 =	sadd.s32 @!p0 s3, s7;
	s7 =	simm.s32 @!p0 $0x108  }
0x21: {  	s3 =	sadd.s32 s3, s9;
	s6 =	sadd.s32 @!p0 $0x88, s6;
	s7 =	simm.s32 @p2 $0x1082  }
0x22: {  	[simem:s7], [sflag:s8] =	dma.local @!p0 [hbm:s6], $0xF7A  }
0x23: {  	s9 =	sor.u32 $0xD0000000, s2;
	s6 =	simm.s32 $0x108;
	_ =	swait.ge @!p0 [sflag:s8], $0x0  }
0x24: {  	s3 =	sadd.s32 $0x88, s3;
	s6 =	simm.s32 @!p1 $0x1082;
	[sflag:s4] =	ssyncset.s32 $0xFFFFF086  }
0x25: {  	[simem:s6], [sflag:s4] =	dma.local [hbm:s3], $0xF7A  }
0x26: {  	[smem:$0x3F9D] =	sst s1;
	(tag) =	ssettag s2;
	_ =	strace s9  }
0x27: {  	s1 =	sld [smem:$0x3FAD]  }
0x28: {  	s2 =	sld [smem:$0x3FAE]  }
0x29: {  	s4 =	sld [smem:$0x3FB0]  }
0x2a: {  	p0 =	seq.s32 s5, $0x0;
	s5 =	sld [smem:$0x3FB1]  }
0x2b: {  	s6 =	sld [smem:$0x3FB2]  }
0x2c: {  	s7 =	sld [smem:$0x3FB3]  }
0x2d: {  	s3 =	simm.s32 $0x108;
	s8 =	sld [smem:$0x3FB4]  }
0x2e: {  	s3 =	simm.s32 @!p0 $0x1082;
	s9 =	sld [smem:$0x3FB5]  }
0x2f: {  	lr =	sadd.s32 s0, s3;
	s0 =	sld [smem:$0x3FAC]  }
0x30: {  	s3 =	sld [smem:$0x3FAF]  }
0x31: {  	[smem:$0x3FB8] =	sst s10  }
0x32: {  	s10 =	sld [smem:$0x3FB6];
	_ =	sdelay $0x3  }
0x33: {  	p0 =	seq.s32 s10, $0x1;
	s10 =	sld [smem:$0x3FB8];
	_ =	sdelay $0x3  }
0x34: {  	[smem:$0x3FB8] =	sst s10  }
0x35: {  	s10 =	sld [smem:$0x3FB7];
	_ =	sdelay $0x3  }
0x36: {  	p1 =	seq.s32 s10, $0x1;
	s10 =	sld [smem:$0x3FB8];
	_ =	sdelay $0x3  }
0x37: {  	[smem:$0x3FB8] =	sst s10  }
0x38: {  	s10 =	sld [smem:$0x3FB9]  }
0x39: {  	_ = 	snop;
	(pc) =	sbr.ind lr, $3  }
0x3a: {  	_ = 	snop  }
0x3b: {  	_ = 	snop  }
0x3c: {  	p2 =	seq.s32 s10, $0x1;
	s10 =	sld [smem:$0x3FB8]  }
0x3d: {  	_ =	shalt  }
0x3e: {  	_ =	shalt  }
0x3f: {  	_ =	shalt  }
0x40: {  	_ =	shalt  }
0x41: {  	_ =	shalt  }
0x42: {  	_ =	shalt  }
0x43: {  	_ =	shalt  }
0x44: {  	_ =	shalt  }
0x45: {  	_ =	shalt  }
0x46: {  	_ =	shalt  }
0x47: {  	_ =	shalt  }
0x48: {  	_ =	shalt  }
0x49: {  	_ =	shalt  }
0x4a: {  	_ =	shalt  }
0x4b: {  	_ =	shalt  }
0x4c: {  	_ =	shalt  }
0x4d: {  	_ =	shalt  }
0x4e: {  	_ =	shalt  }
0x4f: {  	_ =	shalt  }
0x50: {  	_ =	shalt  }
0x51: {  	_ =	shalt  }
0x52: {  	_ =	shalt  }
0x53: {  	_ =	shalt  }
0x54: {  	_ =	shalt  }
0x55: {  	_ =	shalt  }
0x56: {  	_ =	shalt  }
0x57: {  	_ =	shalt  }
0x58: {  	_ =	shalt  }
0x59: {  	_ =	shalt  }
0x5a: {  	_ =	shalt  }
0x5b: {  	_ =	shalt  }
0x5c: {  	_ =	shalt  }
0x5d: {  	_ =	shalt  }
0x5e: {  	_ =	shalt  }
0x5f: {  	_ =	shalt  }
0x60: {  	_ =	shalt  }
0x61: {  	_ =	shalt  }
0x62: {  	_ =	shalt  }
0x63: {  	_ =	shalt  }
0x64: {  	_ =	shalt  }
0x65: {  	_ =	shalt  }
0x66: {  	_ =	shalt  }
0x67: {  	_ =	shalt  }
0x68: {  	_ =	shalt  }
0x69: {  	_ =	shalt  }
0x6a: {  	_ =	shalt  }
0x6b: {  	_ =	shalt  }
0x6c: {  	_ =	shalt  }
0x6d: {  	_ =	shalt  }
0x6e: {  	_ =	shalt  }
0x6f: {  	_ =	shalt  }
0x70: {  	_ =	shalt  }
0x71: {  	_ =	shalt  }
0x72: {  	_ =	shalt  }
0x73: {  	_ =	shalt  }
0x74: {  	_ =	shalt  }
0x75: {  	_ =	shalt  }
0x76: {  	_ =	shalt  }
0x77: {  	_ =	shalt  }
0x78: {  	_ =	shalt  }
0x79: {  	_ =	shalt  }
0x7a: {  	_ =	shalt  }
0x7b: {  	_ =	shalt  }
0x7c: {  	_ =	shalt  }
0x7d: {  	_ =	shalt  }
0x7e: {  	_ =	shalt  }
0x7f: {  	_ =	shalt  }
0x80: {  	_ =	shalt  }
0x81: {  	_ =	shalt  }
0x82: {  	_ =	shalt  }
0x83: {  	_ =	shalt  }
0x84: {  	_ =	shalt  }
0x85: {  	_ =	shalt  }
0x86: {  	_ =	shalt  }
0x87: {  	_ =	shalt  }
.Lfunc_end0:
.L_simem_size_0:
called_computation_lowered:
.L_overlay_start_0:
0x88: {  	s2 =	sld [smem:$0x3FD9]  }
0x89: {  	s3 =	sld [smem:$0x3FFE];
	_ =	sdelay $0x1  }
0x8a: {  	s1 =	srdreg.scid  }
0x8b: {  	s0 =	sand.u32 $0x1, s1  }
0x8c: {  	s18 =	sshll.u32 s0, $0xA;
	s2 =	sadd.s32 s3, s2  }
0x8d: {  	s2 =	sadd.s32 s2, s18  }
0x8e: {  	[smem:$0x3FC4] =	sst s2  }
0x8f: {  	_ = 	snop  }
0x90: {  	s2 =	sld [smem:$0x3FC9]  }
0x91: {  	s19 =	sld [smem:$0x3FC8]  }
0x92: {  	s4 =	sld [smem:$0x3FC7]  }
0x93: {  	s5 =	sld [smem:$0x3FC6]  }
0x94: {  	s6 =	sld [smem:$0x3FD0];
	(tm) =	ssettm $0x1  }
0x95: {  	s7 =	sld [smem:$0x3FFB];
	_ =	sdelay $0x3  }
0x96: {  	_ =	strace s7  }
0x97: {  	s7 =	sld [smem:$0x3FFC];
	_ =	sdelay $0x3  }
0x98: {  	_ =	strace s7  }
0x99: {  	s7 =	sld [smem:$0x3FFD];
	_ =	sdelay $0x3  }
0x9a: {  	_ =	strace s7  }
0x9b: {  	_ =	strace $0x8FFFFFFF  }
0x9c: {  	s20 =	sld [smem:$0x3FDB];
	_ =	sdelay $0x1  }
0x9d: {  	s8 =	simm.s32 $_scs_section_size  }
0x9e: {  	s9 =	simm.s32 $_size__tile_overlayer_lowered;
	s10 =	simm.s32 $_tile_overlayer_lowered  }
0x9f: {  	s23 =	simm.s32 $0x1BFF;
	s22 =	sshll.u32 s10, $0x1;
	s7 =	sadd.s32 s8, s20  }
0xa0: {  	s11 =	simm.s32 $0x0;
	s21 =	sshll.u32 s9, $0x1;
	s9 =	sadd.s32 s22, s7  }
0xa1: {  	[timem:s11], [sflag:s23] =	dma.local [hbm:s9], s21  }
0xa2: {  	_ =	swait.ge [sflag:s23], s21  }
0xa3: {  	s8 =	ssub.s32 $0x0, s21;
	[sflag:s23] =	ssyncset.done $0x0  }
0xa4: {  	[sflag:s23] =	ssyncadd.s32 s8;
	_ =	sdelay $0x1  }
0xa5: {  	s24 =	simm.s32 $0x1B8B  }
0xa6: {  	_ =	swait.ge [sflag:s24], $0x1  }
0xa7: {  	[sflag:s24] =	ssyncset.done $0x0  }
0xa8: {  	s25 =	simm.s32 $0x1B8E;
	[sflag:s24] =	ssyncadd.s32 $0xFFFFFFFF  }
0xa9: {  	s26 =	simm.s32 $execute0_lowered;
	[smem:$0x3FD2] =	sst s25  }
0xaa: {  	s8 =	sshll.u32 s26, $0x1;
	_ =	strace $0x80000046;
	[dreg:$0x1] =	wrdreg $0xFFFFFFFF  }
0xab: {  	s28 =	simm.s32 $_size_execute0_lowered;
	s7 =	sadd.s32 s7, s8;
	[dreg:$0x0] =	wrdreg $0x0  }
0xac: {  	s8 =	sshll.u32 s28, $0x1;
	[dreg:$0x2] =	wrdreg s7  }
0xad: {  	[dreg:$0x3] =	wrdreg s8  }
0xae: {  	[dreg:$0x4] =	wrdreg $0xC0  }
0xaf: {  	_ =	task [dreg:s11], $0x5FFFF  }
0xb0: {  	[dreg:$0x1] =	wrdreg $0xFFFFFFFF  }
0xb1: {  	[dreg:$0x0] =	wrdreg $0x60  }
0xb2: {  	[dreg:$0x2] =	wrdreg s2  }
0xb3: {  	[dreg:$0x3] =	wrdreg s19  }
0xb4: {  	[dreg:$0x4] =	wrdreg s4  }
0xb5: {  	[dreg:$0x5] =	wrdreg s5  }
0xb6: {  	[dreg:$0x6] =	wrdreg s6  }
0xb7: {  	[dreg:$0x7] =	wrdreg $0x9  }
0xb8: {  	_ =	task.clear_ibuf [dreg:s11], $0x8FFFF;
	_ =	strace $0x90000046  }
0xb9: {  	s29 =	simm.s32 $0x9;
	_ =	strace $0x80000048  }
0xba: {  	_ =	swait.ge [sflag:s29], $0x1  }
0xbb: {  	[sflag:s29] =	ssyncadd.s32 $0xFFFFFFFF  }
0xbc: {  	_ =	strace $0x90000048  }
0xbd: {  	_ =	sfence  }
0xbe: {  	s30 =	sld [smem:$0x0];
	_ =	sdelay $0x2  }
0xbf: {  	s31 =	sshll.u32 s1, $0xD;
	s1 =	sshrl.u32 s1, $0x2  }
0xc0: {  	s3 =	sand.u32 $0x4000, s31;
	s1 =	sadd.s32 s1, s30  }
0xc1: {  	s0 =	sor.u32 s3, s0;
	s1 =	sshll.u32 s1, $0x11  }
0xc2: {  	s0 =	sor.u32 s1, s0  }
0xc3: {  	s0 =	sadd.s32 $0x8F2B, s0  }
0xc4: {  	[sflag:s0] =	ssyncadd.remote.s32 $0x1  }
0xc5: {  	_ =	sfence.sel $0xFFFF  }
0xc6: {  	[dreg:$0x0] =	wrdreg $0xFFFFFFFF;
	(pc) =	sbr.abs _section_cstart, $3  }
0xc7: {  	[dreg:$0x1] =	wrdreg $0xFFFFFFFF  }
0xc8: {  	_ =	task.clear_ibuf [dreg:s11], $0x2FFFF;
	_ =	strace $0x9FFFFFFF  }
0xc9: {  	(tm) =	ssettm $0x7FFFFFFF  }
tec
execute0_lowered:
.L_overlay_start_1:
0x0: {  	(tag) =	ssettag $0x1  }
0x1: {  	s0 =	rddreg [dreg:$0x0]  }
0x2: {  	s2 =	rddreg [dreg:$0x1]  }
0x3: {  	s1 =	rddreg [dreg:$0x2]  }
0x4: {  	s3 =	rddreg [dreg:$0x3]  }
0x5: {  	s5 =	rddreg [dreg:$0x4]  }
0x6: {  	s4 =	srdreg.scid;
	s7 =	stileid.u32  }
0x7: {  	s29 =	simm.s32 $0xC300;
	s30 =	simm.s32 $0x280;
	s31 =	simm.s32 $0x4300  }
0x8: {  	s28 =	simm.s32 $0x15;
	s11 =	simm.s32 $0xA;
	s12 =	simm.s32 $0xF  }
0x9: {  	s13 =	simm.s32 $0x12;
	s14 =	simm.s32 $0x13;
	s6 =	sand.u32 $0x1, s4  }
0xa: {  	s4 =	simm.s32 $0x0;
	s7 =	sshll.u32 s7, $0xA;
	s8 =	sshll.u32 s6, $0x9  }
0xb: {  	[smem:$0x7FF] =	sst s4;
	s6 =	ssub.s32 $0x2, s6;
	s7 =	sor.u32 s8, s7  }
0xc: {  	_ =	strace $0x80000047;
	s15 =	sshrl.u32 s6, $0x1;
	s9 =	sshrl.u32 s7, $0x3  }
0xd: {  	s6 =	ssub.s32 s6, s15;
	s16 =	sshll.u32 s7, $0x4;
	s2 =	sadd.s32 s2, s9  }
0xe: {  	s15 =	simm.s32 $0x0;
	s7 =	sadd.s32 s0, s16;
	[dreg:$0x6] =	wrdreg s2  }
0xf: {  	s17 =	sor.u32 $0x400, s16;
	s21 =	sadd.s32 s5, s16;
	[dreg:$0x7] =	wrdreg s7  }
0x10: {  	s18 =	sor.u32 $0x800, s16;
	s26 =	smax.u32 s6, $0x1;
	[dreg:$0xa] =	wrdreg s21  }
0x11: {  	s22 =	sor.u32 $0x1000, s16;
	s19 =	sadd.s32 s0, s17;
	[dreg:$0x12] =	wrdreg s26  }
0x12: {  	s6 =	simm.s32 $0x5;
	s20 =	sadd.s32 s0, s18;
	[dreg:$0x8] =	wrdreg s19  }
0x13: {  	s7 =	sadd.s32 s5, s17;
	s2 =	sor.u32 $0x1800, s16;
	[dreg:$0x9] =	wrdreg s20  }
0x14: {  	s10 =	sadd.s32 s0, s22;
	s8 =	sadd.s32 s5, s18;
	[dreg:$0xb] =	wrdreg s7  }
0x15: {  	s23 =	sadd.s32 s5, s22;
	s25 =	sadd.s32 $0x1C00, s21;
	[dreg:$0xc] =	wrdreg s10  }
0x16: {  	s26 =	simm.s32 $0x80;
	s22 =	simm.s32 $0x11;
	[dreg:$0xd] =	wrdreg s8  }
0x17: {  	s0 =	sadd.s32 s0, s2;
	[dreg:$0xf] =	wrdreg s23;
	s24 =	sadd.s32 s5, s2  }
0x18: {  	[dreg:$0x11] =	wrdreg s25;
	s19 =	simm.s32 $0x40;
	s20 =	simm.s32 $0x8300  }
0x19: {  	s23 =	simm.s32 $0x200;
	s25 =	simm.s32 $0xA300;
	s5 =	simm.s32 $0xD  }
0x1a: {  	s7 =	simm.s32 $0x4;
	s8 =	simm.s32 $0x9;
	[dreg:$0xe] =	wrdreg s0  }
0x1b: {  	s10 =	simm.s32 $0xE;
	[dreg:$0x10] =	wrdreg s24;
	s24 =	simm.s32 $0x300  }
.LBB2_1:
0x1c: {  	s0 =	rddreg [dreg:$0x6];
	s18 =	simm.s32 $0x1  }
0x1d: {  	[tilespmem:s4], [sflag:$0x1] =	stream.linear.gather [hbm4b:s0+s4], $0x200, $0x38;
	[tilespmem:$0x14300] =	vst v63  }
0x1e: {  	_ =	swait.ge [sflag:s18], $0x200  }
0x1f: {  	[sflag:s18] =	ssyncset.done $0x0  }
0x20: {  	[sflag:s18] =	ssyncadd.s32 $0xFFFFFE00  }
0x21: {  	[tilespmem:s20], [sflag:$0x2] =	stream.indirect.gather [hbm4b:s3+s19], $0x80, s4, s19, $0xb8;
	[tilespmem:$0x14300] =	vst v63  }
0x22: {  	_ = 	snop  }
0x23: {  	[tilespmem:s23], [sflag:$0x7] =	stream.indirect.gather [hbm4b:s1+s19], $0x1, s4, s19, $0xb8;
	[tilespmem:$0x14300] =	vst v63  }
0x24: {  	s21 =	rddreg [dreg:$0x7]  }
0x25: {  	[tilespmem:s24], [sflag:$0xC] =	stream.linear.gather [hbm4b:s21+s4], $0x2000, $0x38;
	[tilespmem:$0x14300] =	vst v63  }
0x26: {  	_ = 	snop  }
0x27: {  	[tilespmem:s25], [sflag:$0x6] =	stream.indirect.gather [hbm4b:s3+s19], $0x80, s19, s19, $0xb8;
	[tilespmem:$0x14300] =	vst v63  }
0x28: {  	s23 =	simm.s32 $0x240  }
0x29: {  	[tilespmem:s23], [sflag:$0xB] =	stream.indirect.gather [hbm4b:s1+s19], $0x1, s19, s19, $0xb8;
	[tilespmem:$0x14300] =	vst v63  }
0x2a: {  	s2 =	simm.s32 $0x2300;
	s24 =	rddreg [dreg:$0x8]  }
0x2b: {  	[tilespmem:s2], [sflag:$0x10] =	stream.linear.gather [hbm4b:s24+s4], $0x2000, $0x38;
	[tilespmem:$0x14300] =	vst v63  }
0x2c: {  	_ = 	snop  }
0x2d: {  	[tilespmem:s29], [sflag:$0x3] =	stream.indirect.gather [hbm4b:s3+s26], $0x80, s26, s26, $0xb8;
	[tilespmem:$0x14300] =	vst v63  }
0x2e: {  	_ = 	snop  }
0x2f: {  	[tilespmem:s30], [sflag:$0x8] =	stream.indirect.gather [hbm4b:s1+s26], $0x1, s26, s26, $0xb8;
	[tilespmem:$0x14300] =	vst v63  }
0x30: {  	s25 =	rddreg [dreg:$0x9];
	s29 =	simm.s32 $0x2  }
0x31: {  	[tilespmem:s31], [sflag:$0xD] =	stream.linear.gather [hbm4b:s25+s4], $0x4000, $0x38;
	[tilespmem:$0x14300] =	vst v63  }
0x32: {  	_ =	swait.ge [sflag:s29], $0x2000  }
0x33: {  	[sflag:s29] =	ssyncset.done $0x0  }
0x34: {  	s30 =	simm.s32 $0x7;
	[sflag:s29] =	ssyncadd.s32 $0xFFFFE000  }
0x35: {  	_ =	swait.ge [sflag:s30], $0x40  }
0x36: {  	[sflag:s30] =	ssyncset.done $0x0  }
0x37: {  	s31 =	simm.s32 $0xC;
	[sflag:s30] =	ssyncadd.s32 $0xFFFFFFC0  }
0x38: {  	_ =	swait.ge [sflag:s31], $0x2000  }
0x39: {  	[sflag:s31] =	ssyncset.done $0x0  }
0x3a: {  	s0 =	simm.s32 $0x0;
	[sflag:s31] =	ssyncadd.s32 $0xFFFFE000  }
0x3b: {  	v0 =	vld [tilespmem:s0+$0x200];
	_ =	sdelay $0x4  }
0x3c: {  	v0 =	vmul.f32 $1.442695020e+00, v0;
	_ =	sdelay $0x1  }
0x3d: {  	(erf) = vpow2.f32 v0  }
0x3e: {  	s9 =	simm.s32 $0x80;
	s2 =	simm.s32 $0x10  }
.LBB2_2:
0x3f: {  	p0 =	sne.s32 s9, $0xC0;
	v0 =	vld [tilespmem:s2+$0x200];
	_ =	sdelay $0x3  }
.Ltmp0:
0x40: {  	(pc) =	sbr.rel @p0 .LBB2_2-.Ltmp0, $3  }
0x41: {  	v1 =	vmul.f32 $1.442695020e+00, v0;
	_ =	sdelay $0x1  }
0x42: {  	(erf) = vpow2.f32 v1;
	v0 =	vpop (erf)  }
0x43: {  	[tilespmem:s0+$0x200] =	vst v0;
	s0 =	smov.u32 s2;
	s2 =	sshra.s32 s9, $0x2;
	s9 =	sadd.s32 $0x40, s9  }
0x44: {  	v0 =	vld [tilespmem:s2+$0x200];
	_ =	sdelay $0x4  }
0x45: {  	v0 =	vmul.f32 $1.442695020e+00, v0;
	_ =	sdelay $0x1  }
0x46: {  	(erf) = vpow2.f32 v0;
	_ =	sdelay $0x7  }
0x47: {  	v0 =	vpop (erf)  }
0x48: {  	s24 =	simm.s32 $0x0;
	[tilespmem:s0+$0x200] =	vst v0;
	v0 =	vpop (erf)  }
0x49: {  	s25 =	sand.u32 $0x30, s24;
	[tilespmem:s2+$0x200] =	vst v0  }
0x4a: {  	v0 =	vld [tilespmem:s25+$0x200]  }
0x4b: {  	s31 =	simm.s32 $0x380  }
0x4c: {  	v1 =	vld [tilespmem:s31+$0x0]  }
0x4d: {  	s16 =	simm.s32 $0x8380;
	s29 =	simm.s32 $0x1  }
0x4e: {  	v2 =	vmov s29;
	v3 =	vld [tilespmem:s16+$0x0]  }
0x4f: {  	v13 =	vperm.xlane v0, v2;
	_ =	sdelay $0x1  }
0x50: {  	v1 =	vmul.f32 v1, v13;
	_ =	sdelay $0x1  }
0x51: {  	v1 =	vadd.f32 v3, v1;
	_ =	sdelay $0x1  }
0x52: {  	[tilespmem:s16+$0x0] =	vst v1  }
0x53: {  	v1 =	vld [tilespmem:s31+$0x10];
	_ =	sdelay $0x1  }
0x54: {  	v2 =	vld [tilespmem:s16+$0x10];
	_ =	sdelay $0x2  }
0x55: {  	v1 =	vmul.f32 v1, v13;
	_ =	sdelay $0x1  }
0x56: {  	v3 =	vld [tilespmem:s31+$0xFFFFFF80];
	v1 =	vadd.f32 v2, v1  }
0x57: {  	s0 =	sand.u32 $0xE, s24  }
0x58: {  	v4 =	vld [tilespmem:s16+$0xFFFFFF80];
	v2 =	vmov s0;
	[tilespmem:s16+$0x10] =	vst v1  }
0x59: {  	v0 =	vperm.xlane v0, v2;
	v1 =	vld [tilespmem:s31+$0x20];
	_ =	sdelay $0x1  }
0x5a: {  	v2 =	vmul.f32 v3, v0;
	v3 =	vld [tilespmem:s16+$0x20];
	_ =	sdelay $0x1  }
0x5b: {  	v2 =	vadd.f32 v4, v2  }
0x5c: {  	v1 =	vmul.f32 v1, v13  }
0x5d: {  	v5 =	vld [tilespmem:s16+$0xFFFFFF90];
	[tilespmem:s16+$0xFFFFFF80] =	vst v2  }
0x5e: {  	s30 =	simm.s32 $0x2;
	v2 =	vld [tilespmem:s31+$0xFFFFFF90];
	v1 =	vadd.f32 v3, v1  }
0x5f: {  	s17 =	sand.u32 $0x30, s30;
	v8 =	vld [tilespmem:s16+$0xFFFFFFC0]  }
0x60: {  	v6 =	vld [tilespmem:s17+$0x200];
	[tilespmem:s16+$0x20] =	vst v1  }
0x61: {  	v1 =	vld [tilespmem:s31+$0x30]  }
0x62: {  	s9 =	simm.s32 $0x480;
	v9 =	vld [tilespmem:s16+$0x30]  }
0x63: {  	v10 =	vld [tilespmem:s9+$0x0];
	v2 =	vmul.f32 v2, v0  }
0x64: {  	s18 =	simm.s32 $0x3;
	v7 =	vld [tilespmem:s16+$0xFFFFFFD0];
	s17 =	simm.s32 $0x8480  }
0x65: {  	v11 =	vld [tilespmem:s17+$0x0];
	v2 =	vadd.f32 v5, v2;
	v5 =	vmov s18  }
0x66: {  	v17 =	vld [tilespmem:s16+$0xFFFFFFE0];
	v15 =	vperm.xlane v6, v5;
	v1 =	vmul.f32 v1, v13  }
0x67: {  	v12 =	vld [tilespmem:s17+$0xFFFFFF80]  }
0x68: {  	v5 =	vld [tilespmem:s9+$0xFFFFFF80];
	[tilespmem:s16+$0xFFFFFF90] =	vst v2;
	v1 =	vadd.f32 v9, v1;
	v9 =	vmul.f32 v10, v15  }
0x69: {  	s0 =	sand.u32 $0xE, s30;
	v2 =	vld [tilespmem:s31+$0xFFFFFFA0]  }
0x6a: {  	v4 =	vld [tilespmem:s16+$0xFFFFFFA0];
	v10 =	vmov s0;
	[tilespmem:s16+$0x30] =	vst v1;
	v9 =	vadd.f32 v11, v9  }
0x6b: {  	v1 =	vperm.xlane v6, v10;
	v6 =	vld [tilespmem:s31+$0x40]  }
0x6c: {  	s21 =	simm.s32 $0x4;
	[tilespmem:s17+$0x0] =	vst v9;
	v9 =	vld [tilespmem:s16+$0x40]  }
0x6d: {  	s24 =	sand.u32 $0x30, s21;
	v5 =	vmul.f32 v5, v1;
	v10 =	vld [tilespmem:s9+$0x10]  }
0x6e: {  	v19 =	vld [tilespmem:s24+$0x200];
	v2 =	vmul.f32 v2, v0  }
0x6f: {  	s23 =	simm.s32 $0x580;
	v5 =	vadd.f32 v12, v5;
	v12 =	vld [tilespmem:s17+$0x10]  }
0x70: {  	v21 =	vld [tilespmem:s23+$0x0];
	v4 =	vadd.f32 v4, v2;
	v6 =	vmul.f32 v6, v13  }
0x71: {  	v3 =	vld [tilespmem:s16+$0xFFFFFFB0];
	[tilespmem:s17+$0xFFFFFF80] =	vst v5  }
0x72: {  	[tilespmem:s16+$0xFFFFFFA0] =	vst v4;
	v4 =	vld [tilespmem:s9+$0xFFFFFF90];
	v5 =	vadd.f32 v9, v6;
	v6 =	vmul.f32 v10, v15  }
0x73: {  	v9 =	vld [tilespmem:s31+$0xFFFFFFB0]  }
0x74: {  	v11 =	vld [tilespmem:s17+$0xFFFFFF90];
	[tilespmem:s16+$0x40] =	vst v5;
	v5 =	vadd.f32 v12, v6  }
0x75: {  	v6 =	vld [tilespmem:s31+$0x50]  }
0x76: {  	[tilespmem:s17+$0x10] =	vst v5;
	v5 =	vld [tilespmem:s16+$0x50]  }
0x77: {  	v4 =	vmul.f32 v4, v1;
	v12 =	vld [tilespmem:s9+$0x20]  }
0x78: {  	v23 =	vld [tilespmem:s23+$0xFFFFFF80];
	v9 =	vmul.f32 v9, v0  }
0x79: {  	s2 =	simm.s32 $0x680;
	v4 =	vadd.f32 v11, v4;
	v11 =	vld [tilespmem:s17+$0x20]  }
0x7a: {  	v28 =	vld [tilespmem:s2+$0x0];
	v3 =	vadd.f32 v3, v9;
	v6 =	vmul.f32 v6, v13  }
0x7b: {  	v29 =	vld [tilespmem:s2+$0xFFFFFF80]  }
0x7c: {  	v16 =	vld [tilespmem:s17+$0xFFFFFFA0];
	[tilespmem:s16+$0xFFFFFFB0] =	vst v3;
	v3 =	vadd.f32 v5, v6;
	v5 =	vmul.f32 v12, v15  }
0x7d: {  	v14 =	vld [tilespmem:s17+$0xFFFFFFC0]  }
0x7e: {  	v18 =	vld [tilespmem:s17+$0xFFFFFFD0];
	[tilespmem:s16+$0x50] =	vst v3;
	v3 =	vadd.f32 v11, v5  }
0x7f: {  	v5 =	vld [tilespmem:s31+$0x60]  }
0x80: {  	v6 =	vld [tilespmem:s16+$0x60];
	[tilespmem:s17+$0x20] =	vst v3  }
0x81: {  	v11 =	vld [tilespmem:s9+$0x30]  }
0x82: {  	s24 =	simm.s32 $0x8680;
	v20 =	vld [tilespmem:s17+$0x30]  }
0x83: {  	v30 =	vld [tilespmem:s24+$0x0]  }
0x84: {  	v32 =	vld [tilespmem:s24+$0xFFFFFF80];
	v5 =	vmul.f32 v5, v13  }
0x85: {  	s25 =	simm.s32 $0x5;
	v48 =	vld [tilespmem:s24+$0xFFFFFF90];
	s18 =	simm.s32 $0x8580  }
0x86: {  	v22 =	vld [tilespmem:s18+$0x0];
	v6 =	vadd.f32 v6, v5;
	v5 =	vmov s25;
	v11 =	vmul.f32 v11, v15  }
0x87: {  	v49 =	vld [tilespmem:s17+$0x70];
	[tilespmem:s17+$0xFFFFFF90] =	vst v4;
	v5 =	vperm.xlane v19, v5  }
0x88: {  	s0 =	sand.u32 $0xE, s21;
	v9 =	vld [tilespmem:s9+$0xFFFFFFA0];
	v11 =	vadd.f32 v20, v11  }
0x89: {  	v24 =	vld [tilespmem:s18+$0xFFFFFF80];
	[tilespmem:s16+$0x60] =	vst v6;
	v6 =	vmov s0;
	v21 =	vmul.f32 v21, v5  }
0x8a: {  	v12 =	vld [tilespmem:s31+$0xFFFFFFC0];
	v6 =	vperm.xlane v19, v6;
	[tilespmem:s17+$0x30] =	vst v11  }
0x8b: {  	v11 =	vadd.f32 v22, v21;
	v22 =	vld [tilespmem:s9+$0x40]  }
0x8c: {  	v51 =	vld [tilespmem:s24+$0xFFFFFFA0];
	v23 =	vmul.f32 v23, v6  }
0x8d: {  	v9 =	vmul.f32 v9, v1;
	[tilespmem:s18+$0x0] =	vst v11;
	v11 =	vld [tilespmem:s17+$0x40]  }
0x8e: {  	v23 =	vadd.f32 v24, v23;
	v43 =	vld [tilespmem:s23+$0x10]  }
0x8f: {  	v53 =	vld [tilespmem:s24+$0x10];
	v12 =	vmul.f32 v12, v0;
	v9 =	vadd.f32 v16, v9  }
0x90: {  	[tilespmem:s18+$0xFFFFFF80] =	vst v23;
	v23 =	vld [tilespmem:s18+$0x10];
	v22 =	vmul.f32 v22, v15  }
0x91: {  	v8 =	vadd.f32 v8, v12;
	[tilespmem:s17+$0xFFFFFFA0] =	vst v9;
	v9 =	vld [tilespmem:s23+$0xFFFFFF90]  }
0x92: {  	v12 =	vld [tilespmem:s9+$0xFFFFFFB0];
	v11 =	vadd.f32 v11, v22  }
0x93: {  	[tilespmem:s16+$0xFFFFFFC0] =	vst v8;
	v19 =	vld [tilespmem:s18+$0xFFFFFF90];
	v8 =	vmul.f32 v43, v5  }
0x94: {  	v10 =	vld [tilespmem:s17+$0xFFFFFFB0];
	[tilespmem:s17+$0x40] =	vst v11  }
0x95: {  	v8 =	vadd.f32 v23, v8;
	v23 =	vld [tilespmem:s9+$0x50]  }
0x96: {  	v44 =	vld [tilespmem:s31+$0xFFFFFFD0];
	v9 =	vmul.f32 v9, v6  }
0x97: {  	[tilespmem:s18+$0x10] =	vst v8;
	v8 =	vld [tilespmem:s17+$0x50]  }
0x98: {  	v12 =	vmul.f32 v12, v1;
	v19 =	vadd.f32 v19, v9;
	v25 =	vld [tilespmem:s23+$0x20]  }
0x99: {  	v27 =	vld [tilespmem:s18+$0x30]  }
0x9a: {  	v10 =	vadd.f32 v10, v12;
	[tilespmem:s18+$0xFFFFFF90] =	vst v19;
	v19 =	vld [tilespmem:s18+$0x20];
	v23 =	vmul.f32 v23, v15  }
0x9b: {  	v59 =	vld [tilespmem:s18+$0x50];
	v12 =	vmul.f32 v44, v0  }
0x9c: {  	v2 =	vld [tilespmem:s16+$0xFFFFFFF0];
	[tilespmem:s17+$0xFFFFFFB0] =	vst v10;
	v10 =	vadd.f32 v8, v23  }
0x9d: {  	v4 =	vld [tilespmem:s17+$0xFFFFFFE0];
	v7 =	vadd.f32 v7, v12;
	v12 =	vmul.f32 v25, v5  }
0x9e: {  	s0 =	simm.s32 $0x6;
	v20 =	vld [tilespmem:s31+$0x70];
	[tilespmem:s17+$0x50] =	vst v10  }
0x9f: {  	s29 =	sand.u32 $0x30, s0;
	v10 =	vadd.f32 v19, v12;
	v12 =	vld [tilespmem:s9+$0x60]  }
0xa0: {  	v46 =	vld [tilespmem:s29+$0x200]  }
0xa1: {  	[tilespmem:s18+$0x20] =	vst v10;
	v10 =	vld [tilespmem:s17+$0x60]  }
0xa2: {  	v19 =	vld [tilespmem:s23+$0x30]  }
0xa3: {  	v45 =	vld [tilespmem:s23+$0xFFFFFFA0]  }
0xa4: {  	v3 =	vld [tilespmem:s17+$0xFFFFFFF0];
	v12 =	vmul.f32 v12, v15  }
0xa5: {  	v16 =	vld [tilespmem:s18+$0xFFFFFFA0]  }
0xa6: {  	s25 =	simm.s32 $0x7;
	v21 =	vld [tilespmem:s16+$0x70];
	v10 =	vadd.f32 v10, v12  }
0xa7: {  	s30 =	sand.u32 $0xE, s0;
	v20 =	vmul.f32 v20, v13;
	v13 =	vld [tilespmem:s24+$0xFFFFFFE0];
	v12 =	vmov s25;
	v19 =	vmul.f32 v19, v5  }
0xa8: {  	v31 =	vmov s30;
	v26 =	vld [tilespmem:s9+$0xFFFFFFC0];
	v24 =	vmul.f32 v45, v6;
	[tilespmem:s17+$0x60] =	vst v10;
	v10 =	vperm.xlane v46, v12  }
0xa9: {  	[tilespmem:s16+$0xFFFFFFD0] =	vst v7;
	v7 =	vld [tilespmem:s18+$0xFFFFFFF0];
	v12 =	vperm.xlane v46, v31;
	v19 =	vadd.f32 v27, v19  }
0xaa: {  	v22 =	vld [tilespmem:s18+$0xFFFFFFB0];
	v16 =	vadd.f32 v16, v24;
	v28 =	vmul.f32 v28, v10  }
0xab: {  	v23 =	vld [tilespmem:s31+$0xFFFFFFE0];
	v29 =	vmul.f32 v29, v12;
	[tilespmem:s18+$0x30] =	vst v19  }
0xac: {  	[tilespmem:s18+$0xFFFFFFA0] =	vst v16;
	v19 =	vadd.f32 v30, v28;
	v50 =	vld [tilespmem:s23+$0x40]  }
0xad: {  	v54 =	vld [tilespmem:s23+$0xFFFFFFB0];
	v29 =	vadd.f32 v32, v29  }
0xae: {  	[tilespmem:s24+$0x0] =	vst v19;
	v19 =	vld [tilespmem:s18+$0x40]  }
0xaf: {  	v26 =	vmul.f32 v26, v1;
	[tilespmem:s24+$0xFFFFFF80] =	vst v29;
	v52 =	vld [tilespmem:s2+$0x10]  }
0xb0: {  	v29 =	vld [tilespmem:s2+$0xFFFFFF90]  }
0xb1: {  	v11 =	vld [tilespmem:s18+$0xFFFFFFC0];
	v14 =	vadd.f32 v14, v26;
	v16 =	vmul.f32 v50, v5  }
0xb2: {  	v9 =	vld [tilespmem:s18+$0xFFFFFFD0];
	v23 =	vmul.f32 v23, v0  }
0xb3: {  	[tilespmem:s17+$0xFFFFFFC0] =	vst v14;
	v47 =	vld [tilespmem:s9+$0x70];
	v26 =	vmul.f32 v54, v6;
	v28 =	vadd.f32 v19, v16  }
0xb4: {  	v56 =	vld [tilespmem:s9+$0xFFFFFFD0];
	v17 =	vadd.f32 v17, v23;
	v14 =	vmul.f32 v52, v10  }
0xb5: {  	v8 =	vld [tilespmem:s18+$0xFFFFFFE0];
	v22 =	vadd.f32 v22, v26;
	v55 =	vmul.f32 v29, v12;
	[tilespmem:s18+$0x40] =	vst v28  }
0xb6: {  	[tilespmem:s16+$0xFFFFFFE0] =	vst v17;
	v57 =	vadd.f32 v53, v14;
	v58 =	vld [tilespmem:s23+$0x50]  }
0xb7: {  	v17 =	vld [tilespmem:s31+$0xFFFFFFF0];
	[tilespmem:s18+$0xFFFFFFB0] =	vst v22;
	v24 =	vadd.f32 v48, v55  }
0xb8: {  	v22 =	vld [tilespmem:s24+$0x20];
	v15 =	vmul.f32 v47, v15;
	[tilespmem:s24+$0x10] =	vst v57  }
0xb9: {  	[tilespmem:s24+$0xFFFFFF90] =	vst v24;
	v60 =	vld [tilespmem:s2+$0x20]  }
0xba: {  	v15 =	vadd.f32 v49, v15;
	v28 =	vmul.f32 v56, v1;
	v61 =	vld [tilespmem:s2+$0xFFFFFFA0]  }
0xbb: {  	v62 =	vld [tilespmem:s23+$0xFFFFFFC0];
	v23 =	vmul.f32 v58, v5  }
0xbc: {  	[tilespmem:s17+$0x70] =	vst v15;
	v15 =	vld [tilespmem:s24+$0xFFFFFFF0];
	v18 =	vadd.f32 v18, v28  }
0xbd: {  	v16 =	vld [tilespmem:s24+$0xFFFFFFB0];
	v23 =	vadd.f32 v59, v23  }
0xbe: {  	v20 =	vadd.f32 v21, v20;
	v19 =	vld [tilespmem:s24+$0xFFFFFFC0];
	[tilespmem:s17+$0xFFFFFFD0] =	vst v18;
	v21 =	vmul.f32 v60, v10  }
0xbf: {  	v18 =	vld [tilespmem:s9+$0xFFFFFFE0];
	v63 =	vmul.f32 v61, v12;
	[tilespmem:s18+$0x50] =	vst v23  }
0xc0: {  	[tilespmem:s16+$0x70] =	vst v20;
	v20 =	vld [tilespmem:s23+$0x60];
	v23 =	vadd.f32 v22, v21  }
0xc1: {  	s31 =	simm.s32 $0x8680;
	s25 =	simm.s32 $0x680;
	v14 =	vld [tilespmem:s24+$0xFFFFFFD0];
	v22 =	vadd.f32 v51, v63;
	v21 =	vmul.f32 v62, v6  }
.LBB2_4:
0xc2: {  	[tilespmem:s24+$0x20] =	vst v23;
	v23 =	vld [tilespmem:s18+$0x60];
	s21 =	smov.u32 s0;
	s0 =	sadd.s32 $0x2, s0  }
0xc3: {  	s29 =	sand.u32 $0xE, s0;
	s30 =	sand.u32 $0x30, s0;
	p0 =	slt.u32 s0, $0x3E;
	[tilespmem:s24+$0xFFFFFFA0] =	vst v22;
	v22 =	vld [tilespmem:s2+$0x30];
	v21 =	vadd.f32 v11, v21;
	v17 =	vmul.f32 v17, v0;
	v0 =	vmovc v1;
	v1 =	vmov v6  }
0xc4: {  	v6 =	vmovc v12;
	v11 =	vmov v19;
	v24 =	vld [tilespmem:s30+$0x200];
	v25 =	vmov s29;
	v18 =	vmul.f32 v18, v0  }
0xc5: {  	s2 =	sadd.s32 $0x100, s2;
	v19 =	vld [tilespmem:s24+$0x30];
	[tilespmem:s18+$0xFFFFFFC0] =	vst v21;
	v12 =	vmul.f32 v20, v5;
	v17 =	vadd.f32 v2, v17;
	v2 =	vmovc v3;
	v3 =	vmov v7  }
0xc6: {  	v20 =	vld [tilespmem:s2+$0x0];
	v18 =	vadd.f32 v4, v18;
	v4 =	vmovc v8;
	v8 =	vmov v13;
	v7 =	vmov v15  }
0xc7: {  	s21 =	sadd.s32 $0x3, s21;
	s24 =	sadd.s32 $0x100, s24;
	v13 =	vld [tilespmem:s2+$0xFFFFFF80];
	v15 =	vadd.f32 v23, v12;
	[tilespmem:s16+$0xFFFFFFF0] =	vst v17;
	s16 =	smov.u32 s17  }
0xc8: {  	v17 =	vmov s21;
	s17 =	smov.u32 s18;
	s18 =	smov.u32 s31;
	s31 =	smov.u32 s24;
	v21 =	vld [tilespmem:s24+$0x0];
	v22 =	vmul.f32 v22, v10;
	[tilespmem:s16+$0xFFFFFFE0] =	vst v18  }
0xc9: {  	v12 =	vperm.xlane v24, v25;
	v18 =	vld [tilespmem:s24+$0xFFFFFF80];
	v17 =	vperm.xlane v24, v17;
	[tilespmem:s17+$0x60] =	vst v15  }
0xca: {  	v15 =	vadd.f32 v19, v22;
	v19 =	vld [tilespmem:s23+$0x70]  }
0xcb: {  	v22 =	vld [tilespmem:s24+$0xFFFFFF90];
	v20 =	vmul.f32 v20, v17  }
0xcc: {  	v13 =	vmul.f32 v13, v12;
	[tilespmem:s18+$0x30] =	vst v15;
	v15 =	vld [tilespmem:s17+$0x70]  }
0xcd: {  	v20 =	vadd.f32 v21, v20;
	v21 =	vld [tilespmem:s25+$0x40]  }
0xce: {  	v13 =	vadd.f32 v18, v13;
	v24 =	vld [tilespmem:s24+$0xFFFFFFA0]  }
0xcf: {  	[tilespmem:s24+$0x0] =	vst v20;
	v18 =	vld [tilespmem:s18+$0x40];
	v19 =	vmul.f32 v19, v5;
	v5 =	vmov v10;
	v10 =	vmov v17  }
0xd0: {  	[tilespmem:s24+$0xFFFFFF80] =	vst v13;
	v13 =	vld [tilespmem:s2+$0x10]  }
0xd1: {  	v17 =	vld [tilespmem:s2+$0xFFFFFF90];
	v15 =	vadd.f32 v15, v19  }
0xd2: {  	v20 =	vld [tilespmem:s24+$0x10];
	v19 =	vmul.f32 v21, v5  }
0xd3: {  	v21 =	vld [tilespmem:s25+$0xFFFFFFB0];
	[tilespmem:s17+$0x70] =	vst v15  }
0xd4: {  	v15 =	vld [tilespmem:s24+$0xFFFFFFB0];
	v18 =	vadd.f32 v18, v19  }
0xd5: {  	v19 =	vld [tilespmem:s24+$0xFFFFFFC0];
	v13 =	vmul.f32 v13, v10  }
0xd6: {  	v17 =	vmul.f32 v17, v12;
	[tilespmem:s18+$0x40] =	vst v18;
	v18 =	vld [tilespmem:s23+$0xFFFFFFD0]  }
0xd7: {  	v13 =	vadd.f32 v20, v13;
	v20 =	vld [tilespmem:s25+$0x50]  }
0xd8: {  	v17 =	vadd.f32 v22, v17;
	v22 =	vld [tilespmem:s24+$0xFFFFFFD0];
	v21 =	vmul.f32 v21, v6  }
0xd9: {  	[tilespmem:s24+$0x10] =	vst v13;
	v23 =	vld [tilespmem:s18+$0x50]  }
0xda: {  	[tilespmem:s24+$0xFFFFFF90] =	vst v17;
	v17 =	vld [tilespmem:s2+$0x20];
	v13 =	vadd.f32 v16, v21;
	v16 =	vmov v15  }
0xdb: {  	v15 =	vld [tilespmem:s2+$0xFFFFFFA0];
	v18 =	vmul.f32 v18, v1  }
0xdc: {  	v21 =	vld [tilespmem:s24+$0x20];
	[tilespmem:s18+$0xFFFFFFB0] =	vst v13;
	v20 =	vmul.f32 v20, v5  }
0xdd: {  	v25 =	vld [tilespmem:s25+$0xFFFFFFC0];
	v18 =	vadd.f32 v9, v18;
	v9 =	vmov v14;
	v14 =	vmov v22  }
.Ltmp1:
0xde: {  	v13 =	vld [tilespmem:s24+$0xFFFFFFE0];
	v20 =	vadd.f32 v23, v20;
	(pc) =	sbr.rel @p0 .LBB2_4-.Ltmp1, $4  }
0xdf: {  	v22 =	vmul.f32 v17, v10;
	[tilespmem:s17+$0xFFFFFFD0] =	vst v18;
	v17 =	vld [tilespmem:s9+$0xFFFFFFF0];
	s9 =	smov.u32 s23;
	s23 =	smov.u32 s25;
	s25 =	smov.u32 s2  }
0xe0: {  	v15 =	vmul.f32 v15, v12;
	[tilespmem:s18+$0x50] =	vst v20;
	v18 =	vld [tilespmem:s9+$0xFFFFFFE0]  }
0xe1: {  	v23 =	vadd.f32 v21, v22;
	v20 =	vld [tilespmem:s23+$0x60]  }
0xe2: {  	v22 =	vadd.f32 v24, v15;
	v15 =	vld [tilespmem:s24+$0xFFFFFFF0];
	v21 =	vmul.f32 v25, v6  }
0xe3: {  	[tilespmem:s24+$0x20] =	vst v23  }
0xe4: {  	v23 =	vld [tilespmem:s2+$0x30];
	[tilespmem:s24+$0xFFFFFFA0] =	vst v22  }
0xe5: {  	v24 =	vld [tilespmem:s25+$0xFFFFFFB0]  }
0xe6: {  	v37 =	vld [tilespmem:s24+$0x30];
	_ =	sdelay $0x2  }
0xe7: {  	v23 =	vmul.f32 v23, v10  }
0xe8: {  	v38 =	vmul.f32 v24, v12  }
0xe9: {  	v22 =	vadd.f32 v37, v23  }
0xea: {  	v16 =	vadd.f32 v16, v38  }
0xeb: {  	[tilespmem:s31+$0x30] =	vst v22  }
0xec: {  	v22 =	vld [tilespmem:s25+$0x40];
	[tilespmem:s31+$0xFFFFFFB0] =	vst v16  }
0xed: {  	v16 =	vld [tilespmem:s25+$0xFFFFFFC0]  }
0xee: {  	v39 =	vld [tilespmem:s31+$0x40];
	_ =	sdelay $0x2  }
0xef: {  	v22 =	vmul.f32 v22, v10  }
0xf0: {  	v11 =	vadd.f32 v11, v21;
	v16 =	vmul.f32 v16, v12  }
0xf1: {  	v22 =	vadd.f32 v39, v22  }
0xf2: {  	[tilespmem:s18+$0xFFFFFFC0] =	vst v11;
	v16 =	vadd.f32 v19, v16  }
0xf3: {  	v41 =	vld [tilespmem:s23+$0xFFFFFFD0];
	[tilespmem:s31+$0x40] =	vst v22  }
0xf4: {  	v40 =	vld [tilespmem:s25+$0x50];
	[tilespmem:s31+$0xFFFFFFC0] =	vst v16  }
0xf5: {  	v16 =	vld [tilespmem:s25+$0xFFFFFFD0]  }
0xf6: {  	v42 =	vld [tilespmem:s31+$0x50];
	_ =	sdelay $0x1  }
0xf7: {  	v19 =	vmul.f32 v41, v6  }
0xf8: {  	v11 =	vmul.f32 v40, v10  }
0xf9: {  	v9 =	vadd.f32 v9, v19;
	v16 =	vmul.f32 v16, v12  }
0xfa: {  	v11 =	vadd.f32 v42, v11  }
0xfb: {  	v43 =	vld [tilespmem:s18+$0x60];
	[tilespmem:s18+$0xFFFFFFD0] =	vst v9;
	v45 =	vadd.f32 v14, v16  }
0xfc: {  	v46 =	vld [tilespmem:s23+$0xFFFFFFE0];
	[tilespmem:s31+$0x50] =	vst v11  }
0xfd: {  	v44 =	vld [tilespmem:s25+$0x60];
	[tilespmem:s31+$0xFFFFFFD0] =	vst v45  }
0xfe: {  	v11 =	vld [tilespmem:s25+$0xFFFFFFE0]  }
0xff: {  	v48 =	vld [tilespmem:s31+$0x60];
	v18 =	vmul.f32 v18, v1  }
0x100: {  	v47 =	vmul.f32 v20, v5  }
0x101: {  	v4 =	vadd.f32 v4, v18;
	v14 =	vmul.f32 v46, v6  }
0x102: {  	v16 =	vadd.f32 v43, v47;
	v9 =	vmul.f32 v44, v10  }
0x103: {  	v49 =	vld [tilespmem:s18+$0x70];
	[tilespmem:s17+$0xFFFFFFE0] =	vst v4;
	v8 =	vadd.f32 v8, v14;
	v11 =	vmul.f32 v11, v12  }
0x104: {  	v50 =	vld [tilespmem:s9+$0xFFFFFFF0];
	[tilespmem:s18+$0x60] =	vst v16;
	v9 =	vadd.f32 v48, v9  }
0x105: {  	v16 =	vld [tilespmem:s23+$0x70];
	[tilespmem:s18+$0xFFFFFFE0] =	vst v8;
	v11 =	vadd.f32 v13, v11  }
0x106: {  	v52 =	vld [tilespmem:s23+$0xFFFFFFF0];
	[tilespmem:s31+$0x60] =	vst v9  }
0x107: {  	v9 =	vld [tilespmem:s25+$0x70];
	[tilespmem:s31+$0xFFFFFFE0] =	vst v11  }
0x108: {  	v0 =	vmul.f32 v17, v0;
	v11 =	vld [tilespmem:s25+$0xFFFFFFF0]  }
0x109: {  	v51 =	vld [tilespmem:s31+$0x70];
	v54 =	vmul.f32 v50, v1  }
0x10a: {  	v0 =	vadd.f32 v2, v0;
	v53 =	vmul.f32 v16, v5  }
0x10b: {  	v57 =	vadd.f32 v3, v54;
	v58 =	vmul.f32 v52, v6  }
0x10c: {  	[tilespmem:s16+$0xFFFFFFF0] =	vst v0;
	v55 =	vadd.f32 v49, v53;
	v56 =	vmul.f32 v9, v10  }
0x10d: {  	[tilespmem:s17+$0xFFFFFFF0] =	vst v57;
	v61 =	vadd.f32 v7, v58;
	v60 =	vmul.f32 v11, v12  }
0x10e: {  	[tilespmem:s18+$0x70] =	vst v55;
	v59 =	vadd.f32 v51, v56  }
0x10f: {  	[tilespmem:s18+$0xFFFFFFF0] =	vst v61;
	v62 =	vadd.f32 v15, v60  }
0x110: {  	[tilespmem:s31+$0x70] =	vst v59  }
0x111: {  	[tilespmem:s31+$0xFFFFFFF0] =	vst v62  }
0x112: {  	s0 =	simm.s32 $0x0;
	s29 =	simm.s32 $0x6;
	s25 =	rddreg [dreg:$0xa]  }
0x113: {  	[hbm4b:s25+s0] =	stream.linear.scatter [tilespmem:s20], [sflag:$0x11], $0x2000, $0x38;
	[tilespmem:$0x14300] =	vst v63  }
0x114: {  	_ =	swait.ge [sflag:s29], $0x2000  }
0x115: {  	[sflag:s29] =	ssyncset.done $0x0  }
0x116: {  	s30 =	simm.s32 $0xB;
	[sflag:s29] =	ssyncadd.s32 $0xFFFFE000  }
0x117: {  	_ =	swait.ge [sflag:s30], $0x40  }
0x118: {  	[sflag:s30] =	ssyncset.done $0x0  }
0x119: {  	s31 =	simm.s32 $0x10;
	[sflag:s30] =	ssyncadd.s32 $0xFFFFFFC0  }
0x11a: {  	_ =	swait.ge [sflag:s31], $0x2000  }
0x11b: {  	[sflag:s31] =	ssyncset.done $0x0  }
0x11c: {  	s0 =	simm.s32 $0x0;
	[sflag:s31] =	ssyncadd.s32 $0xFFFFE000  }
0x11d: {  	v63 =	vld [tilespmem:s0+$0x240];
	_ =	sdelay $0x4  }
0x11e: {  	v0 =	vmul.f32 $1.442695020e+00, v63;
	_ =	sdelay $0x1  }
0x11f: {  	(erf) = vpow2.f32 v0  }
0x120: {  	s2 =	simm.s32 $0x10;
	s9 =	simm.s32 $0x80  }
.LBB2_6:
0x121: {  	p0 =	sne.s32 s9, $0xC0;
	v0 =	vld [tilespmem:s2+$0x240];
	_ =	sdelay $0x3  }
.Ltmp2:
0x122: {  	(pc) =	sbr.rel @p0 .LBB2_6-.Ltmp2, $3  }
0x123: {  	v1 =	vmul.f32 $1.442695020e+00, v0;
	_ =	sdelay $0x1  }
0x124: {  	(erf) = vpow2.f32 v1;
	v0 =	vpop (erf)  }
0x125: {  	[tilespmem:s0+$0x240] =	vst v0;
	s0 =	smov.u32 s2;
	s2 =	sshra.s32 s9, $0x2;
	s9 =	sadd.s32 $0x40, s9  }
0x126: {  	v0 =	vld [tilespmem:s2+$0x240];
	_ =	sdelay $0x4  }
0x127: {  	v0 =	vmul.f32 $1.442695020e+00, v0;
	_ =	sdelay $0x1  }
0x128: {  	(erf) = vpow2.f32 v0;
	_ =	sdelay $0x7  }
0x129: {  	v0 =	vpop (erf)  }
0x12a: {  	s24 =	simm.s32 $0x40;
	[tilespmem:s0+$0x240] =	vst v0;
	v0 =	vpop (erf)  }
0x12b: {  	s25 =	sand.u32 $0x70, s24;
	[tilespmem:s2+$0x240] =	vst v0  }
0x12c: {  	v0 =	vld [tilespmem:s25+$0x200]  }
0x12d: {  	s31 =	simm.s32 $0x23F0  }
0x12e: {  	v1 =	vld [tilespmem:s31+$0xFFFFFF90]  }
0x12f: {  	s16 =	simm.s32 $0xA3F0;
	s29 =	simm.s32 $0x41  }
0x130: {  	v2 =	vmov s29;
	v3 =	vld [tilespmem:s16+$0xFFFFFF90]  }
0x131: {  	v13 =	vperm.xlane v0, v2;
	_ =	sdelay $0x1  }
0x132: {  	v1 =	vmul.f32 v1, v13;
	_ =	sdelay $0x1  }
0x133: {  	v1 =	vadd.f32 v3, v1;
	_ =	sdelay $0x1  }
0x134: {  	[tilespmem:s16+$0xFFFFFF90] =	vst v1  }
0x135: {  	v1 =	vld [tilespmem:s31+$0xFFFFFFA0];
	_ =	sdelay $0x1  }
0x136: {  	v2 =	vld [tilespmem:s16+$0xFFFFFFA0];
	_ =	sdelay $0x2  }
0x137: {  	v1 =	vmul.f32 v1, v13;
	_ =	sdelay $0x1  }
0x138: {  	v3 =	vld [tilespmem:s31+$0xFFFFFF10];
	v1 =	vadd.f32 v2, v1  }
0x139: {  	s0 =	sand.u32 $0xE, s24  }
0x13a: {  	v4 =	vld [tilespmem:s16+$0xFFFFFF10];
	v2 =	vmov s0;
	[tilespmem:s16+$0xFFFFFFA0] =	vst v1  }
0x13b: {  	v0 =	vperm.xlane v0, v2;
	v1 =	vld [tilespmem:s31+$0xFFFFFFB0];
	_ =	sdelay $0x1  }
0x13c: {  	v2 =	vmul.f32 v3, v0;
	v3 =	vld [tilespmem:s16+$0xFFFFFFB0];
	_ =	sdelay $0x1  }
0x13d: {  	v2 =	vadd.f32 v4, v2  }
0x13e: {  	v1 =	vmul.f32 v1, v13  }
0x13f: {  	v5 =	vld [tilespmem:s16+$0xFFFFFF20];
	[tilespmem:s16+$0xFFFFFF10] =	vst v2  }
0x140: {  	s30 =	simm.s32 $0x42;
	v2 =	vld [tilespmem:s31+$0xFFFFFF20];
	v1 =	vadd.f32 v3, v1  }
0x141: {  	s17 =	sand.u32 $0x70, s30;
	v8 =	vld [tilespmem:s16+$0xFFFFFF50]  }
0x142: {  	v6 =	vld [tilespmem:s17+$0x200];
	[tilespmem:s16+$0xFFFFFFB0] =	vst v1  }
0x143: {  	v1 =	vld [tilespmem:s31+$0xFFFFFFC0]  }
0x144: {  	s9 =	simm.s32 $0x24F0;
	v9 =	vld [tilespmem:s16+$0xFFFFFFC0]  }
0x145: {  	v10 =	vld [tilespmem:s9+$0xFFFFFF90];
	v2 =	vmul.f32 v2, v0  }
0x146: {  	s18 =	simm.s32 $0x43;
	v7 =	vld [tilespmem:s16+$0xFFFFFF60];
	s17 =	simm.s32 $0xA4F0  }
0x147: {  	v11 =	vld [tilespmem:s17+$0xFFFFFF90];
	v2 =	vadd.f32 v5, v2;
	v5 =	vmov s18  }
0x148: {  	v17 =	vld [tilespmem:s16+$0xFFFFFF70];
	v15 =	vperm.xlane v6, v5;
	v1 =	vmul.f32 v1, v13  }
0x149: {  	v12 =	vld [tilespmem:s17+$0xFFFFFF10]  }
0x14a: {  	v5 =	vld [tilespmem:s9+$0xFFFFFF10];
	[tilespmem:s16+$0xFFFFFF20] =	vst v2;
	v1 =	vadd.f32 v9, v1;
	v9 =	vmul.f32 v10, v15  }
0x14b: {  	s0 =	sand.u32 $0xE, s30;
	v2 =	vld [tilespmem:s31+$0xFFFFFF30]  }
0x14c: {  	v4 =	vld [tilespmem:s16+$0xFFFFFF30];
	v10 =	vmov s0;
	[tilespmem:s16+$0xFFFFFFC0] =	vst v1;
	v9 =	vadd.f32 v11, v9  }
0x14d: {  	v1 =	vperm.xlane v6, v10;
	v6 =	vld [tilespmem:s31+$0xFFFFFFD0]  }
0x14e: {  	s21 =	simm.s32 $0x44;
	[tilespmem:s17+$0xFFFFFF90] =	vst v9;
	v9 =	vld [tilespmem:s16+$0xFFFFFFD0]  }
0x14f: {  	s24 =	sand.u32 $0x70, s21;
	v5 =	vmul.f32 v5, v1;
	v10 =	vld [tilespmem:s9+$0xFFFFFFA0]  }
0x150: {  	v19 =	vld [tilespmem:s24+$0x200];
	v2 =	vmul.f32 v2, v0  }
0x151: {  	s23 =	simm.s32 $0x25F0;
	v5 =	vadd.f32 v12, v5;
	v12 =	vld [tilespmem:s17+$0xFFFFFFA0]  }
0x152: {  	v21 =	vld [tilespmem:s23+$0xFFFFFF90];
	v4 =	vadd.f32 v4, v2;
	v6 =	vmul.f32 v6, v13  }
0x153: {  	v3 =	vld [tilespmem:s16+$0xFFFFFF40];
	[tilespmem:s17+$0xFFFFFF10] =	vst v5  }
0x154: {  	[tilespmem:s16+$0xFFFFFF30] =	vst v4;
	v4 =	vld [tilespmem:s9+$0xFFFFFF20];
	v5 =	vadd.f32 v9, v6;
	v6 =	vmul.f32 v10, v15  }
0x155: {  	v9 =	vld [tilespmem:s31+$0xFFFFFF40]  }
0x156: {  	v11 =	vld [tilespmem:s17+$0xFFFFFF20];
	[tilespmem:s16+$0xFFFFFFD0] =	vst v5;
	v5 =	vadd.f32 v12, v6  }
0x157: {  	v6 =	vld [tilespmem:s31+$0xFFFFFFE0]  }
0x158: {  	[tilespmem:s17+$0xFFFFFFA0] =	vst v5;
	v5 =	vld [tilespmem:s16+$0xFFFFFFE0]  }
0x159: {  	v4 =	vmul.f32 v4, v1;
	v12 =	vld [tilespmem:s9+$0xFFFFFFB0]  }
0x15a: {  	v23 =	vld [tilespmem:s23+$0xFFFFFF10];
	v9 =	vmul.f32 v9, v0  }
0x15b: {  	s2 =	simm.s32 $0x26F0;
	v4 =	vadd.f32 v11, v4;
	v11 =	vld [tilespmem:s17+$0xFFFFFFB0]  }
0x15c: {  	v28 =	vld [tilespmem:s2+$0xFFFFFF90];
	v3 =	vadd.f32 v3, v9;
	v6 =	vmul.f32 v6, v13  }
0x15d: {  	v29 =	vld [tilespmem:s2+$0xFFFFFF10]  }
0x15e: {  	v16 =	vld [tilespmem:s17+$0xFFFFFF30];
	[tilespmem:s16+$0xFFFFFF40] =	vst v3;
	v3 =	vadd.f32 v5, v6;
	v5 =	vmul.f32 v12, v15  }
0x15f: {  	v14 =	vld [tilespmem:s17+$0xFFFFFF50]  }
0x160: {  	v18 =	vld [tilespmem:s17+$0xFFFFFF60];
	[tilespmem:s16+$0xFFFFFFE0] =	vst v3;
	v3 =	vadd.f32 v11, v5  }
0x161: {  	v5 =	vld [tilespmem:s31+$0xFFFFFFF0]  }
0x162: {  	v6 =	vld [tilespmem:s16+$0xFFFFFFF0];
	[tilespmem:s17+$0xFFFFFFB0] =	vst v3  }
0x163: {  	v11 =	vld [tilespmem:s9+$0xFFFFFFC0]  }
0x164: {  	s24 =	simm.s32 $0xA6F0;
	v20 =	vld [tilespmem:s17+$0xFFFFFFC0]  }
0x165: {  	v30 =	vld [tilespmem:s24+$0xFFFFFF90]  }
0x166: {  	v32 =	vld [tilespmem:s24+$0xFFFFFF10];
	v5 =	vmul.f32 v5, v13  }
0x167: {  	s25 =	simm.s32 $0x45;
	v48 =	vld [tilespmem:s24+$0xFFFFFF20];
	s18 =	simm.s32 $0xA5F0  }
0x168: {  	v22 =	vld [tilespmem:s18+$0xFFFFFF90];
	v6 =	vadd.f32 v6, v5;
	v5 =	vmov s25;
	v11 =	vmul.f32 v11, v15  }
0x169: {  	v49 =	vld [tilespmem:s17+$0x0];
	[tilespmem:s17+$0xFFFFFF20] =	vst v4;
	v5 =	vperm.xlane v19, v5  }
0x16a: {  	s0 =	sand.u32 $0xE, s21;
	v9 =	vld [tilespmem:s9+$0xFFFFFF30];
	v11 =	vadd.f32 v20, v11  }
0x16b: {  	v24 =	vld [tilespmem:s18+$0xFFFFFF10];
	[tilespmem:s16+$0xFFFFFFF0] =	vst v6;
	v6 =	vmov s0;
	v21 =	vmul.f32 v21, v5  }
0x16c: {  	v12 =	vld [tilespmem:s31+$0xFFFFFF50];
	v6 =	vperm.xlane v19, v6;
	[tilespmem:s17+$0xFFFFFFC0] =	vst v11  }
0x16d: {  	v11 =	vadd.f32 v22, v21;
	v22 =	vld [tilespmem:s9+$0xFFFFFFD0]  }
0x16e: {  	v51 =	vld [tilespmem:s24+$0xFFFFFF30];
	v23 =	vmul.f32 v23, v6  }
0x16f: {  	v9 =	vmul.f32 v9, v1;
	[tilespmem:s18+$0xFFFFFF90] =	vst v11;
	v11 =	vld [tilespmem:s17+$0xFFFFFFD0]  }
0x170: {  	v23 =	vadd.f32 v24, v23;
	v43 =	vld [tilespmem:s23+$0xFFFFFFA0]  }
0x171: {  	v53 =	vld [tilespmem:s24+$0xFFFFFFA0];
	v12 =	vmul.f32 v12, v0;
	v9 =	vadd.f32 v16, v9  }
0x172: {  	[tilespmem:s18+$0xFFFFFF10] =	vst v23;
	v23 =	vld [tilespmem:s18+$0xFFFFFFA0];
	v22 =	vmul.f32 v22, v15  }
0x173: {  	v8 =	vadd.f32 v8, v12;
	[tilespmem:s17+$0xFFFFFF30] =	vst v9;
	v9 =	vld [tilespmem:s23+$0xFFFFFF20]  }
0x174: {  	v12 =	vld [tilespmem:s9+$0xFFFFFF40];
	v11 =	vadd.f32 v11, v22  }
0x175: {  	[tilespmem:s16+$0xFFFFFF50] =	vst v8;
	v19 =	vld [tilespmem:s18+$0xFFFFFF20];
	v8 =	vmul.f32 v43, v5  }
0x176: {  	v10 =	vld [tilespmem:s17+$0xFFFFFF40];
	[tilespmem:s17+$0xFFFFFFD0] =	vst v11  }
0x177: {  	v8 =	vadd.f32 v23, v8;
	v23 =	vld [tilespmem:s9+$0xFFFFFFE0]  }
0x178: {  	v44 =	vld [tilespmem:s31+$0xFFFFFF60];
	v9 =	vmul.f32 v9, v6  }
0x179: {  	[tilespmem:s18+$0xFFFFFFA0] =	vst v8;
	v8 =	vld [tilespmem:s17+$0xFFFFFFE0]  }
0x17a: {  	v12 =	vmul.f32 v12, v1;
	v19 =	vadd.f32 v19, v9;
	v25 =	vld [tilespmem:s23+$0xFFFFFFB0]  }
0x17b: {  	v27 =	vld [tilespmem:s18+$0xFFFFFFC0]  }
0x17c: {  	v10 =	vadd.f32 v10, v12;
	[tilespmem:s18+$0xFFFFFF20] =	vst v19;
	v19 =	vld [tilespmem:s18+$0xFFFFFFB0];
	v23 =	vmul.f32 v23, v15  }
0x17d: {  	v59 =	vld [tilespmem:s18+$0xFFFFFFE0];
	v12 =	vmul.f32 v44, v0  }
0x17e: {  	v2 =	vld [tilespmem:s16+$0xFFFFFF80];
	[tilespmem:s17+$0xFFFFFF40] =	vst v10;
	v10 =	vadd.f32 v8, v23  }
0x17f: {  	v4 =	vld [tilespmem:s17+$0xFFFFFF70];
	v7 =	vadd.f32 v7, v12;
	v12 =	vmul.f32 v25, v5  }
0x180: {  	s0 =	simm.s32 $0x46;
	v20 =	vld [tilespmem:s31+$0x0];
	[tilespmem:s17+$0xFFFFFFE0] =	vst v10  }
0x181: {  	s29 =	sand.u32 $0x70, s0;
	v10 =	vadd.f32 v19, v12;
	v12 =	vld [tilespmem:s9+$0xFFFFFFF0]  }
0x182: {  	v46 =	vld [tilespmem:s29+$0x200]  }
0x183: {  	[tilespmem:s18+$0xFFFFFFB0] =	vst v10;
	v10 =	vld [tilespmem:s17+$0xFFFFFFF0]  }
0x184: {  	v19 =	vld [tilespmem:s23+$0xFFFFFFC0]  }
0x185: {  	v45 =	vld [tilespmem:s23+$0xFFFFFF30]  }
0x186: {  	v3 =	vld [tilespmem:s17+$0xFFFFFF80];
	v12 =	vmul.f32 v12, v15  }
0x187: {  	v16 =	vld [tilespmem:s18+$0xFFFFFF30]  }
0x188: {  	s21 =	simm.s32 $0x47;
	v21 =	vld [tilespmem:s16+$0x0];
	v10 =	vadd.f32 v10, v12  }
0x189: {  	s30 =	sand.u32 $0xE, s0;
	v20 =	vmul.f32 v20, v13;
	v13 =	vld [tilespmem:s24+$0xFFFFFF70];
	v12 =	vmov s21;
	v19 =	vmul.f32 v19, v5  }
0x18a: {  	v31 =	vmov s30;
	v26 =	vld [tilespmem:s9+$0xFFFFFF50];
	v24 =	vmul.f32 v45, v6;
	[tilespmem:s17+$0xFFFFFFF0] =	vst v10;
	v10 =	vperm.xlane v46, v12  }
0x18b: {  	[tilespmem:s16+$0xFFFFFF60] =	vst v7;
	v7 =	vld [tilespmem:s18+$0xFFFFFF80];
	v12 =	vperm.xlane v46, v31;
	v19 =	vadd.f32 v27, v19  }
0x18c: {  	v22 =	vld [tilespmem:s18+$0xFFFFFF40];
	v16 =	vadd.f32 v16, v24;
	v28 =	vmul.f32 v28, v10  }
0x18d: {  	v23 =	vld [tilespmem:s31+$0xFFFFFF70];
	v29 =	vmul.f32 v29, v12;
	[tilespmem:s18+$0xFFFFFFC0] =	vst v19  }
0x18e: {  	[tilespmem:s18+$0xFFFFFF30] =	vst v16;
	v19 =	vadd.f32 v30, v28;
	v50 =	vld [tilespmem:s23+$0xFFFFFFD0]  }
0x18f: {  	v54 =	vld [tilespmem:s23+$0xFFFFFF40];
	v29 =	vadd.f32 v32, v29  }
0x190: {  	[tilespmem:s24+$0xFFFFFF90] =	vst v19;
	v19 =	vld [tilespmem:s18+$0xFFFFFFD0]  }
0x191: {  	v26 =	vmul.f32 v26, v1;
	[tilespmem:s24+$0xFFFFFF10] =	vst v29;
	v52 =	vld [tilespmem:s2+$0xFFFFFFA0]  }
0x192: {  	v29 =	vld [tilespmem:s2+$0xFFFFFF20]  }
0x193: {  	v11 =	vld [tilespmem:s18+$0xFFFFFF50];
	v14 =	vadd.f32 v14, v26;
	v16 =	vmul.f32 v50, v5  }
0x194: {  	v9 =	vld [tilespmem:s18+$0xFFFFFF60];
	v23 =	vmul.f32 v23, v0  }
0x195: {  	[tilespmem:s17+$0xFFFFFF50] =	vst v14;
	v47 =	vld [tilespmem:s9+$0x0];
	v26 =	vmul.f32 v54, v6;
	v28 =	vadd.f32 v19, v16  }
0x196: {  	v56 =	vld [tilespmem:s9+$0xFFFFFF60];
	v17 =	vadd.f32 v17, v23;
	v14 =	vmul.f32 v52, v10  }
0x197: {  	v8 =	vld [tilespmem:s18+$0xFFFFFF70];
	v22 =	vadd.f32 v22, v26;
	v55 =	vmul.f32 v29, v12;
	[tilespmem:s18+$0xFFFFFFD0] =	vst v28  }
0x198: {  	[tilespmem:s16+$0xFFFFFF70] =	vst v17;
	v57 =	vadd.f32 v53, v14;
	v58 =	vld [tilespmem:s23+$0xFFFFFFE0]  }
0x199: {  	v17 =	vld [tilespmem:s31+$0xFFFFFF80];
	[tilespmem:s18+$0xFFFFFF40] =	vst v22;
	v24 =	vadd.f32 v48, v55  }
0x19a: {  	v22 =	vld [tilespmem:s24+$0xFFFFFFB0];
	v15 =	vmul.f32 v47, v15;
	[tilespmem:s24+$0xFFFFFFA0] =	vst v57  }
0x19b: {  	[tilespmem:s24+$0xFFFFFF20] =	vst v24;
	v60 =	vld [tilespmem:s2+$0xFFFFFFB0]  }
0x19c: {  	v15 =	vadd.f32 v49, v15;
	v28 =	vmul.f32 v56, v1;
	v61 =	vld [tilespmem:s2+$0xFFFFFF30]  }
0x19d: {  	v62 =	vld [tilespmem:s23+$0xFFFFFF50];
	v23 =	vmul.f32 v58, v5  }
0x19e: {  	[tilespmem:s17+$0x0] =	vst v15;
	v15 =	vld [tilespmem:s24+$0xFFFFFF80];
	v18 =	vadd.f32 v18, v28  }
0x19f: {  	v16 =	vld [tilespmem:s24+$0xFFFFFF40];
	v23 =	vadd.f32 v59, v23  }
0x1a0: {  	v20 =	vadd.f32 v21, v20;
	v19 =	vld [tilespmem:s24+$0xFFFFFF50];
	[tilespmem:s17+$0xFFFFFF60] =	vst v18;
	v21 =	vmul.f32 v60, v10  }
0x1a1: {  	v18 =	vld [tilespmem:s9+$0xFFFFFF70];
	v63 =	vmul.f32 v61, v12;
	[tilespmem:s18+$0xFFFFFFE0] =	vst v23  }
0x1a2: {  	[tilespmem:s16+$0x0] =	vst v20;
	v20 =	vld [tilespmem:s23+$0xFFFFFFF0];
	v23 =	vadd.f32 v22, v21  }
0x1a3: {  	s25 =	simm.s32 $0x26F0;
	s31 =	simm.s32 $0xA6F0;
	v14 =	vld [tilespmem:s24+$0xFFFFFF60];
	v22 =	vadd.f32 v51, v63;
	v21 =	vmul.f32 v62, v6  }
.LBB2_8:
0x1a4: {  	[tilespmem:s24+$0xFFFFFFB0] =	vst v23;
	v23 =	vld [tilespmem:s18+$0xFFFFFFF0];
	s21 =	smov.u32 s0;
	s0 =	sadd.s32 $0x2, s0  }
0x1a5: {  	s29 =	sand.u32 $0xE, s0;
	s30 =	sand.u32 $0x70, s0;
	p0 =	slt.u32 s0, $0x7E;
	[tilespmem:s24+$0xFFFFFF30] =	vst v22;
	v22 =	vld [tilespmem:s2+$0xFFFFFFC0];
	v21 =	vadd.f32 v11, v21;
	v17 =	vmul.f32 v17, v0;
	v0 =	vmovc v1;
	v1 =	vmov v6  }
0x1a6: {  	v6 =	vmovc v12;
	v11 =	vmov v19;
	v24 =	vld [tilespmem:s30+$0x200];
	v25 =	vmov s29;
	v18 =	vmul.f32 v18, v0  }
0x1a7: {  	s2 =	sadd.s32 $0x100, s2;
	v19 =	vld [tilespmem:s24+$0xFFFFFFC0];
	[tilespmem:s18+$0xFFFFFF50] =	vst v21;
	v12 =	vmul.f32 v20, v5;
	v17 =	vadd.f32 v2, v17;
	v2 =	vmovc v3;
	v3 =	vmov v7  }
0x1a8: {  	v20 =	vld [tilespmem:s2+$0xFFFFFF90];
	v18 =	vadd.f32 v4, v18;
	v4 =	vmovc v8;
	v8 =	vmov v13;
	v7 =	vmov v15  }
0x1a9: {  	s21 =	sadd.s32 $0x3, s21;
	s24 =	sadd.s32 $0x100, s24;
	v13 =	vld [tilespmem:s2+$0xFFFFFF10];
	v15 =	vadd.f32 v23, v12;
	[tilespmem:s16+$0xFFFFFF80] =	vst v17;
	s16 =	smov.u32 s17  }
0x1aa: {  	v17 =	vmov s21;
	s17 =	smov.u32 s18;
	s18 =	smov.u32 s31;
	s31 =	smov.u32 s24;
	v21 =	vld [tilespmem:s24+$0xFFFFFF90];
	v22 =	vmul.f32 v22, v10;
	[tilespmem:s16+$0xFFFFFF70] =	vst v18  }
0x1ab: {  	v12 =	vperm.xlane v24, v25;
	v18 =	vld [tilespmem:s24+$0xFFFFFF10];
	v17 =	vperm.xlane v24, v17;
	[tilespmem:s17+$0xFFFFFFF0] =	vst v15  }
0x1ac: {  	v15 =	vadd.f32 v19, v22;
	v19 =	vld [tilespmem:s23+$0x0]  }
0x1ad: {  	v22 =	vld [tilespmem:s24+$0xFFFFFF20];
	v20 =	vmul.f32 v20, v17  }
0x1ae: {  	v13 =	vmul.f32 v13, v12;
	[tilespmem:s18+$0xFFFFFFC0] =	vst v15;
	v15 =	vld [tilespmem:s17+$0x0]  }
0x1af: {  	v20 =	vadd.f32 v21, v20;
	v21 =	vld [tilespmem:s25+$0xFFFFFFD0]  }
0x1b0: {  	v13 =	vadd.f32 v18, v13;
	v24 =	vld [tilespmem:s24+$0xFFFFFF30]  }
0x1b1: {  	[tilespmem:s24+$0xFFFFFF90] =	vst v20;
	v18 =	vld [tilespmem:s18+$0xFFFFFFD0];
	v19 =	vmul.f32 v19, v5;
	v5 =	vmov v10;
	v10 =	vmov v17  }
0x1b2: {  	[tilespmem:s24+$0xFFFFFF10] =	vst v13;
	v13 =	vld [tilespmem:s2+$0xFFFFFFA0]  }
0x1b3: {  	v17 =	vld [tilespmem:s2+$0xFFFFFF20];
	v15 =	vadd.f32 v15, v19  }
0x1b4: {  	v20 =	vld [tilespmem:s24+$0xFFFFFFA0];
	v19 =	vmul.f32 v21, v5  }
0x1b5: {  	v21 =	vld [tilespmem:s25+$0xFFFFFF40];
	[tilespmem:s17+$0x0] =	vst v15  }
0x1b6: {  	v15 =	vld [tilespmem:s24+$0xFFFFFF40];
	v18 =	vadd.f32 v18, v19  }
0x1b7: {  	v19 =	vld [tilespmem:s24+$0xFFFFFF50];
	v13 =	vmul.f32 v13, v10  }
0x1b8: {  	v17 =	vmul.f32 v17, v12;
	[tilespmem:s18+$0xFFFFFFD0] =	vst v18;
	v18 =	vld [tilespmem:s23+$0xFFFFFF60]  }
0x1b9: {  	v13 =	vadd.f32 v20, v13;
	v20 =	vld [tilespmem:s25+$0xFFFFFFE0]  }
0x1ba: {  	v17 =	vadd.f32 v22, v17;
	v22 =	vld [tilespmem:s24+$0xFFFFFF60];
	v21 =	vmul.f32 v21, v6  }
0x1bb: {  	[tilespmem:s24+$0xFFFFFFA0] =	vst v13;
	v23 =	vld [tilespmem:s18+$0xFFFFFFE0]  }
0x1bc: {  	[tilespmem:s24+$0xFFFFFF20] =	vst v17;
	v17 =	vld [tilespmem:s2+$0xFFFFFFB0];
	v13 =	vadd.f32 v16, v21;
	v16 =	vmov v15  }
0x1bd: {  	v15 =	vld [tilespmem:s2+$0xFFFFFF30];
	v18 =	vmul.f32 v18, v1  }
0x1be: {  	v21 =	vld [tilespmem:s24+$0xFFFFFFB0];
	[tilespmem:s18+$0xFFFFFF40] =	vst v13;
	v20 =	vmul.f32 v20, v5  }
0x1bf: {  	v25 =	vld [tilespmem:s25+$0xFFFFFF50];
	v18 =	vadd.f32 v9, v18;
	v9 =	vmov v14;
	v14 =	vmov v22  }
.Ltmp3:
0x1c0: {  	v13 =	vld [tilespmem:s24+$0xFFFFFF70];
	v20 =	vadd.f32 v23, v20;
	(pc) =	sbr.rel @p0 .LBB2_8-.Ltmp3, $4  }
0x1c1: {  	v22 =	vmul.f32 v17, v10;
	[tilespmem:s17+$0xFFFFFF60] =	vst v18;
	v17 =	vld [tilespmem:s9+$0xFFFFFF80];
	s9 =	smov.u32 s23;
	s23 =	smov.u32 s25;
	s25 =	smov.u32 s2  }
0x1c2: {  	v15 =	vmul.f32 v15, v12;
	[tilespmem:s18+$0xFFFFFFE0] =	vst v20;
	v18 =	vld [tilespmem:s9+$0xFFFFFF70]  }
0x1c3: {  	v23 =	vadd.f32 v21, v22;
	v20 =	vld [tilespmem:s23+$0xFFFFFFF0]  }
0x1c4: {  	v22 =	vadd.f32 v24, v15;
	v15 =	vld [tilespmem:s24+$0xFFFFFF80];
	v21 =	vmul.f32 v25, v6  }
0x1c5: {  	[tilespmem:s24+$0xFFFFFFB0] =	vst v23  }
0x1c6: {  	v23 =	vld [tilespmem:s2+$0xFFFFFFC0];
	[tilespmem:s24+$0xFFFFFF30] =	vst v22  }
0x1c7: {  	v24 =	vld [tilespmem:s25+$0xFFFFFF40]  }
0x1c8: {  	v46 =	vld [tilespmem:s24+$0xFFFFFFC0];
	_ =	sdelay $0x2  }
0x1c9: {  	v23 =	vmul.f32 v23, v10  }
0x1ca: {  	v47 =	vmul.f32 v24, v12  }
0x1cb: {  	v22 =	vadd.f32 v46, v23  }
0x1cc: {  	v16 =	vadd.f32 v16, v47  }
0x1cd: {  	[tilespmem:s31+$0xFFFFFFC0] =	vst v22  }
0x1ce: {  	v22 =	vld [tilespmem:s25+$0xFFFFFFD0];
	[tilespmem:s31+$0xFFFFFF40] =	vst v16  }
0x1cf: {  	v16 =	vld [tilespmem:s25+$0xFFFFFF50]  }
0x1d0: {  	v48 =	vld [tilespmem:s31+$0xFFFFFFD0];
	_ =	sdelay $0x2  }
0x1d1: {  	v22 =	vmul.f32 v22, v10  }
0x1d2: {  	v11 =	vadd.f32 v11, v21;
	v16 =	vmul.f32 v16, v12  }
0x1d3: {  	v22 =	vadd.f32 v48, v22  }
0x1d4: {  	[tilespmem:s18+$0xFFFFFF50] =	vst v11;
	v16 =	vadd.f32 v19, v16  }
0x1d5: {  	v50 =	vld [tilespmem:s23+$0xFFFFFF60];
	[tilespmem:s31+$0xFFFFFFD0] =	vst v22  }
0x1d6: {  	v49 =	vld [tilespmem:s25+$0xFFFFFFE0];
	[tilespmem:s31+$0xFFFFFF50] =	vst v16  }
0x1d7: {  	v16 =	vld [tilespmem:s25+$0xFFFFFF60]  }
0x1d8: {  	v51 =	vld [tilespmem:s31+$0xFFFFFFE0];
	_ =	sdelay $0x1  }
0x1d9: {  	v19 =	vmul.f32 v50, v6  }
0x1da: {  	v11 =	vmul.f32 v49, v10  }
0x1db: {  	v9 =	vadd.f32 v9, v19;
	v16 =	vmul.f32 v16, v12  }
0x1dc: {  	v11 =	vadd.f32 v51, v11  }
0x1dd: {  	v52 =	vld [tilespmem:s18+$0xFFFFFFF0];
	[tilespmem:s18+$0xFFFFFF60] =	vst v9;
	v54 =	vadd.f32 v14, v16  }
0x1de: {  	v55 =	vld [tilespmem:s23+$0xFFFFFF70];
	[tilespmem:s31+$0xFFFFFFE0] =	vst v11  }
0x1df: {  	v53 =	vld [tilespmem:s25+$0xFFFFFFF0];
	[tilespmem:s31+$0xFFFFFF60] =	vst v54  }
0x1e0: {  	v11 =	vld [tilespmem:s25+$0xFFFFFF70]  }
0x1e1: {  	v57 =	vld [tilespmem:s31+$0xFFFFFFF0];
	v18 =	vmul.f32 v18, v1  }
0x1e2: {  	v56 =	vmul.f32 v20, v5  }
0x1e3: {  	v4 =	vadd.f32 v4, v18;
	v14 =	vmul.f32 v55, v6  }
0x1e4: {  	v16 =	vadd.f32 v52, v56;
	v9 =	vmul.f32 v53, v10  }
0x1e5: {  	v58 =	vld [tilespmem:s18+$0x0];
	[tilespmem:s17+$0xFFFFFF70] =	vst v4;
	v8 =	vadd.f32 v8, v14;
	v11 =	vmul.f32 v11, v12  }
0x1e6: {  	v59 =	vld [tilespmem:s9+$0xFFFFFF80];
	[tilespmem:s18+$0xFFFFFFF0] =	vst v16;
	v9 =	vadd.f32 v57, v9  }
0x1e7: {  	v16 =	vld [tilespmem:s23+$0x0];
	[tilespmem:s18+$0xFFFFFF70] =	vst v8;
	v11 =	vadd.f32 v13, v11  }
0x1e8: {  	v61 =	vld [tilespmem:s23+$0xFFFFFF80];
	[tilespmem:s31+$0xFFFFFFF0] =	vst v9  }
0x1e9: {  	v0 =	vmul.f32 v17, v0;
	v9 =	vld [tilespmem:s25+$0x0];
	[tilespmem:s31+$0xFFFFFF70] =	vst v11  }
0x1ea: {  	v11 =	vld [tilespmem:s25+$0xFFFFFF80]  }
0x1eb: {  	v60 =	vld [tilespmem:s31+$0x0];
	v0 =	vadd.f32 v2, v0;
	v1 =	vmul.f32 v59, v1  }
0x1ec: {  	v62 =	vmul.f32 v16, v5  }
0x1ed: {  	[tilespmem:s16+$0xFFFFFF80] =	vst v0;
	v0 =	vadd.f32 v3, v1;
	v1 =	vmul.f32 v61, v6  }
0x1ee: {  	v2 =	vadd.f32 v58, v62;
	v63 =	vmul.f32 v9, v10  }
0x1ef: {  	[tilespmem:s17+$0xFFFFFF80] =	vst v0;
	v0 =	vadd.f32 v7, v1;
	v3 =	vmul.f32 v11, v12  }
0x1f0: {  	[tilespmem:s18+$0x0] =	vst v2;
	v2 =	vadd.f32 v60, v63  }
0x1f1: {  	[tilespmem:s18+$0xFFFFFF80] =	vst v0;
	v1 =	vadd.f32 v15, v3  }
0x1f2: {  	[tilespmem:s31+$0x0] =	vst v2  }
0x1f3: {  	[tilespmem:s31+$0xFFFFFF80] =	vst v1  }
0x1f4: {  	s16 =	simm.s32 $0x0;
	s25 =	simm.s32 $0xA300;
	s0 =	rddreg [dreg:$0xb]  }
0x1f5: {  	[hbm4b:s0+s16] =	stream.linear.scatter [tilespmem:s25], [sflag:$0x15], $0x2000, $0x38;
	[tilespmem:$0x14300] =	vst v63  }
0x1f6: {  	s21 =	simm.s32 $0x100;
	s24 =	simm.s32 $0x10300  }
0x1f7: {  	[tilespmem:s24], [sflag:$0x4] =	stream.indirect.gather [hbm4b:s3+s26], $0x80, s21, s26, $0xb8;
	[tilespmem:$0x14300] =	vst v63  }
0x1f8: {  	s23 =	simm.s32 $0x200  }
0x1f9: {  	[tilespmem:s23], [sflag:$0x9] =	stream.indirect.gather [hbm4b:s1+s26], $0x1, s21, s26, $0xb8;
	[tilespmem:$0x14300] =	vst v63  }
0x1fa: {  	s30 =	simm.s32 $0x3;
	s29 =	rddreg [dreg:$0xc];
	s24 =	simm.s32 $0x300  }
0x1fb: {  	[tilespmem:s24], [sflag:$0xE] =	stream.linear.gather [hbm4b:s29+s16], $0x4000, $0x38;
	[tilespmem:$0x14300] =	vst v63  }
0x1fc: {  	_ =	swait.ge [sflag:s30], $0x4000  }
0x1fd: {  	[sflag:s30] =	ssyncset.done $0x0  }
0x1fe: {  	s31 =	simm.s32 $0x8;
	[sflag:s30] =	ssyncadd.s32 $0xFFFFC000  }
0x1ff: {  	_ =	swait.ge [sflag:s31], $0x80  }
0x200: {  	[sflag:s31] =	ssyncset.done $0x0  }
0x201: {  	[sflag:s31] =	ssyncadd.s32 $0xFFFFFF80  }
0x202: {  	_ =	swait.ge [sflag:s5], $0x4000  }
0x203: {  	[sflag:s5] =	ssyncset.done $0x0  }
0x204: {  	s9 =	simm.s32 $0x0;
	[sflag:s5] =	ssyncadd.s32 $0xFFFFC000  }
0x205: {  	v0 =	vld [tilespmem:s9+$0x280];
	_ =	sdelay $0x4  }
0x206: {  	v0 =	vmul.f32 $1.442695020e+00, v0  }
0x207: {  	s0 =	simm.s32 $0x10  }
0x208: {  	(erf) = vpow2.f32 v0;
	v0 =	vld [tilespmem:s0+$0x280];
	_ =	sdelay $0x4  }
0x209: {  	s2 =	simm.s32 $0x20;
	v1 =	vmul.f32 $1.442695020e+00, v0  }
0x20a: {  	v0 =	vld [tilespmem:s2+$0x280]  }
0x20b: {  	(erf) = vpow2.f32 v1;
	_ =	sdelay $0x2  }
0x20c: {  	s17 =	simm.s32 $0xC0;
	s18 =	simm.s32 $0x0;
	v1 =	vpop (erf)  }
.LBB2_10:
0x20d: {  	s21 =	sshra.s32 s17, $0x2;
	p0 =	sne.s32 s17, $0x1C0;
	s17 =	sadd.s32 $0x40, s17;
	v2 =	vmul.f32 $1.442695020e+00, v0;
	[tilespmem:s18+$0x280] =	vst v1  }
.Ltmp4:
0x20e: {  	s18 =	smov.u32 s0;
	s0 =	smov.u32 s2;
	v0 =	vld [tilespmem:s21+$0x280];
	(pc) =	sbr.rel @p0 .LBB2_10-.Ltmp4, $2  }
0x20f: {  	s2 =	smov.u32 s21;
	(erf) = vpow2.f32 v2;
	_ =	sdelay $0x2  }
0x210: {  	v1 =	vpop (erf)  }
0x211: {  	v0 =	vmul.f32 $1.442695020e+00, v0;
	_ =	sdelay $0x1  }
0x212: {  	(erf) = vpow2.f32 v0;
	_ =	sdelay $0x7  }
0x213: {  	[tilespmem:s18+$0x280] =	vst v1;
	v0 =	vpop (erf)  }
0x214: {  	[tilespmem:s0+$0x280] =	vst v0;
	s0 =	simm.s32 $0x0;
	v0 =	vpop (erf)  }
0x215: {  	s17 =	sand.u32 $0x70, s0;
	[tilespmem:s2+$0x280] =	vst v0  }
0x216: {  	v0 =	vld [tilespmem:s17+$0x280]  }
0x217: {  	v1 =	vld [tilespmem:s9+$0x43F0]  }
0x218: {  	v2 =	vld [tilespmem:s9+$0x4300]  }
0x219: {  	v4 =	vld [tilespmem:s9+$0xC3F0]  }
0x21a: {  	v5 =	vld [tilespmem:s9+$0x4310]  }
0x21b: {  	v6 =	vld [tilespmem:s9+$0x4330]  }
0x21c: {  	v7 =	vld [tilespmem:s9+$0x4340]  }
0x21d: {  	v8 =	vld [tilespmem:s9+$0x4350]  }
0x21e: {  	v9 =	vld [tilespmem:s9+$0x4370]  }
0x21f: {  	v10 =	vld [tilespmem:s9+$0x4390]  }
0x220: {  	v13 =	vld [tilespmem:s9+$0x43A0]  }
0x221: {  	v14 =	vld [tilespmem:s9+$0x43B0]  }
0x222: {  	v15 =	vld [tilespmem:s9+$0x43C0]  }
0x223: {  	v16 =	vld [tilespmem:s9+$0x43D0]  }
0x224: {  	v17 =	vld [tilespmem:s9+$0xC300]  }
0x225: {  	s18 =	simm.s32 $0x1;
	v18 =	vld [tilespmem:s9+$0xC320]  }
0x226: {  	v3 =	vmov s18;
	s21 =	sand.u32 $0xE, s0;
	v19 =	vld [tilespmem:s9+$0xC330]  }
0x227: {  	v12 =	vmov s21;
	v20 =	vld [tilespmem:s9+$0xC340];
	v11 =	vperm.xlane v0, v3  }
0x228: {  	v0 =	vperm.xlane v0, v12;
	v12 =	vld [tilespmem:s9+$0xC310]  }
0x229: {  	v63 =	vld [tilespmem:s9+$0xC350];
	v1 =	vmul.f32 v1, v11  }
0x22a: {  	v3 =	vld [tilespmem:s9+$0x4320]  }
0x22b: {  	v5 =	vmul.f32 v5, v0;
	v1 =	vadd.f32 v4, v1;
	v4 =	vld [tilespmem:s9+$0x4360]  }
0x22c: {  	v22 =	vld [tilespmem:s9+$0xC360];
	v2 =	vmul.f32 v2, v0  }
0x22d: {  	v23 =	vmul.f32 v7, v0;
	v5 =	vadd.f32 v12, v5;
	[tilespmem:s9+$0xC3F0] =	vst v1;
	v1 =	vld [tilespmem:s9+$0x4380]  }
0x22e: {  	v25 =	vld [tilespmem:s9+$0x43E0];
	v21 =	vmul.f32 v6, v0;
	v24 =	vmul.f32 v8, v0;
	v2 =	vadd.f32 v17, v2  }
0x22f: {  	v8 =	vld [tilespmem:s9+$0xC370];
	v3 =	vmul.f32 v3, v0;
	[tilespmem:s9+$0xC310] =	vst v5;
	v5 =	vmul.f32 v13, v11;
	v13 =	vadd.f32 v20, v23  }
0x230: {  	v12 =	vld [tilespmem:s9+$0xC380];
	[tilespmem:s9+$0xC300] =	vst v2;
	v26 =	vmul.f32 v4, v0;
	v4 =	vmul.f32 v10, v11;
	v10 =	vadd.f32 v19, v21  }
0x231: {  	v6 =	vmul.f32 v9, v0;
	v9 =	vld [tilespmem:s9+$0xC390];
	v2 =	vmul.f32 v14, v11;
	v0 =	vadd.f32 v18, v3;
	[tilespmem:s9+$0xC340] =	vst v13  }
0x232: {  	v14 =	vadd.f32 v63, v24;
	v3 =	vmul.f32 v15, v11;
	v7 =	vmul.f32 v1, v11;
	[tilespmem:s9+$0xC330] =	vst v10;
	v10 =	vld [tilespmem:s9+$0xC3A0]  }
0x233: {  	s29 =	simm.s32 $0xC300;
	s30 =	simm.s32 $0x280;
	s31 =	simm.s32 $0x4300;
	[tilespmem:s9+$0xC320] =	vst v0;
	v1 =	vmul.f32 v16, v11;
	v0 =	vmul.f32 v25, v11;
	v13 =	vadd.f32 v22, v26;
	v11 =	vld [tilespmem:s9+$0xC3B0]  }
.LBB2_12:
0x234: {  	[tilespmem:s9+$0xC350] =	vst v14;
	v6 =	vadd.f32 v8, v6;
	v8 =	vld [tilespmem:s9+$0xC3C0];
	s2 =	smov.u32 s0;
	s0 =	sadd.s32 $0x2, s0  }
0x235: {  	s17 =	sand.u32 $0xE, s0;
	s18 =	sand.u32 $0x70, s0;
	p0 =	slt.u32 s0, $0x7E;
	[tilespmem:s9+$0xC360] =	vst v13;
	v7 =	vadd.f32 v12, v7;
	v12 =	vld [tilespmem:s9+$0xC3D0]  }
0x236: {  	s16 =	sadd.s32 $0x400, s16;
	v13 =	vld [tilespmem:s18+$0x280];
	v14 =	vmov s17;
	[tilespmem:s9+$0xC370] =	vst v6;
	v4 =	vadd.f32 v9, v4  }
0x237: {  	s17 =	sshra.s32 s16, $0x2;
	[tilespmem:s9+$0xC380] =	vst v7;
	v5 =	vadd.f32 v10, v5;
	v6 =	vld [tilespmem:s9+$0xC3E0]  }
0x238: {  	v7 =	vld [tilespmem:s17+$0x43F0];
	[tilespmem:s9+$0xC390] =	vst v4;
	v2 =	vadd.f32 v11, v2  }
0x239: {  	s2 =	sadd.s32 $0x3, s2;
	v4 =	vld [tilespmem:s17+$0x4300];
	[tilespmem:s9+$0xC3A0] =	vst v5;
	v3 =	vadd.f32 v8, v3  }
0x23a: {  	v5 =	vmov s2;
	v8 =	vld [tilespmem:s17+$0xC3F0];
	[tilespmem:s9+$0xC3B0] =	vst v2;
	v1 =	vadd.f32 v12, v1  }
0x23b: {  	v2 =	vperm.xlane v13, v14;
	v9 =	vld [tilespmem:s17+$0x4310];
	v10 =	vperm.xlane v13, v5;
	[tilespmem:s9+$0xC3C0] =	vst v3  }
0x23c: {  	v3 =	vld [tilespmem:s17+$0x4320];
	[tilespmem:s9+$0xC3D0] =	vst v1;
	v0 =	vadd.f32 v6, v0  }
0x23d: {  	v1 =	vld [tilespmem:s17+$0x4330];
	v5 =	vmul.f32 v7, v10  }
0x23e: {  	v11 =	vmul.f32 v4, v2;
	v4 =	vld [tilespmem:s17+$0x4340];
	[tilespmem:s9+$0xC3E0] =	vst v0;
	s9 =	smov.u32 s17  }
0x23f: {  	v0 =	vld [tilespmem:s9+$0x4350];
	v5 =	vadd.f32 v8, v5  }
0x240: {  	v8 =	vmul.f32 v9, v2;
	v6 =	vld [tilespmem:s9+$0x4360]  }
0x241: {  	v9 =	vmul.f32 v3, v2;
	v3 =	vld [tilespmem:s9+$0x4370];
	[tilespmem:s9+$0xC3F0] =	vst v5  }
0x242: {  	v12 =	vmul.f32 v1, v2;
	v1 =	vld [tilespmem:s9+$0x4380]  }
0x243: {  	v13 =	vmul.f32 v4, v2;
	v4 =	vld [tilespmem:s9+$0x4390]  }
0x244: {  	v14 =	vmul.f32 v0, v2;
	v0 =	vld [tilespmem:s9+$0x43A0]  }
0x245: {  	v15 =	vmul.f32 v6, v2;
	v16 =	vld [tilespmem:s9+$0x43B0]  }
0x246: {  	v6 =	vmul.f32 v3, v2;
	v3 =	vld [tilespmem:s9+$0x43C0]  }
0x247: {  	v7 =	vmul.f32 v1, v10;
	v1 =	vld [tilespmem:s9+$0x43D0]  }
0x248: {  	v4 =	vmul.f32 v4, v10;
	v17 =	vld [tilespmem:s9+$0x43E0]  }
0x249: {  	v18 =	vld [tilespmem:s9+$0xC300];
	v5 =	vmul.f32 v0, v10  }
0x24a: {  	v19 =	vld [tilespmem:s9+$0xC310];
	v2 =	vmul.f32 v16, v10  }
0x24b: {  	v16 =	vld [tilespmem:s9+$0xC320];
	v3 =	vmul.f32 v3, v10  }
0x24c: {  	v20 =	vld [tilespmem:s9+$0xC330];
	v1 =	vmul.f32 v1, v10  }
0x24d: {  	v21 =	vld [tilespmem:s9+$0xC340];
	v0 =	vmul.f32 v17, v10  }
0x24e: {  	v10 =	vadd.f32 v18, v11;
	v11 =	vld [tilespmem:s9+$0xC350]  }
0x24f: {  	v17 =	vadd.f32 v19, v8;
	v18 =	vld [tilespmem:s9+$0xC360]  }
.Ltmp5:
0x250: {  	[tilespmem:s9+$0xC300] =	vst v10;
	v9 =	vadd.f32 v16, v9;
	v8 =	vld [tilespmem:s9+$0xC370];
	(pc) =	sbr.rel @p0 .LBB2_12-.Ltmp5, $4  }
0x251: {  	[tilespmem:s9+$0xC310] =	vst v17;
	v10 =	vadd.f32 v20, v12;
	v12 =	vld [tilespmem:s9+$0xC380]  }
0x252: {  	[tilespmem:s9+$0xC320] =	vst v9;
	v13 =	vadd.f32 v21, v13;
	v9 =	vld [tilespmem:s9+$0xC390]  }
0x253: {  	[tilespmem:s9+$0xC330] =	vst v10;
	v14 =	vadd.f32 v11, v14;
	v10 =	vld [tilespmem:s9+$0xC3A0]  }
0x254: {  	[tilespmem:s9+$0xC340] =	vst v13;
	v13 =	vadd.f32 v18, v15;
	v11 =	vld [tilespmem:s9+$0xC3B0]  }
0x255: {  	v61 =	vld [tilespmem:s9+$0xC3C0];
	[tilespmem:s9+$0xC350] =	vst v14;
	v6 =	vadd.f32 v8, v6  }
0x256: {  	v62 =	vld [tilespmem:s9+$0xC3D0];
	v7 =	vadd.f32 v12, v7;
	[tilespmem:s9+$0xC360] =	vst v13  }
0x257: {  	v63 =	vld [tilespmem:s9+$0xC3E0];
	v4 =	vadd.f32 v9, v4;
	[tilespmem:s9+$0xC370] =	vst v6  }
0x258: {  	[tilespmem:s9+$0xC380] =	vst v7;
	v5 =	vadd.f32 v10, v5  }
0x259: {  	[tilespmem:s9+$0xC390] =	vst v4;
	v2 =	vadd.f32 v11, v2  }
0x25a: {  	[tilespmem:s9+$0xC3A0] =	vst v5;
	v3 =	vadd.f32 v61, v3  }
0x25b: {  	v1 =	vadd.f32 v62, v1;
	[tilespmem:s9+$0xC3B0] =	vst v2  }
0x25c: {  	v0 =	vadd.f32 v63, v0;
	[tilespmem:s9+$0xC3C0] =	vst v3  }
0x25d: {  	[tilespmem:s9+$0xC3D0] =	vst v1  }
0x25e: {  	[tilespmem:s9+$0xC3E0] =	vst v0  }
0x25f: {  	s16 =	simm.s32 $0x0;
	s0 =	rddreg [dreg:$0xd]  }
0x260: {  	[hbm4b:s0+s16] =	stream.linear.scatter [tilespmem:s29], [sflag:$0x12], $0x4000, $0x38;
	[tilespmem:$0x14300] =	vst v63  }
0x261: {  	_ =	swait.ge [sflag:s22], $0x2000  }
0x262: {  	[sflag:s22] =	ssyncset.done $0x0  }
0x263: {  	[sflag:s22] =	ssyncadd.s32 $0xFFFFE000  }
0x264: {  	_ =	swait.ge [sflag:s28], $0x2000  }
0x265: {  	[sflag:s28] =	ssyncset.done $0x0  }
0x266: {  	s18 =	simm.s32 $0x180;
	[sflag:s28] =	ssyncadd.s32 $0xFFFFE000  }
0x267: {  	[tilespmem:s20], [sflag:$0x5] =	stream.indirect.gather [hbm4b:s3+s26], $0x80, s18, s26, $0xb8;
	[tilespmem:$0x14300] =	vst v63  }
0x268: {  	_ = 	snop  }
0x269: {  	[tilespmem:s30], [sflag:$0xA] =	stream.indirect.gather [hbm4b:s1+s26], $0x1, s18, s26, $0xb8;
	[tilespmem:$0x14300] =	vst v63  }
0x26a: {  	s21 =	rddreg [dreg:$0xe]  }
0x26b: {  	[tilespmem:s31], [sflag:$0xF] =	stream.linear.gather [hbm4b:s21+s16], $0x4000, $0x38;
	[tilespmem:$0x14300] =	vst v63  }
0x26c: {  	_ =	swait.ge [sflag:s7], $0x4000  }
0x26d: {  	[sflag:s7] =	ssyncset.done $0x0  }
0x26e: {  	[sflag:s7] =	ssyncadd.s32 $0xFFFFC000  }
0x26f: {  	_ =	swait.ge [sflag:s8], $0x80  }
0x270: {  	[sflag:s8] =	ssyncset.done $0x0  }
0x271: {  	[sflag:s8] =	ssyncadd.s32 $0xFFFFFF80  }
0x272: {  	_ =	swait.ge [sflag:s10], $0x4000  }
0x273: {  	[sflag:s10] =	ssyncset.done $0x0  }
0x274: {  	s9 =	simm.s32 $0x0;
	[sflag:s10] =	ssyncadd.s32 $0xFFFFC000  }
0x275: {  	v0 =	vld [tilespmem:s9+$0x200];
	_ =	sdelay $0x4  }
0x276: {  	v0 =	vmul.f32 $1.442695020e+00, v0  }
0x277: {  	s0 =	simm.s32 $0x10  }
0x278: {  	(erf) = vpow2.f32 v0;
	v0 =	vld [tilespmem:s0+$0x200];
	_ =	sdelay $0x4  }
0x279: {  	s2 =	simm.s32 $0x20;
	v1 =	vmul.f32 $1.442695020e+00, v0  }
0x27a: {  	v0 =	vld [tilespmem:s2+$0x200]  }
0x27b: {  	(erf) = vpow2.f32 v1;
	_ =	sdelay $0x2  }
0x27c: {  	s17 =	simm.s32 $0xC0;
	s18 =	simm.s32 $0x0;
	v1 =	vpop (erf)  }
.LBB2_14:
0x27d: {  	s21 =	sshra.s32 s17, $0x2;
	p0 =	sne.s32 s17, $0x1C0;
	s17 =	sadd.s32 $0x40, s17;
	v2 =	vmul.f32 $1.442695020e+00, v0;
	[tilespmem:s18+$0x200] =	vst v1  }
.Ltmp6:
0x27e: {  	s18 =	smov.u32 s0;
	s0 =	smov.u32 s2;
	v0 =	vld [tilespmem:s21+$0x200];
	(pc) =	sbr.rel @p0 .LBB2_14-.Ltmp6, $2  }
0x27f: {  	s2 =	smov.u32 s21;
	(erf) = vpow2.f32 v2;
	_ =	sdelay $0x2  }
0x280: {  	v1 =	vpop (erf)  }
0x281: {  	v0 =	vmul.f32 $1.442695020e+00, v0;
	_ =	sdelay $0x1  }
0x282: {  	(erf) = vpow2.f32 v0;
	_ =	sdelay $0x7  }
0x283: {  	[tilespmem:s18+$0x200] =	vst v1;
	v0 =	vpop (erf)  }
0x284: {  	[tilespmem:s0+$0x200] =	vst v0;
	s0 =	simm.s32 $0x0;
	v0 =	vpop (erf)  }
0x285: {  	s17 =	sand.u32 $0x70, s0;
	[tilespmem:s2+$0x200] =	vst v0  }
0x286: {  	v0 =	vld [tilespmem:s17+$0x200]  }
0x287: {  	v1 =	vld [tilespmem:s9+$0x3F0]  }
0x288: {  	v2 =	vld [tilespmem:s9+$0x300]  }
0x289: {  	v4 =	vld [tilespmem:s9+$0x103F0]  }
0x28a: {  	v5 =	vld [tilespmem:s9+$0x310]  }
0x28b: {  	v6 =	vld [tilespmem:s9+$0x330]  }
0x28c: {  	v7 =	vld [tilespmem:s9+$0x340]  }
0x28d: {  	v8 =	vld [tilespmem:s9+$0x350]  }
0x28e: {  	v9 =	vld [tilespmem:s9+$0x370]  }
0x28f: {  	v10 =	vld [tilespmem:s9+$0x390]  }
0x290: {  	v13 =	vld [tilespmem:s9+$0x3A0]  }
0x291: {  	v14 =	vld [tilespmem:s9+$0x3B0]  }
0x292: {  	v15 =	vld [tilespmem:s9+$0x3C0]  }
0x293: {  	v16 =	vld [tilespmem:s9+$0x3D0]  }
0x294: {  	v17 =	vld [tilespmem:s9+$0x10300]  }
0x295: {  	s18 =	simm.s32 $0x1;
	v18 =	vld [tilespmem:s9+$0x10320]  }
0x296: {  	v3 =	vmov s18;
	s21 =	sand.u32 $0xE, s0;
	v19 =	vld [tilespmem:s9+$0x10330]  }
0x297: {  	v12 =	vmov s21;
	v20 =	vld [tilespmem:s9+$0x10340];
	v11 =	vperm.xlane v0, v3  }
0x298: {  	v0 =	vperm.xlane v0, v12;
	v12 =	vld [tilespmem:s9+$0x10310]  }
0x299: {  	v63 =	vld [tilespmem:s9+$0x10350];
	v1 =	vmul.f32 v1, v11  }
0x29a: {  	v3 =	vld [tilespmem:s9+$0x320]  }
0x29b: {  	v5 =	vmul.f32 v5, v0;
	v1 =	vadd.f32 v4, v1;
	v4 =	vld [tilespmem:s9+$0x360]  }
0x29c: {  	v22 =	vld [tilespmem:s9+$0x10360];
	v2 =	vmul.f32 v2, v0  }
0x29d: {  	v23 =	vmul.f32 v7, v0;
	v5 =	vadd.f32 v12, v5;
	[tilespmem:s9+$0x103F0] =	vst v1;
	v1 =	vld [tilespmem:s9+$0x380]  }
0x29e: {  	v25 =	vld [tilespmem:s9+$0x3E0];
	v21 =	vmul.f32 v6, v0;
	v24 =	vmul.f32 v8, v0;
	v2 =	vadd.f32 v17, v2  }
0x29f: {  	v8 =	vld [tilespmem:s9+$0x10370];
	v3 =	vmul.f32 v3, v0;
	[tilespmem:s9+$0x10310] =	vst v5;
	v5 =	vmul.f32 v13, v11;
	v13 =	vadd.f32 v20, v23  }
0x2a0: {  	v12 =	vld [tilespmem:s9+$0x10380];
	[tilespmem:s9+$0x10300] =	vst v2;
	v26 =	vmul.f32 v4, v0;
	v4 =	vmul.f32 v10, v11;
	v10 =	vadd.f32 v19, v21  }
0x2a1: {  	v6 =	vmul.f32 v9, v0;
	v9 =	vld [tilespmem:s9+$0x10390];
	v2 =	vmul.f32 v14, v11;
	v0 =	vadd.f32 v18, v3;
	[tilespmem:s9+$0x10340] =	vst v13  }
0x2a2: {  	v14 =	vadd.f32 v63, v24;
	v3 =	vmul.f32 v15, v11;
	v7 =	vmul.f32 v1, v11;
	[tilespmem:s9+$0x10330] =	vst v10;
	v10 =	vld [tilespmem:s9+$0x103A0]  }
0x2a3: {  	[tilespmem:s9+$0x10320] =	vst v0;
	v1 =	vmul.f32 v16, v11;
	v0 =	vmul.f32 v25, v11;
	v13 =	vadd.f32 v22, v26;
	v11 =	vld [tilespmem:s9+$0x103B0]  }
.LBB2_16:
0x2a4: {  	[tilespmem:s9+$0x10350] =	vst v14;
	v6 =	vadd.f32 v8, v6;
	v8 =	vld [tilespmem:s9+$0x103C0];
	s2 =	smov.u32 s0;
	s0 =	sadd.s32 $0x2, s0  }
0x2a5: {  	s17 =	sand.u32 $0xE, s0;
	s18 =	sand.u32 $0x70, s0;
	p0 =	slt.u32 s0, $0x7E;
	[tilespmem:s9+$0x10360] =	vst v13;
	v7 =	vadd.f32 v12, v7;
	v12 =	vld [tilespmem:s9+$0x103D0]  }
0x2a6: {  	s16 =	sadd.s32 $0x400, s16;
	v13 =	vld [tilespmem:s18+$0x200];
	v14 =	vmov s17;
	[tilespmem:s9+$0x10370] =	vst v6;
	v4 =	vadd.f32 v9, v4  }
0x2a7: {  	s17 =	sshra.s32 s16, $0x2;
	[tilespmem:s9+$0x10380] =	vst v7;
	v5 =	vadd.f32 v10, v5;
	v6 =	vld [tilespmem:s9+$0x103E0]  }
0x2a8: {  	v7 =	vld [tilespmem:s17+$0x3F0];
	[tilespmem:s9+$0x10390] =	vst v4;
	v2 =	vadd.f32 v11, v2  }
0x2a9: {  	s2 =	sadd.s32 $0x3, s2;
	v4 =	vld [tilespmem:s17+$0x300];
	[tilespmem:s9+$0x103A0] =	vst v5;
	v3 =	vadd.f32 v8, v3  }
0x2aa: {  	v5 =	vmov s2;
	v8 =	vld [tilespmem:s17+$0x103F0];
	[tilespmem:s9+$0x103B0] =	vst v2;
	v1 =	vadd.f32 v12, v1  }
0x2ab: {  	v2 =	vperm.xlane v13, v14;
	v9 =	vld [tilespmem:s17+$0x310];
	v10 =	vperm.xlane v13, v5;
	[tilespmem:s9+$0x103C0] =	vst v3  }
0x2ac: {  	v3 =	vld [tilespmem:s17+$0x320];
	[tilespmem:s9+$0x103D0] =	vst v1;
	v0 =	vadd.f32 v6, v0  }
0x2ad: {  	v1 =	vld [tilespmem:s17+$0x330];
	v5 =	vmul.f32 v7, v10  }
0x2ae: {  	v11 =	vmul.f32 v4, v2;
	v4 =	vld [tilespmem:s17+$0x340];
	[tilespmem:s9+$0x103E0] =	vst v0;
	s9 =	smov.u32 s17  }
0x2af: {  	v0 =	vld [tilespmem:s9+$0x350];
	v5 =	vadd.f32 v8, v5  }
0x2b0: {  	v8 =	vmul.f32 v9, v2;
	v6 =	vld [tilespmem:s9+$0x360]  }
0x2b1: {  	v9 =	vmul.f32 v3, v2;
	v3 =	vld [tilespmem:s9+$0x370];
	[tilespmem:s9+$0x103F0] =	vst v5  }
0x2b2: {  	v12 =	vmul.f32 v1, v2;
	v1 =	vld [tilespmem:s9+$0x380]  }
0x2b3: {  	v13 =	vmul.f32 v4, v2;
	v4 =	vld [tilespmem:s9+$0x390]  }
0x2b4: {  	v14 =	vmul.f32 v0, v2;
	v0 =	vld [tilespmem:s9+$0x3A0]  }
0x2b5: {  	v15 =	vmul.f32 v6, v2;
	v16 =	vld [tilespmem:s9+$0x3B0]  }
0x2b6: {  	v6 =	vmul.f32 v3, v2;
	v3 =	vld [tilespmem:s9+$0x3C0]  }
0x2b7: {  	v7 =	vmul.f32 v1, v10;
	v1 =	vld [tilespmem:s9+$0x3D0]  }
0x2b8: {  	v4 =	vmul.f32 v4, v10;
	v17 =	vld [tilespmem:s9+$0x3E0]  }
0x2b9: {  	v18 =	vld [tilespmem:s9+$0x10300];
	v5 =	vmul.f32 v0, v10  }
0x2ba: {  	v19 =	vld [tilespmem:s9+$0x10310];
	v2 =	vmul.f32 v16, v10  }
0x2bb: {  	v16 =	vld [tilespmem:s9+$0x10320];
	v3 =	vmul.f32 v3, v10  }
0x2bc: {  	v20 =	vld [tilespmem:s9+$0x10330];
	v1 =	vmul.f32 v1, v10  }
0x2bd: {  	v21 =	vld [tilespmem:s9+$0x10340];
	v0 =	vmul.f32 v17, v10  }
0x2be: {  	v10 =	vadd.f32 v18, v11;
	v11 =	vld [tilespmem:s9+$0x10350]  }
0x2bf: {  	v17 =	vadd.f32 v19, v8;
	v18 =	vld [tilespmem:s9+$0x10360]  }
.Ltmp7:
0x2c0: {  	[tilespmem:s9+$0x10300] =	vst v10;
	v9 =	vadd.f32 v16, v9;
	v8 =	vld [tilespmem:s9+$0x10370];
	(pc) =	sbr.rel @p0 .LBB2_16-.Ltmp7, $4  }
0x2c1: {  	[tilespmem:s9+$0x10310] =	vst v17;
	v10 =	vadd.f32 v20, v12;
	v12 =	vld [tilespmem:s9+$0x10380]  }
0x2c2: {  	[tilespmem:s9+$0x10320] =	vst v9;
	v13 =	vadd.f32 v21, v13;
	v9 =	vld [tilespmem:s9+$0x10390]  }
0x2c3: {  	[tilespmem:s9+$0x10330] =	vst v10;
	v14 =	vadd.f32 v11, v14;
	v10 =	vld [tilespmem:s9+$0x103A0]  }
0x2c4: {  	[tilespmem:s9+$0x10340] =	vst v13;
	v13 =	vadd.f32 v18, v15;
	v11 =	vld [tilespmem:s9+$0x103B0]  }
0x2c5: {  	v60 =	vld [tilespmem:s9+$0x103C0];
	[tilespmem:s9+$0x10350] =	vst v14;
	v6 =	vadd.f32 v8, v6  }
0x2c6: {  	v61 =	vld [tilespmem:s9+$0x103D0];
	v7 =	vadd.f32 v12, v7;
	[tilespmem:s9+$0x10360] =	vst v13  }
0x2c7: {  	v62 =	vld [tilespmem:s9+$0x103E0];
	v4 =	vadd.f32 v9, v4;
	[tilespmem:s9+$0x10370] =	vst v6  }
0x2c8: {  	[tilespmem:s9+$0x10380] =	vst v7;
	v5 =	vadd.f32 v10, v5  }
0x2c9: {  	[tilespmem:s9+$0x10390] =	vst v4;
	v2 =	vadd.f32 v11, v2  }
0x2ca: {  	[tilespmem:s9+$0x103A0] =	vst v5;
	v3 =	vadd.f32 v60, v3  }
0x2cb: {  	v1 =	vadd.f32 v61, v1;
	[tilespmem:s9+$0x103B0] =	vst v2  }
0x2cc: {  	v0 =	vadd.f32 v62, v0;
	[tilespmem:s9+$0x103C0] =	vst v3  }
0x2cd: {  	[tilespmem:s9+$0x103D0] =	vst v1  }
0x2ce: {  	[tilespmem:s9+$0x103E0] =	vst v0  }
0x2cf: {  	s0 =	simm.s32 $0x0;
	s21 =	simm.s32 $0x10300;
	s2 =	rddreg [dreg:$0xf]  }
0x2d0: {  	[hbm4b:s2+s0] =	stream.linear.scatter [tilespmem:s21], [sflag:$0x13], $0x4000, $0x38;
	[tilespmem:$0x14300] =	vst v63  }
0x2d1: {  	_ =	swait.ge [sflag:s6], $0x4000  }
0x2d2: {  	[sflag:s6] =	ssyncset.done $0x0  }
0x2d3: {  	[sflag:s6] =	ssyncadd.s32 $0xFFFFC000  }
0x2d4: {  	_ =	swait.ge [sflag:s11], $0x80  }
0x2d5: {  	[sflag:s11] =	ssyncset.done $0x0  }
0x2d6: {  	[sflag:s11] =	ssyncadd.s32 $0xFFFFFF80  }
0x2d7: {  	_ =	swait.ge [sflag:s12], $0x4000  }
0x2d8: {  	[sflag:s12] =	ssyncset.done $0x0  }
0x2d9: {  	s9 =	simm.s32 $0x0;
	[sflag:s12] =	ssyncadd.s32 $0xFFFFC000  }
0x2da: {  	v63 =	vld [tilespmem:s9+$0x280];
	_ =	sdelay $0x4  }
0x2db: {  	v0 =	vmul.f32 $1.442695020e+00, v63;
	_ =	sdelay $0x1  }
0x2dc: {  	(erf) = vpow2.f32 v0  }
0x2dd: {  	s16 =	simm.s32 $0x10;
	s17 =	simm.s32 $0x80;
	s2 =	simm.s32 $0x0  }
.LBB2_18:
0x2de: {  	p0 =	sne.s32 s17, $0xC0;
	v0 =	vld [tilespmem:s16+$0x280];
	_ =	sdelay $0x3  }
.Ltmp8:
0x2df: {  	(pc) =	sbr.rel @p0 .LBB2_18-.Ltmp8, $3  }
0x2e0: {  	v1 =	vmul.f32 $1.442695020e+00, v0;
	_ =	sdelay $0x1  }
0x2e1: {  	(erf) = vpow2.f32 v1;
	v0 =	vpop (erf)  }
0x2e2: {  	[tilespmem:s2+$0x280] =	vst v0;
	s2 =	smov.u32 s16;
	s16 =	sshra.s32 s17, $0x2;
	s17 =	sadd.s32 $0x40, s17  }
0x2e3: {  	v0 =	vld [tilespmem:s16+$0x280];
	_ =	sdelay $0x4  }
0x2e4: {  	v0 =	vmul.f32 $1.442695020e+00, v0;
	_ =	sdelay $0x1  }
0x2e5: {  	(erf) = vpow2.f32 v0;
	_ =	sdelay $0x7  }
0x2e6: {  	v0 =	vpop (erf)  }
0x2e7: {  	[tilespmem:s2+$0x280] =	vst v0;
	s2 =	simm.s32 $0x0;
	v0 =	vpop (erf)  }
0x2e8: {  	s17 =	sand.u32 $0x30, s2;
	[tilespmem:s16+$0x280] =	vst v0  }
0x2e9: {  	v0 =	vld [tilespmem:s17+$0x280]  }
0x2ea: {  	v1 =	vld [tilespmem:s9+$0x43F0]  }
0x2eb: {  	v2 =	vld [tilespmem:s9+$0x4300]  }
0x2ec: {  	v4 =	vld [tilespmem:s9+$0x83F0]  }
0x2ed: {  	v5 =	vld [tilespmem:s9+$0x4310]  }
0x2ee: {  	v6 =	vld [tilespmem:s9+$0x4330]  }
0x2ef: {  	v7 =	vld [tilespmem:s9+$0x4340]  }
0x2f0: {  	v8 =	vld [tilespmem:s9+$0x4350]  }
0x2f1: {  	v9 =	vld [tilespmem:s9+$0x4370]  }
0x2f2: {  	v10 =	vld [tilespmem:s9+$0x4390]  }
0x2f3: {  	v13 =	vld [tilespmem:s9+$0x43A0]  }
0x2f4: {  	v14 =	vld [tilespmem:s9+$0x43B0]  }
0x2f5: {  	v15 =	vld [tilespmem:s9+$0x43C0]  }
0x2f6: {  	v16 =	vld [tilespmem:s9+$0x43D0]  }
0x2f7: {  	v17 =	vld [tilespmem:s9+$0x8300]  }
0x2f8: {  	s18 =	simm.s32 $0x1;
	v18 =	vld [tilespmem:s9+$0x8320]  }
0x2f9: {  	v3 =	vmov s18;
	s21 =	sand.u32 $0xE, s2;
	v19 =	vld [tilespmem:s9+$0x8330]  }
0x2fa: {  	v12 =	vmov s21;
	v20 =	vld [tilespmem:s9+$0x8340];
	v11 =	vperm.xlane v0, v3  }
0x2fb: {  	v0 =	vperm.xlane v0, v12;
	v12 =	vld [tilespmem:s9+$0x8310]  }
0x2fc: {  	v63 =	vld [tilespmem:s9+$0x8350];
	v1 =	vmul.f32 v1, v11  }
0x2fd: {  	v3 =	vld [tilespmem:s9+$0x4320]  }
0x2fe: {  	v5 =	vmul.f32 v5, v0;
	v1 =	vadd.f32 v4, v1;
	v4 =	vld [tilespmem:s9+$0x4360]  }
0x2ff: {  	v22 =	vld [tilespmem:s9+$0x8360];
	v2 =	vmul.f32 v2, v0  }
0x300: {  	v23 =	vmul.f32 v7, v0;
	v5 =	vadd.f32 v12, v5;
	[tilespmem:s9+$0x83F0] =	vst v1;
	v1 =	vld [tilespmem:s9+$0x4380]  }
0x301: {  	v25 =	vld [tilespmem:s9+$0x43E0];
	v21 =	vmul.f32 v6, v0;
	v24 =	vmul.f32 v8, v0;
	v2 =	vadd.f32 v17, v2  }
0x302: {  	v8 =	vld [tilespmem:s9+$0x8370];
	v3 =	vmul.f32 v3, v0;
	[tilespmem:s9+$0x8310] =	vst v5;
	v5 =	vmul.f32 v13, v11;
	v13 =	vadd.f32 v20, v23  }
0x303: {  	v12 =	vld [tilespmem:s9+$0x8380];
	[tilespmem:s9+$0x8300] =	vst v2;
	v26 =	vmul.f32 v4, v0;
	v4 =	vmul.f32 v10, v11;
	v10 =	vadd.f32 v19, v21  }
0x304: {  	v6 =	vmul.f32 v9, v0;
	v9 =	vld [tilespmem:s9+$0x8390];
	v2 =	vmul.f32 v14, v11;
	v0 =	vadd.f32 v18, v3;
	[tilespmem:s9+$0x8340] =	vst v13  }
0x305: {  	v14 =	vadd.f32 v63, v24;
	v3 =	vmul.f32 v15, v11;
	v7 =	vmul.f32 v1, v11;
	[tilespmem:s9+$0x8330] =	vst v10;
	v10 =	vld [tilespmem:s9+$0x83A0]  }
0x306: {  	[tilespmem:s9+$0x8320] =	vst v0;
	v1 =	vmul.f32 v16, v11;
	v0 =	vmul.f32 v25, v11;
	v13 =	vadd.f32 v22, v26;
	v11 =	vld [tilespmem:s9+$0x83B0]  }
.LBB2_20:
0x307: {  	[tilespmem:s9+$0x8350] =	vst v14;
	v6 =	vadd.f32 v8, v6;
	v8 =	vld [tilespmem:s9+$0x83C0];
	s16 =	smov.u32 s2;
	s2 =	sadd.s32 $0x2, s2  }
0x308: {  	s17 =	sand.u32 $0xE, s2;
	s18 =	sand.u32 $0x30, s2;
	p0 =	slt.u32 s2, $0x3E;
	[tilespmem:s9+$0x8360] =	vst v13;
	v7 =	vadd.f32 v12, v7;
	v12 =	vld [tilespmem:s9+$0x83D0]  }
0x309: {  	s0 =	sadd.s32 $0x400, s0;
	v13 =	vld [tilespmem:s18+$0x280];
	v14 =	vmov s17;
	[tilespmem:s9+$0x8370] =	vst v6;
	v4 =	vadd.f32 v9, v4  }
0x30a: {  	s17 =	sshra.s32 s0, $0x2;
	[tilespmem:s9+$0x8380] =	vst v7;
	v5 =	vadd.f32 v10, v5;
	v6 =	vld [tilespmem:s9+$0x83E0]  }
0x30b: {  	v7 =	vld [tilespmem:s17+$0x43F0];
	[tilespmem:s9+$0x8390] =	vst v4;
	v2 =	vadd.f32 v11, v2  }
0x30c: {  	s16 =	sadd.s32 $0x3, s16;
	v4 =	vld [tilespmem:s17+$0x4300];
	[tilespmem:s9+$0x83A0] =	vst v5;
	v3 =	vadd.f32 v8, v3  }
0x30d: {  	v5 =	vmov s16;
	v8 =	vld [tilespmem:s17+$0x83F0];
	[tilespmem:s9+$0x83B0] =	vst v2;
	v1 =	vadd.f32 v12, v1  }
0x30e: {  	v2 =	vperm.xlane v13, v14;
	v9 =	vld [tilespmem:s17+$0x4310];
	v10 =	vperm.xlane v13, v5;
	[tilespmem:s9+$0x83C0] =	vst v3  }
0x30f: {  	v3 =	vld [tilespmem:s17+$0x4320];
	[tilespmem:s9+$0x83D0] =	vst v1;
	v0 =	vadd.f32 v6, v0  }
0x310: {  	v1 =	vld [tilespmem:s17+$0x4330];
	v5 =	vmul.f32 v7, v10  }
0x311: {  	v11 =	vmul.f32 v4, v2;
	v4 =	vld [tilespmem:s17+$0x4340];
	[tilespmem:s9+$0x83E0] =	vst v0;
	s9 =	smov.u32 s17  }
0x312: {  	v0 =	vld [tilespmem:s9+$0x4350];
	v5 =	vadd.f32 v8, v5  }
0x313: {  	v8 =	vmul.f32 v9, v2;
	v6 =	vld [tilespmem:s9+$0x4360]  }
0x314: {  	v9 =	vmul.f32 v3, v2;
	v3 =	vld [tilespmem:s9+$0x4370];
	[tilespmem:s9+$0x83F0] =	vst v5  }
0x315: {  	v12 =	vmul.f32 v1, v2;
	v1 =	vld [tilespmem:s9+$0x4380]  }
0x316: {  	v13 =	vmul.f32 v4, v2;
	v4 =	vld [tilespmem:s9+$0x4390]  }
0x317: {  	v14 =	vmul.f32 v0, v2;
	v0 =	vld [tilespmem:s9+$0x43A0]  }
0x318: {  	v15 =	vmul.f32 v6, v2;
	v16 =	vld [tilespmem:s9+$0x43B0]  }
0x319: {  	v6 =	vmul.f32 v3, v2;
	v3 =	vld [tilespmem:s9+$0x43C0]  }
0x31a: {  	v7 =	vmul.f32 v1, v10;
	v1 =	vld [tilespmem:s9+$0x43D0]  }
0x31b: {  	v4 =	vmul.f32 v4, v10;
	v17 =	vld [tilespmem:s9+$0x43E0]  }
0x31c: {  	v18 =	vld [tilespmem:s9+$0x8300];
	v5 =	vmul.f32 v0, v10  }
0x31d: {  	v19 =	vld [tilespmem:s9+$0x8310];
	v2 =	vmul.f32 v16, v10  }
0x31e: {  	v16 =	vld [tilespmem:s9+$0x8320];
	v3 =	vmul.f32 v3, v10  }
0x31f: {  	v20 =	vld [tilespmem:s9+$0x8330];
	v1 =	vmul.f32 v1, v10  }
0x320: {  	v21 =	vld [tilespmem:s9+$0x8340];
	v0 =	vmul.f32 v17, v10  }
0x321: {  	v10 =	vadd.f32 v18, v11;
	v11 =	vld [tilespmem:s9+$0x8350]  }
0x322: {  	v17 =	vadd.f32 v19, v8;
	v18 =	vld [tilespmem:s9+$0x8360]  }
.Ltmp9:
0x323: {  	[tilespmem:s9+$0x8300] =	vst v10;
	v9 =	vadd.f32 v16, v9;
	v8 =	vld [tilespmem:s9+$0x8370];
	(pc) =	sbr.rel @p0 .LBB2_20-.Ltmp9, $4  }
0x324: {  	[tilespmem:s9+$0x8310] =	vst v17;
	v10 =	vadd.f32 v20, v12;
	v12 =	vld [tilespmem:s9+$0x8380]  }
0x325: {  	[tilespmem:s9+$0x8320] =	vst v9;
	v13 =	vadd.f32 v21, v13;
	v9 =	vld [tilespmem:s9+$0x8390]  }
0x326: {  	[tilespmem:s9+$0x8330] =	vst v10;
	v14 =	vadd.f32 v11, v14;
	v10 =	vld [tilespmem:s9+$0x83A0]  }
0x327: {  	[tilespmem:s9+$0x8340] =	vst v13;
	v13 =	vadd.f32 v18, v15;
	v11 =	vld [tilespmem:s9+$0x83B0]  }
0x328: {  	v61 =	vld [tilespmem:s9+$0x83C0];
	[tilespmem:s9+$0x8350] =	vst v14;
	v6 =	vadd.f32 v8, v6  }
0x329: {  	v62 =	vld [tilespmem:s9+$0x83D0];
	v7 =	vadd.f32 v12, v7;
	[tilespmem:s9+$0x8360] =	vst v13  }
0x32a: {  	v63 =	vld [tilespmem:s9+$0x83E0];
	v4 =	vadd.f32 v9, v4;
	[tilespmem:s9+$0x8370] =	vst v6  }
0x32b: {  	[tilespmem:s9+$0x8380] =	vst v7;
	v5 =	vadd.f32 v10, v5  }
0x32c: {  	[tilespmem:s9+$0x8390] =	vst v4;
	v2 =	vadd.f32 v11, v2  }
0x32d: {  	[tilespmem:s9+$0x83A0] =	vst v5;
	v3 =	vadd.f32 v61, v3  }
0x32e: {  	v1 =	vadd.f32 v62, v1;
	[tilespmem:s9+$0x83B0] =	vst v2  }
0x32f: {  	v0 =	vadd.f32 v63, v0;
	[tilespmem:s9+$0x83C0] =	vst v3  }
0x330: {  	[tilespmem:s9+$0x83D0] =	vst v1  }
0x331: {  	[tilespmem:s9+$0x83E0] =	vst v0  }
0x332: {  	s0 =	simm.s32 $0x0;
	s9 =	simm.s32 $0x0;
	s2 =	rddreg [dreg:$0x10]  }
0x333: {  	[hbm4b:s2+s0] =	stream.linear.scatter [tilespmem:s20], [sflag:$0x11], $0x2000, $0x38;
	[tilespmem:$0x14300] =	vst v63  }
0x334: {  	v0 =	vld [tilespmem:s9+$0x2C0];
	_ =	sdelay $0x4  }
0x335: {  	v0 =	vmul.f32 $1.442695020e+00, v0;
	_ =	sdelay $0x1  }
0x336: {  	(erf) = vpow2.f32 v0  }
0x337: {  	s16 =	simm.s32 $0x10;
	s17 =	simm.s32 $0x80;
	s2 =	simm.s32 $0x0  }
.LBB2_22:
0x338: {  	p0 =	sne.s32 s17, $0xC0;
	v0 =	vld [tilespmem:s16+$0x2C0];
	_ =	sdelay $0x3  }
.Ltmp10:
0x339: {  	(pc) =	sbr.rel @p0 .LBB2_22-.Ltmp10, $3  }
0x33a: {  	v1 =	vmul.f32 $1.442695020e+00, v0;
	_ =	sdelay $0x1  }
0x33b: {  	(erf) = vpow2.f32 v1;
	v0 =	vpop (erf)  }
0x33c: {  	[tilespmem:s2+$0x2C0] =	vst v0;
	s2 =	smov.u32 s16;
	s16 =	sshra.s32 s17, $0x2;
	s17 =	sadd.s32 $0x40, s17  }
0x33d: {  	v0 =	vld [tilespmem:s16+$0x2C0];
	_ =	sdelay $0x4  }
0x33e: {  	v0 =	vmul.f32 $1.442695020e+00, v0;
	_ =	sdelay $0x1  }
0x33f: {  	(erf) = vpow2.f32 v0;
	_ =	sdelay $0x7  }
0x340: {  	v0 =	vpop (erf)  }
0x341: {  	[tilespmem:s2+$0x2C0] =	vst v0;
	s2 =	simm.s32 $0x40;
	v0 =	vpop (erf)  }
0x342: {  	s17 =	sand.u32 $0x70, s2;
	[tilespmem:s16+$0x2C0] =	vst v0  }
0x343: {  	v0 =	vld [tilespmem:s17+$0x280]  }
0x344: {  	v1 =	vld [tilespmem:s9+$0x63F0]  }
0x345: {  	v2 =	vld [tilespmem:s9+$0x6300]  }
0x346: {  	v4 =	vld [tilespmem:s9+$0xA3F0]  }
0x347: {  	v5 =	vld [tilespmem:s9+$0x6310]  }
0x348: {  	v6 =	vld [tilespmem:s9+$0x6330]  }
0x349: {  	v7 =	vld [tilespmem:s9+$0x6340]  }
0x34a: {  	v8 =	vld [tilespmem:s9+$0x6350]  }
0x34b: {  	v9 =	vld [tilespmem:s9+$0x6370]  }
0x34c: {  	v10 =	vld [tilespmem:s9+$0x6390]  }
0x34d: {  	v13 =	vld [tilespmem:s9+$0x63A0]  }
0x34e: {  	v14 =	vld [tilespmem:s9+$0x63B0]  }
0x34f: {  	v15 =	vld [tilespmem:s9+$0x63C0]  }
0x350: {  	v16 =	vld [tilespmem:s9+$0x63D0]  }
0x351: {  	v17 =	vld [tilespmem:s9+$0xA300]  }
0x352: {  	s18 =	simm.s32 $0x41;
	v18 =	vld [tilespmem:s9+$0xA320]  }
0x353: {  	v3 =	vmov s18;
	s21 =	sand.u32 $0xE, s2;
	v19 =	vld [tilespmem:s9+$0xA330]  }
0x354: {  	v12 =	vmov s21;
	v20 =	vld [tilespmem:s9+$0xA340];
	v11 =	vperm.xlane v0, v3  }
0x355: {  	v0 =	vperm.xlane v0, v12;
	v12 =	vld [tilespmem:s9+$0xA310]  }
0x356: {  	v63 =	vld [tilespmem:s9+$0xA350];
	v1 =	vmul.f32 v1, v11  }
0x357: {  	v3 =	vld [tilespmem:s9+$0x6320]  }
0x358: {  	v5 =	vmul.f32 v5, v0;
	v1 =	vadd.f32 v4, v1;
	v4 =	vld [tilespmem:s9+$0x6360]  }
0x359: {  	v22 =	vld [tilespmem:s9+$0xA360];
	v2 =	vmul.f32 v2, v0  }
0x35a: {  	v23 =	vmul.f32 v7, v0;
	v5 =	vadd.f32 v12, v5;
	[tilespmem:s9+$0xA3F0] =	vst v1;
	v1 =	vld [tilespmem:s9+$0x6380]  }
0x35b: {  	v25 =	vld [tilespmem:s9+$0x63E0];
	v21 =	vmul.f32 v6, v0;
	v24 =	vmul.f32 v8, v0;
	v2 =	vadd.f32 v17, v2  }
0x35c: {  	v8 =	vld [tilespmem:s9+$0xA370];
	v3 =	vmul.f32 v3, v0;
	[tilespmem:s9+$0xA310] =	vst v5;
	v5 =	vmul.f32 v13, v11;
	v13 =	vadd.f32 v20, v23  }
0x35d: {  	v12 =	vld [tilespmem:s9+$0xA380];
	[tilespmem:s9+$0xA300] =	vst v2;
	v26 =	vmul.f32 v4, v0;
	v4 =	vmul.f32 v10, v11;
	v10 =	vadd.f32 v19, v21  }
0x35e: {  	v6 =	vmul.f32 v9, v0;
	v9 =	vld [tilespmem:s9+$0xA390];
	v2 =	vmul.f32 v14, v11;
	v0 =	vadd.f32 v18, v3;
	[tilespmem:s9+$0xA340] =	vst v13  }
0x35f: {  	v14 =	vadd.f32 v63, v24;
	v3 =	vmul.f32 v15, v11;
	v7 =	vmul.f32 v1, v11;
	[tilespmem:s9+$0xA330] =	vst v10;
	v10 =	vld [tilespmem:s9+$0xA3A0]  }
0x360: {  	[tilespmem:s9+$0xA320] =	vst v0;
	v1 =	vmul.f32 v16, v11;
	v0 =	vmul.f32 v25, v11;
	v13 =	vadd.f32 v22, v26;
	v11 =	vld [tilespmem:s9+$0xA3B0]  }
.LBB2_24:
0x361: {  	[tilespmem:s9+$0xA350] =	vst v14;
	v6 =	vadd.f32 v8, v6;
	v8 =	vld [tilespmem:s9+$0xA3C0];
	s16 =	smov.u32 s2;
	s2 =	sadd.s32 $0x2, s2  }
0x362: {  	s17 =	sand.u32 $0xE, s2;
	s18 =	sand.u32 $0x70, s2;
	p0 =	slt.u32 s2, $0x7E;
	[tilespmem:s9+$0xA360] =	vst v13;
	v7 =	vadd.f32 v12, v7;
	v12 =	vld [tilespmem:s9+$0xA3D0]  }
0x363: {  	s0 =	sadd.s32 $0x400, s0;
	v13 =	vld [tilespmem:s18+$0x280];
	v14 =	vmov s17;
	[tilespmem:s9+$0xA370] =	vst v6;
	v4 =	vadd.f32 v9, v4  }
0x364: {  	s17 =	sshra.s32 s0, $0x2;
	[tilespmem:s9+$0xA380] =	vst v7;
	v5 =	vadd.f32 v10, v5;
	v6 =	vld [tilespmem:s9+$0xA3E0]  }
0x365: {  	v7 =	vld [tilespmem:s17+$0x63F0];
	[tilespmem:s9+$0xA390] =	vst v4;
	v2 =	vadd.f32 v11, v2  }
0x366: {  	s16 =	sadd.s32 $0x3, s16;
	v4 =	vld [tilespmem:s17+$0x6300];
	[tilespmem:s9+$0xA3A0] =	vst v5;
	v3 =	vadd.f32 v8, v3  }
0x367: {  	v5 =	vmov s16;
	v8 =	vld [tilespmem:s17+$0xA3F0];
	[tilespmem:s9+$0xA3B0] =	vst v2;
	v1 =	vadd.f32 v12, v1  }
0x368: {  	v2 =	vperm.xlane v13, v14;
	v9 =	vld [tilespmem:s17+$0x6310];
	v10 =	vperm.xlane v13, v5;
	[tilespmem:s9+$0xA3C0] =	vst v3  }
0x369: {  	v3 =	vld [tilespmem:s17+$0x6320];
	[tilespmem:s9+$0xA3D0] =	vst v1;
	v0 =	vadd.f32 v6, v0  }
0x36a: {  	v1 =	vld [tilespmem:s17+$0x6330];
	v5 =	vmul.f32 v7, v10  }
0x36b: {  	v11 =	vmul.f32 v4, v2;
	v4 =	vld [tilespmem:s17+$0x6340];
	[tilespmem:s9+$0xA3E0] =	vst v0;
	s9 =	smov.u32 s17  }
0x36c: {  	v0 =	vld [tilespmem:s9+$0x6350];
	v5 =	vadd.f32 v8, v5  }
0x36d: {  	v8 =	vmul.f32 v9, v2;
	v6 =	vld [tilespmem:s9+$0x6360]  }
0x36e: {  	v9 =	vmul.f32 v3, v2;
	v3 =	vld [tilespmem:s9+$0x6370];
	[tilespmem:s9+$0xA3F0] =	vst v5  }
0x36f: {  	v12 =	vmul.f32 v1, v2;
	v1 =	vld [tilespmem:s9+$0x6380]  }
0x370: {  	v13 =	vmul.f32 v4, v2;
	v4 =	vld [tilespmem:s9+$0x6390]  }
0x371: {  	v14 =	vmul.f32 v0, v2;
	v0 =	vld [tilespmem:s9+$0x63A0]  }
0x372: {  	v15 =	vmul.f32 v6, v2;
	v16 =	vld [tilespmem:s9+$0x63B0]  }
0x373: {  	v6 =	vmul.f32 v3, v2;
	v3 =	vld [tilespmem:s9+$0x63C0]  }
0x374: {  	v7 =	vmul.f32 v1, v10;
	v1 =	vld [tilespmem:s9+$0x63D0]  }
0x375: {  	v4 =	vmul.f32 v4, v10;
	v17 =	vld [tilespmem:s9+$0x63E0]  }
0x376: {  	v18 =	vld [tilespmem:s9+$0xA300];
	v5 =	vmul.f32 v0, v10  }
0x377: {  	v19 =	vld [tilespmem:s9+$0xA310];
	v2 =	vmul.f32 v16, v10  }
0x378: {  	v16 =	vld [tilespmem:s9+$0xA320];
	v3 =	vmul.f32 v3, v10  }
0x379: {  	v20 =	vld [tilespmem:s9+$0xA330];
	v1 =	vmul.f32 v1, v10  }
0x37a: {  	v21 =	vld [tilespmem:s9+$0xA340];
	v0 =	vmul.f32 v17, v10  }
0x37b: {  	v10 =	vadd.f32 v18, v11;
	v11 =	vld [tilespmem:s9+$0xA350]  }
0x37c: {  	v17 =	vadd.f32 v19, v8;
	v18 =	vld [tilespmem:s9+$0xA360]  }
.Ltmp11:
0x37d: {  	[tilespmem:s9+$0xA300] =	vst v10;
	v9 =	vadd.f32 v16, v9;
	v8 =	vld [tilespmem:s9+$0xA370];
	(pc) =	sbr.rel @p0 .LBB2_24-.Ltmp11, $4  }
0x37e: {  	[tilespmem:s9+$0xA310] =	vst v17;
	v10 =	vadd.f32 v20, v12;
	v12 =	vld [tilespmem:s9+$0xA380]  }
0x37f: {  	[tilespmem:s9+$0xA320] =	vst v9;
	v13 =	vadd.f32 v21, v13;
	v9 =	vld [tilespmem:s9+$0xA390]  }
0x380: {  	[tilespmem:s9+$0xA330] =	vst v10;
	v14 =	vadd.f32 v11, v14;
	v10 =	vld [tilespmem:s9+$0xA3A0]  }
0x381: {  	[tilespmem:s9+$0xA340] =	vst v13;
	v13 =	vadd.f32 v18, v15;
	v11 =	vld [tilespmem:s9+$0xA3B0]  }
0x382: {  	v61 =	vld [tilespmem:s9+$0xA3C0];
	[tilespmem:s9+$0xA350] =	vst v14;
	v6 =	vadd.f32 v8, v6  }
0x383: {  	v62 =	vld [tilespmem:s9+$0xA3D0];
	v7 =	vadd.f32 v12, v7;
	[tilespmem:s9+$0xA360] =	vst v13  }
0x384: {  	v63 =	vld [tilespmem:s9+$0xA3E0];
	v4 =	vadd.f32 v9, v4;
	[tilespmem:s9+$0xA370] =	vst v6  }
0x385: {  	[tilespmem:s9+$0xA380] =	vst v7;
	v5 =	vadd.f32 v10, v5  }
0x386: {  	[tilespmem:s9+$0xA390] =	vst v4;
	v2 =	vadd.f32 v11, v2  }
0x387: {  	[tilespmem:s9+$0xA3A0] =	vst v5;
	v3 =	vadd.f32 v61, v3  }
0x388: {  	v1 =	vadd.f32 v62, v1;
	[tilespmem:s9+$0xA3B0] =	vst v2  }
0x389: {  	v0 =	vadd.f32 v63, v0;
	[tilespmem:s9+$0xA3C0] =	vst v3  }
0x38a: {  	[tilespmem:s9+$0xA3D0] =	vst v1  }
0x38b: {  	[tilespmem:s9+$0xA3E0] =	vst v0  }
0x38c: {  	s0 =	rddreg [dreg:$0x11]  }
0x38d: {  	[hbm4b:s0+s4] =	stream.linear.scatter [tilespmem:s25], [sflag:$0x15], $0x2000, $0x38;
	[tilespmem:$0x14300] =	vst v63  }
0x38e: {  	_ =	swait.ge [sflag:s13], $0x4000  }
0x38f: {  	[sflag:s13] =	ssyncset.done $0x0  }
0x390: {  	[sflag:s13] =	ssyncadd.s32 $0xFFFFC000  }
0x391: {  	_ =	swait.ge [sflag:s14], $0x4000  }
0x392: {  	[sflag:s14] =	ssyncset.done $0x0  }
0x393: {  	[sflag:s14] =	ssyncadd.s32 $0xFFFFC000  }
0x394: {  	_ =	swait.ge [sflag:s22], $0x2000  }
0x395: {  	[sflag:s22] =	ssyncset.done $0x0  }
0x396: {  	[sflag:s22] =	ssyncadd.s32 $0xFFFFE000  }
0x397: {  	_ =	swait.ge [sflag:s28], $0x2000  }
0x398: {  	s15 =	sadd.s32 $0x1, s15;
	s21 =	rddreg [dreg:$0x12]  }
0x399: {  	p0 =	sne.s32 s15, s21  }
.Ltmp12:
0x39a: {  	_ = 	snop;
	(pc) =	sbr.rel @p0 .LBB2_1-.Ltmp12, $3  }
0x39b: {  	_ =	sdelay $0x1  }
0x39c: {  	[sflag:s28] =	ssyncset.done $0x0  }
0x39d: {  	[sflag:s28] =	ssyncadd.s32 $0xFFFFE000  }
0x39e: {  	_ =	sfence.sel $0x180000  }
0x39f: {  	[bflag:$0x0] =	sbarrier.arrive $0xFFFF  }
0x3a0: {  	_ =	strace $0x90000047  }
0x3a1: {  	s0 =	stileid.u32;
	[bflag:$0x2] =	sbarrier.arrive $0xFFFF  }
0x3a2: {  	p0 =	sne.s32 s0, $0x0;
	s0 =	rddreg [dreg:$0x5]  }
0x3a3: {  	s0 =	sadd.s32 @!p0 $0x100000, s0  }
0x3a4: {  	[sflag:s0] =	ssyncadd.tile.s32 @!p0 $0x1;
	_ =	shalt  }
.Lfunc_end2:
_tile_overlayer_lowered:
.L_overlay_start_2:
0x3a5: {  	(tag) =	ssettag $0x2  }
0x3a6: {  	s0 =	rddreg [dreg:$0x0];
	s2 =	stileid.u32  }
0x3a7: {  	s1 =	rddreg [dreg:$0x1];
	p0 =	sne.s32 s2, $0x0  }
0x3a8: {  	s3 =	rddreg [dreg:$0x2];
	[bflag:$0x3] =	sbarrier.arrive $0xFFFF;
	s2 =	simm.s32 @!p0 $0x1C16  }
0x3a9: {  	[timem:s3], [sflag:s2] =	dma.local @!p0 [hbm:s0], s1  }
0x3aa: {  	s0 =	simm.s32 @!p0 $0x16  }
0x3ab: {  	_ =	swait.ge @!p0 [sflag:s0], s1  }
0x3ac: {  	s1 =	ssub.s32 @!p0 $0x0, s1;
	[sflag:s0] =	ssyncset.done @!p0 $0x0  }
0x3ad: {  	[sflag:s0] =	ssyncadd.s32 @!p0 s1  }
0x3ae: {  	[bflag:$0x3] =	sbarrier.arrive $0xFFFF  }
0x3af: {  	_ =	shalt  }

</sc_bundles>
